<compile_context>
chip_gen: v7x
topology: tpu7x:2x2x1
jax: 0.10.2.dev20260603
libtpu: 0.0.44.dev20260713+nightly
codegen_flags: <defaults>
</compile_context>

<pallas_src>
import functools

import jax
import jax.numpy as jnp
from jax import lax
from jax.experimental import pallas as pl
from jax.experimental.pallas import tpu as pltpu
from jax.experimental.pallas import tpu_sc as plsc


@functools.lru_cache(maxsize=None)
def _make_gather(N, D, C, NBUF):
    info = plsc.get_sparse_core_info()
    NC, NS = info.num_cores, info.num_subcores
    NW = NC * NS
    assert N % (NW * C) == 0
    n_per_w = N // NW
    n_chunks = n_per_w // C
    assert n_chunks >= 2 and (n_chunks - 2) % NBUF == 0
    n_grp = C // 16

    mesh = plsc.VectorSubcoreMesh(core_axis_name="c", subcore_axis_name="s")

    @functools.partial(
        pl.kernel,
        mesh=mesh,
        out_type=jax.ShapeDtypeStruct((N, D), jnp.float32),
        scratch_types=[
            pltpu.VMEM((n_per_w,), jnp.int32),
            pltpu.VMEM((NBUF, C, D), jnp.float32),
            pltpu.SemaphoreType.DMA((NBUF,)),
        ],
    )
    def gather_kernel(idx_hbm, table_hbm, out_hbm, idx_v, rows_v, sem_g):
        wid = lax.axis_index("s") * NC + lax.axis_index("c")
        base = wid * n_per_w
        pltpu.sync_copy(idx_hbm.at[pl.ds(base, n_per_w)], idx_v)

        def fire_gathers(g, b):
            def grp(q, carry):
                v = idx_v[pl.ds(g * C + q * 16, 16)]
                for t in range(16):
                    pltpu.async_copy(
                        table_hbm.at[pl.ds(v[t], 1)],
                        rows_v.at[b].at[pl.ds(q * 16 + t, 1)],
                        sem_g.at[b],
                    )
                return carry

            lax.fori_loop(0, n_grp, grp, 0)

        def wait_gathers(b):
            def grp(q, carry):
                for t in range(16):
                    pltpu.make_async_copy(
                        table_hbm.at[pl.ds(0, 1)],
                        rows_v.at[b].at[pl.ds(q * 16 + t, 1)],
                        sem_g.at[b],
                    ).wait()
                return carry

            lax.fori_loop(0, n_grp, grp, 0)

        def write_out(g, b):
            pltpu.sync_copy(rows_v.at[b], out_hbm.at[pl.ds(base + g * C, C)])

        fire_gathers(0, 0)

        def body(k, carry):
            for b in range(NBUF):
                g = k * NBUF + b
                fire_gathers(g + 1, (b + 1) % NBUF)
                wait_gathers(b)
                write_out(g, b)
            return carry

        lax.fori_loop(0, (n_chunks - 2) // NBUF, body, 0)

        g0 = n_chunks - 2
        fire_gathers(g0 + 1, 1)
        wait_gathers(0)
        write_out(g0, 0)
        wait_gathers(1)
        write_out(g0 + 1, 1)

    return gather_kernel


def kernel(src_seq, adj, src_pos, W):
    B, L = src_seq.shape
    _, D = W.shape
    N = B * L
    idx = src_seq.reshape(N).astype(jnp.int32)
    out = _make_gather(N, D, 400, 2)(idx, W)
    return out.reshape(B, L, D)

# --- scband reference (transcript-rebuilt; emitter-appended) ---
"""Pipeline reference for scband-emb-encoder-12773232738957 (READ-ONLY COPY).

The authoritative reference and input builder live on the scoring server;
editing this copy changes nothing except your own understanding.
"""

import jax, jax.numpy as jnp
import numpy as np

VOCAB = 1000000
D = 64
B = 1024
L = 200
PAD = 0

def setup_inputs(seed: int = 0) -> dict:
    key = jax.random.key(seed)
    k1, k2, k3 = jax.random.split(key, 3)
    src_seq = jax.random.randint(k1, (B, L), 0, VOCAB)
    adj = jnp.zeros((B, L), dtype=jnp.float32)
    src_pos = jax.random.randint(k3, (B, L), 0, L)
    # embedding table with padding_idx=PAD row zeroed (as nn.Embedding padding_idx init)
    W = jax.random.normal(k2, (VOCAB, D), dtype=jnp.float32) * 0.02
    W = W.at[PAD].set(0.0)
    return {"src_seq": src_seq, "adj": adj, "src_pos": src_pos, "W": W}

def reference(src_seq, adj, src_pos, W):
    # onehot=False, enc_transform='' -> plain embedding lookup, pass-through
    enc_output = jnp.take(W, src_seq, axis=0)  # [B, L, D]
    return enc_output

if __name__ == "__main__":
    import jax
    _d = setup_inputs()
    print(jax.jit(kernel)(*tuple(_d.values())))

</pallas_src>

<mosaic_0001>
#map = affine_map<(d0, d1) -> (0)>
#map1 = affine_map<(d0, d1) -> (0, 0)>
module attributes {stable_mosaic.version = 14 : i64} {
  func.func @gather_kernel(%arg0: i32, %arg1: i32, %arg2: memref<204800xi32, #tpu.memory_space<hbm>>, %arg3: memref<1000000x64xf32, #tpu.memory_space<hbm>>, %arg4: memref<204800x64xf32, #tpu.memory_space<hbm>>, %arg5: memref<6400xi32, #tpu.memory_space<vmem>>, %arg6: memref<2x400x64xf32, #tpu.memory_space<vmem>>, %arg7: memref<2x!tpu.dma_semaphore, #tpu.memory_space<semaphore_mem>>) attributes {dimension_semantics = [#tpu.dimension_semantics<core_parallel>, #tpu.dimension_semantics<subcore_parallel>], iteration_bounds = array<i64: 2, 16>, scalar_prefetch = 0 : i64, scratch_operands = 3 : i64, tpu.core_type = #tpu.core_type<sc_vector_subcore>, window_params = [{transform_indices = #map}, {transform_indices = #map1}, {transform_indices = #map1}]} {
    %mul3A = arith.constant 2 : i32
    %mul3A_0 = arith.muli %arg1, %mul3A : i32
    %add3A = arith.addi %mul3A_0, %arg0 : i32
    %mul3A_1 = arith.constant 6400 : i32
    %mul3A_2 = arith.muli %add3A, %mul3A_1 : i32
    "tpu.region"() ({
      %run_scoped3A_37 = tpu.sem_alloc : memref<!tpu.dma_semaphore, #tpu.memory_space<semaphore_mem>>
      %dma_start3A = tpu.memref_slice %arg2[%mul3A_2] : memref<204800xi32, #tpu.memory_space<hbm>> -> memref<6400xi32, #tpu.memory_space<hbm>>
      %dma_start3A_38 = tpu.memref_slice %arg2[%mul3A_2] : memref<204800xi32, #tpu.memory_space<hbm>> -> memref<6400xi32, #tpu.memory_space<hbm>>
      tpu.enqueue_dma source(%dma_start3A_38 : memref<6400xi32, #tpu.memory_space<hbm>>) target(%arg5 : memref<6400xi32, #tpu.memory_space<vmem>>) target_semaphore(%run_scoped3A_37 : memref<!tpu.dma_semaphore, #tpu.memory_space<semaphore_mem>>)
      %dma_wait3A = tpu.memref_slice %arg2[%mul3A_2] : memref<204800xi32, #tpu.memory_space<hbm>> -> memref<6400xi32, #tpu.memory_space<hbm>>
      %dma_wait3A_39 = tpu.memref_slice %arg2[%mul3A_2] : memref<204800xi32, #tpu.memory_space<hbm>> -> memref<6400xi32, #tpu.memory_space<hbm>>
      tpu.wait_dma2 semaphore(%run_scoped3A_37 : memref<!tpu.dma_semaphore, #tpu.memory_space<semaphore_mem>>) src(%dma_wait3A_39 : memref<6400xi32, #tpu.memory_space<hbm>>) dst(%arg5 : memref<6400xi32, #tpu.memory_space<vmem>>)
      tpu.yield
    }) : () -> ()
    %scan3A = arith.constant 0 : i32
    %scan3A_3 = arith.constant 0 : i32
    %scan3A_4 = arith.constant 25 : i32
    %scan3A_5 = arith.addi %scan3A_3, %scan3A_4 : i32
    %scan3A_6 = arith.constant 1 : i32
    scf.for %scan3A_37 = %scan3A_3 to %scan3A_5 step %scan3A_6  : i32 {
      %mul3A_38 = arith.constant 16 : i32
      %mul3A_39 = arith.muli %scan3A_37, %mul3A_38 : i32
      %add3A_40 = arith.constant 0 : i32
      %add3A_41 = arith.addi %add3A_40, %mul3A_39 : i32
      %get3A = arith.index_cast %add3A_41 : i32 to index
      %get3A_42 = tpu.vector_load %arg5[%get3A] {strides = array<i32>} : memref<6400xi32, #tpu.memory_space<vmem>>, vector<16xi32>,
      %get3A_43 = vector.shape_cast %get3A_42 : vector<16xi32> to vector<16xi32>
      %slice3A = vector.extract_strided_slice %get3A_43 {offsets = [0], sizes = [1], strides = [1]} : vector<16xi32> to vector<1xi32>
      %squeeze3A = vector.extract %slice3A[0] : i32 from vector<1xi32>
      %mul3A_44 = arith.constant 16 : i32
      %mul3A_45 = arith.muli %scan3A_37, %mul3A_44 : i32
      %add3A_46 = arith.constant 0 : i32
      %add3A_47 = arith.addi %mul3A_45, %add3A_46 : i32
      %dma_start3A = arith.constant 0 : i32
      %dma_start3A_48 = arith.constant 0 : i32
      %dma_start3A_49 = arith.constant 0 : i32
      %dma_start3A_50 = arith.constant 0 : i32
      %dma_start3A_51 = tpu.memref_slice %arg6[%dma_start3A, %dma_start3A_49, %dma_start3A_50] : memref<2x400x64xf32, #tpu.memory_space<vmem>> -> memref<1x400x64xf32, #tpu.memory_space<vmem>>
      %dma_start3A_52 = tpu.memref_squeeze %dma_start3A_51 : memref<1x400x64xf32, #tpu.memory_space<vmem>> -> memref<400x64xf32, #tpu.memory_space<vmem>>
      %dma_start3A_53 = arith.constant 0 : i32
      %dma_start3A_54 = tpu.memref_slice %dma_start3A_52[%add3A_47, %dma_start3A_53] : memref<400x64xf32, #tpu.memory_space<vmem>> -> memref<1x64xf32, #tpu.memory_space<vmem>>
      %dma_start3A_55 = arith.constant 0 : i32
      %dma_start3A_56 = tpu.memref_slice %arg3[%squeeze3A, %dma_start3A_55] : memref<1000000x64xf32, #tpu.memory_space<hbm>> -> memref<1x64xf32, #tpu.memory_space<hbm>>
      %dma_start3A_57 = tpu.memref_slice %arg7[%dma_start3A_48] : memref<2x!tpu.dma_semaphore, #tpu.memory_space<semaphore_mem>> -> memref<1x!tpu.dma_semaphore, #tpu.memory_space<semaphore_mem>>
      %dma_start3A_58 = tpu.memref_squeeze %dma_start3A_57 : memref<1x!tpu.dma_semaphore, #tpu.memory_space<semaphore_mem>> -> memref<!tpu.dma_semaphore, #tpu.memory_space<semaphore_mem>>
      %dma_start3A_59 = arith.constant 0 : i32
      %dma_start3A_60 = arith.constant 0 : i32
      %dma_start3A_61 = tpu.memref_slice %arg6[%dma_start3A, %dma_start3A_59, %dma_start3A_60] : memref<2x400x64xf32, #tpu.memory_space<vmem>> -> memref<1x400x64xf32, #tpu.memory_space<vmem>>
      %dma_start3A_62 = tpu.memref_squeeze %dma_start3A_61 : memref<1x400x64xf32, #tpu.memory_space<vmem>> -> memref<400x64xf32, #tpu.memory_space<vmem>>
      %dma_start3A_63 = arith.constant 0 : i32
      %dma_start3A_64 = tpu.memref_slice %dma_start3A_62[%add3A_47, %dma_start3A_63] : memref<400x64xf32, #tpu.memory_space<vmem>> -> memref<1x64xf32, #tpu.memory_space<vmem>>
      %dma_start3A_65 = arith.constant 0 : i32
      %dma_start3A_66 = tpu.memref_slice %arg3[%squeeze3A, %dma_start3A_65] : memref<1000000x64xf32, #tpu.memory_space<hbm>> -> memref<1x64xf32, #tpu.memory_space<hbm>>
      tpu.enqueue_dma source(%dma_start3A_66 : memref<1x64xf32, #tpu.memory_space<hbm>>) target(%dma_start3A_64 : memref<1x64xf32, #tpu.memory_space<vmem>>) target_semaphore(%dma_start3A_58 : memref<!tpu.dma_semaphore, #tpu.memory_space<semaphore_mem>>)
      %slice3A_67 = vector.extract_strided_slice %get3A_43 {offsets = [1], sizes = [1], strides = [1]} : vector<16xi32> to vector<1xi32>
      %squeeze3A_68 = vector.extract %slice3A_67[0] : i32 from vector<1xi32>
      %mul3A_69 = arith.constant 16 : i32
      %mul3A_70 = arith.muli %scan3A_37, %mul3A_69 : i32
      %add3A_71 = arith.constant 1 : i32
      %add3A_72 = arith.addi %mul3A_70, %add3A_71 : i32
      %dma_start3A_73 = arith.constant 0 : i32
      %dma_start3A_74 = arith.constant 0 : i32
      %dma_start3A_75 = arith.constant 0 : i32
      %dma_start3A_76 = arith.constant 0 : i32
      %dma_start3A_77 = tpu.memref_slice %arg6[%dma_start3A_73, %dma_start3A_75, %dma_start3A_76] : memref<2x400x64xf32, #tpu.memory_space<vmem>> -> memref<1x400x64xf32, #tpu.memory_space<vmem>>
      %dma_start3A_78 = tpu.memref_squeeze %dma_start3A_77 : memref<1x400x64xf32, #tpu.memory_space<vmem>> -> memref<400x64xf32, #tpu.memory_space<vmem>>
      %dma_start3A_79 = arith.constant 0 : i32
      %dma_start3A_80 = tpu.memref_slice %dma_start3A_78[%add3A_72, %dma_start3A_79] : memref<400x64xf32, #tpu.memory_space<vmem>> -> memref<1x64xf32, #tpu.memory_space<vmem>>
      %dma_start3A_81 = arith.constant 0 : i32
      %dma_start3A_82 = tpu.memref_slice %arg3[%squeeze3A_68, %dma_start3A_81] : memref<1000000x64xf32, #tpu.memory_space<hbm>> -> memref<1x64xf32, #tpu.memory_space<hbm>>
      %dma_start3A_83 = tpu.memref_slice %arg7[%dma_start3A_74] : memref<2x!tpu.dma_semaphore, #tpu.memory_space<semaphore_mem>> -> memref<1x!tpu.dma_semaphore, #tpu.memory_space<semaphore_mem>>
      %dma_start3A_84 = tpu.memref_squeeze %dma_start3A_83 : memref<1x!tpu.dma_semaphore, #tpu.memory_space<semaphore_mem>> -> memref<!tpu.dma_semaphore, #tpu.memory_space<semaphore_mem>>
      %dma_start3A_85 = arith.constant 0 : i32
      %dma_start3A_86 = arith.constant 0 : i32
      %dma_start3A_87 = tpu.memref_slice %arg6[%dma_start3A_73, %dma_start3A_85, %dma_start3A_86] : memref<2x400x64xf32, #tpu.memory_space<vmem>> -> memref<1x400x64xf32, #tpu.memory_space<vmem>>
      %dma_start3A_88 = tpu.memref_squeeze %dma_start3A_87 : memref<1x400x64xf32, #tpu.memory_space<vmem>> -> memref<400x64xf32, #tpu.memory_space<vmem>>
      %dma_start3A_89 = arith.constant 0 : i32
      %dma_start3A_90 = tpu.memref_slice %dma_start3A_88[%add3A_72, %dma_start3A_89] : memref<400x64xf32, #tpu.memory_space<vmem>> -> memref<1x64xf32, #tpu.memory_space<vmem>>
      %dma_start3A_91 = arith.constant 0 : i32
      %dma_start3A_92 = tpu.memref_slice %arg3[%squeeze3A_68, %dma_start3A_91] : memref<1000000x64xf32, #tpu.memory_space<hbm>> -> memref<1x64xf32, #tpu.memory_space<hbm>>
      tpu.enqueue_dma source(%dma_start3A_92 : memref<1x64xf32, #tpu.memory_space<hbm>>) target(%dma_start3A_90 : memref<1x64xf32, #tpu.memory_space<vmem>>) target_semaphore(%dma_start3A_84 : memref<!tpu.dma_semaphore, #tpu.memory_space<semaphore_mem>>)
      %slice3A_93 = vector.extract_strided_slice %get3A_43 {offsets = [2], sizes = [1], strides = [1]} : vector<16xi32> to vector<1xi32>
      %squeeze3A_94 = vector.extract %slice3A_93[0] : i32 from vector<1xi32>
      %mul3A_95 = arith.constant 16 : i32
      %mul3A_96 = arith.muli %scan3A_37, %mul3A_95 : i32
      %add3A_97 = arith.constant 2 : i32
      %add3A_98 = arith.addi %mul3A_96, %add3A_97 : i32
      %dma_start3A_99 = arith.constant 0 : i32
      %dma_start3A_100 = arith.constant 0 : i32
      %dma_start3A_101 = arith.constant 0 : i32
      %dma_start3A_102 = arith.constant 0 : i32
      %dma_start3A_103 = tpu.memref_slice %arg6[%dma_start3A_99, %dma_start3A_101, %dma_start3A_102] : memref<2x400x64xf32, #tpu.memory_space<vmem>> -> memref<1x400x64xf32, #tpu.memory_space<vmem>>
      %dma_start3A_104 = tpu.memref_squeeze %dma_start3A_103 : memref<1x400x64xf32, #tpu.memory_space<vmem>> -> memref<400x64xf32, #tpu.memory_space<vmem>>
      %dma_start3A_105 = arith.constant 0 : i32
      %dma_start3A_106 = tpu.memref_slice %dma_start3A_104[%add3A_98, %dma_start3A_105] : memref<400x64xf32, #tpu.memory_space<vmem>> -> memref<1x64xf32, #tpu.memory_space<vmem>>
      %dma_start3A_107 = arith.constant 0 : i32
      %dma_start3A_108 = tpu.memref_slice %arg3[%squeeze3A_94, %dma_start3A_107] : memref<1000000x64xf32, #tpu.memory_space<hbm>> -> memref<1x64xf32, #tpu.memory_space<hbm>>
      %dma_start3A_109 = tpu.memref_slice %arg7[%dma_start3A_100] : memref<2x!tpu.dma_semaphore, #tpu.memory_space<semaphore_mem>> -> memref<1x!tpu.dma_semaphore, #tpu.memory_space<semaphore_mem>>
      %dma_start3A_110 = tpu.memref_squeeze %dma_start3A_109 : memref<1x!tpu.dma_semaphore, #tpu.memory_space<semaphore_mem>> -> memref<!tpu.dma_semaphore, #tpu.memory_space<semaphore_mem>>
      %dma_start3A_111 = arith.constant 0 : i32
      %dma_start3A_112 = arith.constant 0 : i32
      %dma_start3A_113 = tpu.memref_slice %arg6[%dma_start3A_99, %dma_start3A_111, %dma_start3A_112] : memref<2x400x64xf32, #tpu.memory_space<vmem>> -> memref<1x400x64xf32, #tpu.memory_space<vmem>>
      %dma_start3A_114 = tpu.memref_squeeze %dma_start3A_113 : memref<1x400x64xf32, #tpu.memory_space<vmem>> -> memref<400x64xf32, #tpu.memory_space<vmem>>
      %dma_start3A_115 = arith.constant 0 : i32
      %dma_start3A_116 = tpu.memref_slice %dma_start3A_114[%add3A_98, %dma_start3A_115] : memref<400x64xf32, #tpu.memory_space<vmem>> -> memref<1x64xf32, #tpu.memory_space<vmem>>
      %dma_start3A_117 = arith.constant 0 : i32
      %dma_start3A_118 = tpu.memref_slice %arg3[%squeeze3A_94, %dma_start3A_117] : memref<1000000x64xf32, #tpu.memory_space<hbm>> -> memref<1x64xf32, #tpu.memory_space<hbm>>
      tpu.enqueue_dma source(%dma_start3A_118 : memref<1x64xf32, #tpu.memory_space<hbm>>) target(%dma_start3A_116 : memref<1x64xf32, #tpu.memory_space<vmem>>) target_semaphore(%dma_start3A_110 : memref<!tpu.dma_semaphore, #tpu.memory_space<semaphore_mem>>)
      %slice3A_119 = vector.extract_strided_slice %get3A_43 {offsets = [3], sizes = [1], strides = [1]} : vector<16xi32> to vector<1xi32>
      %squeeze3A_120 = vector.extract %slice3A_119[0] : i32 from vector<1xi32>
      %mul3A_121 = arith.constant 16 : i32
      %mul3A_122 = arith.muli %scan3A_37, %mul3A_121 : i32
      %add3A_123 = arith.constant 3 : i32
      %add3A_124 = arith.addi %mul3A_122, %add3A_123 : i32
      %dma_start3A_125 = arith.constant 0 : i32
      %dma_start3A_126 = arith.constant 0 : i32
      %dma_start3A_127 = arith.constant 0 : i32
      %dma_start3A_128 = arith.constant 0 : i32
      %dma_start3A_129 = tpu.memref_slice %arg6[%dma_start3A_125, %dma_start3A_127, %dma_start3A_128] : memref<2x400x64xf32, #tpu.memory_space<vmem>> -> memref<1x400x64xf32, #tpu.memory_space<vmem>>
      %dma_start3A_130 = tpu.memref_squeeze %dma_start3A_129 : memref<1x400x64xf32, #tpu.memory_space<vmem>> -> memref<400x64xf32, #tpu.memory_space<vmem>>
      %dma_start3A_131 = arith.constant 0 : i32
      %dma_start3A_132 = tpu.memref_slice %dma_start3A_130[%add3A_124, %dma_start3A_131] : memref<400x64xf32, #tpu.memory_space<vmem>> -> memref<1x64xf32, #tpu.memory_space<vmem>>
      %dma_start3A_133 = arith.constant 0 : i32
      %dma_start3A_134 = tpu.memref_slice %arg3[%squeeze3A_120, %dma_start3A_133] : memref<1000000x64xf32, #tpu.memory_space<hbm>> -> memref<1x64xf32, #tpu.memory_space<hbm>>
      %dma_start3A_135 = tpu.memref_slice %arg7[%dma_start3A_126] : memref<2x!tpu.dma_semaphore, #tpu.memory_space<semaphore_mem>> -> memref<1x!tpu.dma_semaphore, #tpu.memory_space<semaphore_mem>>
      %dma_start3A_136 = tpu.memref_squeeze %dma_start3A_135 : memref<1x!tpu.dma_semaphore, #tpu.memory_space<semaphore_mem>> -> memref<!tpu.dma_semaphore, #tpu.memory_space<semaphore_mem>>
      %dma_start3A_137 = arith.constant 0 : i32
      %dma_start3A_138 = arith.constant 0 : i32
      %dma_start3A_139 = tpu.memref_slice %arg6[%dma_start3A_125, %dma_start3A_137, %dma_start3A_138] : memref<2x400x64xf32, #tpu.memory_space<vmem>> -> memref<1x400x64xf32, #tpu.memory_space<vmem>>
      %dma_start3A_140 = tpu.memref_squeeze %dma_start3A_139 : memref<1x400x64xf32, #tpu.memory_space<vmem>> -> memref<400x64xf32, #tpu.memory_space<vmem>>
      %dma_start3A_141 = arith.constant 0 : i32
      %dma_start3A_142 = tpu.memref_slice %dma_start3A_140[%add3A_124, %dma_start3A_141] : memref<400x64xf32, #tpu.memory_space<vmem>> -> memref<1x64xf32, #tpu.memory_space<vmem>>
      %dma_start3A_143 = arith.constant 0 : i32
      %dma_start3A_144 = tpu.memref_slice %arg3[%squeeze3A_120, %dma_start3A_143] : memref<1000000x64xf32, #tpu.memory_space<hbm>> -> memref<1x64xf32, #tpu.memory_space<hbm>>
      tpu.enqueue_dma source(%dma_start3A_144 : memref<1x64xf32, #tpu.memory_space<hbm>>) target(%dma_start3A_142 : memref<1x64xf32, #tpu.memory_space<vmem>>) target_semaphore(%dma_start3A_136 : memref<!tpu.dma_semaphore, #tpu.memory_space<semaphore_mem>>)
      %slice3A_145 = vector.extract_strided_slice %get3A_43 {offsets = [4], sizes = [1], strides = [1]} : vector<16xi32> to vector<1xi32>
      %squeeze3A_146 = vector.extract %slice3A_145[0] : i32 from vector<1xi32>
      %mul3A_147 = arith.constant 16 : i32
      %mul3A_148 = arith.muli %scan3A_37, %mul3A_147 : i32
      %add3A_149 = arith.constant 4 : i32
      %add3A_150 = arith.addi %mul3A_148, %add3A_149 : i32
      %dma_start3A_151 = arith.constant 0 : i32
      %dma_start3A_152 = arith.constant 0 : i32
      %dma_start3A_153 = arith.constant 0 : i32
      %dma_start3A_154 = arith.constant 0 : i32
      %dma_start3A_155 = tpu.memref_slice %arg6[%dma_start3A_151, %dma_start3A_153, %dma_start3A_154] : memref<2x400x64xf32, #tpu.memory_space<vmem>> -> memref<1x400x64xf32, #tpu.memory_space<vmem>>
      %dma_start3A_156 = tpu.memref_squeeze %dma_start3A_155 : memref<1x400x64xf32, #tpu.memory_space<vmem>> -> memref<400x64xf32, #tpu.memory_space<vmem>>
      %dma_start3A_157 = arith.constant 0 : i32
      %dma_start3A_158 = tpu.memref_slice %dma_start3A_156[%add3A_150, %dma_start3A_157] : memref<400x64xf32, #tpu.memory_space<vmem>> -> memref<1x64xf32, #tpu.memory_space<vmem>>
      %dma_start3A_159 = arith.constant 0 : i32
      %dma_start3A_160 = tpu.memref_slice %arg3[%squeeze3A_146, %dma_start3A_159] : memref<1000000x64xf32, #tpu.memory_space<hbm>> -> memref<1x64xf32, #tpu.memory_space<hbm>>
      %dma_start3A_161 = tpu.memref_slice %arg7[%dma_start3A_152] : memref<2x!tpu.dma_semaphore, #tpu.memory_space<semaphore_mem>> -> memref<1x!tpu.dma_semaphore, #tpu.memory_space<semaphore_mem>>
      %dma_start3A_162 = tpu.memref_squeeze %dma_start3A_161 : memref<1x!tpu.dma_semaphore, #tpu.memory_space<semaphore_mem>> -> memref<!tpu.dma_semaphore, #tpu.memory_space<semaphore_mem>>
      %dma_start3A_163 = arith.constant 0 : i32
      %dma_start3A_164 = arith.constant 0 : i32
      %dma_start3A_165 = tpu.memref_slice %arg6[%dma_start3A_151, %dma_start3A_163, %dma_start3A_164] : memref<2x400x64xf32, #tpu.memory_space<vmem>> -> memref<1x400x64xf32, #tpu.memory_space<vmem>>
      %dma_start3A_166 = tpu.memref_squeeze %dma_start3A_165 : memref<1x400x64xf32, #tpu.memory_space<vmem>> -> memref<400x64xf32, #tpu.memory_space<vmem>>
      %dma_start3A_167 = arith.constant 0 : i32
      %dma_start3A_168 = tpu.memref_slice %dma_start3A_166[%add3A_150, %dma_start3A_167] : memref<400x64xf32, #tpu.memory_space<vmem>> -> memref<1x64xf32, #tpu.memory_space<vmem>>
      %dma_start3A_169 = arith.constant 0 : i32
      %dma_start3A_170 = tpu.memref_slice %arg3[%squeeze3A_146, %dma_start3A_169] : memref<1000000x64xf32, #tpu.memory_space<hbm>> -> memref<1x64xf32, #tpu.memory_space<hbm>>
      tpu.enqueue_dma source(%dma_start3A_170 : memref<1x64xf32, #tpu.memory_space<hbm>>) target(%dma_start3A_168 : memref<1x64xf32, #tpu.memory_space<vmem>>) target_semaphore(%dma_start3A_162 : memref<!tpu.dma_semaphore, #tpu.memory_space<semaphore_mem>>)
      %slice3A_171 = vector.extract_strided_slice %get3A_43 {offsets = [5], sizes = [1], strides = [1]} : vector<16xi32> to vector<1xi32>
      %squeeze3A_172 = vector.extract %slice3A_171[0] : i32 from vector<1xi32>
      %mul3A_173 = arith.constant 16 : i32
      %mul3A_174 = arith.muli %scan3A_37, %mul3A_173 : i32
      %add3A_175 = arith.constant 5 : i32
      %add3A_176 = arith.addi %mul3A_174, %add3A_175 : i32
      %dma_start3A_177 = arith.constant 0 : i32
      %dma_start3A_178 = arith.constant 0 : i32
      %dma_start3A_179 = arith.constant 0 : i32
      %dma_start3A_180 = arith.constant 0 : i32
      %dma_start3A_181 = tpu.memref_slice %arg6[%dma_start3A_177, %dma_start3A_179, %dma_start3A_180] : memref<2x400x64xf32, #tpu.memory_space<vmem>> -> memref<1x400x64xf32, #tpu.memory_space<vmem>>
      %dma_start3A_182 = tpu.memref_squeeze %dma_start3A_181 : memref<1x400x64xf32, #tpu.memory_space<vmem>> -> memref<400x64xf32, #tpu.memory_space<vmem>>
      %dma_start3A_183 = arith.constant 0 : i32
      %dma_start3A_184 = tpu.memref_slice %dma_start3A_182[%add3A_176, %dma_start3A_183] : memref<400x64xf32, #tpu.memory_space<vmem>> -> memref<1x64xf32, #tpu.memory_space<vmem>>
      %dma_start3A_185 = arith.constant 0 : i32
      %dma_start3A_186 = tpu.memref_slice %arg3[%squeeze3A_172, %dma_start3A_185] : memref<1000000x64xf32, #tpu.memory_space<hbm>> -> memref<1x64xf32, #tpu.memory_space<hbm>>
      %dma_start3A_187 = tpu.memref_slice %arg7[%dma_start3A_178] : memref<2x!tpu.dma_semaphore, #tpu.memory_space<semaphore_mem>> -> memref<1x!tpu.dma_semaphore, #tpu.memory_space<semaphore_mem>>
      %dma_start3A_188 = tpu.memref_squeeze %dma_start3A_187 : memref<1x!tpu.dma_semaphore, #tpu.memory_space<semaphore_mem>> -> memref<!tpu.dma_semaphore, #tpu.memory_space<semaphore_mem>>
      %dma_start3A_189 = arith.constant 0 : i32
      %dma_start3A_190 = arith.constant 0 : i32
      %dma_start3A_191 = tpu.memref_slice %arg6[%dma_start3A_177, %dma_start3A_189, %dma_start3A_190] : memref<2x400x64xf32, #tpu.memory_space<vmem>> -> memref<1x400x64xf32, #tpu.memory_space<vmem>>
      %dma_start3A_192 = tpu.memref_squeeze %dma_start3A_191 : memref<1x400x64xf32, #tpu.memory_space<vmem>> -> memref<400x64xf32, #tpu.memory_space<vmem>>
      %dma_start3A_193 = arith.constant 0 : i32
      %dma_start3A_194 = tpu.memref_slice %dma_start3A_192[%add3A_176, %dma_start3A_193] : memref<400x64xf32, #tpu.memory_space<vmem>> -> memref<1x64xf32, #tpu.memory_space<vmem>>
      %dma_start3A_195 = arith.constant 0 : i32
      %dma_start3A_196 = tpu.memref_slice %arg3[%squeeze3A_172, %dma_start3A_195] : memref<1000000x64xf32, #tpu.memory_space<hbm>> -> memref<1x64xf32, #tpu.memory_space<hbm>>
      tpu.enqueue_dma source(%dma_start3A_196 : memref<1x64xf32, #tpu.memory_space<hbm>>) target(%dma_start3A_194 : memref<1x64xf32, #tpu.memory_space<vmem>>) target_semaphore(%dma_start3A_188 : memref<!tpu.dma_semaphore, #tpu.memory_space<semaphore_mem>>)
      %slice3A_197 = vector.extract_strided_slice %get3A_43 {offsets = [6], sizes = [1], strides = [1]} : vector<16xi32> to vector<1xi32>
      %squeeze3A_198 = vector.extract %slice3A_197[0] : i32 from vector<1xi32>
      %mul3A_199 = arith.constant 16 : i32
      %mul3A_200 = arith.muli %scan3A_37, %mul3A_199 : i32
      %add3A_201 = arith.constant 6 : i32
      %add3A_202 = arith.addi %mul3A_200, %add3A_201 : i32
      %dma_start3A_203 = arith.constant 0 : i32
      %dma_start3A_204 = arith.constant 0 : i32
      %dma_start3A_205 = arith.constant 0 : i32
      %dma_start3A_206 = arith.constant 0 : i32
      %dma_start3A_207 = tpu.memref_slice %arg6[%dma_start3A_203, %dma_start3A_205, %dma_start3A_206] : memref<2x400x64xf32, #tpu.memory_space<vmem>> -> memref<1x400x64xf32, #tpu.memory_space<vmem>>
      %dma_start3A_208 = tpu.memref_squeeze %dma_start3A_207 : memref<1x400x64xf32, #tpu.memory_space<vmem>> -> memref<400x64xf32, #tpu.memory_space<vmem>>
      %dma_start3A_209 = arith.constant 0 : i32
      %dma_start3A_210 = tpu.memref_slice %dma_start3A_208[%add3A_202, %dma_start3A_209] : memref<400x64xf32, #tpu.memory_space<vmem>> -> memref<1x64xf32, #tpu.memory_space<vmem>>
      %dma_start3A_211 = arith.constant 0 : i32
      %dma_start3A_212 = tpu.memref_slice %arg3[%squeeze3A_198, %dma_start3A_211] : memref<1000000x64xf32, #tpu.memory_space<hbm>> -> memref<1x64xf32, #tpu.memory_space<hbm>>
      %dma_start3A_213 = tpu.memref_slice %arg7[%dma_start3A_204] : memref<2x!tpu.dma_semaphore, #tpu.memory_space<semaphore_mem>> -> memref<1x!tpu.dma_semaphore, #tpu.memory_space<semaphore_mem>>
      %dma_start3A_214 = tpu.memref_squeeze %dma_start3A_213 : memref<1x!tpu.dma_semaphore, #tpu.memory_space<semaphore_mem>> -> memref<!tpu.dma_semaphore, #tpu.memory_space<semaphore_mem>>
      %dma_start3A_215 = arith.constant 0 : i32
      %dma_start3A_216 = arith.constant 0 : i32
      %dma_start3A_217 = tpu.memref_slice %arg6[%dma_start3A_203, %dma_start3A_215, %dma_start3A_216] : memref<2x400x64xf32, #tpu.memory_space<vmem>> -> memref<1x400x64xf32, #tpu.memory_space<vmem>>
      %dma_start3A_218 = tpu.memref_squeeze %dma_start3A_217 : memref<1x400x64xf32, #tpu.memory_space<vmem>> -> memref<400x64xf32, #tpu.memory_space<vmem>>
      %dma_start3A_219 = arith.constant 0 : i32
      %dma_start3A_220 = tpu.memref_slice %dma_start3A_218[%add3A_202, %dma_start3A_219] : memref<400x64xf32, #tpu.memory_space<vmem>> -> memref<1x64xf32, #tpu.memory_space<vmem>>
      %dma_start3A_221 = arith.constant 0 : i32
      %dma_start3A_222 = tpu.memref_slice %arg3[%squeeze3A_198, %dma_start3A_221] : memref<1000000x64xf32, #tpu.memory_space<hbm>> -> memref<1x64xf32, #tpu.memory_space<hbm>>
      tpu.enqueue_dma source(%dma_start3A_222 : memref<1x64xf32, #tpu.memory_space<hbm>>) target(%dma_start3A_220 : memref<1x64xf32, #tpu.memory_space<vmem>>) target_semaphore(%dma_start3A_214 : memref<!tpu.dma_semaphore, #tpu.memory_space<semaphore_mem>>)
      %slice3A_223 = vector.extract_strided_slice %get3A_43 {offsets = [7], sizes = [1], strides = [1]} : vector<16xi32> to vector<1xi32>
      %squeeze3A_224 = vector.extract %slice3A_223[0] : i32 from vector<1xi32>
      %mul3A_225 = arith.constant 16 : i32
      %mul3A_226 = arith.muli %scan3A_37, %mul3A_225 : i32
      %add3A_227 = arith.constant 7 : i32
      %add3A_228 = arith.addi %mul3A_226, %add3A_227 : i32
      %dma_start3A_229 = arith.constant 0 : i32
      %dma_start3A_230 = arith.constant 0 : i32
      %dma_start3A_231 = arith.constant 0 : i32
      %dma_start3A_232 = arith.constant 0 : i32
      %dma_start3A_233 = tpu.memref_slice %arg6[%dma_start3A_229, %dma_start3A_231, %dma_start3A_232] : memref<2x400x64xf32, #tpu.memory_space<vmem>> -> memref<1x400x64xf32, #tpu.memory_space<vmem>>
      %dma_start3A_234 = tpu.memref_squeeze %dma_start3A_233 : memref<1x400x64xf32, #tpu.memory_space<vmem>> -> memref<400x64xf32, #tpu.memory_space<vmem>>
      %dma_start3A_235 = arith.constant 0 : i32
      %dma_start3A_236 = tpu.memref_slice %dma_start3A_234[%add3A_228, %dma_start3A_235] : memref<400x64xf32, #tpu.memory_space<vmem>> -> memref<1x64xf32, #tpu.memory_space<vmem>>
      %dma_start3A_237 = arith.constant 0 : i32
      %dma_start3A_238 = tpu.memref_slice %arg3[%squeeze3A_224, %dma_start3A_237] : memref<1000000x64xf32, #tpu.memory_space<hbm>> -> memref<1x64xf32, #tpu.memory_space<hbm>>
      %dma_start3A_239 = tpu.memref_slice %arg7[%dma_start3A_230] : memref<2x!tpu.dma_semaphore, #tpu.memory_space<semaphore_mem>> -> memref<1x!tpu.dma_semaphore, #tpu.memory_space<semaphore_mem>>
      %dma_start3A_240 = tpu.memref_squeeze %dma_start3A_239 : memref<1x!tpu.dma_semaphore, #tpu.memory_space<semaphore_mem>> -> memref<!tpu.dma_semaphore, #tpu.memory_space<semaphore_mem>>
      %dma_start3A_241 = arith.constant 0 : i32
      %dma_start3A_242 = arith.constant 0 : i32
      %dma_start3A_243 = tpu.memref_slice %arg6[%dma_start3A_229, %dma_start3A_241, %dma_start3A_242] : memref<2x400x64xf32, #tpu.memory_space<vmem>> -> memref<1x400x64xf32, #tpu.memory_space<vmem>>
      %dma_start3A_244 = tpu.memref_squeeze %dma_start3A_243 : memref<1x400x64xf32, #tpu.memory_space<vmem>> -> memref<400x64xf32, #tpu.memory_space<vmem>>
      %dma_start3A_245 = arith.constant 0 : i32
      %dma_start3A_246 = tpu.memref_slice %dma_start3A_244[%add3A_228, %dma_start3A_245] : memref<400x64xf32, #tpu.memory_space<vmem>> -> memref<1x64xf32, #tpu.memory_space<vmem>>
      %dma_start3A_247 = arith.constant 0 : i32
      %dma_start3A_248 = tpu.memref_slice %arg3[%squeeze3A_224, %dma_start3A_247] : memref<1000000x64xf32, #tpu.memory_space<hbm>> -> memref<1x64xf32, #tpu.memory_space<hbm>>
      tpu.enqueue_dma source(%dma_start3A_248 : memref<1x64xf32, #tpu.memory_space<hbm>>) target(%dma_start3A_246 : memref<1x64xf32, #tpu.memory_space<vmem>>) target_semaphore(%dma_start3A_240 : memref<!tpu.dma_semaphore, #tpu.memory_space<semaphore_mem>>)
      %slice3A_249 = vector.extract_strided_slice %get3A_43 {offsets = [8], sizes = [1], strides = [1]} : vector<16xi32> to vector<1xi32>
      %squeeze3A_250 = vector.extract %slice3A_249[0] : i32 from vector<1xi32>
      %mul3A_251 = arith.constant 16 : i32
      %mul3A_252 = arith.muli %scan3A_37, %mul3A_251 : i32
      %add3A_253 = arith.constant 8 : i32
      %add3A_254 = arith.addi %mul3A_252, %add3A_253 : i32
      %dma_start3A_255 = arith.constant 0 : i32
      %dma_start3A_256 = arith.constant 0 : i32
      %dma_start3A_257 = arith.constant 0 : i32
      %dma_start3A_258 = arith.constant 0 : i32
      %dma_start3A_259 = tpu.memref_slice %arg6[%dma_start3A_255, %dma_start3A_257, %dma_start3A_258] : memref<2x400x64xf32, #tpu.memory_space<vmem>> -> memref<1x400x64xf32, #tpu.memory_space<vmem>>
      %dma_start3A_260 = tpu.memref_squeeze %dma_start3A_259 : memref<1x400x64xf32, #tpu.memory_space<vmem>> -> memref<400x64xf32, #tpu.memory_space<vmem>>
      %dma_start3A_261 = arith.constant 0 : i32
      %dma_start3A_262 = tpu.memref_slice %dma_start3A_260[%add3A_254, %dma_start3A_261] : memref<400x64xf32, #tpu.memory_space<vmem>> -> memref<1x64xf32, #tpu.memory_space<vmem>>
      %dma_start3A_263 = arith.constant 0 : i32
      %dma_start3A_264 = tpu.memref_slice %arg3[%squeeze3A_250, %dma_start3A_263] : memref<1000000x64xf32, #tpu.memory_space<hbm>> -> memref<1x64xf32, #tpu.memory_space<hbm>>
      %dma_start3A_265 = tpu.memref_slice %arg7[%dma_start3A_256] : memref<2x!tpu.dma_semaphore, #tpu.memory_space<semaphore_mem>> -> memref<1x!tpu.dma_semaphore, #tpu.memory_space<semaphore_mem>>
      %dma_start3A_266 = tpu.memref_squeeze %dma_start3A_265 : memref<1x!tpu.dma_semaphore, #tpu.memory_space<semaphore_mem>> -> memref<!tpu.dma_semaphore, #tpu.memory_space<semaphore_mem>>
      %dma_start3A_267 = arith.constant 0 : i32
      %dma_start3A_268 = arith.constant 0 : i32
      %dma_start3A_269 = tpu.memref_slice %arg6[%dma_start3A_255, %dma_start3A_267, %dma_start3A_268] : memref<2x400x64xf32, #tpu.memory_space<vmem>> -> memref<1x400x64xf32, #tpu.memory_space<vmem>>
      %dma_start3A_270 = tpu.memref_squeeze %dma_start3A_269 : memref<1x400x64xf32, #tpu.memory_space<vmem>> -> memref<400x64xf32, #tpu.memory_space<vmem>>
      %dma_start3A_271 = arith.constant 0 : i32
      %dma_start3A_272 = tpu.memref_slice %dma_start3A_270[%add3A_254, %dma_start3A_271] : memref<400x64xf32, #tpu.memory_space<vmem>> -> memref<1x64xf32, #tpu.memory_space<vmem>>
      %dma_start3A_273 = arith.constant 0 : i32
      %dma_start3A_274 = tpu.memref_slice %arg3[%squeeze3A_250, %dma_start3A_273] : memref<1000000x64xf32, #tpu.memory_space<hbm>> -> memref<1x64xf32, #tpu.memory_space<hbm>>
      tpu.enqueue_dma source(%dma_start3A_274 : memref<1x64xf32, #tpu.memory_space<hbm>>) target(%dma_start3A_272 : memref<1x64xf32, #tpu.memory_space<vmem>>) target_semaphore(%dma_start3A_266 : memref<!tpu.dma_semaphore, #tpu.memory_space<semaphore_mem>>)
      %slice3A_275 = vector.extract_strided_slice %get3A_43 {offsets = [9], sizes = [1], strides = [1]} : vector<16xi32> to vector<1xi32>
      %squeeze3A_276 = vector.extract %slice3A_275[0] : i32 from vector<1xi32>
      %mul3A_277 = arith.constant 16 : i32
      %mul3A_278 = arith.muli %scan3A_37, %mul3A_277 : i32
      %add3A_279 = arith.constant 9 : i32
      %add3A_280 = arith.addi %mul3A_278, %add3A_279 : i32
      %dma_start3A_281 = arith.constant 0 : i32
      %dma_start3A_282 = arith.constant 0 : i32
      %dma_start3A_283 = arith.constant 0 : i32
      %dma_start3A_284 = arith.constant 0 : i32
      %dma_start3A_285 = tpu.memref_slice %arg6[%dma_start3A_281, %dma_start3A_283, %dma_start3A_284] : memref<2x400x64xf32, #tpu.memory_space<vmem>> -> memref<1x400x64xf32, #tpu.memory_space<vmem>>
      %dma_start3A_286 = tpu.memref_squeeze %dma_start3A_285 : memref<1x400x64xf32, #tpu.memory_space<vmem>> -> memref<400x64xf32, #tpu.memory_space<vmem>>
      %dma_start3A_287 = arith.constant 0 : i32
      %dma_start3A_288 = tpu.memref_slice %dma_start3A_286[%add3A_280, %dma_start3A_287] : memref<400x64xf32, #tpu.memory_space<vmem>> -> memref<1x64xf32, #tpu.memory_space<vmem>>
      %dma_start3A_289 = arith.constant 0 : i32
      %dma_start3A_290 = tpu.memref_slice %arg3[%squeeze3A_276, %dma_start3A_289] : memref<1000000x64xf32, #tpu.memory_space<hbm>> -> memref<1x64xf32, #tpu.memory_space<hbm>>
      %dma_start3A_291 = tpu.memref_slice %arg7[%dma_start3A_282] : memref<2x!tpu.dma_semaphore, #tpu.memory_space<semaphore_mem>> -> memref<1x!tpu.dma_semaphore, #tpu.memory_space<semaphore_mem>>
      %dma_start3A_292 = tpu.memref_squeeze %dma_start3A_291 : memref<1x!tpu.dma_semaphore, #tpu.memory_space<semaphore_mem>> -> memref<!tpu.dma_semaphore, #tpu.memory_space<semaphore_mem>>
      %dma_start3A_293 = arith.constant 0 : i32
      %dma_start3A_294 = arith.constant 0 : i32
      %dma_start3A_295 = tpu.memref_slice %arg6[%dma_start3A_281, %dma_start3A_293, %dma_start3A_294] : memref<2x400x64xf32, #tpu.memory_space<vmem>> -> memref<1x400x64xf32, #tpu.memory_space<vmem>>
      %dma_start3A_296 = tpu.memref_squeeze %dma_start3A_295 : memref<1x400x64xf32, #tpu.memory_space<vmem>> -> memref<400x64xf32, #tpu.memory_space<vmem>>
      %dma_start3A_297 = arith.constant 0 : i32
      %dma_start3A_298 = tpu.memref_slice %dma_start3A_296[%add3A_280, %dma_start3A_297] : memref<400x64xf32, #tpu.memory_space<vmem>> -> memref<1x64xf32, #tpu.memory_space<vmem>>
      %dma_start3A_299 = arith.constant 0 : i32
      %dma_start3A_300 = tpu.memref_slice %arg3[%squeeze3A_276, %dma_start3A_299] : memref<1000000x64xf32, #tpu.memory_space<hbm>> -> memref<1x64xf32, #tpu.memory_space<hbm>>
      tpu.enqueue_dma source(%dma_start3A_300 : memref<1x64xf32, #tpu.memory_space<hbm>>) target(%dma_start3A_298 : memref<1x64xf32, #tpu.memory_space<vmem>>) target_semaphore(%dma_start3A_292 : memref<!tpu.dma_semaphore, #tpu.memory_space<semaphore_mem>>)
      %slice3A_301 = vector.extract_strided_slice %get3A_43 {offsets = [10], sizes = [1], strides = [1]} : vector<16xi32> to vector<1xi32>
      %squeeze3A_302 = vector.extract %slice3A_301[0] : i32 from vector<1xi32>
      %mul3A_303 = arith.constant 16 : i32
      %mul3A_304 = arith.muli %scan3A_37, %mul3A_303 : i32
      %add3A_305 = arith.constant 10 : i32
      %add3A_306 = arith.addi %mul3A_304, %add3A_305 : i32
      %dma_start3A_307 = arith.constant 0 : i32
      %dma_start3A_308 = arith.constant 0 : i32
      %dma_start3A_309 = arith.constant 0 : i32
      %dma_start3A_310 = arith.constant 0 : i32
      %dma_start3A_311 = tpu.memref_slice %arg6[%dma_start3A_307, %dma_start3A_309, %dma_start3A_310] : memref<2x400x64xf32, #tpu.memory_space<vmem>> -> memref<1x400x64xf32, #tpu.memory_space<vmem>>
      %dma_start3A_312 = tpu.memref_squeeze %dma_start3A_311 : memref<1x400x64xf32, #tpu.memory_space<vmem>> -> memref<400x64xf32, #tpu.memory_space<vmem>>
      %dma_start3A_313 = arith.constant 0 : i32
      %dma_start3A_314 = tpu.memref_slice %dma_start3A_312[%add3A_306, %dma_start3A_313] : memref<400x64xf32, #tpu.memory_space<vmem>> -> memref<1x64xf32, #tpu.memory_space<vmem>>
      %dma_start3A_315 = arith.constant 0 : i32
      %dma_start3A_316 = tpu.memref_slice %arg3[%squeeze3A_302, %dma_start3A_315] : memref<1000000x64xf32, #tpu.memory_space<hbm>> -> memref<1x64xf32, #tpu.memory_space<hbm>>
      %dma_start3A_317 = tpu.memref_slice %arg7[%dma_start3A_308] : memref<2x!tpu.dma_semaphore, #tpu.memory_space<semaphore_mem>> -> memref<1x!tpu.dma_semaphore, #tpu.memory_space<semaphore_mem>>
      %dma_start3A_318 = tpu.memref_squeeze %dma_start3A_317 : memref<1x!tpu.dma_semaphore, #tpu.memory_space<semaphore_mem>> -> memref<!tpu.dma_semaphore, #tpu.memory_space<semaphore_mem>>
      %dma_start3A_319 = arith.constant 0 : i32
      %dma_start3A_320 = arith.constant 0 : i32
      %dma_start3A_321 = tpu.memref_slice %arg6[%dma_start3A_307, %dma_start3A_319, %dma_start3A_320] : memref<2x400x64xf32, #tpu.memory_space<vmem>> -> memref<1x400x64xf32, #tpu.memory_space<vmem>>
      %dma_start3A_322 = tpu.memref_squeeze %dma_start3A_321 : memref<1x400x64xf32, #tpu.memory_space<vmem>> -> memref<400x64xf32, #tpu.memory_space<vmem>>
      %dma_start3A_323 = arith.constant 0 : i32
      %dma_start3A_324 = tpu.memref_slice %dma_start3A_322[%add3A_306, %dma_start3A_323] : memref<400x64xf32, #tpu.memory_space<vmem>> -> memref<1x64xf32, #tpu.memory_space<vmem>>
      %dma_start3A_325 = arith.constant 0 : i32
      %dma_start3A_326 = tpu.memref_slice %arg3[%squeeze3A_302, %dma_start3A_325] : memref<1000000x64xf32, #tpu.memory_space<hbm>> -> memref<1x64xf32, #tpu.memory_space<hbm>>
      tpu.enqueue_dma source(%dma_start3A_326 : memref<1x64xf32, #tpu.memory_space<hbm>>) target(%dma_start3A_324 : memref<1x64xf32, #tpu.memory_space<vmem>>) target_semaphore(%dma_start3A_318 : memref<!tpu.dma_semaphore, #tpu.memory_space<semaphore_mem>>)
      %slice3A_327 = vector.extract_strided_slice %get3A_43 {offsets = [11], sizes = [1], strides = [1]} : vector<16xi32> to vector<1xi32>
      %squeeze3A_328 = vector.extract %slice3A_327[0] : i32 from vector<1xi32>
      %mul3A_329 = arith.constant 16 : i32
      %mul3A_330 = arith.muli %scan3A_37, %mul3A_329 : i32
      %add3A_331 = arith.constant 11 : i32
      %add3A_332 = arith.addi %mul3A_330, %add3A_331 : i32
      %dma_start3A_333 = arith.constant 0 : i32
      %dma_start3A_334 = arith.constant 0 : i32
      %dma_start3A_335 = arith.constant 0 : i32
      %dma_start3A_336 = arith.constant 0 : i32
      %dma_start3A_337 = tpu.memref_slice %arg6[%dma_start3A_333, %dma_start3A_335, %dma_start3A_336] : memref<2x400x64xf32, #tpu.memory_space<vmem>> -> memref<1x400x64xf32, #tpu.memory_space<vmem>>
      %dma_start3A_338 = tpu.memref_squeeze %dma_start3A_337 : memref<1x400x64xf32, #tpu.memory_space<vmem>> -> memref<400x64xf32, #tpu.memory_space<vmem>>
      %dma_start3A_339 = arith.constant 0 : i32
      %dma_start3A_340 = tpu.memref_slice %dma_start3A_338[%add3A_332, %dma_start3A_339] : memref<400x64xf32, #tpu.memory_space<vmem>> -> memref<1x64xf32, #tpu.memory_space<vmem>>
      %dma_start3A_341 = arith.constant 0 : i32
      %dma_start3A_342 = tpu.memref_slice %arg3[%squeeze3A_328, %dma_start3A_341] : memref<1000000x64xf32, #tpu.memory_space<hbm>> -> memref<1x64xf32, #tpu.memory_space<hbm>>
      %dma_start3A_343 = tpu.memref_slice %arg7[%dma_start3A_334] : memref<2x!tpu.dma_semaphore, #tpu.memory_space<semaphore_mem>> -> memref<1x!tpu.dma_semaphore, #tpu.memory_space<semaphore_mem>>
      %dma_start3A_344 = tpu.memref_squeeze %dma_start3A_343 : memref<1x!tpu.dma_semaphore, #tpu.memory_space<semaphore_mem>> -> memref<!tpu.dma_semaphore, #tpu.memory_space<semaphore_mem>>
      %dma_start3A_345 = arith.constant 0 : i32
      %dma_start3A_346 = arith.constant 0 : i32
      %dma_start3A_347 = tpu.memref_slice %arg6[%dma_start3A_333, %dma_start3A_345, %dma_start3A_346] : memref<2x400x64xf32, #tpu.memory_space<vmem>> -> memref<1x400x64xf32, #tpu.memory_space<vmem>>
      %dma_start3A_348 = tpu.memref_squeeze %dma_start3A_347 : memref<1x400x64xf32, #tpu.memory_space<vmem>> -> memref<400x64xf32, #tpu.memory_space<vmem>>
      %dma_start3A_349 = arith.constant 0 : i32
      %dma_start3A_350 = tpu.memref_slice %dma_start3A_348[%add3A_332, %dma_start3A_349] : memref<400x64xf32, #tpu.memory_space<vmem>> -> memref<1x64xf32, #tpu.memory_space<vmem>>
      %dma_start3A_351 = arith.constant 0 : i32
      %dma_start3A_352 = tpu.memref_slice %arg3[%squeeze3A_328, %dma_start3A_351] : memref<1000000x64xf32, #tpu.memory_space<hbm>> -> memref<1x64xf32, #tpu.memory_space<hbm>>
      tpu.enqueue_dma source(%dma_start3A_352 : memref<1x64xf32, #tpu.memory_space<hbm>>) target(%dma_start3A_350 : memref<1x64xf32, #tpu.memory_space<vmem>>) target_semaphore(%dma_start3A_344 : memref<!tpu.dma_semaphore, #tpu.memory_space<semaphore_mem>>)
      %slice3A_353 = vector.extract_strided_slice %get3A_43 {offsets = [12], sizes = [1], strides = [1]} : vector<16xi32> to vector<1xi32>
      %squeeze3A_354 = vector.extract %slice3A_353[0] : i32 from vector<1xi32>
      %mul3A_355 = arith.constant 16 : i32
      %mul3A_356 = arith.muli %scan3A_37, %mul3A_355 : i32
      %add3A_357 = arith.constant 12 : i32
      %add3A_358 = arith.addi %mul3A_356, %add3A_357 : i32
      %dma_start3A_359 = arith.constant 0 : i32
      %dma_start3A_360 = arith.constant 0 : i32
      %dma_start3A_361 = arith.constant 0 : i32
      %dma_start3A_362 = arith.constant 0 : i32
      %dma_start3A_363 = tpu.memref_slice %arg6[%dma_start3A_359, %dma_start3A_361, %dma_start3A_362] : memref<2x400x64xf32, #tpu.memory_space<vmem>> -> memref<1x400x64xf32, #tpu.memory_space<vmem>>
      %dma_start3A_364 = tpu.memref_squeeze %dma_start3A_363 : memref<1x400x64xf32, #tpu.memory_space<vmem>> -> memref<400x64xf32, #tpu.memory_space<vmem>>
      %dma_start3A_365 = arith.constant 0 : i32
      %dma_start3A_366 = tpu.memref_slice %dma_start3A_364[%add3A_358, %dma_start3A_365] : memref<400x64xf32, #tpu.memory_space<vmem>> -> memref<1x64xf32, #tpu.memory_space<vmem>>
      %dma_start3A_367 = arith.constant 0 : i32
      %dma_start3A_368 = tpu.memref_slice %arg3[%squeeze3A_354, %dma_start3A_367] : memref<1000000x64xf32, #tpu.memory_space<hbm>> -> memref<1x64xf32, #tpu.memory_space<hbm>>
      %dma_start3A_369 = tpu.memref_slice %arg7[%dma_start3A_360] : memref<2x!tpu.dma_semaphore, #tpu.memory_space<semaphore_mem>> -> memref<1x!tpu.dma_semaphore, #tpu.memory_space<semaphore_mem>>
      %dma_start3A_370 = tpu.memref_squeeze %dma_start3A_369 : memref<1x!tpu.dma_semaphore, #tpu.memory_space<semaphore_mem>> -> memref<!tpu.dma_semaphore, #tpu.memory_space<semaphore_mem>>
      %dma_start3A_371 = arith.constant 0 : i32
      %dma_start3A_372 = arith.constant 0 : i32
      %dma_start3A_373 = tpu.memref_slice %arg6[%dma_start3A_359, %dma_start3A_371, %dma_start3A_372] : memref<2x400x64xf32, #tpu.memory_space<vmem>> -> memref<1x400x64xf32, #tpu.memory_space<vmem>>
      %dma_start3A_374 = tpu.memref_squeeze %dma_start3A_373 : memref<1x400x64xf32, #tpu.memory_space<vmem>> -> memref<400x64xf32, #tpu.memory_space<vmem>>
      %dma_start3A_375 = arith.constant 0 : i32
      %dma_start3A_376 = tpu.memref_slice %dma_start3A_374[%add3A_358, %dma_start3A_375] : memref<400x64xf32, #tpu.memory_space<vmem>> -> memref<1x64xf32, #tpu.memory_space<vmem>>
      %dma_start3A_377 = arith.constant 0 : i32
      %dma_start3A_378 = tpu.memref_slice %arg3[%squeeze3A_354, %dma_start3A_377] : memref<1000000x64xf32, #tpu.memory_space<hbm>> -> memref<1x64xf32, #tpu.memory_space<hbm>>
      tpu.enqueue_dma source(%dma_start3A_378 : memref<1x64xf32, #tpu.memory_space<hbm>>) target(%dma_start3A_376 : memref<1x64xf32, #tpu.memory_space<vmem>>) target_semaphore(%dma_start3A_370 : memref<!tpu.dma_semaphore, #tpu.memory_space<semaphore_mem>>)
      %slice3A_379 = vector.extract_strided_slice %get3A_43 {offsets = [13], sizes = [1], strides = [1]} : vector<16xi32> to vector<1xi32>
      %squeeze3A_380 = vector.extract %slice3A_379[0] : i32 from vector<1xi32>
      %mul3A_381 = arith.constant 16 : i32
      %mul3A_382 = arith.muli %scan3A_37, %mul3A_381 : i32
      %add3A_383 = arith.constant 13 : i32
      %add3A_384 = arith.addi %mul3A_382, %add3A_383 : i32
      %dma_start3A_385 = arith.constant 0 : i32
      %dma_start3A_386 = arith.constant 0 : i32
      %dma_start3A_387 = arith.constant 0 : i32
      %dma_start3A_388 = arith.constant 0 : i32
      %dma_start3A_389 = tpu.memref_slice %arg6[%dma_start3A_385, %dma_start3A_387, %dma_start3A_388] : memref<2x400x64xf32, #tpu.memory_space<vmem>> -> memref<1x400x64xf32, #tpu.memory_space<vmem>>
      %dma_start3A_390 = tpu.memref_squeeze %dma_start3A_389 : memref<1x400x64xf32, #tpu.memory_space<vmem>> -> memref<400x64xf32, #tpu.memory_space<vmem>>
      %dma_start3A_391 = arith.constant 0 : i32
      %dma_start3A_392 = tpu.memref_slice %dma_start3A_390[%add3A_384, %dma_start3A_391] : memref<400x64xf32, #tpu.memory_space<vmem>> -> memref<1x64xf32, #tpu.memory_space<vmem>>
      %dma_start3A_393 = arith.constant 0 : i32
      %dma_start3A_394 = tpu.memref_slice %arg3[%squeeze3A_380, %dma_start3A_393] : memref<1000000x64xf32, #tpu.memory_space<hbm>> -> memref<1x64xf32, #tpu.memory_space<hbm>>
      %dma_start3A_395 = tpu.memref_slice %arg7[%dma_start3A_386] : memref<2x!tpu.dma_semaphore, #tpu.memory_space<semaphore_mem>> -> memref<1x!tpu.dma_semaphore, #tpu.memory_space<semaphore_mem>>
      %dma_start3A_396 = tpu.memref_squeeze %dma_start3A_395 : memref<1x!tpu.dma_semaphore, #tpu.memory_space<semaphore_mem>> -> memref<!tpu.dma_semaphore, #tpu.memory_space<semaphore_mem>>
      %dma_start3A_397 = arith.constant 0 : i32
      %dma_start3A_398 = arith.constant 0 : i32
      %dma_start3A_399 = tpu.memref_slice %arg6[%dma_start3A_385, %dma_start3A_397, %dma_start3A_398] : memref<2x400x64xf32, #tpu.memory_space<vmem>> -> memref<1x400x64xf32, #tpu.memory_space<vmem>>
      %dma_start3A_400 = tpu.memref_squeeze %dma_start3A_399 : memref<1x400x64xf32, #tpu.memory_space<vmem>> -> memref<400x64xf32, #tpu.memory_space<vmem>>
      %dma_start3A_401 = arith.constant 0 : i32
      %dma_start3A_402 = tpu.memref_slice %dma_start3A_400[%add3A_384, %dma_start3A_401] : memref<400x64xf32, #tpu.memory_space<vmem>> -> memref<1x64xf32, #tpu.memory_space<vmem>>
      %dma_start3A_403 = arith.constant 0 : i32
      %dma_start3A_404 = tpu.memref_slice %arg3[%squeeze3A_380, %dma_start3A_403] : memref<1000000x64xf32, #tpu.memory_space<hbm>> -> memref<1x64xf32, #tpu.memory_space<hbm>>
      tpu.enqueue_dma source(%dma_start3A_404 : memref<1x64xf32, #tpu.memory_space<hbm>>) target(%dma_start3A_402 : memref<1x64xf32, #tpu.memory_space<vmem>>) target_semaphore(%dma_start3A_396 : memref<!tpu.dma_semaphore, #tpu.memory_space<semaphore_mem>>)
      %slice3A_405 = vector.extract_strided_slice %get3A_43 {offsets = [14], sizes = [1], strides = [1]} : vector<16xi32> to vector<1xi32>
      %squeeze3A_406 = vector.extract %slice3A_405[0] : i32 from vector<1xi32>
      %mul3A_407 = arith.constant 16 : i32
      %mul3A_408 = arith.muli %scan3A_37, %mul3A_407 : i32
      %add3A_409 = arith.constant 14 : i32
      %add3A_410 = arith.addi %mul3A_408, %add3A_409 : i32
      %dma_start3A_411 = arith.constant 0 : i32
      %dma_start3A_412 = arith.constant 0 : i32
      %dma_start3A_413 = arith.constant 0 : i32
      %dma_start3A_414 = arith.constant 0 : i32
      %dma_start3A_415 = tpu.memref_slice %arg6[%dma_start3A_411, %dma_start3A_413, %dma_start3A_414] : memref<2x400x64xf32, #tpu.memory_space<vmem>> -> memref<1x400x64xf32, #tpu.memory_space<vmem>>
      %dma_start3A_416 = tpu.memref_squeeze %dma_start3A_415 : memref<1x400x64xf32, #tpu.memory_space<vmem>> -> memref<400x64xf32, #tpu.memory_space<vmem>>
      %dma_start3A_417 = arith.constant 0 : i32
      %dma_start3A_418 = tpu.memref_slice %dma_start3A_416[%add3A_410, %dma_start3A_417] : memref<400x64xf32, #tpu.memory_space<vmem>> -> memref<1x64xf32, #tpu.memory_space<vmem>>
      %dma_start3A_419 = arith.constant 0 : i32
      %dma_start3A_420 = tpu.memref_slice %arg3[%squeeze3A_406, %dma_start3A_419] : memref<1000000x64xf32, #tpu.memory_space<hbm>> -> memref<1x64xf32, #tpu.memory_space<hbm>>
      %dma_start3A_421 = tpu.memref_slice %arg7[%dma_start3A_412] : memref<2x!tpu.dma_semaphore, #tpu.memory_space<semaphore_mem>> -> memref<1x!tpu.dma_semaphore, #tpu.memory_space<semaphore_mem>>
      %dma_start3A_422 = tpu.memref_squeeze %dma_start3A_421 : memref<1x!tpu.dma_semaphore, #tpu.memory_space<semaphore_mem>> -> memref<!tpu.dma_semaphore, #tpu.memory_space<semaphore_mem>>
      %dma_start3A_423 = arith.constant 0 : i32
      %dma_start3A_424 = arith.constant 0 : i32
      %dma_start3A_425 = tpu.memref_slice %arg6[%dma_start3A_411, %dma_start3A_423, %dma_start3A_424] : memref<2x400x64xf32, #tpu.memory_space<vmem>> -> memref<1x400x64xf32, #tpu.memory_space<vmem>>
      %dma_start3A_426 = tpu.memref_squeeze %dma_start3A_425 : memref<1x400x64xf32, #tpu.memory_space<vmem>> -> memref<400x64xf32, #tpu.memory_space<vmem>>
      %dma_start3A_427 = arith.constant 0 : i32
      %dma_start3A_428 = tpu.memref_slice %dma_start3A_426[%add3A_410, %dma_start3A_427] : memref<400x64xf32, #tpu.memory_space<vmem>> -> memref<1x64xf32, #tpu.memory_space<vmem>>
      %dma_start3A_429 = arith.constant 0 : i32
      %dma_start3A_430 = tpu.memref_slice %arg3[%squeeze3A_406, %dma_start3A_429] : memref<1000000x64xf32, #tpu.memory_space<hbm>> -> memref<1x64xf32, #tpu.memory_space<hbm>>
      tpu.enqueue_dma source(%dma_start3A_430 : memref<1x64xf32, #tpu.memory_space<hbm>>) target(%dma_start3A_428 : memref<1x64xf32, #tpu.memory_space<vmem>>) target_semaphore(%dma_start3A_422 : memref<!tpu.dma_semaphore, #tpu.memory_space<semaphore_mem>>)
      %slice3A_431 = vector.extract_strided_slice %get3A_43 {offsets = [15], sizes = [1], strides = [1]} : vector<16xi32> to vector<1xi32>
      %squeeze3A_432 = vector.extract %slice3A_431[0] : i32 from vector<1xi32>
      %mul3A_433 = arith.constant 16 : i32
      %mul3A_434 = arith.muli %scan3A_37, %mul3A_433 : i32
      %add3A_435 = arith.constant 15 : i32
      %add3A_436 = arith.addi %mul3A_434, %add3A_435 : i32
      %dma_start3A_437 = arith.constant 0 : i32
      %dma_start3A_438 = arith.constant 0 : i32
      %dma_start3A_439 = arith.constant 0 : i32
      %dma_start3A_440 = arith.constant 0 : i32
      %dma_start3A_441 = tpu.memref_slice %arg6[%dma_start3A_437, %dma_start3A_439, %dma_start3A_440] : memref<2x400x64xf32, #tpu.memory_space<vmem>> -> memref<1x400x64xf32, #tpu.memory_space<vmem>>
      %dma_start3A_442 = tpu.memref_squeeze %dma_start3A_441 : memref<1x400x64xf32, #tpu.memory_space<vmem>> -> memref<400x64xf32, #tpu.memory_space<vmem>>
      %dma_start3A_443 = arith.constant 0 : i32
      %dma_start3A_444 = tpu.memref_slice %dma_start3A_442[%add3A_436, %dma_start3A_443] : memref<400x64xf32, #tpu.memory_space<vmem>> -> memref<1x64xf32, #tpu.memory_space<vmem>>
      %dma_start3A_445 = arith.constant 0 : i32
      %dma_start3A_446 = tpu.memref_slice %arg3[%squeeze3A_432, %dma_start3A_445] : memref<1000000x64xf32, #tpu.memory_space<hbm>> -> memref<1x64xf32, #tpu.memory_space<hbm>>
      %dma_start3A_447 = tpu.memref_slice %arg7[%dma_start3A_438] : memref<2x!tpu.dma_semaphore, #tpu.memory_space<semaphore_mem>> -> memref<1x!tpu.dma_semaphore, #tpu.memory_space<semaphore_mem>>
      %dma_start3A_448 = tpu.memref_squeeze %dma_start3A_447 : memref<1x!tpu.dma_semaphore, #tpu.memory_space<semaphore_mem>> -> memref<!tpu.dma_semaphore, #tpu.memory_space<semaphore_mem>>
      %dma_start3A_449 = arith.constant 0 : i32
      %dma_start3A_450 = arith.constant 0 : i32
      %dma_start3A_451 = tpu.memref_slice %arg6[%dma_start3A_437, %dma_start3A_449, %dma_start3A_450] : memref<2x400x64xf32, #tpu.memory_space<vmem>> -> memref<1x400x64xf32, #tpu.memory_space<vmem>>
      %dma_start3A_452 = tpu.memref_squeeze %dma_start3A_451 : memref<1x400x64xf32, #tpu.memory_space<vmem>> -> memref<400x64xf32, #tpu.memory_space<vmem>>
      %dma_start3A_453 = arith.constant 0 : i32
      %dma_start3A_454 = tpu.memref_slice %dma_start3A_452[%add3A_436, %dma_start3A_453] : memref<400x64xf32, #tpu.memory_space<vmem>> -> memref<1x64xf32, #tpu.memory_space<vmem>>
      %dma_start3A_455 = arith.constant 0 : i32
      %dma_start3A_456 = tpu.memref_slice %arg3[%squeeze3A_432, %dma_start3A_455] : memref<1000000x64xf32, #tpu.memory_space<hbm>> -> memref<1x64xf32, #tpu.memory_space<hbm>>
      tpu.enqueue_dma source(%dma_start3A_456 : memref<1x64xf32, #tpu.memory_space<hbm>>) target(%dma_start3A_454 : memref<1x64xf32, #tpu.memory_space<vmem>>) target_semaphore(%dma_start3A_448 : memref<!tpu.dma_semaphore, #tpu.memory_space<semaphore_mem>>)
    }
    %scan3A_7 = arith.constant 25 : i32
    %scan3A_8 = arith.constant 0 : i32
    %scan3A_9 = arith.constant 0 : i32
    %scan3A_10 = arith.constant 7 : i32
    %scan3A_11 = arith.addi %scan3A_9, %scan3A_10 : i32
    %scan3A_12 = arith.constant 1 : i32
    scf.for %scan3A_37 = %scan3A_9 to %scan3A_11 step %scan3A_12  : i32 {
      %mul3A_38 = arith.constant 2 : i32
      %mul3A_39 = arith.muli %scan3A_37, %mul3A_38 : i32
      %add3A_40 = arith.constant 0 : i32
      %add3A_41 = arith.addi %mul3A_39, %add3A_40 : i32
      %add3A_42 = arith.constant 1 : i32
      %add3A_43 = arith.addi %add3A_41, %add3A_42 : i32
      %scan3A_44 = arith.constant 0 : i32
      %scan3A_45 = arith.constant 0 : i32
      %scan3A_46 = arith.constant 25 : i32
      %scan3A_47 = arith.addi %scan3A_45, %scan3A_46 : i32
      %scan3A_48 = arith.constant 1 : i32
      scf.for %scan3A_82 = %scan3A_45 to %scan3A_47 step %scan3A_48  : i32 {
        %mul3A_83 = arith.constant 400 : i32
        %mul3A_84 = arith.muli %add3A_43, %mul3A_83 : i32
        %mul3A_85 = arith.constant 16 : i32
        %mul3A_86 = arith.muli %scan3A_82, %mul3A_85 : i32
        %add3A_87 = arith.addi %mul3A_84, %mul3A_86 : i32
        %get3A = arith.index_cast %add3A_87 : i32 to index
        %get3A_88 = tpu.vector_load %arg5[%get3A] {strides = array<i32>} : memref<6400xi32, #tpu.memory_space<vmem>>, vector<16xi32>,
        %get3A_89 = vector.shape_cast %get3A_88 : vector<16xi32> to vector<16xi32>
        %slice3A = vector.extract_strided_slice %get3A_89 {offsets = [0], sizes = [1], strides = [1]} : vector<16xi32> to vector<1xi32>
        %squeeze3A = vector.extract %slice3A[0] : i32 from vector<1xi32>
        %mul3A_90 = arith.constant 16 : i32
        %mul3A_91 = arith.muli %scan3A_82, %mul3A_90 : i32
        %add3A_92 = arith.constant 0 : i32
        %add3A_93 = arith.addi %mul3A_91, %add3A_92 : i32
        %dma_start3A = arith.constant 1 : i32
        %dma_start3A_94 = arith.constant 1 : i32
        %dma_start3A_95 = arith.constant 0 : i32
        %dma_start3A_96 = arith.constant 0 : i32
        %dma_start3A_97 = tpu.memref_slice %arg6[%dma_start3A, %dma_start3A_95, %dma_start3A_96] : memref<2x400x64xf32, #tpu.memory_space<vmem>> -> memref<1x400x64xf32, #tpu.memory_space<vmem>>
        %dma_start3A_98 = tpu.memref_squeeze %dma_start3A_97 : memref<1x400x64xf32, #tpu.memory_space<vmem>> -> memref<400x64xf32, #tpu.memory_space<vmem>>
        %dma_start3A_99 = arith.constant 0 : i32
        %dma_start3A_100 = tpu.memref_slice %dma_start3A_98[%add3A_93, %dma_start3A_99] : memref<400x64xf32, #tpu.memory_space<vmem>> -> memref<1x64xf32, #tpu.memory_space<vmem>>
        %dma_start3A_101 = arith.constant 0 : i32
        %dma_start3A_102 = tpu.memref_slice %arg3[%squeeze3A, %dma_start3A_101] : memref<1000000x64xf32, #tpu.memory_space<hbm>> -> memref<1x64xf32, #tpu.memory_space<hbm>>
        %dma_start3A_103 = tpu.memref_slice %arg7[%dma_start3A_94] : memref<2x!tpu.dma_semaphore, #tpu.memory_space<semaphore_mem>> -> memref<1x!tpu.dma_semaphore, #tpu.memory_space<semaphore_mem>>
        %dma_start3A_104 = tpu.memref_squeeze %dma_start3A_103 : memref<1x!tpu.dma_semaphore, #tpu.memory_space<semaphore_mem>> -> memref<!tpu.dma_semaphore, #tpu.memory_space<semaphore_mem>>
        %dma_start3A_105 = arith.constant 0 : i32
        %dma_start3A_106 = arith.constant 0 : i32
        %dma_start3A_107 = tpu.memref_slice %arg6[%dma_start3A, %dma_start3A_105, %dma_start3A_106] : memref<2x400x64xf32, #tpu.memory_space<vmem>> -> memref<1x400x64xf32, #tpu.memory_space<vmem>>
        %dma_start3A_108 = tpu.memref_squeeze %dma_start3A_107 : memref<1x400x64xf32, #tpu.memory_space<vmem>> -> memref<400x64xf32, #tpu.memory_space<vmem>>
        %dma_start3A_109 = arith.constant 0 : i32
        %dma_start3A_110 = tpu.memref_slice %dma_start3A_108[%add3A_93, %dma_start3A_109] : memref<400x64xf32, #tpu.memory_space<vmem>> -> memref<1x64xf32, #tpu.memory_space<vmem>>
        %dma_start3A_111 = arith.constant 0 : i32
        %dma_start3A_112 = tpu.memref_slice %arg3[%squeeze3A, %dma_start3A_111] : memref<1000000x64xf32, #tpu.memory_space<hbm>> -> memref<1x64xf32, #tpu.memory_space<hbm>>
        tpu.enqueue_dma source(%dma_start3A_112 : memref<1x64xf32, #tpu.memory_space<hbm>>) target(%dma_start3A_110 : memref<1x64xf32, #tpu.memory_space<vmem>>) target_semaphore(%dma_start3A_104 : memref<!tpu.dma_semaphore, #tpu.memory_space<semaphore_mem>>)
        %slice3A_113 = vector.extract_strided_slice %get3A_89 {offsets = [1], sizes = [1], strides = [1]} : vector<16xi32> to vector<1xi32>
        %squeeze3A_114 = vector.extract %slice3A_113[0] : i32 from vector<1xi32>
        %mul3A_115 = arith.constant 16 : i32
        %mul3A_116 = arith.muli %scan3A_82, %mul3A_115 : i32
        %add3A_117 = arith.constant 1 : i32
        %add3A_118 = arith.addi %mul3A_116, %add3A_117 : i32
        %dma_start3A_119 = arith.constant 1 : i32
        %dma_start3A_120 = arith.constant 1 : i32
        %dma_start3A_121 = arith.constant 0 : i32
        %dma_start3A_122 = arith.constant 0 : i32
        %dma_start3A_123 = tpu.memref_slice %arg6[%dma_start3A_119, %dma_start3A_121, %dma_start3A_122] : memref<2x400x64xf32, #tpu.memory_space<vmem>> -> memref<1x400x64xf32, #tpu.memory_space<vmem>>
        %dma_start3A_124 = tpu.memref_squeeze %dma_start3A_123 : memref<1x400x64xf32, #tpu.memory_space<vmem>> -> memref<400x64xf32, #tpu.memory_space<vmem>>
        %dma_start3A_125 = arith.constant 0 : i32
        %dma_start3A_126 = tpu.memref_slice %dma_start3A_124[%add3A_118, %dma_start3A_125] : memref<400x64xf32, #tpu.memory_space<vmem>> -> memref<1x64xf32, #tpu.memory_space<vmem>>
        %dma_start3A_127 = arith.constant 0 : i32
        %dma_start3A_128 = tpu.memref_slice %arg3[%squeeze3A_114, %dma_start3A_127] : memref<1000000x64xf32, #tpu.memory_space<hbm>> -> memref<1x64xf32, #tpu.memory_space<hbm>>
        %dma_start3A_129 = tpu.memref_slice %arg7[%dma_start3A_120] : memref<2x!tpu.dma_semaphore, #tpu.memory_space<semaphore_mem>> -> memref<1x!tpu.dma_semaphore, #tpu.memory_space<semaphore_mem>>
        %dma_start3A_130 = tpu.memref_squeeze %dma_start3A_129 : memref<1x!tpu.dma_semaphore, #tpu.memory_space<semaphore_mem>> -> memref<!tpu.dma_semaphore, #tpu.memory_space<semaphore_mem>>
        %dma_start3A_131 = arith.constant 0 : i32
        %dma_start3A_132 = arith.constant 0 : i32
        %dma_start3A_133 = tpu.memref_slice %arg6[%dma_start3A_119, %dma_start3A_131, %dma_start3A_132] : memref<2x400x64xf32, #tpu.memory_space<vmem>> -> memref<1x400x64xf32, #tpu.memory_space<vmem>>
        %dma_start3A_134 = tpu.memref_squeeze %dma_start3A_133 : memref<1x400x64xf32, #tpu.memory_space<vmem>> -> memref<400x64xf32, #tpu.memory_space<vmem>>
        %dma_start3A_135 = arith.constant 0 : i32
        %dma_start3A_136 = tpu.memref_slice %dma_start3A_134[%add3A_118, %dma_start3A_135] : memref<400x64xf32, #tpu.memory_space<vmem>> -> memref<1x64xf32, #tpu.memory_space<vmem>>
        %dma_start3A_137 = arith.constant 0 : i32
        %dma_start3A_138 = tpu.memref_slice %arg3[%squeeze3A_114, %dma_start3A_137] : memref<1000000x64xf32, #tpu.memory_space<hbm>> -> memref<1x64xf32, #tpu.memory_space<hbm>>
        tpu.enqueue_dma source(%dma_start3A_138 : memref<1x64xf32, #tpu.memory_space<hbm>>) target(%dma_start3A_136 : memref<1x64xf32, #tpu.memory_space<vmem>>) target_semaphore(%dma_start3A_130 : memref<!tpu.dma_semaphore, #tpu.memory_space<semaphore_mem>>)
        %slice3A_139 = vector.extract_strided_slice %get3A_89 {offsets = [2], sizes = [1], strides = [1]} : vector<16xi32> to vector<1xi32>
        %squeeze3A_140 = vector.extract %slice3A_139[0] : i32 from vector<1xi32>
        %mul3A_141 = arith.constant 16 : i32
        %mul3A_142 = arith.muli %scan3A_82, %mul3A_141 : i32
        %add3A_143 = arith.constant 2 : i32
        %add3A_144 = arith.addi %mul3A_142, %add3A_143 : i32
        %dma_start3A_145 = arith.constant 1 : i32
        %dma_start3A_146 = arith.constant 1 : i32
        %dma_start3A_147 = arith.constant 0 : i32
        %dma_start3A_148 = arith.constant 0 : i32
        %dma_start3A_149 = tpu.memref_slice %arg6[%dma_start3A_145, %dma_start3A_147, %dma_start3A_148] : memref<2x400x64xf32, #tpu.memory_space<vmem>> -> memref<1x400x64xf32, #tpu.memory_space<vmem>>
        %dma_start3A_150 = tpu.memref_squeeze %dma_start3A_149 : memref<1x400x64xf32, #tpu.memory_space<vmem>> -> memref<400x64xf32, #tpu.memory_space<vmem>>
        %dma_start3A_151 = arith.constant 0 : i32
        %dma_start3A_152 = tpu.memref_slice %dma_start3A_150[%add3A_144, %dma_start3A_151] : memref<400x64xf32, #tpu.memory_space<vmem>> -> memref<1x64xf32, #tpu.memory_space<vmem>>
        %dma_start3A_153 = arith.constant 0 : i32
        %dma_start3A_154 = tpu.memref_slice %arg3[%squeeze3A_140, %dma_start3A_153] : memref<1000000x64xf32, #tpu.memory_space<hbm>> -> memref<1x64xf32, #tpu.memory_space<hbm>>
        %dma_start3A_155 = tpu.memref_slice %arg7[%dma_start3A_146] : memref<2x!tpu.dma_semaphore, #tpu.memory_space<semaphore_mem>> -> memref<1x!tpu.dma_semaphore, #tpu.memory_space<semaphore_mem>>
        %dma_start3A_156 = tpu.memref_squeeze %dma_start3A_155 : memref<1x!tpu.dma_semaphore, #tpu.memory_space<semaphore_mem>> -> memref<!tpu.dma_semaphore, #tpu.memory_space<semaphore_mem>>
        %dma_start3A_157 = arith.constant 0 : i32
        %dma_start3A_158 = arith.constant 0 : i32
        %dma_start3A_159 = tpu.memref_slice %arg6[%dma_start3A_145, %dma_start3A_157, %dma_start3A_158] : memref<2x400x64xf32, #tpu.memory_space<vmem>> -> memref<1x400x64xf32, #tpu.memory_space<vmem>>
        %dma_start3A_160 = tpu.memref_squeeze %dma_start3A_159 : memref<1x400x64xf32, #tpu.memory_space<vmem>> -> memref<400x64xf32, #tpu.memory_space<vmem>>
        %dma_start3A_161 = arith.constant 0 : i32
        %dma_start3A_162 = tpu.memref_slice %dma_start3A_160[%add3A_144, %dma_start3A_161] : memref<400x64xf32, #tpu.memory_space<vmem>> -> memref<1x64xf32, #tpu.memory_space<vmem>>
        %dma_start3A_163 = arith.constant 0 : i32
        %dma_start3A_164 = tpu.memref_slice %arg3[%squeeze3A_140, %dma_start3A_163] : memref<1000000x64xf32, #tpu.memory_space<hbm>> -> memref<1x64xf32, #tpu.memory_space<hbm>>
        tpu.enqueue_dma source(%dma_start3A_164 : memref<1x64xf32, #tpu.memory_space<hbm>>) target(%dma_start3A_162 : memref<1x64xf32, #tpu.memory_space<vmem>>) target_semaphore(%dma_start3A_156 : memref<!tpu.dma_semaphore, #tpu.memory_space<semaphore_mem>>)
        %slice3A_165 = vector.extract_strided_slice %get3A_89 {offsets = [3], sizes = [1], strides = [1]} : vector<16xi32> to vector<1xi32>
        %squeeze3A_166 = vector.extract %slice3A_165[0] : i32 from vector<1xi32>
        %mul3A_167 = arith.constant 16 : i32
        %mul3A_168 = arith.muli %scan3A_82, %mul3A_167 : i32
        %add3A_169 = arith.constant 3 : i32
        %add3A_170 = arith.addi %mul3A_168, %add3A_169 : i32
        %dma_start3A_171 = arith.constant 1 : i32
        %dma_start3A_172 = arith.constant 1 : i32
        %dma_start3A_173 = arith.constant 0 : i32
        %dma_start3A_174 = arith.constant 0 : i32
        %dma_start3A_175 = tpu.memref_slice %arg6[%dma_start3A_171, %dma_start3A_173, %dma_start3A_174] : memref<2x400x64xf32, #tpu.memory_space<vmem>> -> memref<1x400x64xf32, #tpu.memory_space<vmem>>
        %dma_start3A_176 = tpu.memref_squeeze %dma_start3A_175 : memref<1x400x64xf32, #tpu.memory_space<vmem>> -> memref<400x64xf32, #tpu.memory_space<vmem>>
        %dma_start3A_177 = arith.constant 0 : i32
        %dma_start3A_178 = tpu.memref_slice %dma_start3A_176[%add3A_170, %dma_start3A_177] : memref<400x64xf32, #tpu.memory_space<vmem>> -> memref<1x64xf32, #tpu.memory_space<vmem>>
        %dma_start3A_179 = arith.constant 0 : i32
        %dma_start3A_180 = tpu.memref_slice %arg3[%squeeze3A_166, %dma_start3A_179] : memref<1000000x64xf32, #tpu.memory_space<hbm>> -> memref<1x64xf32, #tpu.memory_space<hbm>>
        %dma_start3A_181 = tpu.memref_slice %arg7[%dma_start3A_172] : memref<2x!tpu.dma_semaphore, #tpu.memory_space<semaphore_mem>> -> memref<1x!tpu.dma_semaphore, #tpu.memory_space<semaphore_mem>>
        %dma_start3A_182 = tpu.memref_squeeze %dma_start3A_181 : memref<1x!tpu.dma_semaphore, #tpu.memory_space<semaphore_mem>> -> memref<!tpu.dma_semaphore, #tpu.memory_space<semaphore_mem>>
        %dma_start3A_183 = arith.constant 0 : i32
        %dma_start3A_184 = arith.constant 0 : i32
        %dma_start3A_185 = tpu.memref_slice %arg6[%dma_start3A_171, %dma_start3A_183, %dma_start3A_184] : memref<2x400x64xf32, #tpu.memory_space<vmem>> -> memref<1x400x64xf32, #tpu.memory_space<vmem>>
        %dma_start3A_186 = tpu.memref_squeeze %dma_start3A_185 : memref<1x400x64xf32, #tpu.memory_space<vmem>> -> memref<400x64xf32, #tpu.memory_space<vmem>>
        %dma_start3A_187 = arith.constant 0 : i32
        %dma_start3A_188 = tpu.memref_slice %dma_start3A_186[%add3A_170, %dma_start3A_187] : memref<400x64xf32, #tpu.memory_space<vmem>> -> memref<1x64xf32, #tpu.memory_space<vmem>>
        %dma_start3A_189 = arith.constant 0 : i32
        %dma_start3A_190 = tpu.memref_slice %arg3[%squeeze3A_166, %dma_start3A_189] : memref<1000000x64xf32, #tpu.memory_space<hbm>> -> memref<1x64xf32, #tpu.memory_space<hbm>>
        tpu.enqueue_dma source(%dma_start3A_190 : memref<1x64xf32, #tpu.memory_space<hbm>>) target(%dma_start3A_188 : memref<1x64xf32, #tpu.memory_space<vmem>>) target_semaphore(%dma_start3A_182 : memref<!tpu.dma_semaphore, #tpu.memory_space<semaphore_mem>>)
        %slice3A_191 = vector.extract_strided_slice %get3A_89 {offsets = [4], sizes = [1], strides = [1]} : vector<16xi32> to vector<1xi32>
        %squeeze3A_192 = vector.extract %slice3A_191[0] : i32 from vector<1xi32>
        %mul3A_193 = arith.constant 16 : i32
        %mul3A_194 = arith.muli %scan3A_82, %mul3A_193 : i32
        %add3A_195 = arith.constant 4 : i32
        %add3A_196 = arith.addi %mul3A_194, %add3A_195 : i32
        %dma_start3A_197 = arith.constant 1 : i32
        %dma_start3A_198 = arith.constant 1 : i32
        %dma_start3A_199 = arith.constant 0 : i32
        %dma_start3A_200 = arith.constant 0 : i32
        %dma_start3A_201 = tpu.memref_slice %arg6[%dma_start3A_197, %dma_start3A_199, %dma_start3A_200] : memref<2x400x64xf32, #tpu.memory_space<vmem>> -> memref<1x400x64xf32, #tpu.memory_space<vmem>>
        %dma_start3A_202 = tpu.memref_squeeze %dma_start3A_201 : memref<1x400x64xf32, #tpu.memory_space<vmem>> -> memref<400x64xf32, #tpu.memory_space<vmem>>
        %dma_start3A_203 = arith.constant 0 : i32
        %dma_start3A_204 = tpu.memref_slice %dma_start3A_202[%add3A_196, %dma_start3A_203] : memref<400x64xf32, #tpu.memory_space<vmem>> -> memref<1x64xf32, #tpu.memory_space<vmem>>
        %dma_start3A_205 = arith.constant 0 : i32
        %dma_start3A_206 = tpu.memref_slice %arg3[%squeeze3A_192, %dma_start3A_205] : memref<1000000x64xf32, #tpu.memory_space<hbm>> -> memref<1x64xf32, #tpu.memory_space<hbm>>
        %dma_start3A_207 = tpu.memref_slice %arg7[%dma_start3A_198] : memref<2x!tpu.dma_semaphore, #tpu.memory_space<semaphore_mem>> -> memref<1x!tpu.dma_semaphore, #tpu.memory_space<semaphore_mem>>
        %dma_start3A_208 = tpu.memref_squeeze %dma_start3A_207 : memref<1x!tpu.dma_semaphore, #tpu.memory_space<semaphore_mem>> -> memref<!tpu.dma_semaphore, #tpu.memory_space<semaphore_mem>>
        %dma_start3A_209 = arith.constant 0 : i32
        %dma_start3A_210 = arith.constant 0 : i32
        %dma_start3A_211 = tpu.memref_slice %arg6[%dma_start3A_197, %dma_start3A_209, %dma_start3A_210] : memref<2x400x64xf32, #tpu.memory_space<vmem>> -> memref<1x400x64xf32, #tpu.memory_space<vmem>>
        %dma_start3A_212 = tpu.memref_squeeze %dma_start3A_211 : memref<1x400x64xf32, #tpu.memory_space<vmem>> -> memref<400x64xf32, #tpu.memory_space<vmem>>
        %dma_start3A_213 = arith.constant 0 : i32
        %dma_start3A_214 = tpu.memref_slice %dma_start3A_212[%add3A_196, %dma_start3A_213] : memref<400x64xf32, #tpu.memory_space<vmem>> -> memref<1x64xf32, #tpu.memory_space<vmem>>
        %dma_start3A_215 = arith.constant 0 : i32
        %dma_start3A_216 = tpu.memref_slice %arg3[%squeeze3A_192, %dma_start3A_215] : memref<1000000x64xf32, #tpu.memory_space<hbm>> -> memref<1x64xf32, #tpu.memory_space<hbm>>
        tpu.enqueue_dma source(%dma_start3A_216 : memref<1x64xf32, #tpu.memory_space<hbm>>) target(%dma_start3A_214 : memref<1x64xf32, #tpu.memory_space<vmem>>) target_semaphore(%dma_start3A_208 : memref<!tpu.dma_semaphore, #tpu.memory_space<semaphore_mem>>)
        %slice3A_217 = vector.extract_strided_slice %get3A_89 {offsets = [5], sizes = [1], strides = [1]} : vector<16xi32> to vector<1xi32>
        %squeeze3A_218 = vector.extract %slice3A_217[0] : i32 from vector<1xi32>
        %mul3A_219 = arith.constant 16 : i32
        %mul3A_220 = arith.muli %scan3A_82, %mul3A_219 : i32
        %add3A_221 = arith.constant 5 : i32
        %add3A_222 = arith.addi %mul3A_220, %add3A_221 : i32
        %dma_start3A_223 = arith.constant 1 : i32
        %dma_start3A_224 = arith.constant 1 : i32
        %dma_start3A_225 = arith.constant 0 : i32
        %dma_start3A_226 = arith.constant 0 : i32
        %dma_start3A_227 = tpu.memref_slice %arg6[%dma_start3A_223, %dma_start3A_225, %dma_start3A_226] : memref<2x400x64xf32, #tpu.memory_space<vmem>> -> memref<1x400x64xf32, #tpu.memory_space<vmem>>
        %dma_start3A_228 = tpu.memref_squeeze %dma_start3A_227 : memref<1x400x64xf32, #tpu.memory_space<vmem>> -> memref<400x64xf32, #tpu.memory_space<vmem>>
        %dma_start3A_229 = arith.constant 0 : i32
        %dma_start3A_230 = tpu.memref_slice %dma_start3A_228[%add3A_222, %dma_start3A_229] : memref<400x64xf32, #tpu.memory_space<vmem>> -> memref<1x64xf32, #tpu.memory_space<vmem>>
        %dma_start3A_231 = arith.constant 0 : i32
        %dma_start3A_232 = tpu.memref_slice %arg3[%squeeze3A_218, %dma_start3A_231] : memref<1000000x64xf32, #tpu.memory_space<hbm>> -> memref<1x64xf32, #tpu.memory_space<hbm>>
        %dma_start3A_233 = tpu.memref_slice %arg7[%dma_start3A_224] : memref<2x!tpu.dma_semaphore, #tpu.memory_space<semaphore_mem>> -> memref<1x!tpu.dma_semaphore, #tpu.memory_space<semaphore_mem>>
        %dma_start3A_234 = tpu.memref_squeeze %dma_start3A_233 : memref<1x!tpu.dma_semaphore, #tpu.memory_space<semaphore_mem>> -> memref<!tpu.dma_semaphore, #tpu.memory_space<semaphore_mem>>
        %dma_start3A_235 = arith.constant 0 : i32
        %dma_start3A_236 = arith.constant 0 : i32
        %dma_start3A_237 = tpu.memref_slice %arg6[%dma_start3A_223, %dma_start3A_235, %dma_start3A_236] : memref<2x400x64xf32, #tpu.memory_space<vmem>> -> memref<1x400x64xf32, #tpu.memory_space<vmem>>
        %dma_start3A_238 = tpu.memref_squeeze %dma_start3A_237 : memref<1x400x64xf32, #tpu.memory_space<vmem>> -> memref<400x64xf32, #tpu.memory_space<vmem>>
        %dma_start3A_239 = arith.constant 0 : i32
        %dma_start3A_240 = tpu.memref_slice %dma_start3A_238[%add3A_222, %dma_start3A_239] : memref<400x64xf32, #tpu.memory_space<vmem>> -> memref<1x64xf32, #tpu.memory_space<vmem>>
        %dma_start3A_241 = arith.constant 0 : i32
        %dma_start3A_242 = tpu.memref_slice %arg3[%squeeze3A_218, %dma_start3A_241] : memref<1000000x64xf32, #tpu.memory_space<hbm>> -> memref<1x64xf32, #tpu.memory_space<hbm>>
        tpu.enqueue_dma source(%dma_start3A_242 : memref<1x64xf32, #tpu.memory_space<hbm>>) target(%dma_start3A_240 : memref<1x64xf32, #tpu.memory_space<vmem>>) target_semaphore(%dma_start3A_234 : memref<!tpu.dma_semaphore, #tpu.memory_space<semaphore_mem>>)
        %slice3A_243 = vector.extract_strided_slice %get3A_89 {offsets = [6], sizes = [1], strides = [1]} : vector<16xi32> to vector<1xi32>
        %squeeze3A_244 = vector.extract %slice3A_243[0] : i32 from vector<1xi32>
        %mul3A_245 = arith.constant 16 : i32
        %mul3A_246 = arith.muli %scan3A_82, %mul3A_245 : i32
        %add3A_247 = arith.constant 6 : i32
        %add3A_248 = arith.addi %mul3A_246, %add3A_247 : i32
        %dma_start3A_249 = arith.constant 1 : i32
        %dma_start3A_250 = arith.constant 1 : i32
        %dma_start3A_251 = arith.constant 0 : i32
        %dma_start3A_252 = arith.constant 0 : i32
        %dma_start3A_253 = tpu.memref_slice %arg6[%dma_start3A_249, %dma_start3A_251, %dma_start3A_252] : memref<2x400x64xf32, #tpu.memory_space<vmem>> -> memref<1x400x64xf32, #tpu.memory_space<vmem>>
        %dma_start3A_254 = tpu.memref_squeeze %dma_start3A_253 : memref<1x400x64xf32, #tpu.memory_space<vmem>> -> memref<400x64xf32, #tpu.memory_space<vmem>>
        %dma_start3A_255 = arith.constant 0 : i32
        %dma_start3A_256 = tpu.memref_slice %dma_start3A_254[%add3A_248, %dma_start3A_255] : memref<400x64xf32, #tpu.memory_space<vmem>> -> memref<1x64xf32, #tpu.memory_space<vmem>>
        %dma_start3A_257 = arith.constant 0 : i32
        %dma_start3A_258 = tpu.memref_slice %arg3[%squeeze3A_244, %dma_start3A_257] : memref<1000000x64xf32, #tpu.memory_space<hbm>> -> memref<1x64xf32, #tpu.memory_space<hbm>>
        %dma_start3A_259 = tpu.memref_slice %arg7[%dma_start3A_250] : memref<2x!tpu.dma_semaphore, #tpu.memory_space<semaphore_mem>> -> memref<1x!tpu.dma_semaphore, #tpu.memory_space<semaphore_mem>>
        %dma_start3A_260 = tpu.memref_squeeze %dma_start3A_259 : memref<1x!tpu.dma_semaphore, #tpu.memory_space<semaphore_mem>> -> memref<!tpu.dma_semaphore, #tpu.memory_space<semaphore_mem>>
        %dma_start3A_261 = arith.constant 0 : i32
        %dma_start3A_262 = arith.constant 0 : i32
        %dma_start3A_263 = tpu.memref_slice %arg6[%dma_start3A_249, %dma_start3A_261, %dma_start3A_262] : memref<2x400x64xf32, #tpu.memory_space<vmem>> -> memref<1x400x64xf32, #tpu.memory_space<vmem>>
        %dma_start3A_264 = tpu.memref_squeeze %dma_start3A_263 : memref<1x400x64xf32, #tpu.memory_space<vmem>> -> memref<400x64xf32, #tpu.memory_space<vmem>>
        %dma_start3A_265 = arith.constant 0 : i32
        %dma_start3A_266 = tpu.memref_slice %dma_start3A_264[%add3A_248, %dma_start3A_265] : memref<400x64xf32, #tpu.memory_space<vmem>> -> memref<1x64xf32, #tpu.memory_space<vmem>>
        %dma_start3A_267 = arith.constant 0 : i32
        %dma_start3A_268 = tpu.memref_slice %arg3[%squeeze3A_244, %dma_start3A_267] : memref<1000000x64xf32, #tpu.memory_space<hbm>> -> memref<1x64xf32, #tpu.memory_space<hbm>>
        tpu.enqueue_dma source(%dma_start3A_268 : memref<1x64xf32, #tpu.memory_space<hbm>>) target(%dma_start3A_266 : memref<1x64xf32, #tpu.memory_space<vmem>>) target_semaphore(%dma_start3A_260 : memref<!tpu.dma_semaphore, #tpu.memory_space<semaphore_mem>>)
        %slice3A_269 = vector.extract_strided_slice %get3A_89 {offsets = [7], sizes = [1], strides = [1]} : vector<16xi32> to vector<1xi32>
        %squeeze3A_270 = vector.extract %slice3A_269[0] : i32 from vector<1xi32>
        %mul3A_271 = arith.constant 16 : i32
        %mul3A_272 = arith.muli %scan3A_82, %mul3A_271 : i32
        %add3A_273 = arith.constant 7 : i32
        %add3A_274 = arith.addi %mul3A_272, %add3A_273 : i32
        %dma_start3A_275 = arith.constant 1 : i32
        %dma_start3A_276 = arith.constant 1 : i32
        %dma_start3A_277 = arith.constant 0 : i32
        %dma_start3A_278 = arith.constant 0 : i32
        %dma_start3A_279 = tpu.memref_slice %arg6[%dma_start3A_275, %dma_start3A_277, %dma_start3A_278] : memref<2x400x64xf32, #tpu.memory_space<vmem>> -> memref<1x400x64xf32, #tpu.memory_space<vmem>>
        %dma_start3A_280 = tpu.memref_squeeze %dma_start3A_279 : memref<1x400x64xf32, #tpu.memory_space<vmem>> -> memref<400x64xf32, #tpu.memory_space<vmem>>
        %dma_start3A_281 = arith.constant 0 : i32
        %dma_start3A_282 = tpu.memref_slice %dma_start3A_280[%add3A_274, %dma_start3A_281] : memref<400x64xf32, #tpu.memory_space<vmem>> -> memref<1x64xf32, #tpu.memory_space<vmem>>
        %dma_start3A_283 = arith.constant 0 : i32
        %dma_start3A_284 = tpu.memref_slice %arg3[%squeeze3A_270, %dma_start3A_283] : memref<1000000x64xf32, #tpu.memory_space<hbm>> -> memref<1x64xf32, #tpu.memory_space<hbm>>
        %dma_start3A_285 = tpu.memref_slice %arg7[%dma_start3A_276] : memref<2x!tpu.dma_semaphore, #tpu.memory_space<semaphore_mem>> -> memref<1x!tpu.dma_semaphore, #tpu.memory_space<semaphore_mem>>
        %dma_start3A_286 = tpu.memref_squeeze %dma_start3A_285 : memref<1x!tpu.dma_semaphore, #tpu.memory_space<semaphore_mem>> -> memref<!tpu.dma_semaphore, #tpu.memory_space<semaphore_mem>>
        %dma_start3A_287 = arith.constant 0 : i32
        %dma_start3A_288 = arith.constant 0 : i32
        %dma_start3A_289 = tpu.memref_slice %arg6[%dma_start3A_275, %dma_start3A_287, %dma_start3A_288] : memref<2x400x64xf32, #tpu.memory_space<vmem>> -> memref<1x400x64xf32, #tpu.memory_space<vmem>>
        %dma_start3A_290 = tpu.memref_squeeze %dma_start3A_289 : memref<1x400x64xf32, #tpu.memory_space<vmem>> -> memref<400x64xf32, #tpu.memory_space<vmem>>
        %dma_start3A_291 = arith.constant 0 : i32
        %dma_start3A_292 = tpu.memref_slice %dma_start3A_290[%add3A_274, %dma_start3A_291] : memref<400x64xf32, #tpu.memory_space<vmem>> -> memref<1x64xf32, #tpu.memory_space<vmem>>
        %dma_start3A_293 = arith.constant 0 : i32
        %dma_start3A_294 = tpu.memref_slice %arg3[%squeeze3A_270, %dma_start3A_293] : memref<1000000x64xf32, #tpu.memory_space<hbm>> -> memref<1x64xf32, #tpu.memory_space<hbm>>
        tpu.enqueue_dma source(%dma_start3A_294 : memref<1x64xf32, #tpu.memory_space<hbm>>) target(%dma_start3A_292 : memref<1x64xf32, #tpu.memory_space<vmem>>) target_semaphore(%dma_start3A_286 : memref<!tpu.dma_semaphore, #tpu.memory_space<semaphore_mem>>)
        %slice3A_295 = vector.extract_strided_slice %get3A_89 {offsets = [8], sizes = [1], strides = [1]} : vector<16xi32> to vector<1xi32>
        %squeeze3A_296 = vector.extract %slice3A_295[0] : i32 from vector<1xi32>
        %mul3A_297 = arith.constant 16 : i32
        %mul3A_298 = arith.muli %scan3A_82, %mul3A_297 : i32
        %add3A_299 = arith.constant 8 : i32
        %add3A_300 = arith.addi %mul3A_298, %add3A_299 : i32
        %dma_start3A_301 = arith.constant 1 : i32
        %dma_start3A_302 = arith.constant 1 : i32
        %dma_start3A_303 = arith.constant 0 : i32
        %dma_start3A_304 = arith.constant 0 : i32
        %dma_start3A_305 = tpu.memref_slice %arg6[%dma_start3A_301, %dma_start3A_303, %dma_start3A_304] : memref<2x400x64xf32, #tpu.memory_space<vmem>> -> memref<1x400x64xf32, #tpu.memory_space<vmem>>
        %dma_start3A_306 = tpu.memref_squeeze %dma_start3A_305 : memref<1x400x64xf32, #tpu.memory_space<vmem>> -> memref<400x64xf32, #tpu.memory_space<vmem>>
        %dma_start3A_307 = arith.constant 0 : i32
        %dma_start3A_308 = tpu.memref_slice %dma_start3A_306[%add3A_300, %dma_start3A_307] : memref<400x64xf32, #tpu.memory_space<vmem>> -> memref<1x64xf32, #tpu.memory_space<vmem>>
        %dma_start3A_309 = arith.constant 0 : i32
        %dma_start3A_310 = tpu.memref_slice %arg3[%squeeze3A_296, %dma_start3A_309] : memref<1000000x64xf32, #tpu.memory_space<hbm>> -> memref<1x64xf32, #tpu.memory_space<hbm>>
        %dma_start3A_311 = tpu.memref_slice %arg7[%dma_start3A_302] : memref<2x!tpu.dma_semaphore, #tpu.memory_space<semaphore_mem>> -> memref<1x!tpu.dma_semaphore, #tpu.memory_space<semaphore_mem>>
        %dma_start3A_312 = tpu.memref_squeeze %dma_start3A_311 : memref<1x!tpu.dma_semaphore, #tpu.memory_space<semaphore_mem>> -> memref<!tpu.dma_semaphore, #tpu.memory_space<semaphore_mem>>
        %dma_start3A_313 = arith.constant 0 : i32
        %dma_start3A_314 = arith.constant 0 : i32
        %dma_start3A_315 = tpu.memref_slice %arg6[%dma_start3A_301, %dma_start3A_313, %dma_start3A_314] : memref<2x400x64xf32, #tpu.memory_space<vmem>> -> memref<1x400x64xf32, #tpu.memory_space<vmem>>
        %dma_start3A_316 = tpu.memref_squeeze %dma_start3A_315 : memref<1x400x64xf32, #tpu.memory_space<vmem>> -> memref<400x64xf32, #tpu.memory_space<vmem>>
        %dma_start3A_317 = arith.constant 0 : i32
        %dma_start3A_318 = tpu.memref_slice %dma_start3A_316[%add3A_300, %dma_start3A_317] : memref<400x64xf32, #tpu.memory_space<vmem>> -> memref<1x64xf32, #tpu.memory_space<vmem>>
        %dma_start3A_319 = arith.constant 0 : i32
        %dma_start3A_320 = tpu.memref_slice %arg3[%squeeze3A_296, %dma_start3A_319] : memref<1000000x64xf32, #tpu.memory_space<hbm>> -> memref<1x64xf32, #tpu.memory_space<hbm>>
        tpu.enqueue_dma source(%dma_start3A_320 : memref<1x64xf32, #tpu.memory_space<hbm>>) target(%dma_start3A_318 : memref<1x64xf32, #tpu.memory_space<vmem>>) target_semaphore(%dma_start3A_312 : memref<!tpu.dma_semaphore, #tpu.memory_space<semaphore_mem>>)
        %slice3A_321 = vector.extract_strided_slice %get3A_89 {offsets = [9], sizes = [1], strides = [1]} : vector<16xi32> to vector<1xi32>
        %squeeze3A_322 = vector.extract %slice3A_321[0] : i32 from vector<1xi32>
        %mul3A_323 = arith.constant 16 : i32
        %mul3A_324 = arith.muli %scan3A_82, %mul3A_323 : i32
        %add3A_325 = arith.constant 9 : i32
        %add3A_326 = arith.addi %mul3A_324, %add3A_325 : i32
        %dma_start3A_327 = arith.constant 1 : i32
        %dma_start3A_328 = arith.constant 1 : i32
        %dma_start3A_329 = arith.constant 0 : i32
        %dma_start3A_330 = arith.constant 0 : i32
        %dma_start3A_331 = tpu.memref_slice %arg6[%dma_start3A_327, %dma_start3A_329, %dma_start3A_330] : memref<2x400x64xf32, #tpu.memory_space<vmem>> -> memref<1x400x64xf32, #tpu.memory_space<vmem>>
        %dma_start3A_332 = tpu.memref_squeeze %dma_start3A_331 : memref<1x400x64xf32, #tpu.memory_space<vmem>> -> memref<400x64xf32, #tpu.memory_space<vmem>>
        %dma_start3A_333 = arith.constant 0 : i32
        %dma_start3A_334 = tpu.memref_slice %dma_start3A_332[%add3A_326, %dma_start3A_333] : memref<400x64xf32, #tpu.memory_space<vmem>> -> memref<1x64xf32, #tpu.memory_space<vmem>>
        %dma_start3A_335 = arith.constant 0 : i32
        %dma_start3A_336 = tpu.memref_slice %arg3[%squeeze3A_322, %dma_start3A_335] : memref<1000000x64xf32, #tpu.memory_space<hbm>> -> memref<1x64xf32, #tpu.memory_space<hbm>>
        %dma_start3A_337 = tpu.memref_slice %arg7[%dma_start3A_328] : memref<2x!tpu.dma_semaphore, #tpu.memory_space<semaphore_mem>> -> memref<1x!tpu.dma_semaphore, #tpu.memory_space<semaphore_mem>>
        %dma_start3A_338 = tpu.memref_squeeze %dma_start3A_337 : memref<1x!tpu.dma_semaphore, #tpu.memory_space<semaphore_mem>> -> memref<!tpu.dma_semaphore, #tpu.memory_space<semaphore_mem>>
        %dma_start3A_339 = arith.constant 0 : i32
        %dma_start3A_340 = arith.constant 0 : i32
        %dma_start3A_341 = tpu.memref_slice %arg6[%dma_start3A_327, %dma_start3A_339, %dma_start3A_340] : memref<2x400x64xf32, #tpu.memory_space<vmem>> -> memref<1x400x64xf32, #tpu.memory_space<vmem>>
        %dma_start3A_342 = tpu.memref_squeeze %dma_start3A_341 : memref<1x400x64xf32, #tpu.memory_space<vmem>> -> memref<400x64xf32, #tpu.memory_space<vmem>>
        %dma_start3A_343 = arith.constant 0 : i32
        %dma_start3A_344 = tpu.memref_slice %dma_start3A_342[%add3A_326, %dma_start3A_343] : memref<400x64xf32, #tpu.memory_space<vmem>> -> memref<1x64xf32, #tpu.memory_space<vmem>>
        %dma_start3A_345 = arith.constant 0 : i32
        %dma_start3A_346 = tpu.memref_slice %arg3[%squeeze3A_322, %dma_start3A_345] : memref<1000000x64xf32, #tpu.memory_space<hbm>> -> memref<1x64xf32, #tpu.memory_space<hbm>>
        tpu.enqueue_dma source(%dma_start3A_346 : memref<1x64xf32, #tpu.memory_space<hbm>>) target(%dma_start3A_344 : memref<1x64xf32, #tpu.memory_space<vmem>>) target_semaphore(%dma_start3A_338 : memref<!tpu.dma_semaphore, #tpu.memory_space<semaphore_mem>>)
        %slice3A_347 = vector.extract_strided_slice %get3A_89 {offsets = [10], sizes = [1], strides = [1]} : vector<16xi32> to vector<1xi32>
        %squeeze3A_348 = vector.extract %slice3A_347[0] : i32 from vector<1xi32>
        %mul3A_349 = arith.constant 16 : i32
        %mul3A_350 = arith.muli %scan3A_82, %mul3A_349 : i32
        %add3A_351 = arith.constant 10 : i32
        %add3A_352 = arith.addi %mul3A_350, %add3A_351 : i32
        %dma_start3A_353 = arith.constant 1 : i32
        %dma_start3A_354 = arith.constant 1 : i32
        %dma_start3A_355 = arith.constant 0 : i32
        %dma_start3A_356 = arith.constant 0 : i32
        %dma_start3A_357 = tpu.memref_slice %arg6[%dma_start3A_353, %dma_start3A_355, %dma_start3A_356] : memref<2x400x64xf32, #tpu.memory_space<vmem>> -> memref<1x400x64xf32, #tpu.memory_space<vmem>>
        %dma_start3A_358 = tpu.memref_squeeze %dma_start3A_357 : memref<1x400x64xf32, #tpu.memory_space<vmem>> -> memref<400x64xf32, #tpu.memory_space<vmem>>
        %dma_start3A_359 = arith.constant 0 : i32
        %dma_start3A_360 = tpu.memref_slice %dma_start3A_358[%add3A_352, %dma_start3A_359] : memref<400x64xf32, #tpu.memory_space<vmem>> -> memref<1x64xf32, #tpu.memory_space<vmem>>
        %dma_start3A_361 = arith.constant 0 : i32
        %dma_start3A_362 = tpu.memref_slice %arg3[%squeeze3A_348, %dma_start3A_361] : memref<1000000x64xf32, #tpu.memory_space<hbm>> -> memref<1x64xf32, #tpu.memory_space<hbm>>
        %dma_start3A_363 = tpu.memref_slice %arg7[%dma_start3A_354] : memref<2x!tpu.dma_semaphore, #tpu.memory_space<semaphore_mem>> -> memref<1x!tpu.dma_semaphore, #tpu.memory_space<semaphore_mem>>
        %dma_start3A_364 = tpu.memref_squeeze %dma_start3A_363 : memref<1x!tpu.dma_semaphore, #tpu.memory_space<semaphore_mem>> -> memref<!tpu.dma_semaphore, #tpu.memory_space<semaphore_mem>>
        %dma_start3A_365 = arith.constant 0 : i32
        %dma_start3A_366 = arith.constant 0 : i32
        %dma_start3A_367 = tpu.memref_slice %arg6[%dma_start3A_353, %dma_start3A_365, %dma_start3A_366] : memref<2x400x64xf32, #tpu.memory_space<vmem>> -> memref<1x400x64xf32, #tpu.memory_space<vmem>>
        %dma_start3A_368 = tpu.memref_squeeze %dma_start3A_367 : memref<1x400x64xf32, #tpu.memory_space<vmem>> -> memref<400x64xf32, #tpu.memory_space<vmem>>
        %dma_start3A_369 = arith.constant 0 : i32
        %dma_start3A_370 = tpu.memref_slice %dma_start3A_368[%add3A_352, %dma_start3A_369] : memref<400x64xf32, #tpu.memory_space<vmem>> -> memref<1x64xf32, #tpu.memory_space<vmem>>
        %dma_start3A_371 = arith.constant 0 : i32
        %dma_start3A_372 = tpu.memref_slice %arg3[%squeeze3A_348, %dma_start3A_371] : memref<1000000x64xf32, #tpu.memory_space<hbm>> -> memref<1x64xf32, #tpu.memory_space<hbm>>
        tpu.enqueue_dma source(%dma_start3A_372 : memref<1x64xf32, #tpu.memory_space<hbm>>) target(%dma_start3A_370 : memref<1x64xf32, #tpu.memory_space<vmem>>) target_semaphore(%dma_start3A_364 : memref<!tpu.dma_semaphore, #tpu.memory_space<semaphore_mem>>)
        %slice3A_373 = vector.extract_strided_slice %get3A_89 {offsets = [11], sizes = [1], strides = [1]} : vector<16xi32> to vector<1xi32>
        %squeeze3A_374 = vector.extract %slice3A_373[0] : i32 from vector<1xi32>
        %mul3A_375 = arith.constant 16 : i32
        %mul3A_376 = arith.muli %scan3A_82, %mul3A_375 : i32
        %add3A_377 = arith.constant 11 : i32
        %add3A_378 = arith.addi %mul3A_376, %add3A_377 : i32
        %dma_start3A_379 = arith.constant 1 : i32
        %dma_start3A_380 = arith.constant 1 : i32
        %dma_start3A_381 = arith.constant 0 : i32
        %dma_start3A_382 = arith.constant 0 : i32
        %dma_start3A_383 = tpu.memref_slice %arg6[%dma_start3A_379, %dma_start3A_381, %dma_start3A_382] : memref<2x400x64xf32, #tpu.memory_space<vmem>> -> memref<1x400x64xf32, #tpu.memory_space<vmem>>
        %dma_start3A_384 = tpu.memref_squeeze %dma_start3A_383 : memref<1x400x64xf32, #tpu.memory_space<vmem>> -> memref<400x64xf32, #tpu.memory_space<vmem>>
        %dma_start3A_385 = arith.constant 0 : i32
        %dma_start3A_386 = tpu.memref_slice %dma_start3A_384[%add3A_378, %dma_start3A_385] : memref<400x64xf32, #tpu.memory_space<vmem>> -> memref<1x64xf32, #tpu.memory_space<vmem>>
        %dma_start3A_387 = arith.constant 0 : i32
        %dma_start3A_388 = tpu.memref_slice %arg3[%squeeze3A_374, %dma_start3A_387] : memref<1000000x64xf32, #tpu.memory_space<hbm>> -> memref<1x64xf32, #tpu.memory_space<hbm>>
        %dma_start3A_389 = tpu.memref_slice %arg7[%dma_start3A_380] : memref<2x!tpu.dma_semaphore, #tpu.memory_space<semaphore_mem>> -> memref<1x!tpu.dma_semaphore, #tpu.memory_space<semaphore_mem>>
        %dma_start3A_390 = tpu.memref_squeeze %dma_start3A_389 : memref<1x!tpu.dma_semaphore, #tpu.memory_space<semaphore_mem>> -> memref<!tpu.dma_semaphore, #tpu.memory_space<semaphore_mem>>
        %dma_start3A_391 = arith.constant 0 : i32
        %dma_start3A_392 = arith.constant 0 : i32
        %dma_start3A_393 = tpu.memref_slice %arg6[%dma_start3A_379, %dma_start3A_391, %dma_start3A_392] : memref<2x400x64xf32, #tpu.memory_space<vmem>> -> memref<1x400x64xf32, #tpu.memory_space<vmem>>
        %dma_start3A_394 = tpu.memref_squeeze %dma_start3A_393 : memref<1x400x64xf32, #tpu.memory_space<vmem>> -> memref<400x64xf32, #tpu.memory_space<vmem>>
        %dma_start3A_395 = arith.constant 0 : i32
        %dma_start3A_396 = tpu.memref_slice %dma_start3A_394[%add3A_378, %dma_start3A_395] : memref<400x64xf32, #tpu.memory_space<vmem>> -> memref<1x64xf32, #tpu.memory_space<vmem>>
        %dma_start3A_397 = arith.constant 0 : i32
        %dma_start3A_398 = tpu.memref_slice %arg3[%squeeze3A_374, %dma_start3A_397] : memref<1000000x64xf32, #tpu.memory_space<hbm>> -> memref<1x64xf32, #tpu.memory_space<hbm>>
        tpu.enqueue_dma source(%dma_start3A_398 : memref<1x64xf32, #tpu.memory_space<hbm>>) target(%dma_start3A_396 : memref<1x64xf32, #tpu.memory_space<vmem>>) target_semaphore(%dma_start3A_390 : memref<!tpu.dma_semaphore, #tpu.memory_space<semaphore_mem>>)
        %slice3A_399 = vector.extract_strided_slice %get3A_89 {offsets = [12], sizes = [1], strides = [1]} : vector<16xi32> to vector<1xi32>
        %squeeze3A_400 = vector.extract %slice3A_399[0] : i32 from vector<1xi32>
        %mul3A_401 = arith.constant 16 : i32
        %mul3A_402 = arith.muli %scan3A_82, %mul3A_401 : i32
        %add3A_403 = arith.constant 12 : i32
        %add3A_404 = arith.addi %mul3A_402, %add3A_403 : i32
        %dma_start3A_405 = arith.constant 1 : i32
        %dma_start3A_406 = arith.constant 1 : i32
        %dma_start3A_407 = arith.constant 0 : i32
        %dma_start3A_408 = arith.constant 0 : i32
        %dma_start3A_409 = tpu.memref_slice %arg6[%dma_start3A_405, %dma_start3A_407, %dma_start3A_408] : memref<2x400x64xf32, #tpu.memory_space<vmem>> -> memref<1x400x64xf32, #tpu.memory_space<vmem>>
        %dma_start3A_410 = tpu.memref_squeeze %dma_start3A_409 : memref<1x400x64xf32, #tpu.memory_space<vmem>> -> memref<400x64xf32, #tpu.memory_space<vmem>>
        %dma_start3A_411 = arith.constant 0 : i32
        %dma_start3A_412 = tpu.memref_slice %dma_start3A_410[%add3A_404, %dma_start3A_411] : memref<400x64xf32, #tpu.memory_space<vmem>> -> memref<1x64xf32, #tpu.memory_space<vmem>>
        %dma_start3A_413 = arith.constant 0 : i32
        %dma_start3A_414 = tpu.memref_slice %arg3[%squeeze3A_400, %dma_start3A_413] : memref<1000000x64xf32, #tpu.memory_space<hbm>> -> memref<1x64xf32, #tpu.memory_space<hbm>>
        %dma_start3A_415 = tpu.memref_slice %arg7[%dma_start3A_406] : memref<2x!tpu.dma_semaphore, #tpu.memory_space<semaphore_mem>> -> memref<1x!tpu.dma_semaphore, #tpu.memory_space<semaphore_mem>>
        %dma_start3A_416 = tpu.memref_squeeze %dma_start3A_415 : memref<1x!tpu.dma_semaphore, #tpu.memory_space<semaphore_mem>> -> memref<!tpu.dma_semaphore, #tpu.memory_space<semaphore_mem>>
        %dma_start3A_417 = arith.constant 0 : i32
        %dma_start3A_418 = arith.constant 0 : i32
        %dma_start3A_419 = tpu.memref_slice %arg6[%dma_start3A_405, %dma_start3A_417, %dma_start3A_418] : memref<2x400x64xf32, #tpu.memory_space<vmem>> -> memref<1x400x64xf32, #tpu.memory_space<vmem>>
        %dma_start3A_420 = tpu.memref_squeeze %dma_start3A_419 : memref<1x400x64xf32, #tpu.memory_space<vmem>> -> memref<400x64xf32, #tpu.memory_space<vmem>>
        %dma_start3A_421 = arith.constant 0 : i32
        %dma_start3A_422 = tpu.memref_slice %dma_start3A_420[%add3A_404, %dma_start3A_421] : memref<400x64xf32, #tpu.memory_space<vmem>> -> memref<1x64xf32, #tpu.memory_space<vmem>>
        %dma_start3A_423 = arith.constant 0 : i32
        %dma_start3A_424 = tpu.memref_slice %arg3[%squeeze3A_400, %dma_start3A_423] : memref<1000000x64xf32, #tpu.memory_space<hbm>> -> memref<1x64xf32, #tpu.memory_space<hbm>>
        tpu.enqueue_dma source(%dma_start3A_424 : memref<1x64xf32, #tpu.memory_space<hbm>>) target(%dma_start3A_422 : memref<1x64xf32, #tpu.memory_space<vmem>>) target_semaphore(%dma_start3A_416 : memref<!tpu.dma_semaphore, #tpu.memory_space<semaphore_mem>>)
        %slice3A_425 = vector.extract_strided_slice %get3A_89 {offsets = [13], sizes = [1], strides = [1]} : vector<16xi32> to vector<1xi32>
        %squeeze3A_426 = vector.extract %slice3A_425[0] : i32 from vector<1xi32>
        %mul3A_427 = arith.constant 16 : i32
        %mul3A_428 = arith.muli %scan3A_82, %mul3A_427 : i32
        %add3A_429 = arith.constant 13 : i32
        %add3A_430 = arith.addi %mul3A_428, %add3A_429 : i32
        %dma_start3A_431 = arith.constant 1 : i32
        %dma_start3A_432 = arith.constant 1 : i32
        %dma_start3A_433 = arith.constant 0 : i32
        %dma_start3A_434 = arith.constant 0 : i32
        %dma_start3A_435 = tpu.memref_slice %arg6[%dma_start3A_431, %dma_start3A_433, %dma_start3A_434] : memref<2x400x64xf32, #tpu.memory_space<vmem>> -> memref<1x400x64xf32, #tpu.memory_space<vmem>>
        %dma_start3A_436 = tpu.memref_squeeze %dma_start3A_435 : memref<1x400x64xf32, #tpu.memory_space<vmem>> -> memref<400x64xf32, #tpu.memory_space<vmem>>
        %dma_start3A_437 = arith.constant 0 : i32
        %dma_start3A_438 = tpu.memref_slice %dma_start3A_436[%add3A_430, %dma_start3A_437] : memref<400x64xf32, #tpu.memory_space<vmem>> -> memref<1x64xf32, #tpu.memory_space<vmem>>
        %dma_start3A_439 = arith.constant 0 : i32
        %dma_start3A_440 = tpu.memref_slice %arg3[%squeeze3A_426, %dma_start3A_439] : memref<1000000x64xf32, #tpu.memory_space<hbm>> -> memref<1x64xf32, #tpu.memory_space<hbm>>
        %dma_start3A_441 = tpu.memref_slice %arg7[%dma_start3A_432] : memref<2x!tpu.dma_semaphore, #tpu.memory_space<semaphore_mem>> -> memref<1x!tpu.dma_semaphore, #tpu.memory_space<semaphore_mem>>
        %dma_start3A_442 = tpu.memref_squeeze %dma_start3A_441 : memref<1x!tpu.dma_semaphore, #tpu.memory_space<semaphore_mem>> -> memref<!tpu.dma_semaphore, #tpu.memory_space<semaphore_mem>>
        %dma_start3A_443 = arith.constant 0 : i32
        %dma_start3A_444 = arith.constant 0 : i32
        %dma_start3A_445 = tpu.memref_slice %arg6[%dma_start3A_431, %dma_start3A_443, %dma_start3A_444] : memref<2x400x64xf32, #tpu.memory_space<vmem>> -> memref<1x400x64xf32, #tpu.memory_space<vmem>>
        %dma_start3A_446 = tpu.memref_squeeze %dma_start3A_445 : memref<1x400x64xf32, #tpu.memory_space<vmem>> -> memref<400x64xf32, #tpu.memory_space<vmem>>
        %dma_start3A_447 = arith.constant 0 : i32
        %dma_start3A_448 = tpu.memref_slice %dma_start3A_446[%add3A_430, %dma_start3A_447] : memref<400x64xf32, #tpu.memory_space<vmem>> -> memref<1x64xf32, #tpu.memory_space<vmem>>
        %dma_start3A_449 = arith.constant 0 : i32
        %dma_start3A_450 = tpu.memref_slice %arg3[%squeeze3A_426, %dma_start3A_449] : memref<1000000x64xf32, #tpu.memory_space<hbm>> -> memref<1x64xf32, #tpu.memory_space<hbm>>
        tpu.enqueue_dma source(%dma_start3A_450 : memref<1x64xf32, #tpu.memory_space<hbm>>) target(%dma_start3A_448 : memref<1x64xf32, #tpu.memory_space<vmem>>) target_semaphore(%dma_start3A_442 : memref<!tpu.dma_semaphore, #tpu.memory_space<semaphore_mem>>)
        %slice3A_451 = vector.extract_strided_slice %get3A_89 {offsets = [14], sizes = [1], strides = [1]} : vector<16xi32> to vector<1xi32>
        %squeeze3A_452 = vector.extract %slice3A_451[0] : i32 from vector<1xi32>
        %mul3A_453 = arith.constant 16 : i32
        %mul3A_454 = arith.muli %scan3A_82, %mul3A_453 : i32
        %add3A_455 = arith.constant 14 : i32
        %add3A_456 = arith.addi %mul3A_454, %add3A_455 : i32
        %dma_start3A_457 = arith.constant 1 : i32
        %dma_start3A_458 = arith.constant 1 : i32
        %dma_start3A_459 = arith.constant 0 : i32
        %dma_start3A_460 = arith.constant 0 : i32
        %dma_start3A_461 = tpu.memref_slice %arg6[%dma_start3A_457, %dma_start3A_459, %dma_start3A_460] : memref<2x400x64xf32, #tpu.memory_space<vmem>> -> memref<1x400x64xf32, #tpu.memory_space<vmem>>
        %dma_start3A_462 = tpu.memref_squeeze %dma_start3A_461 : memref<1x400x64xf32, #tpu.memory_space<vmem>> -> memref<400x64xf32, #tpu.memory_space<vmem>>
        %dma_start3A_463 = arith.constant 0 : i32
        %dma_start3A_464 = tpu.memref_slice %dma_start3A_462[%add3A_456, %dma_start3A_463] : memref<400x64xf32, #tpu.memory_space<vmem>> -> memref<1x64xf32, #tpu.memory_space<vmem>>
        %dma_start3A_465 = arith.constant 0 : i32
        %dma_start3A_466 = tpu.memref_slice %arg3[%squeeze3A_452, %dma_start3A_465] : memref<1000000x64xf32, #tpu.memory_space<hbm>> -> memref<1x64xf32, #tpu.memory_space<hbm>>
        %dma_start3A_467 = tpu.memref_slice %arg7[%dma_start3A_458] : memref<2x!tpu.dma_semaphore, #tpu.memory_space<semaphore_mem>> -> memref<1x!tpu.dma_semaphore, #tpu.memory_space<semaphore_mem>>
        %dma_start3A_468 = tpu.memref_squeeze %dma_start3A_467 : memref<1x!tpu.dma_semaphore, #tpu.memory_space<semaphore_mem>> -> memref<!tpu.dma_semaphore, #tpu.memory_space<semaphore_mem>>
        %dma_start3A_469 = arith.constant 0 : i32
        %dma_start3A_470 = arith.constant 0 : i32
        %dma_start3A_471 = tpu.memref_slice %arg6[%dma_start3A_457, %dma_start3A_469, %dma_start3A_470] : memref<2x400x64xf32, #tpu.memory_space<vmem>> -> memref<1x400x64xf32, #tpu.memory_space<vmem>>
        %dma_start3A_472 = tpu.memref_squeeze %dma_start3A_471 : memref<1x400x64xf32, #tpu.memory_space<vmem>> -> memref<400x64xf32, #tpu.memory_space<vmem>>
        %dma_start3A_473 = arith.constant 0 : i32
        %dma_start3A_474 = tpu.memref_slice %dma_start3A_472[%add3A_456, %dma_start3A_473] : memref<400x64xf32, #tpu.memory_space<vmem>> -> memref<1x64xf32, #tpu.memory_space<vmem>>
        %dma_start3A_475 = arith.constant 0 : i32
        %dma_start3A_476 = tpu.memref_slice %arg3[%squeeze3A_452, %dma_start3A_475] : memref<1000000x64xf32, #tpu.memory_space<hbm>> -> memref<1x64xf32, #tpu.memory_space<hbm>>
        tpu.enqueue_dma source(%dma_start3A_476 : memref<1x64xf32, #tpu.memory_space<hbm>>) target(%dma_start3A_474 : memref<1x64xf32, #tpu.memory_space<vmem>>) target_semaphore(%dma_start3A_468 : memref<!tpu.dma_semaphore, #tpu.memory_space<semaphore_mem>>)
        %slice3A_477 = vector.extract_strided_slice %get3A_89 {offsets = [15], sizes = [1], strides = [1]} : vector<16xi32> to vector<1xi32>
        %squeeze3A_478 = vector.extract %slice3A_477[0] : i32 from vector<1xi32>
        %mul3A_479 = arith.constant 16 : i32
        %mul3A_480 = arith.muli %scan3A_82, %mul3A_479 : i32
        %add3A_481 = arith.constant 15 : i32
        %add3A_482 = arith.addi %mul3A_480, %add3A_481 : i32
        %dma_start3A_483 = arith.constant 1 : i32
        %dma_start3A_484 = arith.constant 1 : i32
        %dma_start3A_485 = arith.constant 0 : i32
        %dma_start3A_486 = arith.constant 0 : i32
        %dma_start3A_487 = tpu.memref_slice %arg6[%dma_start3A_483, %dma_start3A_485, %dma_start3A_486] : memref<2x400x64xf32, #tpu.memory_space<vmem>> -> memref<1x400x64xf32, #tpu.memory_space<vmem>>
        %dma_start3A_488 = tpu.memref_squeeze %dma_start3A_487 : memref<1x400x64xf32, #tpu.memory_space<vmem>> -> memref<400x64xf32, #tpu.memory_space<vmem>>
        %dma_start3A_489 = arith.constant 0 : i32
        %dma_start3A_490 = tpu.memref_slice %dma_start3A_488[%add3A_482, %dma_start3A_489] : memref<400x64xf32, #tpu.memory_space<vmem>> -> memref<1x64xf32, #tpu.memory_space<vmem>>
        %dma_start3A_491 = arith.constant 0 : i32
        %dma_start3A_492 = tpu.memref_slice %arg3[%squeeze3A_478, %dma_start3A_491] : memref<1000000x64xf32, #tpu.memory_space<hbm>> -> memref<1x64xf32, #tpu.memory_space<hbm>>
        %dma_start3A_493 = tpu.memref_slice %arg7[%dma_start3A_484] : memref<2x!tpu.dma_semaphore, #tpu.memory_space<semaphore_mem>> -> memref<1x!tpu.dma_semaphore, #tpu.memory_space<semaphore_mem>>
        %dma_start3A_494 = tpu.memref_squeeze %dma_start3A_493 : memref<1x!tpu.dma_semaphore, #tpu.memory_space<semaphore_mem>> -> memref<!tpu.dma_semaphore, #tpu.memory_space<semaphore_mem>>
        %dma_start3A_495 = arith.constant 0 : i32
        %dma_start3A_496 = arith.constant 0 : i32
        %dma_start3A_497 = tpu.memref_slice %arg6[%dma_start3A_483, %dma_start3A_495, %dma_start3A_496] : memref<2x400x64xf32, #tpu.memory_space<vmem>> -> memref<1x400x64xf32, #tpu.memory_space<vmem>>
        %dma_start3A_498 = tpu.memref_squeeze %dma_start3A_497 : memref<1x400x64xf32, #tpu.memory_space<vmem>> -> memref<400x64xf32, #tpu.memory_space<vmem>>
        %dma_start3A_499 = arith.constant 0 : i32
        %dma_start3A_500 = tpu.memref_slice %dma_start3A_498[%add3A_482, %dma_start3A_499] : memref<400x64xf32, #tpu.memory_space<vmem>> -> memref<1x64xf32, #tpu.memory_space<vmem>>
        %dma_start3A_501 = arith.constant 0 : i32
        %dma_start3A_502 = tpu.memref_slice %arg3[%squeeze3A_478, %dma_start3A_501] : memref<1000000x64xf32, #tpu.memory_space<hbm>> -> memref<1x64xf32, #tpu.memory_space<hbm>>
        tpu.enqueue_dma source(%dma_start3A_502 : memref<1x64xf32, #tpu.memory_space<hbm>>) target(%dma_start3A_500 : memref<1x64xf32, #tpu.memory_space<vmem>>) target_semaphore(%dma_start3A_494 : memref<!tpu.dma_semaphore, #tpu.memory_space<semaphore_mem>>)
      }
      %scan3A_49 = arith.constant 25 : i32
      %scan3A_50 = arith.constant 0 : i32
      %scan3A_51 = arith.constant 0 : i32
      %scan3A_52 = arith.constant 25 : i32
      %scan3A_53 = arith.addi %scan3A_51, %scan3A_52 : i32
      %scan3A_54 = arith.constant 1 : i32
      scf.for %scan3A_82 = %scan3A_51 to %scan3A_53 step %scan3A_54  : i32 {
        %mul3A_83 = arith.constant 16 : i32
        %mul3A_84 = arith.muli %scan3A_82, %mul3A_83 : i32
        %add3A_85 = arith.constant 0 : i32
        %add3A_86 = arith.addi %mul3A_84, %add3A_85 : i32
        %dma_wait3A = arith.constant 0 : i32
        %dma_wait3A_87 = arith.constant 0 : i32
        %dma_wait3A_88 = arith.constant 0 : i32
        %dma_wait3A_89 = arith.constant 0 : i32
        %dma_wait3A_90 = tpu.memref_slice %arg6[%dma_wait3A, %dma_wait3A_88, %dma_wait3A_89] : memref<2x400x64xf32, #tpu.memory_space<vmem>> -> memref<1x400x64xf32, #tpu.memory_space<vmem>>
        %dma_wait3A_91 = tpu.memref_squeeze %dma_wait3A_90 : memref<1x400x64xf32, #tpu.memory_space<vmem>> -> memref<400x64xf32, #tpu.memory_space<vmem>>
        %dma_wait3A_92 = arith.constant 0 : i32
        %dma_wait3A_93 = tpu.memref_slice %dma_wait3A_91[%add3A_86, %dma_wait3A_92] : memref<400x64xf32, #tpu.memory_space<vmem>> -> memref<1x64xf32, #tpu.memory_space<vmem>>
        %dma_wait3A_94 = arith.constant 0 : i32
        %dma_wait3A_95 = arith.constant 0 : i32
        %dma_wait3A_96 = tpu.memref_slice %arg3[%dma_wait3A_94, %dma_wait3A_95] : memref<1000000x64xf32, #tpu.memory_space<hbm>> -> memref<1x64xf32, #tpu.memory_space<hbm>>
        %dma_wait3A_97 = tpu.memref_slice %arg7[%dma_wait3A_87] : memref<2x!tpu.dma_semaphore, #tpu.memory_space<semaphore_mem>> -> memref<1x!tpu.dma_semaphore, #tpu.memory_space<semaphore_mem>>
        %dma_wait3A_98 = tpu.memref_squeeze %dma_wait3A_97 : memref<1x!tpu.dma_semaphore, #tpu.memory_space<semaphore_mem>> -> memref<!tpu.dma_semaphore, #tpu.memory_space<semaphore_mem>>
        %dma_wait3A_99 = arith.constant 0 : i32
        %dma_wait3A_100 = arith.constant 0 : i32
        %dma_wait3A_101 = tpu.memref_slice %arg6[%dma_wait3A, %dma_wait3A_99, %dma_wait3A_100] : memref<2x400x64xf32, #tpu.memory_space<vmem>> -> memref<1x400x64xf32, #tpu.memory_space<vmem>>
        %dma_wait3A_102 = tpu.memref_squeeze %dma_wait3A_101 : memref<1x400x64xf32, #tpu.memory_space<vmem>> -> memref<400x64xf32, #tpu.memory_space<vmem>>
        %dma_wait3A_103 = arith.constant 0 : i32
        %dma_wait3A_104 = tpu.memref_slice %dma_wait3A_102[%add3A_86, %dma_wait3A_103] : memref<400x64xf32, #tpu.memory_space<vmem>> -> memref<1x64xf32, #tpu.memory_space<vmem>>
        %dma_wait3A_105 = arith.constant 0 : i32
        %dma_wait3A_106 = arith.constant 0 : i32
        %dma_wait3A_107 = tpu.memref_slice %arg3[%dma_wait3A_105, %dma_wait3A_106] : memref<1000000x64xf32, #tpu.memory_space<hbm>> -> memref<1x64xf32, #tpu.memory_space<hbm>>
        tpu.wait_dma2 semaphore(%dma_wait3A_98 : memref<!tpu.dma_semaphore, #tpu.memory_space<semaphore_mem>>) src(%dma_wait3A_107 : memref<1x64xf32, #tpu.memory_space<hbm>>) dst(%dma_wait3A_104 : memref<1x64xf32, #tpu.memory_space<vmem>>)
        %mul3A_108 = arith.constant 16 : i32
        %mul3A_109 = arith.muli %scan3A_82, %mul3A_108 : i32
        %add3A_110 = arith.constant 1 : i32
        %add3A_111 = arith.addi %mul3A_109, %add3A_110 : i32
        %dma_wait3A_112 = arith.constant 0 : i32
        %dma_wait3A_113 = arith.constant 0 : i32
        %dma_wait3A_114 = arith.constant 0 : i32
        %dma_wait3A_115 = arith.constant 0 : i32
        %dma_wait3A_116 = tpu.memref_slice %arg6[%dma_wait3A_112, %dma_wait3A_114, %dma_wait3A_115] : memref<2x400x64xf32, #tpu.memory_space<vmem>> -> memref<1x400x64xf32, #tpu.memory_space<vmem>>
        %dma_wait3A_117 = tpu.memref_squeeze %dma_wait3A_116 : memref<1x400x64xf32, #tpu.memory_space<vmem>> -> memref<400x64xf32, #tpu.memory_space<vmem>>
        %dma_wait3A_118 = arith.constant 0 : i32
        %dma_wait3A_119 = tpu.memref_slice %dma_wait3A_117[%add3A_111, %dma_wait3A_118] : memref<400x64xf32, #tpu.memory_space<vmem>> -> memref<1x64xf32, #tpu.memory_space<vmem>>
        %dma_wait3A_120 = arith.constant 0 : i32
        %dma_wait3A_121 = arith.constant 0 : i32
        %dma_wait3A_122 = tpu.memref_slice %arg3[%dma_wait3A_120, %dma_wait3A_121] : memref<1000000x64xf32, #tpu.memory_space<hbm>> -> memref<1x64xf32, #tpu.memory_space<hbm>>
        %dma_wait3A_123 = tpu.memref_slice %arg7[%dma_wait3A_113] : memref<2x!tpu.dma_semaphore, #tpu.memory_space<semaphore_mem>> -> memref<1x!tpu.dma_semaphore, #tpu.memory_space<semaphore_mem>>
        %dma_wait3A_124 = tpu.memref_squeeze %dma_wait3A_123 : memref<1x!tpu.dma_semaphore, #tpu.memory_space<semaphore_mem>> -> memref<!tpu.dma_semaphore, #tpu.memory_space<semaphore_mem>>
        %dma_wait3A_125 = arith.constant 0 : i32
        %dma_wait3A_126 = arith.constant 0 : i32
        %dma_wait3A_127 = tpu.memref_slice %arg6[%dma_wait3A_112, %dma_wait3A_125, %dma_wait3A_126] : memref<2x400x64xf32, #tpu.memory_space<vmem>> -> memref<1x400x64xf32, #tpu.memory_space<vmem>>
        %dma_wait3A_128 = tpu.memref_squeeze %dma_wait3A_127 : memref<1x400x64xf32, #tpu.memory_space<vmem>> -> memref<400x64xf32, #tpu.memory_space<vmem>>
        %dma_wait3A_129 = arith.constant 0 : i32
        %dma_wait3A_130 = tpu.memref_slice %dma_wait3A_128[%add3A_111, %dma_wait3A_129] : memref<400x64xf32, #tpu.memory_space<vmem>> -> memref<1x64xf32, #tpu.memory_space<vmem>>
        %dma_wait3A_131 = arith.constant 0 : i32
        %dma_wait3A_132 = arith.constant 0 : i32
        %dma_wait3A_133 = tpu.memref_slice %arg3[%dma_wait3A_131, %dma_wait3A_132] : memref<1000000x64xf32, #tpu.memory_space<hbm>> -> memref<1x64xf32, #tpu.memory_space<hbm>>
        tpu.wait_dma2 semaphore(%dma_wait3A_124 : memref<!tpu.dma_semaphore, #tpu.memory_space<semaphore_mem>>) src(%dma_wait3A_133 : memref<1x64xf32, #tpu.memory_space<hbm>>) dst(%dma_wait3A_130 : memref<1x64xf32, #tpu.memory_space<vmem>>)
        %mul3A_134 = arith.constant 16 : i32
        %mul3A_135 = arith.muli %scan3A_82, %mul3A_134 : i32
        %add3A_136 = arith.constant 2 : i32
        %add3A_137 = arith.addi %mul3A_135, %add3A_136 : i32
        %dma_wait3A_138 = arith.constant 0 : i32
        %dma_wait3A_139 = arith.constant 0 : i32
        %dma_wait3A_140 = arith.constant 0 : i32
        %dma_wait3A_141 = arith.constant 0 : i32
        %dma_wait3A_142 = tpu.memref_slice %arg6[%dma_wait3A_138, %dma_wait3A_140, %dma_wait3A_141] : memref<2x400x64xf32, #tpu.memory_space<vmem>> -> memref<1x400x64xf32, #tpu.memory_space<vmem>>
        %dma_wait3A_143 = tpu.memref_squeeze %dma_wait3A_142 : memref<1x400x64xf32, #tpu.memory_space<vmem>> -> memref<400x64xf32, #tpu.memory_space<vmem>>
        %dma_wait3A_144 = arith.constant 0 : i32
        %dma_wait3A_145 = tpu.memref_slice %dma_wait3A_143[%add3A_137, %dma_wait3A_144] : memref<400x64xf32, #tpu.memory_space<vmem>> -> memref<1x64xf32, #tpu.memory_space<vmem>>
        %dma_wait3A_146 = arith.constant 0 : i32
        %dma_wait3A_147 = arith.constant 0 : i32
        %dma_wait3A_148 = tpu.memref_slice %arg3[%dma_wait3A_146, %dma_wait3A_147] : memref<1000000x64xf32, #tpu.memory_space<hbm>> -> memref<1x64xf32, #tpu.memory_space<hbm>>
        %dma_wait3A_149 = tpu.memref_slice %arg7[%dma_wait3A_139] : memref<2x!tpu.dma_semaphore, #tpu.memory_space<semaphore_mem>> -> memref<1x!tpu.dma_semaphore, #tpu.memory_space<semaphore_mem>>
        %dma_wait3A_150 = tpu.memref_squeeze %dma_wait3A_149 : memref<1x!tpu.dma_semaphore, #tpu.memory_space<semaphore_mem>> -> memref<!tpu.dma_semaphore, #tpu.memory_space<semaphore_mem>>
        %dma_wait3A_151 = arith.constant 0 : i32
        %dma_wait3A_152 = arith.constant 0 : i32
        %dma_wait3A_153 = tpu.memref_slice %arg6[%dma_wait3A_138, %dma_wait3A_151, %dma_wait3A_152] : memref<2x400x64xf32, #tpu.memory_space<vmem>> -> memref<1x400x64xf32, #tpu.memory_space<vmem>>
        %dma_wait3A_154 = tpu.memref_squeeze %dma_wait3A_153 : memref<1x400x64xf32, #tpu.memory_space<vmem>> -> memref<400x64xf32, #tpu.memory_space<vmem>>
        %dma_wait3A_155 = arith.constant 0 : i32
        %dma_wait3A_156 = tpu.memref_slice %dma_wait3A_154[%add3A_137, %dma_wait3A_155] : memref<400x64xf32, #tpu.memory_space<vmem>> -> memref<1x64xf32, #tpu.memory_space<vmem>>
        %dma_wait3A_157 = arith.constant 0 : i32
        %dma_wait3A_158 = arith.constant 0 : i32
        %dma_wait3A_159 = tpu.memref_slice %arg3[%dma_wait3A_157, %dma_wait3A_158] : memref<1000000x64xf32, #tpu.memory_space<hbm>> -> memref<1x64xf32, #tpu.memory_space<hbm>>
        tpu.wait_dma2 semaphore(%dma_wait3A_150 : memref<!tpu.dma_semaphore, #tpu.memory_space<semaphore_mem>>) src(%dma_wait3A_159 : memref<1x64xf32, #tpu.memory_space<hbm>>) dst(%dma_wait3A_156 : memref<1x64xf32, #tpu.memory_space<vmem>>)
        %mul3A_160 = arith.constant 16 : i32
        %mul3A_161 = arith.muli %scan3A_82, %mul3A_160 : i32
        %add3A_162 = arith.constant 3 : i32
        %add3A_163 = arith.addi %mul3A_161, %add3A_162 : i32
        %dma_wait3A_164 = arith.constant 0 : i32
        %dma_wait3A_165 = arith.constant 0 : i32
        %dma_wait3A_166 = arith.constant 0 : i32
        %dma_wait3A_167 = arith.constant 0 : i32
        %dma_wait3A_168 = tpu.memref_slice %arg6[%dma_wait3A_164, %dma_wait3A_166, %dma_wait3A_167] : memref<2x400x64xf32, #tpu.memory_space<vmem>> -> memref<1x400x64xf32, #tpu.memory_space<vmem>>
        %dma_wait3A_169 = tpu.memref_squeeze %dma_wait3A_168 : memref<1x400x64xf32, #tpu.memory_space<vmem>> -> memref<400x64xf32, #tpu.memory_space<vmem>>
        %dma_wait3A_170 = arith.constant 0 : i32
        %dma_wait3A_171 = tpu.memref_slice %dma_wait3A_169[%add3A_163, %dma_wait3A_170] : memref<400x64xf32, #tpu.memory_space<vmem>> -> memref<1x64xf32, #tpu.memory_space<vmem>>
        %dma_wait3A_172 = arith.constant 0 : i32
        %dma_wait3A_173 = arith.constant 0 : i32
        %dma_wait3A_174 = tpu.memref_slice %arg3[%dma_wait3A_172, %dma_wait3A_173] : memref<1000000x64xf32, #tpu.memory_space<hbm>> -> memref<1x64xf32, #tpu.memory_space<hbm>>
        %dma_wait3A_175 = tpu.memref_slice %arg7[%dma_wait3A_165] : memref<2x!tpu.dma_semaphore, #tpu.memory_space<semaphore_mem>> -> memref<1x!tpu.dma_semaphore, #tpu.memory_space<semaphore_mem>>
        %dma_wait3A_176 = tpu.memref_squeeze %dma_wait3A_175 : memref<1x!tpu.dma_semaphore, #tpu.memory_space<semaphore_mem>> -> memref<!tpu.dma_semaphore, #tpu.memory_space<semaphore_mem>>
        %dma_wait3A_177 = arith.constant 0 : i32
        %dma_wait3A_178 = arith.constant 0 : i32
        %dma_wait3A_179 = tpu.memref_slice %arg6[%dma_wait3A_164, %dma_wait3A_177, %dma_wait3A_178] : memref<2x400x64xf32, #tpu.memory_space<vmem>> -> memref<1x400x64xf32, #tpu.memory_space<vmem>>
        %dma_wait3A_180 = tpu.memref_squeeze %dma_wait3A_179 : memref<1x400x64xf32, #tpu.memory_space<vmem>> -> memref<400x64xf32, #tpu.memory_space<vmem>>
        %dma_wait3A_181 = arith.constant 0 : i32
        %dma_wait3A_182 = tpu.memref_slice %dma_wait3A_180[%add3A_163, %dma_wait3A_181] : memref<400x64xf32, #tpu.memory_space<vmem>> -> memref<1x64xf32, #tpu.memory_space<vmem>>
        %dma_wait3A_183 = arith.constant 0 : i32
        %dma_wait3A_184 = arith.constant 0 : i32
        %dma_wait3A_185 = tpu.memref_slice %arg3[%dma_wait3A_183, %dma_wait3A_184] : memref<1000000x64xf32, #tpu.memory_space<hbm>> -> memref<1x64xf32, #tpu.memory_space<hbm>>
        tpu.wait_dma2 semaphore(%dma_wait3A_176 : memref<!tpu.dma_semaphore, #tpu.memory_space<semaphore_mem>>) src(%dma_wait3A_185 : memref<1x64xf32, #tpu.memory_space<hbm>>) dst(%dma_wait3A_182 : memref<1x64xf32, #tpu.memory_space<vmem>>)
        %mul3A_186 = arith.constant 16 : i32
        %mul3A_187 = arith.muli %scan3A_82, %mul3A_186 : i32
        %add3A_188 = arith.constant 4 : i32
        %add3A_189 = arith.addi %mul3A_187, %add3A_188 : i32
        %dma_wait3A_190 = arith.constant 0 : i32
        %dma_wait3A_191 = arith.constant 0 : i32
        %dma_wait3A_192 = arith.constant 0 : i32
        %dma_wait3A_193 = arith.constant 0 : i32
        %dma_wait3A_194 = tpu.memref_slice %arg6[%dma_wait3A_190, %dma_wait3A_192, %dma_wait3A_193] : memref<2x400x64xf32, #tpu.memory_space<vmem>> -> memref<1x400x64xf32, #tpu.memory_space<vmem>>
        %dma_wait3A_195 = tpu.memref_squeeze %dma_wait3A_194 : memref<1x400x64xf32, #tpu.memory_space<vmem>> -> memref<400x64xf32, #tpu.memory_space<vmem>>
        %dma_wait3A_196 = arith.constant 0 : i32
        %dma_wait3A_197 = tpu.memref_slice %dma_wait3A_195[%add3A_189, %dma_wait3A_196] : memref<400x64xf32, #tpu.memory_space<vmem>> -> memref<1x64xf32, #tpu.memory_space<vmem>>
        %dma_wait3A_198 = arith.constant 0 : i32
        %dma_wait3A_199 = arith.constant 0 : i32
        %dma_wait3A_200 = tpu.memref_slice %arg3[%dma_wait3A_198, %dma_wait3A_199] : memref<1000000x64xf32, #tpu.memory_space<hbm>> -> memref<1x64xf32, #tpu.memory_space<hbm>>
        %dma_wait3A_201 = tpu.memref_slice %arg7[%dma_wait3A_191] : memref<2x!tpu.dma_semaphore, #tpu.memory_space<semaphore_mem>> -> memref<1x!tpu.dma_semaphore, #tpu.memory_space<semaphore_mem>>
        %dma_wait3A_202 = tpu.memref_squeeze %dma_wait3A_201 : memref<1x!tpu.dma_semaphore, #tpu.memory_space<semaphore_mem>> -> memref<!tpu.dma_semaphore, #tpu.memory_space<semaphore_mem>>
        %dma_wait3A_203 = arith.constant 0 : i32
        %dma_wait3A_204 = arith.constant 0 : i32
        %dma_wait3A_205 = tpu.memref_slice %arg6[%dma_wait3A_190, %dma_wait3A_203, %dma_wait3A_204] : memref<2x400x64xf32, #tpu.memory_space<vmem>> -> memref<1x400x64xf32, #tpu.memory_space<vmem>>
        %dma_wait3A_206 = tpu.memref_squeeze %dma_wait3A_205 : memref<1x400x64xf32, #tpu.memory_space<vmem>> -> memref<400x64xf32, #tpu.memory_space<vmem>>
        %dma_wait3A_207 = arith.constant 0 : i32
        %dma_wait3A_208 = tpu.memref_slice %dma_wait3A_206[%add3A_189, %dma_wait3A_207] : memref<400x64xf32, #tpu.memory_space<vmem>> -> memref<1x64xf32, #tpu.memory_space<vmem>>
        %dma_wait3A_209 = arith.constant 0 : i32
        %dma_wait3A_210 = arith.constant 0 : i32
        %dma_wait3A_211 = tpu.memref_slice %arg3[%dma_wait3A_209, %dma_wait3A_210] : memref<1000000x64xf32, #tpu.memory_space<hbm>> -> memref<1x64xf32, #tpu.memory_space<hbm>>
        tpu.wait_dma2 semaphore(%dma_wait3A_202 : memref<!tpu.dma_semaphore, #tpu.memory_space<semaphore_mem>>) src(%dma_wait3A_211 : memref<1x64xf32, #tpu.memory_space<hbm>>) dst(%dma_wait3A_208 : memref<1x64xf32, #tpu.memory_space<vmem>>)
        %mul3A_212 = arith.constant 16 : i32
        %mul3A_213 = arith.muli %scan3A_82, %mul3A_212 : i32
        %add3A_214 = arith.constant 5 : i32
        %add3A_215 = arith.addi %mul3A_213, %add3A_214 : i32
        %dma_wait3A_216 = arith.constant 0 : i32
        %dma_wait3A_217 = arith.constant 0 : i32
        %dma_wait3A_218 = arith.constant 0 : i32
        %dma_wait3A_219 = arith.constant 0 : i32
        %dma_wait3A_220 = tpu.memref_slice %arg6[%dma_wait3A_216, %dma_wait3A_218, %dma_wait3A_219] : memref<2x400x64xf32, #tpu.memory_space<vmem>> -> memref<1x400x64xf32, #tpu.memory_space<vmem>>
        %dma_wait3A_221 = tpu.memref_squeeze %dma_wait3A_220 : memref<1x400x64xf32, #tpu.memory_space<vmem>> -> memref<400x64xf32, #tpu.memory_space<vmem>>
        %dma_wait3A_222 = arith.constant 0 : i32
        %dma_wait3A_223 = tpu.memref_slice %dma_wait3A_221[%add3A_215, %dma_wait3A_222] : memref<400x64xf32, #tpu.memory_space<vmem>> -> memref<1x64xf32, #tpu.memory_space<vmem>>
        %dma_wait3A_224 = arith.constant 0 : i32
        %dma_wait3A_225 = arith.constant 0 : i32
        %dma_wait3A_226 = tpu.memref_slice %arg3[%dma_wait3A_224, %dma_wait3A_225] : memref<1000000x64xf32, #tpu.memory_space<hbm>> -> memref<1x64xf32, #tpu.memory_space<hbm>>
        %dma_wait3A_227 = tpu.memref_slice %arg7[%dma_wait3A_217] : memref<2x!tpu.dma_semaphore, #tpu.memory_space<semaphore_mem>> -> memref<1x!tpu.dma_semaphore, #tpu.memory_space<semaphore_mem>>
        %dma_wait3A_228 = tpu.memref_squeeze %dma_wait3A_227 : memref<1x!tpu.dma_semaphore, #tpu.memory_space<semaphore_mem>> -> memref<!tpu.dma_semaphore, #tpu.memory_space<semaphore_mem>>
        %dma_wait3A_229 = arith.constant 0 : i32
        %dma_wait3A_230 = arith.constant 0 : i32
        %dma_wait3A_231 = tpu.memref_slice %arg6[%dma_wait3A_216, %dma_wait3A_229, %dma_wait3A_230] : memref<2x400x64xf32, #tpu.memory_space<vmem>> -> memref<1x400x64xf32, #tpu.memory_space<vmem>>
        %dma_wait3A_232 = tpu.memref_squeeze %dma_wait3A_231 : memref<1x400x64xf32, #tpu.memory_space<vmem>> -> memref<400x64xf32, #tpu.memory_space<vmem>>
        %dma_wait3A_233 = arith.constant 0 : i32
        %dma_wait3A_234 = tpu.memref_slice %dma_wait3A_232[%add3A_215, %dma_wait3A_233] : memref<400x64xf32, #tpu.memory_space<vmem>> -> memref<1x64xf32, #tpu.memory_space<vmem>>
        %dma_wait3A_235 = arith.constant 0 : i32
        %dma_wait3A_236 = arith.constant 0 : i32
        %dma_wait3A_237 = tpu.memref_slice %arg3[%dma_wait3A_235, %dma_wait3A_236] : memref<1000000x64xf32, #tpu.memory_space<hbm>> -> memref<1x64xf32, #tpu.memory_space<hbm>>
        tpu.wait_dma2 semaphore(%dma_wait3A_228 : memref<!tpu.dma_semaphore, #tpu.memory_space<semaphore_mem>>) src(%dma_wait3A_237 : memref<1x64xf32, #tpu.memory_space<hbm>>) dst(%dma_wait3A_234 : memref<1x64xf32, #tpu.memory_space<vmem>>)
        %mul3A_238 = arith.constant 16 : i32
        %mul3A_239 = arith.muli %scan3A_82, %mul3A_238 : i32
        %add3A_240 = arith.constant 6 : i32
        %add3A_241 = arith.addi %mul3A_239, %add3A_240 : i32
        %dma_wait3A_242 = arith.constant 0 : i32
        %dma_wait3A_243 = arith.constant 0 : i32
        %dma_wait3A_244 = arith.constant 0 : i32
        %dma_wait3A_245 = arith.constant 0 : i32
        %dma_wait3A_246 = tpu.memref_slice %arg6[%dma_wait3A_242, %dma_wait3A_244, %dma_wait3A_245] : memref<2x400x64xf32, #tpu.memory_space<vmem>> -> memref<1x400x64xf32, #tpu.memory_space<vmem>>
        %dma_wait3A_247 = tpu.memref_squeeze %dma_wait3A_246 : memref<1x400x64xf32, #tpu.memory_space<vmem>> -> memref<400x64xf32, #tpu.memory_space<vmem>>
        %dma_wait3A_248 = arith.constant 0 : i32
        %dma_wait3A_249 = tpu.memref_slice %dma_wait3A_247[%add3A_241, %dma_wait3A_248] : memref<400x64xf32, #tpu.memory_space<vmem>> -> memref<1x64xf32, #tpu.memory_space<vmem>>
        %dma_wait3A_250 = arith.constant 0 : i32
        %dma_wait3A_251 = arith.constant 0 : i32
        %dma_wait3A_252 = tpu.memref_slice %arg3[%dma_wait3A_250, %dma_wait3A_251] : memref<1000000x64xf32, #tpu.memory_space<hbm>> -> memref<1x64xf32, #tpu.memory_space<hbm>>
        %dma_wait3A_253 = tpu.memref_slice %arg7[%dma_wait3A_243] : memref<2x!tpu.dma_semaphore, #tpu.memory_space<semaphore_mem>> -> memref<1x!tpu.dma_semaphore, #tpu.memory_space<semaphore_mem>>
        %dma_wait3A_254 = tpu.memref_squeeze %dma_wait3A_253 : memref<1x!tpu.dma_semaphore, #tpu.memory_space<semaphore_mem>> -> memref<!tpu.dma_semaphore, #tpu.memory_space<semaphore_mem>>
        %dma_wait3A_255 = arith.constant 0 : i32
        %dma_wait3A_256 = arith.constant 0 : i32
        %dma_wait3A_257 = tpu.memref_slice %arg6[%dma_wait3A_242, %dma_wait3A_255, %dma_wait3A_256] : memref<2x400x64xf32, #tpu.memory_space<vmem>> -> memref<1x400x64xf32, #tpu.memory_space<vmem>>
        %dma_wait3A_258 = tpu.memref_squeeze %dma_wait3A_257 : memref<1x400x64xf32, #tpu.memory_space<vmem>> -> memref<400x64xf32, #tpu.memory_space<vmem>>
        %dma_wait3A_259 = arith.constant 0 : i32
        %dma_wait3A_260 = tpu.memref_slice %dma_wait3A_258[%add3A_241, %dma_wait3A_259] : memref<400x64xf32, #tpu.memory_space<vmem>> -> memref<1x64xf32, #tpu.memory_space<vmem>>
        %dma_wait3A_261 = arith.constant 0 : i32
        %dma_wait3A_262 = arith.constant 0 : i32
        %dma_wait3A_263 = tpu.memref_slice %arg3[%dma_wait3A_261, %dma_wait3A_262] : memref<1000000x64xf32, #tpu.memory_space<hbm>> -> memref<1x64xf32, #tpu.memory_space<hbm>>
        tpu.wait_dma2 semaphore(%dma_wait3A_254 : memref<!tpu.dma_semaphore, #tpu.memory_space<semaphore_mem>>) src(%dma_wait3A_263 : memref<1x64xf32, #tpu.memory_space<hbm>>) dst(%dma_wait3A_260 : memref<1x64xf32, #tpu.memory_space<vmem>>)
        %mul3A_264 = arith.constant 16 : i32
        %mul3A_265 = arith.muli %scan3A_82, %mul3A_264 : i32
        %add3A_266 = arith.constant 7 : i32
        %add3A_267 = arith.addi %mul3A_265, %add3A_266 : i32
        %dma_wait3A_268 = arith.constant 0 : i32
        %dma_wait3A_269 = arith.constant 0 : i32
        %dma_wait3A_270 = arith.constant 0 : i32
        %dma_wait3A_271 = arith.constant 0 : i32
        %dma_wait3A_272 = tpu.memref_slice %arg6[%dma_wait3A_268, %dma_wait3A_270, %dma_wait3A_271] : memref<2x400x64xf32, #tpu.memory_space<vmem>> -> memref<1x400x64xf32, #tpu.memory_space<vmem>>
        %dma_wait3A_273 = tpu.memref_squeeze %dma_wait3A_272 : memref<1x400x64xf32, #tpu.memory_space<vmem>> -> memref<400x64xf32, #tpu.memory_space<vmem>>
        %dma_wait3A_274 = arith.constant 0 : i32
        %dma_wait3A_275 = tpu.memref_slice %dma_wait3A_273[%add3A_267, %dma_wait3A_274] : memref<400x64xf32, #tpu.memory_space<vmem>> -> memref<1x64xf32, #tpu.memory_space<vmem>>
        %dma_wait3A_276 = arith.constant 0 : i32
        %dma_wait3A_277 = arith.constant 0 : i32
        %dma_wait3A_278 = tpu.memref_slice %arg3[%dma_wait3A_276, %dma_wait3A_277] : memref<1000000x64xf32, #tpu.memory_space<hbm>> -> memref<1x64xf32, #tpu.memory_space<hbm>>
        %dma_wait3A_279 = tpu.memref_slice %arg7[%dma_wait3A_269] : memref<2x!tpu.dma_semaphore, #tpu.memory_space<semaphore_mem>> -> memref<1x!tpu.dma_semaphore, #tpu.memory_space<semaphore_mem>>
        %dma_wait3A_280 = tpu.memref_squeeze %dma_wait3A_279 : memref<1x!tpu.dma_semaphore, #tpu.memory_space<semaphore_mem>> -> memref<!tpu.dma_semaphore, #tpu.memory_space<semaphore_mem>>
        %dma_wait3A_281 = arith.constant 0 : i32
        %dma_wait3A_282 = arith.constant 0 : i32
        %dma_wait3A_283 = tpu.memref_slice %arg6[%dma_wait3A_268, %dma_wait3A_281, %dma_wait3A_282] : memref<2x400x64xf32, #tpu.memory_space<vmem>> -> memref<1x400x64xf32, #tpu.memory_space<vmem>>
        %dma_wait3A_284 = tpu.memref_squeeze %dma_wait3A_283 : memref<1x400x64xf32, #tpu.memory_space<vmem>> -> memref<400x64xf32, #tpu.memory_space<vmem>>
        %dma_wait3A_285 = arith.constant 0 : i32
        %dma_wait3A_286 = tpu.memref_slice %dma_wait3A_284[%add3A_267, %dma_wait3A_285] : memref<400x64xf32, #tpu.memory_space<vmem>> -> memref<1x64xf32, #tpu.memory_space<vmem>>
        %dma_wait3A_287 = arith.constant 0 : i32
        %dma_wait3A_288 = arith.constant 0 : i32
        %dma_wait3A_289 = tpu.memref_slice %arg3[%dma_wait3A_287, %dma_wait3A_288] : memref<1000000x64xf32, #tpu.memory_space<hbm>> -> memref<1x64xf32, #tpu.memory_space<hbm>>
        tpu.wait_dma2 semaphore(%dma_wait3A_280 : memref<!tpu.dma_semaphore, #tpu.memory_space<semaphore_mem>>) src(%dma_wait3A_289 : memref<1x64xf32, #tpu.memory_space<hbm>>) dst(%dma_wait3A_286 : memref<1x64xf32, #tpu.memory_space<vmem>>)
        %mul3A_290 = arith.constant 16 : i32
        %mul3A_291 = arith.muli %scan3A_82, %mul3A_290 : i32
        %add3A_292 = arith.constant 8 : i32
        %add3A_293 = arith.addi %mul3A_291, %add3A_292 : i32
        %dma_wait3A_294 = arith.constant 0 : i32
        %dma_wait3A_295 = arith.constant 0 : i32
        %dma_wait3A_296 = arith.constant 0 : i32
        %dma_wait3A_297 = arith.constant 0 : i32
        %dma_wait3A_298 = tpu.memref_slice %arg6[%dma_wait3A_294, %dma_wait3A_296, %dma_wait3A_297] : memref<2x400x64xf32, #tpu.memory_space<vmem>> -> memref<1x400x64xf32, #tpu.memory_space<vmem>>
        %dma_wait3A_299 = tpu.memref_squeeze %dma_wait3A_298 : memref<1x400x64xf32, #tpu.memory_space<vmem>> -> memref<400x64xf32, #tpu.memory_space<vmem>>
        %dma_wait3A_300 = arith.constant 0 : i32
        %dma_wait3A_301 = tpu.memref_slice %dma_wait3A_299[%add3A_293, %dma_wait3A_300] : memref<400x64xf32, #tpu.memory_space<vmem>> -> memref<1x64xf32, #tpu.memory_space<vmem>>
        %dma_wait3A_302 = arith.constant 0 : i32
        %dma_wait3A_303 = arith.constant 0 : i32
        %dma_wait3A_304 = tpu.memref_slice %arg3[%dma_wait3A_302, %dma_wait3A_303] : memref<1000000x64xf32, #tpu.memory_space<hbm>> -> memref<1x64xf32, #tpu.memory_space<hbm>>
        %dma_wait3A_305 = tpu.memref_slice %arg7[%dma_wait3A_295] : memref<2x!tpu.dma_semaphore, #tpu.memory_space<semaphore_mem>> -> memref<1x!tpu.dma_semaphore, #tpu.memory_space<semaphore_mem>>
        %dma_wait3A_306 = tpu.memref_squeeze %dma_wait3A_305 : memref<1x!tpu.dma_semaphore, #tpu.memory_space<semaphore_mem>> -> memref<!tpu.dma_semaphore, #tpu.memory_space<semaphore_mem>>
        %dma_wait3A_307 = arith.constant 0 : i32
        %dma_wait3A_308 = arith.constant 0 : i32
        %dma_wait3A_309 = tpu.memref_slice %arg6[%dma_wait3A_294, %dma_wait3A_307, %dma_wait3A_308] : memref<2x400x64xf32, #tpu.memory_space<vmem>> -> memref<1x400x64xf32, #tpu.memory_space<vmem>>
        %dma_wait3A_310 = tpu.memref_squeeze %dma_wait3A_309 : memref<1x400x64xf32, #tpu.memory_space<vmem>> -> memref<400x64xf32, #tpu.memory_space<vmem>>
        %dma_wait3A_311 = arith.constant 0 : i32
        %dma_wait3A_312 = tpu.memref_slice %dma_wait3A_310[%add3A_293, %dma_wait3A_311] : memref<400x64xf32, #tpu.memory_space<vmem>> -> memref<1x64xf32, #tpu.memory_space<vmem>>
        %dma_wait3A_313 = arith.constant 0 : i32
        %dma_wait3A_314 = arith.constant 0 : i32
        %dma_wait3A_315 = tpu.memref_slice %arg3[%dma_wait3A_313, %dma_wait3A_314] : memref<1000000x64xf32, #tpu.memory_space<hbm>> -> memref<1x64xf32, #tpu.memory_space<hbm>>
        tpu.wait_dma2 semaphore(%dma_wait3A_306 : memref<!tpu.dma_semaphore, #tpu.memory_space<semaphore_mem>>) src(%dma_wait3A_315 : memref<1x64xf32, #tpu.memory_space<hbm>>) dst(%dma_wait3A_312 : memref<1x64xf32, #tpu.memory_space<vmem>>)
        %mul3A_316 = arith.constant 16 : i32
        %mul3A_317 = arith.muli %scan3A_82, %mul3A_316 : i32
        %add3A_318 = arith.constant 9 : i32
        %add3A_319 = arith.addi %mul3A_317, %add3A_318 : i32
        %dma_wait3A_320 = arith.constant 0 : i32
        %dma_wait3A_321 = arith.constant 0 : i32
        %dma_wait3A_322 = arith.constant 0 : i32
        %dma_wait3A_323 = arith.constant 0 : i32
        %dma_wait3A_324 = tpu.memref_slice %arg6[%dma_wait3A_320, %dma_wait3A_322, %dma_wait3A_323] : memref<2x400x64xf32, #tpu.memory_space<vmem>> -> memref<1x400x64xf32, #tpu.memory_space<vmem>>
        %dma_wait3A_325 = tpu.memref_squeeze %dma_wait3A_324 : memref<1x400x64xf32, #tpu.memory_space<vmem>> -> memref<400x64xf32, #tpu.memory_space<vmem>>
        %dma_wait3A_326 = arith.constant 0 : i32
        %dma_wait3A_327 = tpu.memref_slice %dma_wait3A_325[%add3A_319, %dma_wait3A_326] : memref<400x64xf32, #tpu.memory_space<vmem>> -> memref<1x64xf32, #tpu.memory_space<vmem>>
        %dma_wait3A_328 = arith.constant 0 : i32
        %dma_wait3A_329 = arith.constant 0 : i32
        %dma_wait3A_330 = tpu.memref_slice %arg3[%dma_wait3A_328, %dma_wait3A_329] : memref<1000000x64xf32, #tpu.memory_space<hbm>> -> memref<1x64xf32, #tpu.memory_space<hbm>>
        %dma_wait3A_331 = tpu.memref_slice %arg7[%dma_wait3A_321] : memref<2x!tpu.dma_semaphore, #tpu.memory_space<semaphore_mem>> -> memref<1x!tpu.dma_semaphore, #tpu.memory_space<semaphore_mem>>
        %dma_wait3A_332 = tpu.memref_squeeze %dma_wait3A_331 : memref<1x!tpu.dma_semaphore, #tpu.memory_space<semaphore_mem>> -> memref<!tpu.dma_semaphore, #tpu.memory_space<semaphore_mem>>
        %dma_wait3A_333 = arith.constant 0 : i32
        %dma_wait3A_334 = arith.constant 0 : i32
        %dma_wait3A_335 = tpu.memref_slice %arg6[%dma_wait3A_320, %dma_wait3A_333, %dma_wait3A_334] : memref<2x400x64xf32, #tpu.memory_space<vmem>> -> memref<1x400x64xf32, #tpu.memory_space<vmem>>
        %dma_wait3A_336 = tpu.memref_squeeze %dma_wait3A_335 : memref<1x400x64xf32, #tpu.memory_space<vmem>> -> memref<400x64xf32, #tpu.memory_space<vmem>>
        %dma_wait3A_337 = arith.constant 0 : i32
        %dma_wait3A_338 = tpu.memref_slice %dma_wait3A_336[%add3A_319, %dma_wait3A_337] : memref<400x64xf32, #tpu.memory_space<vmem>> -> memref<1x64xf32, #tpu.memory_space<vmem>>
        %dma_wait3A_339 = arith.constant 0 : i32
        %dma_wait3A_340 = arith.constant 0 : i32
        %dma_wait3A_341 = tpu.memref_slice %arg3[%dma_wait3A_339, %dma_wait3A_340] : memref<1000000x64xf32, #tpu.memory_space<hbm>> -> memref<1x64xf32, #tpu.memory_space<hbm>>
        tpu.wait_dma2 semaphore(%dma_wait3A_332 : memref<!tpu.dma_semaphore, #tpu.memory_space<semaphore_mem>>) src(%dma_wait3A_341 : memref<1x64xf32, #tpu.memory_space<hbm>>) dst(%dma_wait3A_338 : memref<1x64xf32, #tpu.memory_space<vmem>>)
        %mul3A_342 = arith.constant 16 : i32
        %mul3A_343 = arith.muli %scan3A_82, %mul3A_342 : i32
        %add3A_344 = arith.constant 10 : i32
        %add3A_345 = arith.addi %mul3A_343, %add3A_344 : i32
        %dma_wait3A_346 = arith.constant 0 : i32
        %dma_wait3A_347 = arith.constant 0 : i32
        %dma_wait3A_348 = arith.constant 0 : i32
        %dma_wait3A_349 = arith.constant 0 : i32
        %dma_wait3A_350 = tpu.memref_slice %arg6[%dma_wait3A_346, %dma_wait3A_348, %dma_wait3A_349] : memref<2x400x64xf32, #tpu.memory_space<vmem>> -> memref<1x400x64xf32, #tpu.memory_space<vmem>>
        %dma_wait3A_351 = tpu.memref_squeeze %dma_wait3A_350 : memref<1x400x64xf32, #tpu.memory_space<vmem>> -> memref<400x64xf32, #tpu.memory_space<vmem>>
        %dma_wait3A_352 = arith.constant 0 : i32
        %dma_wait3A_353 = tpu.memref_slice %dma_wait3A_351[%add3A_345, %dma_wait3A_352] : memref<400x64xf32, #tpu.memory_space<vmem>> -> memref<1x64xf32, #tpu.memory_space<vmem>>
        %dma_wait3A_354 = arith.constant 0 : i32
        %dma_wait3A_355 = arith.constant 0 : i32
        %dma_wait3A_356 = tpu.memref_slice %arg3[%dma_wait3A_354, %dma_wait3A_355] : memref<1000000x64xf32, #tpu.memory_space<hbm>> -> memref<1x64xf32, #tpu.memory_space<hbm>>
        %dma_wait3A_357 = tpu.memref_slice %arg7[%dma_wait3A_347] : memref<2x!tpu.dma_semaphore, #tpu.memory_space<semaphore_mem>> -> memref<1x!tpu.dma_semaphore, #tpu.memory_space<semaphore_mem>>
        %dma_wait3A_358 = tpu.memref_squeeze %dma_wait3A_357 : memref<1x!tpu.dma_semaphore, #tpu.memory_space<semaphore_mem>> -> memref<!tpu.dma_semaphore, #tpu.memory_space<semaphore_mem>>
        %dma_wait3A_359 = arith.constant 0 : i32
        %dma_wait3A_360 = arith.constant 0 : i32
        %dma_wait3A_361 = tpu.memref_slice %arg6[%dma_wait3A_346, %dma_wait3A_359, %dma_wait3A_360] : memref<2x400x64xf32, #tpu.memory_space<vmem>> -> memref<1x400x64xf32, #tpu.memory_space<vmem>>
        %dma_wait3A_362 = tpu.memref_squeeze %dma_wait3A_361 : memref<1x400x64xf32, #tpu.memory_space<vmem>> -> memref<400x64xf32, #tpu.memory_space<vmem>>
        %dma_wait3A_363 = arith.constant 0 : i32
        %dma_wait3A_364 = tpu.memref_slice %dma_wait3A_362[%add3A_345, %dma_wait3A_363] : memref<400x64xf32, #tpu.memory_space<vmem>> -> memref<1x64xf32, #tpu.memory_space<vmem>>
        %dma_wait3A_365 = arith.constant 0 : i32
        %dma_wait3A_366 = arith.constant 0 : i32
        %dma_wait3A_367 = tpu.memref_slice %arg3[%dma_wait3A_365, %dma_wait3A_366] : memref<1000000x64xf32, #tpu.memory_space<hbm>> -> memref<1x64xf32, #tpu.memory_space<hbm>>
        tpu.wait_dma2 semaphore(%dma_wait3A_358 : memref<!tpu.dma_semaphore, #tpu.memory_space<semaphore_mem>>) src(%dma_wait3A_367 : memref<1x64xf32, #tpu.memory_space<hbm>>) dst(%dma_wait3A_364 : memref<1x64xf32, #tpu.memory_space<vmem>>)
        %mul3A_368 = arith.constant 16 : i32
        %mul3A_369 = arith.muli %scan3A_82, %mul3A_368 : i32
        %add3A_370 = arith.constant 11 : i32
        %add3A_371 = arith.addi %mul3A_369, %add3A_370 : i32
        %dma_wait3A_372 = arith.constant 0 : i32
        %dma_wait3A_373 = arith.constant 0 : i32
        %dma_wait3A_374 = arith.constant 0 : i32
        %dma_wait3A_375 = arith.constant 0 : i32
        %dma_wait3A_376 = tpu.memref_slice %arg6[%dma_wait3A_372, %dma_wait3A_374, %dma_wait3A_375] : memref<2x400x64xf32, #tpu.memory_space<vmem>> -> memref<1x400x64xf32, #tpu.memory_space<vmem>>
        %dma_wait3A_377 = tpu.memref_squeeze %dma_wait3A_376 : memref<1x400x64xf32, #tpu.memory_space<vmem>> -> memref<400x64xf32, #tpu.memory_space<vmem>>
        %dma_wait3A_378 = arith.constant 0 : i32
        %dma_wait3A_379 = tpu.memref_slice %dma_wait3A_377[%add3A_371, %dma_wait3A_378] : memref<400x64xf32, #tpu.memory_space<vmem>> -> memref<1x64xf32, #tpu.memory_space<vmem>>
        %dma_wait3A_380 = arith.constant 0 : i32
        %dma_wait3A_381 = arith.constant 0 : i32
        %dma_wait3A_382 = tpu.memref_slice %arg3[%dma_wait3A_380, %dma_wait3A_381] : memref<1000000x64xf32, #tpu.memory_space<hbm>> -> memref<1x64xf32, #tpu.memory_space<hbm>>
        %dma_wait3A_383 = tpu.memref_slice %arg7[%dma_wait3A_373] : memref<2x!tpu.dma_semaphore, #tpu.memory_space<semaphore_mem>> -> memref<1x!tpu.dma_semaphore, #tpu.memory_space<semaphore_mem>>
        %dma_wait3A_384 = tpu.memref_squeeze %dma_wait3A_383 : memref<1x!tpu.dma_semaphore, #tpu.memory_space<semaphore_mem>> -> memref<!tpu.dma_semaphore, #tpu.memory_space<semaphore_mem>>
        %dma_wait3A_385 = arith.constant 0 : i32
        %dma_wait3A_386 = arith.constant 0 : i32
        %dma_wait3A_387 = tpu.memref_slice %arg6[%dma_wait3A_372, %dma_wait3A_385, %dma_wait3A_386] : memref<2x400x64xf32, #tpu.memory_space<vmem>> -> memref<1x400x64xf32, #tpu.memory_space<vmem>>
        %dma_wait3A_388 = tpu.memref_squeeze %dma_wait3A_387 : memref<1x400x64xf32, #tpu.memory_space<vmem>> -> memref<400x64xf32, #tpu.memory_space<vmem>>
        %dma_wait3A_389 = arith.constant 0 : i32
        %dma_wait3A_390 = tpu.memref_slice %dma_wait3A_388[%add3A_371, %dma_wait3A_389] : memref<400x64xf32, #tpu.memory_space<vmem>> -> memref<1x64xf32, #tpu.memory_space<vmem>>
        %dma_wait3A_391 = arith.constant 0 : i32
        %dma_wait3A_392 = arith.constant 0 : i32
        %dma_wait3A_393 = tpu.memref_slice %arg3[%dma_wait3A_391, %dma_wait3A_392] : memref<1000000x64xf32, #tpu.memory_space<hbm>> -> memref<1x64xf32, #tpu.memory_space<hbm>>
        tpu.wait_dma2 semaphore(%dma_wait3A_384 : memref<!tpu.dma_semaphore, #tpu.memory_space<semaphore_mem>>) src(%dma_wait3A_393 : memref<1x64xf32, #tpu.memory_space<hbm>>) dst(%dma_wait3A_390 : memref<1x64xf32, #tpu.memory_space<vmem>>)
        %mul3A_394 = arith.constant 16 : i32
        %mul3A_395 = arith.muli %scan3A_82, %mul3A_394 : i32
        %add3A_396 = arith.constant 12 : i32
        %add3A_397 = arith.addi %mul3A_395, %add3A_396 : i32
        %dma_wait3A_398 = arith.constant 0 : i32
        %dma_wait3A_399 = arith.constant 0 : i32
        %dma_wait3A_400 = arith.constant 0 : i32
        %dma_wait3A_401 = arith.constant 0 : i32
        %dma_wait3A_402 = tpu.memref_slice %arg6[%dma_wait3A_398, %dma_wait3A_400, %dma_wait3A_401] : memref<2x400x64xf32, #tpu.memory_space<vmem>> -> memref<1x400x64xf32, #tpu.memory_space<vmem>>
        %dma_wait3A_403 = tpu.memref_squeeze %dma_wait3A_402 : memref<1x400x64xf32, #tpu.memory_space<vmem>> -> memref<400x64xf32, #tpu.memory_space<vmem>>
        %dma_wait3A_404 = arith.constant 0 : i32
        %dma_wait3A_405 = tpu.memref_slice %dma_wait3A_403[%add3A_397, %dma_wait3A_404] : memref<400x64xf32, #tpu.memory_space<vmem>> -> memref<1x64xf32, #tpu.memory_space<vmem>>
        %dma_wait3A_406 = arith.constant 0 : i32
        %dma_wait3A_407 = arith.constant 0 : i32
        %dma_wait3A_408 = tpu.memref_slice %arg3[%dma_wait3A_406, %dma_wait3A_407] : memref<1000000x64xf32, #tpu.memory_space<hbm>> -> memref<1x64xf32, #tpu.memory_space<hbm>>
        %dma_wait3A_409 = tpu.memref_slice %arg7[%dma_wait3A_399] : memref<2x!tpu.dma_semaphore, #tpu.memory_space<semaphore_mem>> -> memref<1x!tpu.dma_semaphore, #tpu.memory_space<semaphore_mem>>
        %dma_wait3A_410 = tpu.memref_squeeze %dma_wait3A_409 : memref<1x!tpu.dma_semaphore, #tpu.memory_space<semaphore_mem>> -> memref<!tpu.dma_semaphore, #tpu.memory_space<semaphore_mem>>
        %dma_wait3A_411 = arith.constant 0 : i32
        %dma_wait3A_412 = arith.constant 0 : i32
        %dma_wait3A_413 = tpu.memref_slice %arg6[%dma_wait3A_398, %dma_wait3A_411, %dma_wait3A_412] : memref<2x400x64xf32, #tpu.memory_space<vmem>> -> memref<1x400x64xf32, #tpu.memory_space<vmem>>
        %dma_wait3A_414 = tpu.memref_squeeze %dma_wait3A_413 : memref<1x400x64xf32, #tpu.memory_space<vmem>> -> memref<400x64xf32, #tpu.memory_space<vmem>>
        %dma_wait3A_415 = arith.constant 0 : i32
        %dma_wait3A_416 = tpu.memref_slice %dma_wait3A_414[%add3A_397, %dma_wait3A_415] : memref<400x64xf32, #tpu.memory_space<vmem>> -> memref<1x64xf32, #tpu.memory_space<vmem>>
        %dma_wait3A_417 = arith.constant 0 : i32
        %dma_wait3A_418 = arith.constant 0 : i32
        %dma_wait3A_419 = tpu.memref_slice %arg3[%dma_wait3A_417, %dma_wait3A_418] : memref<1000000x64xf32, #tpu.memory_space<hbm>> -> memref<1x64xf32, #tpu.memory_space<hbm>>
        tpu.wait_dma2 semaphore(%dma_wait3A_410 : memref<!tpu.dma_semaphore, #tpu.memory_space<semaphore_mem>>) src(%dma_wait3A_419 : memref<1x64xf32, #tpu.memory_space<hbm>>) dst(%dma_wait3A_416 : memref<1x64xf32, #tpu.memory_space<vmem>>)
        %mul3A_420 = arith.constant 16 : i32
        %mul3A_421 = arith.muli %scan3A_82, %mul3A_420 : i32
        %add3A_422 = arith.constant 13 : i32
        %add3A_423 = arith.addi %mul3A_421, %add3A_422 : i32
        %dma_wait3A_424 = arith.constant 0 : i32
        %dma_wait3A_425 = arith.constant 0 : i32
        %dma_wait3A_426 = arith.constant 0 : i32
        %dma_wait3A_427 = arith.constant 0 : i32
        %dma_wait3A_428 = tpu.memref_slice %arg6[%dma_wait3A_424, %dma_wait3A_426, %dma_wait3A_427] : memref<2x400x64xf32, #tpu.memory_space<vmem>> -> memref<1x400x64xf32, #tpu.memory_space<vmem>>
        %dma_wait3A_429 = tpu.memref_squeeze %dma_wait3A_428 : memref<1x400x64xf32, #tpu.memory_space<vmem>> -> memref<400x64xf32, #tpu.memory_space<vmem>>
        %dma_wait3A_430 = arith.constant 0 : i32
        %dma_wait3A_431 = tpu.memref_slice %dma_wait3A_429[%add3A_423, %dma_wait3A_430] : memref<400x64xf32, #tpu.memory_space<vmem>> -> memref<1x64xf32, #tpu.memory_space<vmem>>
        %dma_wait3A_432 = arith.constant 0 : i32
        %dma_wait3A_433 = arith.constant 0 : i32
        %dma_wait3A_434 = tpu.memref_slice %arg3[%dma_wait3A_432, %dma_wait3A_433] : memref<1000000x64xf32, #tpu.memory_space<hbm>> -> memref<1x64xf32, #tpu.memory_space<hbm>>
        %dma_wait3A_435 = tpu.memref_slice %arg7[%dma_wait3A_425] : memref<2x!tpu.dma_semaphore, #tpu.memory_space<semaphore_mem>> -> memref<1x!tpu.dma_semaphore, #tpu.memory_space<semaphore_mem>>
        %dma_wait3A_436 = tpu.memref_squeeze %dma_wait3A_435 : memref<1x!tpu.dma_semaphore, #tpu.memory_space<semaphore_mem>> -> memref<!tpu.dma_semaphore, #tpu.memory_space<semaphore_mem>>
        %dma_wait3A_437 = arith.constant 0 : i32
        %dma_wait3A_438 = arith.constant 0 : i32
        %dma_wait3A_439 = tpu.memref_slice %arg6[%dma_wait3A_424, %dma_wait3A_437, %dma_wait3A_438] : memref<2x400x64xf32, #tpu.memory_space<vmem>> -> memref<1x400x64xf32, #tpu.memory_space<vmem>>
        %dma_wait3A_440 = tpu.memref_squeeze %dma_wait3A_439 : memref<1x400x64xf32, #tpu.memory_space<vmem>> -> memref<400x64xf32, #tpu.memory_space<vmem>>
        %dma_wait3A_441 = arith.constant 0 : i32
        %dma_wait3A_442 = tpu.memref_slice %dma_wait3A_440[%add3A_423, %dma_wait3A_441] : memref<400x64xf32, #tpu.memory_space<vmem>> -> memref<1x64xf32, #tpu.memory_space<vmem>>
        %dma_wait3A_443 = arith.constant 0 : i32
        %dma_wait3A_444 = arith.constant 0 : i32
        %dma_wait3A_445 = tpu.memref_slice %arg3[%dma_wait3A_443, %dma_wait3A_444] : memref<1000000x64xf32, #tpu.memory_space<hbm>> -> memref<1x64xf32, #tpu.memory_space<hbm>>
        tpu.wait_dma2 semaphore(%dma_wait3A_436 : memref<!tpu.dma_semaphore, #tpu.memory_space<semaphore_mem>>) src(%dma_wait3A_445 : memref<1x64xf32, #tpu.memory_space<hbm>>) dst(%dma_wait3A_442 : memref<1x64xf32, #tpu.memory_space<vmem>>)
        %mul3A_446 = arith.constant 16 : i32
        %mul3A_447 = arith.muli %scan3A_82, %mul3A_446 : i32
        %add3A_448 = arith.constant 14 : i32
        %add3A_449 = arith.addi %mul3A_447, %add3A_448 : i32
        %dma_wait3A_450 = arith.constant 0 : i32
        %dma_wait3A_451 = arith.constant 0 : i32
        %dma_wait3A_452 = arith.constant 0 : i32
        %dma_wait3A_453 = arith.constant 0 : i32
        %dma_wait3A_454 = tpu.memref_slice %arg6[%dma_wait3A_450, %dma_wait3A_452, %dma_wait3A_453] : memref<2x400x64xf32, #tpu.memory_space<vmem>> -> memref<1x400x64xf32, #tpu.memory_space<vmem>>
        %dma_wait3A_455 = tpu.memref_squeeze %dma_wait3A_454 : memref<1x400x64xf32, #tpu.memory_space<vmem>> -> memref<400x64xf32, #tpu.memory_space<vmem>>
        %dma_wait3A_456 = arith.constant 0 : i32
        %dma_wait3A_457 = tpu.memref_slice %dma_wait3A_455[%add3A_449, %dma_wait3A_456] : memref<400x64xf32, #tpu.memory_space<vmem>> -> memref<1x64xf32, #tpu.memory_space<vmem>>
        %dma_wait3A_458 = arith.constant 0 : i32
        %dma_wait3A_459 = arith.constant 0 : i32
        %dma_wait3A_460 = tpu.memref_slice %arg3[%dma_wait3A_458, %dma_wait3A_459] : memref<1000000x64xf32, #tpu.memory_space<hbm>> -> memref<1x64xf32, #tpu.memory_space<hbm>>
        %dma_wait3A_461 = tpu.memref_slice %arg7[%dma_wait3A_451] : memref<2x!tpu.dma_semaphore, #tpu.memory_space<semaphore_mem>> -> memref<1x!tpu.dma_semaphore, #tpu.memory_space<semaphore_mem>>
        %dma_wait3A_462 = tpu.memref_squeeze %dma_wait3A_461 : memref<1x!tpu.dma_semaphore, #tpu.memory_space<semaphore_mem>> -> memref<!tpu.dma_semaphore, #tpu.memory_space<semaphore_mem>>
        %dma_wait3A_463 = arith.constant 0 : i32
        %dma_wait3A_464 = arith.constant 0 : i32
        %dma_wait3A_465 = tpu.memref_slice %arg6[%dma_wait3A_450, %dma_wait3A_463, %dma_wait3A_464] : memref<2x400x64xf32, #tpu.memory_space<vmem>> -> memref<1x400x64xf32, #tpu.memory_space<vmem>>
        %dma_wait3A_466 = tpu.memref_squeeze %dma_wait3A_465 : memref<1x400x64xf32, #tpu.memory_space<vmem>> -> memref<400x64xf32, #tpu.memory_space<vmem>>
        %dma_wait3A_467 = arith.constant 0 : i32
        %dma_wait3A_468 = tpu.memref_slice %dma_wait3A_466[%add3A_449, %dma_wait3A_467] : memref<400x64xf32, #tpu.memory_space<vmem>> -> memref<1x64xf32, #tpu.memory_space<vmem>>
        %dma_wait3A_469 = arith.constant 0 : i32
        %dma_wait3A_470 = arith.constant 0 : i32
        %dma_wait3A_471 = tpu.memref_slice %arg3[%dma_wait3A_469, %dma_wait3A_470] : memref<1000000x64xf32, #tpu.memory_space<hbm>> -> memref<1x64xf32, #tpu.memory_space<hbm>>
        tpu.wait_dma2 semaphore(%dma_wait3A_462 : memref<!tpu.dma_semaphore, #tpu.memory_space<semaphore_mem>>) src(%dma_wait3A_471 : memref<1x64xf32, #tpu.memory_space<hbm>>) dst(%dma_wait3A_468 : memref<1x64xf32, #tpu.memory_space<vmem>>)
        %mul3A_472 = arith.constant 16 : i32
        %mul3A_473 = arith.muli %scan3A_82, %mul3A_472 : i32
        %add3A_474 = arith.constant 15 : i32
        %add3A_475 = arith.addi %mul3A_473, %add3A_474 : i32
        %dma_wait3A_476 = arith.constant 0 : i32
        %dma_wait3A_477 = arith.constant 0 : i32
        %dma_wait3A_478 = arith.constant 0 : i32
        %dma_wait3A_479 = arith.constant 0 : i32
        %dma_wait3A_480 = tpu.memref_slice %arg6[%dma_wait3A_476, %dma_wait3A_478, %dma_wait3A_479] : memref<2x400x64xf32, #tpu.memory_space<vmem>> -> memref<1x400x64xf32, #tpu.memory_space<vmem>>
        %dma_wait3A_481 = tpu.memref_squeeze %dma_wait3A_480 : memref<1x400x64xf32, #tpu.memory_space<vmem>> -> memref<400x64xf32, #tpu.memory_space<vmem>>
        %dma_wait3A_482 = arith.constant 0 : i32
        %dma_wait3A_483 = tpu.memref_slice %dma_wait3A_481[%add3A_475, %dma_wait3A_482] : memref<400x64xf32, #tpu.memory_space<vmem>> -> memref<1x64xf32, #tpu.memory_space<vmem>>
        %dma_wait3A_484 = arith.constant 0 : i32
        %dma_wait3A_485 = arith.constant 0 : i32
        %dma_wait3A_486 = tpu.memref_slice %arg3[%dma_wait3A_484, %dma_wait3A_485] : memref<1000000x64xf32, #tpu.memory_space<hbm>> -> memref<1x64xf32, #tpu.memory_space<hbm>>
        %dma_wait3A_487 = tpu.memref_slice %arg7[%dma_wait3A_477] : memref<2x!tpu.dma_semaphore, #tpu.memory_space<semaphore_mem>> -> memref<1x!tpu.dma_semaphore, #tpu.memory_space<semaphore_mem>>
        %dma_wait3A_488 = tpu.memref_squeeze %dma_wait3A_487 : memref<1x!tpu.dma_semaphore, #tpu.memory_space<semaphore_mem>> -> memref<!tpu.dma_semaphore, #tpu.memory_space<semaphore_mem>>
        %dma_wait3A_489 = arith.constant 0 : i32
        %dma_wait3A_490 = arith.constant 0 : i32
        %dma_wait3A_491 = tpu.memref_slice %arg6[%dma_wait3A_476, %dma_wait3A_489, %dma_wait3A_490] : memref<2x400x64xf32, #tpu.memory_space<vmem>> -> memref<1x400x64xf32, #tpu.memory_space<vmem>>
        %dma_wait3A_492 = tpu.memref_squeeze %dma_wait3A_491 : memref<1x400x64xf32, #tpu.memory_space<vmem>> -> memref<400x64xf32, #tpu.memory_space<vmem>>
        %dma_wait3A_493 = arith.constant 0 : i32
        %dma_wait3A_494 = tpu.memref_slice %dma_wait3A_492[%add3A_475, %dma_wait3A_493] : memref<400x64xf32, #tpu.memory_space<vmem>> -> memref<1x64xf32, #tpu.memory_space<vmem>>
        %dma_wait3A_495 = arith.constant 0 : i32
        %dma_wait3A_496 = arith.constant 0 : i32
        %dma_wait3A_497 = tpu.memref_slice %arg3[%dma_wait3A_495, %dma_wait3A_496] : memref<1000000x64xf32, #tpu.memory_space<hbm>> -> memref<1x64xf32, #tpu.memory_space<hbm>>
        tpu.wait_dma2 semaphore(%dma_wait3A_488 : memref<!tpu.dma_semaphore, #tpu.memory_space<semaphore_mem>>) src(%dma_wait3A_497 : memref<1x64xf32, #tpu.memory_space<hbm>>) dst(%dma_wait3A_494 : memref<1x64xf32, #tpu.memory_space<vmem>>)
      }
      %scan3A_55 = arith.constant 25 : i32
      %mul3A_56 = arith.constant 400 : i32
      %mul3A_57 = arith.muli %add3A_41, %mul3A_56 : i32
      %add3A_58 = arith.addi %mul3A_2, %mul3A_57 : i32
      %run_scoped3A_59 = arith.constant 0 : i32
      "tpu.region"() ({
        %run_scoped3A_82 = tpu.sem_alloc : memref<!tpu.dma_semaphore, #tpu.memory_space<semaphore_mem>>
        %dma_start3A = arith.constant 0 : i32
        %dma_start3A_83 = arith.constant 0 : i32
        %dma_start3A_84 = tpu.memref_slice %arg6[%run_scoped3A_59, %dma_start3A, %dma_start3A_83] : memref<2x400x64xf32, #tpu.memory_space<vmem>> -> memref<1x400x64xf32, #tpu.memory_space<vmem>>
        %dma_start3A_85 = tpu.memref_squeeze %dma_start3A_84 : memref<1x400x64xf32, #tpu.memory_space<vmem>> -> memref<400x64xf32, #tpu.memory_space<vmem>>
        %dma_start3A_86 = arith.constant 0 : i32
        %dma_start3A_87 = tpu.memref_slice %arg4[%add3A_58, %dma_start3A_86] : memref<204800x64xf32, #tpu.memory_space<hbm>> -> memref<400x64xf32, #tpu.memory_space<hbm>>
        %dma_start3A_88 = arith.constant 0 : i32
        %dma_start3A_89 = tpu.memref_slice %arg4[%add3A_58, %dma_start3A_88] : memref<204800x64xf32, #tpu.memory_space<hbm>> -> memref<400x64xf32, #tpu.memory_space<hbm>>
        %dma_start3A_90 = arith.constant 0 : i32
        %dma_start3A_91 = arith.constant 0 : i32
        %dma_start3A_92 = tpu.memref_slice %arg6[%run_scoped3A_59, %dma_start3A_90, %dma_start3A_91] : memref<2x400x64xf32, #tpu.memory_space<vmem>> -> memref<1x400x64xf32, #tpu.memory_space<vmem>>
        %dma_start3A_93 = tpu.memref_squeeze %dma_start3A_92 : memref<1x400x64xf32, #tpu.memory_space<vmem>> -> memref<400x64xf32, #tpu.memory_space<vmem>>
        tpu.enqueue_dma source(%dma_start3A_93 : memref<400x64xf32, #tpu.memory_space<vmem>>) target(%dma_start3A_89 : memref<400x64xf32, #tpu.memory_space<hbm>>) target_semaphore(%run_scoped3A_82 : memref<!tpu.dma_semaphore, #tpu.memory_space<semaphore_mem>>)
        %dma_wait3A = arith.constant 0 : i32
        %dma_wait3A_94 = arith.constant 0 : i32
        %dma_wait3A_95 = tpu.memref_slice %arg6[%run_scoped3A_59, %dma_wait3A, %dma_wait3A_94] : memref<2x400x64xf32, #tpu.memory_space<vmem>> -> memref<1x400x64xf32, #tpu.memory_space<vmem>>
        %dma_wait3A_96 = tpu.memref_squeeze %dma_wait3A_95 : memref<1x400x64xf32, #tpu.memory_space<vmem>> -> memref<400x64xf32, #tpu.memory_space<vmem>>
        %dma_wait3A_97 = arith.constant 0 : i32
        %dma_wait3A_98 = tpu.memref_slice %arg4[%add3A_58, %dma_wait3A_97] : memref<204800x64xf32, #tpu.memory_space<hbm>> -> memref<400x64xf32, #tpu.memory_space<hbm>>
        %dma_wait3A_99 = arith.constant 0 : i32
        %dma_wait3A_100 = tpu.memref_slice %arg4[%add3A_58, %dma_wait3A_99] : memref<204800x64xf32, #tpu.memory_space<hbm>> -> memref<400x64xf32, #tpu.memory_space<hbm>>
        %dma_wait3A_101 = arith.constant 0 : i32
        %dma_wait3A_102 = arith.constant 0 : i32
        %dma_wait3A_103 = tpu.memref_slice %arg6[%run_scoped3A_59, %dma_wait3A_101, %dma_wait3A_102] : memref<2x400x64xf32, #tpu.memory_space<vmem>> -> memref<1x400x64xf32, #tpu.memory_space<vmem>>
        %dma_wait3A_104 = tpu.memref_squeeze %dma_wait3A_103 : memref<1x400x64xf32, #tpu.memory_space<vmem>> -> memref<400x64xf32, #tpu.memory_space<vmem>>
        tpu.wait_dma2 semaphore(%run_scoped3A_82 : memref<!tpu.dma_semaphore, #tpu.memory_space<semaphore_mem>>) src(%dma_wait3A_104 : memref<400x64xf32, #tpu.memory_space<vmem>>) dst(%dma_wait3A_100 : memref<400x64xf32, #tpu.memory_space<hbm>>)
        tpu.yield
      }) : () -> ()
      %mul3A_60 = arith.constant 2 : i32
      %mul3A_61 = arith.muli %scan3A_37, %mul3A_60 : i32
      %add3A_62 = arith.constant 1 : i32
      %add3A_63 = arith.addi %mul3A_61, %add3A_62 : i32
      %add3A_64 = arith.constant 1 : i32
      %add3A_65 = arith.addi %add3A_63, %add3A_64 : i32
      %scan3A_66 = arith.constant 0 : i32
      %scan3A_67 = arith.constant 0 : i32
      %scan3A_68 = arith.constant 25 : i32
      %scan3A_69 = arith.addi %scan3A_67, %scan3A_68 : i32
      %scan3A_70 = arith.constant 1 : i32
      scf.for %scan3A_82 = %scan3A_67 to %scan3A_69 step %scan3A_70  : i32 {
        %mul3A_83 = arith.constant 400 : i32
        %mul3A_84 = arith.muli %add3A_65, %mul3A_83 : i32
        %mul3A_85 = arith.constant 16 : i32
        %mul3A_86 = arith.muli %scan3A_82, %mul3A_85 : i32
        %add3A_87 = arith.addi %mul3A_84, %mul3A_86 : i32
        %get3A = arith.index_cast %add3A_87 : i32 to index
        %get3A_88 = tpu.vector_load %arg5[%get3A] {strides = array<i32>} : memref<6400xi32, #tpu.memory_space<vmem>>, vector<16xi32>,
        %get3A_89 = vector.shape_cast %get3A_88 : vector<16xi32> to vector<16xi32>
        %slice3A = vector.extract_strided_slice %get3A_89 {offsets = [0], sizes = [1], strides = [1]} : vector<16xi32> to vector<1xi32>
        %squeeze3A = vector.extract %slice3A[0] : i32 from vector<1xi32>
        %mul3A_90 = arith.constant 16 : i32
        %mul3A_91 = arith.muli %scan3A_82, %mul3A_90 : i32
        %add3A_92 = arith.constant 0 : i32
        %add3A_93 = arith.addi %mul3A_91, %add3A_92 : i32
        %dma_start3A = arith.constant 0 : i32
        %dma_start3A_94 = arith.constant 0 : i32
        %dma_start3A_95 = arith.constant 0 : i32
        %dma_start3A_96 = arith.constant 0 : i32
        %dma_start3A_97 = tpu.memref_slice %arg6[%dma_start3A, %dma_start3A_95, %dma_start3A_96] : memref<2x400x64xf32, #tpu.memory_space<vmem>> -> memref<1x400x64xf32, #tpu.memory_space<vmem>>
        %dma_start3A_98 = tpu.memref_squeeze %dma_start3A_97 : memref<1x400x64xf32, #tpu.memory_space<vmem>> -> memref<400x64xf32, #tpu.memory_space<vmem>>
        %dma_start3A_99 = arith.constant 0 : i32
        %dma_start3A_100 = tpu.memref_slice %dma_start3A_98[%add3A_93, %dma_start3A_99] : memref<400x64xf32, #tpu.memory_space<vmem>> -> memref<1x64xf32, #tpu.memory_space<vmem>>
        %dma_start3A_101 = arith.constant 0 : i32
        %dma_start3A_102 = tpu.memref_slice %arg3[%squeeze3A, %dma_start3A_101] : memref<1000000x64xf32, #tpu.memory_space<hbm>> -> memref<1x64xf32, #tpu.memory_space<hbm>>
        %dma_start3A_103 = tpu.memref_slice %arg7[%dma_start3A_94] : memref<2x!tpu.dma_semaphore, #tpu.memory_space<semaphore_mem>> -> memref<1x!tpu.dma_semaphore, #tpu.memory_space<semaphore_mem>>
        %dma_start3A_104 = tpu.memref_squeeze %dma_start3A_103 : memref<1x!tpu.dma_semaphore, #tpu.memory_space<semaphore_mem>> -> memref<!tpu.dma_semaphore, #tpu.memory_space<semaphore_mem>>
        %dma_start3A_105 = arith.constant 0 : i32
        %dma_start3A_106 = arith.constant 0 : i32
        %dma_start3A_107 = tpu.memref_slice %arg6[%dma_start3A, %dma_start3A_105, %dma_start3A_106] : memref<2x400x64xf32, #tpu.memory_space<vmem>> -> memref<1x400x64xf32, #tpu.memory_space<vmem>>
        %dma_start3A_108 = tpu.memref_squeeze %dma_start3A_107 : memref<1x400x64xf32, #tpu.memory_space<vmem>> -> memref<400x64xf32, #tpu.memory_space<vmem>>
        %dma_start3A_109 = arith.constant 0 : i32
        %dma_start3A_110 = tpu.memref_slice %dma_start3A_108[%add3A_93, %dma_start3A_109] : memref<400x64xf32, #tpu.memory_space<vmem>> -> memref<1x64xf32, #tpu.memory_space<vmem>>
        %dma_start3A_111 = arith.constant 0 : i32
        %dma_start3A_112 = tpu.memref_slice %arg3[%squeeze3A, %dma_start3A_111] : memref<1000000x64xf32, #tpu.memory_space<hbm>> -> memref<1x64xf32, #tpu.memory_space<hbm>>
        tpu.enqueue_dma source(%dma_start3A_112 : memref<1x64xf32, #tpu.memory_space<hbm>>) target(%dma_start3A_110 : memref<1x64xf32, #tpu.memory_space<vmem>>) target_semaphore(%dma_start3A_104 : memref<!tpu.dma_semaphore, #tpu.memory_space<semaphore_mem>>)
        %slice3A_113 = vector.extract_strided_slice %get3A_89 {offsets = [1], sizes = [1], strides = [1]} : vector<16xi32> to vector<1xi32>
        %squeeze3A_114 = vector.extract %slice3A_113[0] : i32 from vector<1xi32>
        %mul3A_115 = arith.constant 16 : i32
        %mul3A_116 = arith.muli %scan3A_82, %mul3A_115 : i32
        %add3A_117 = arith.constant 1 : i32
        %add3A_118 = arith.addi %mul3A_116, %add3A_117 : i32
        %dma_start3A_119 = arith.constant 0 : i32
        %dma_start3A_120 = arith.constant 0 : i32
        %dma_start3A_121 = arith.constant 0 : i32
        %dma_start3A_122 = arith.constant 0 : i32
        %dma_start3A_123 = tpu.memref_slice %arg6[%dma_start3A_119, %dma_start3A_121, %dma_start3A_122] : memref<2x400x64xf32, #tpu.memory_space<vmem>> -> memref<1x400x64xf32, #tpu.memory_space<vmem>>
        %dma_start3A_124 = tpu.memref_squeeze %dma_start3A_123 : memref<1x400x64xf32, #tpu.memory_space<vmem>> -> memref<400x64xf32, #tpu.memory_space<vmem>>
        %dma_start3A_125 = arith.constant 0 : i32
        %dma_start3A_126 = tpu.memref_slice %dma_start3A_124[%add3A_118, %dma_start3A_125] : memref<400x64xf32, #tpu.memory_space<vmem>> -> memref<1x64xf32, #tpu.memory_space<vmem>>
        %dma_start3A_127 = arith.constant 0 : i32
        %dma_start3A_128 = tpu.memref_slice %arg3[%squeeze3A_114, %dma_start3A_127] : memref<1000000x64xf32, #tpu.memory_space<hbm>> -> memref<1x64xf32, #tpu.memory_space<hbm>>
        %dma_start3A_129 = tpu.memref_slice %arg7[%dma_start3A_120] : memref<2x!tpu.dma_semaphore, #tpu.memory_space<semaphore_mem>> -> memref<1x!tpu.dma_semaphore, #tpu.memory_space<semaphore_mem>>
        %dma_start3A_130 = tpu.memref_squeeze %dma_start3A_129 : memref<1x!tpu.dma_semaphore, #tpu.memory_space<semaphore_mem>> -> memref<!tpu.dma_semaphore, #tpu.memory_space<semaphore_mem>>
        %dma_start3A_131 = arith.constant 0 : i32
        %dma_start3A_132 = arith.constant 0 : i32
        %dma_start3A_133 = tpu.memref_slice %arg6[%dma_start3A_119, %dma_start3A_131, %dma_start3A_132] : memref<2x400x64xf32, #tpu.memory_space<vmem>> -> memref<1x400x64xf32, #tpu.memory_space<vmem>>
        %dma_start3A_134 = tpu.memref_squeeze %dma_start3A_133 : memref<1x400x64xf32, #tpu.memory_space<vmem>> -> memref<400x64xf32, #tpu.memory_space<vmem>>
        %dma_start3A_135 = arith.constant 0 : i32
        %dma_start3A_136 = tpu.memref_slice %dma_start3A_134[%add3A_118, %dma_start3A_135] : memref<400x64xf32, #tpu.memory_space<vmem>> -> memref<1x64xf32, #tpu.memory_space<vmem>>
        %dma_start3A_137 = arith.constant 0 : i32
        %dma_start3A_138 = tpu.memref_slice %arg3[%squeeze3A_114, %dma_start3A_137] : memref<1000000x64xf32, #tpu.memory_space<hbm>> -> memref<1x64xf32, #tpu.memory_space<hbm>>
        tpu.enqueue_dma source(%dma_start3A_138 : memref<1x64xf32, #tpu.memory_space<hbm>>) target(%dma_start3A_136 : memref<1x64xf32, #tpu.memory_space<vmem>>) target_semaphore(%dma_start3A_130 : memref<!tpu.dma_semaphore, #tpu.memory_space<semaphore_mem>>)
        %slice3A_139 = vector.extract_strided_slice %get3A_89 {offsets = [2], sizes = [1], strides = [1]} : vector<16xi32> to vector<1xi32>
        %squeeze3A_140 = vector.extract %slice3A_139[0] : i32 from vector<1xi32>
        %mul3A_141 = arith.constant 16 : i32
        %mul3A_142 = arith.muli %scan3A_82, %mul3A_141 : i32
        %add3A_143 = arith.constant 2 : i32
        %add3A_144 = arith.addi %mul3A_142, %add3A_143 : i32
        %dma_start3A_145 = arith.constant 0 : i32
        %dma_start3A_146 = arith.constant 0 : i32
        %dma_start3A_147 = arith.constant 0 : i32
        %dma_start3A_148 = arith.constant 0 : i32
        %dma_start3A_149 = tpu.memref_slice %arg6[%dma_start3A_145, %dma_start3A_147, %dma_start3A_148] : memref<2x400x64xf32, #tpu.memory_space<vmem>> -> memref<1x400x64xf32, #tpu.memory_space<vmem>>
        %dma_start3A_150 = tpu.memref_squeeze %dma_start3A_149 : memref<1x400x64xf32, #tpu.memory_space<vmem>> -> memref<400x64xf32, #tpu.memory_space<vmem>>
        %dma_start3A_151 = arith.constant 0 : i32
        %dma_start3A_152 = tpu.memref_slice %dma_start3A_150[%add3A_144, %dma_start3A_151] : memref<400x64xf32, #tpu.memory_space<vmem>> -> memref<1x64xf32, #tpu.memory_space<vmem>>
        %dma_start3A_153 = arith.constant 0 : i32
        %dma_start3A_154 = tpu.memref_slice %arg3[%squeeze3A_140, %dma_start3A_153] : memref<1000000x64xf32, #tpu.memory_space<hbm>> -> memref<1x64xf32, #tpu.memory_space<hbm>>
        %dma_start3A_155 = tpu.memref_slice %arg7[%dma_start3A_146] : memref<2x!tpu.dma_semaphore, #tpu.memory_space<semaphore_mem>> -> memref<1x!tpu.dma_semaphore, #tpu.memory_space<semaphore_mem>>
        %dma_start3A_156 = tpu.memref_squeeze %dma_start3A_155 : memref<1x!tpu.dma_semaphore, #tpu.memory_space<semaphore_mem>> -> memref<!tpu.dma_semaphore, #tpu.memory_space<semaphore_mem>>
        %dma_start3A_157 = arith.constant 0 : i32
        %dma_start3A_158 = arith.constant 0 : i32
        %dma_start3A_159 = tpu.memref_slice %arg6[%dma_start3A_145, %dma_start3A_157, %dma_start3A_158] : memref<2x400x64xf32, #tpu.memory_space<vmem>> -> memref<1x400x64xf32, #tpu.memory_space<vmem>>
        %dma_start3A_160 = tpu.memref_squeeze %dma_start3A_159 : memref<1x400x64xf32, #tpu.memory_space<vmem>> -> memref<400x64xf32, #tpu.memory_space<vmem>>
        %dma_start3A_161 = arith.constant 0 : i32
        %dma_start3A_162 = tpu.memref_slice %dma_start3A_160[%add3A_144, %dma_start3A_161] : memref<400x64xf32, #tpu.memory_space<vmem>> -> memref<1x64xf32, #tpu.memory_space<vmem>>
        %dma_start3A_163 = arith.constant 0 : i32
        %dma_start3A_164 = tpu.memref_slice %arg3[%squeeze3A_140, %dma_start3A_163] : memref<1000000x64xf32, #tpu.memory_space<hbm>> -> memref<1x64xf32, #tpu.memory_space<hbm>>
        tpu.enqueue_dma source(%dma_start3A_164 : memref<1x64xf32, #tpu.memory_space<hbm>>) target(%dma_start3A_162 : memref<1x64xf32, #tpu.memory_space<vmem>>) target_semaphore(%dma_start3A_156 : memref<!tpu.dma_semaphore, #tpu.memory_space<semaphore_mem>>)
        %slice3A_165 = vector.extract_strided_slice %get3A_89 {offsets = [3], sizes = [1], strides = [1]} : vector<16xi32> to vector<1xi32>
        %squeeze3A_166 = vector.extract %slice3A_165[0] : i32 from vector<1xi32>
        %mul3A_167 = arith.constant 16 : i32
        %mul3A_168 = arith.muli %scan3A_82, %mul3A_167 : i32
        %add3A_169 = arith.constant 3 : i32
        %add3A_170 = arith.addi %mul3A_168, %add3A_169 : i32
        %dma_start3A_171 = arith.constant 0 : i32
        %dma_start3A_172 = arith.constant 0 : i32
        %dma_start3A_173 = arith.constant 0 : i32
        %dma_start3A_174 = arith.constant 0 : i32
        %dma_start3A_175 = tpu.memref_slice %arg6[%dma_start3A_171, %dma_start3A_173, %dma_start3A_174] : memref<2x400x64xf32, #tpu.memory_space<vmem>> -> memref<1x400x64xf32, #tpu.memory_space<vmem>>
        %dma_start3A_176 = tpu.memref_squeeze %dma_start3A_175 : memref<1x400x64xf32, #tpu.memory_space<vmem>> -> memref<400x64xf32, #tpu.memory_space<vmem>>
        %dma_start3A_177 = arith.constant 0 : i32
        %dma_start3A_178 = tpu.memref_slice %dma_start3A_176[%add3A_170, %dma_start3A_177] : memref<400x64xf32, #tpu.memory_space<vmem>> -> memref<1x64xf32, #tpu.memory_space<vmem>>
        %dma_start3A_179 = arith.constant 0 : i32
        %dma_start3A_180 = tpu.memref_slice %arg3[%squeeze3A_166, %dma_start3A_179] : memref<1000000x64xf32, #tpu.memory_space<hbm>> -> memref<1x64xf32, #tpu.memory_space<hbm>>
        %dma_start3A_181 = tpu.memref_slice %arg7[%dma_start3A_172] : memref<2x!tpu.dma_semaphore, #tpu.memory_space<semaphore_mem>> -> memref<1x!tpu.dma_semaphore, #tpu.memory_space<semaphore_mem>>
        %dma_start3A_182 = tpu.memref_squeeze %dma_start3A_181 : memref<1x!tpu.dma_semaphore, #tpu.memory_space<semaphore_mem>> -> memref<!tpu.dma_semaphore, #tpu.memory_space<semaphore_mem>>
        %dma_start3A_183 = arith.constant 0 : i32
        %dma_start3A_184 = arith.constant 0 : i32
        %dma_start3A_185 = tpu.memref_slice %arg6[%dma_start3A_171, %dma_start3A_183, %dma_start3A_184] : memref<2x400x64xf32, #tpu.memory_space<vmem>> -> memref<1x400x64xf32, #tpu.memory_space<vmem>>
        %dma_start3A_186 = tpu.memref_squeeze %dma_start3A_185 : memref<1x400x64xf32, #tpu.memory_space<vmem>> -> memref<400x64xf32, #tpu.memory_space<vmem>>
        %dma_start3A_187 = arith.constant 0 : i32
        %dma_start3A_188 = tpu.memref_slice %dma_start3A_186[%add3A_170, %dma_start3A_187] : memref<400x64xf32, #tpu.memory_space<vmem>> -> memref<1x64xf32, #tpu.memory_space<vmem>>
        %dma_start3A_189 = arith.constant 0 : i32
        %dma_start3A_190 = tpu.memref_slice %arg3[%squeeze3A_166, %dma_start3A_189] : memref<1000000x64xf32, #tpu.memory_space<hbm>> -> memref<1x64xf32, #tpu.memory_space<hbm>>
        tpu.enqueue_dma source(%dma_start3A_190 : memref<1x64xf32, #tpu.memory_space<hbm>>) target(%dma_start3A_188 : memref<1x64xf32, #tpu.memory_space<vmem>>) target_semaphore(%dma_start3A_182 : memref<!tpu.dma_semaphore, #tpu.memory_space<semaphore_mem>>)
        %slice3A_191 = vector.extract_strided_slice %get3A_89 {offsets = [4], sizes = [1], strides = [1]} : vector<16xi32> to vector<1xi32>
        %squeeze3A_192 = vector.extract %slice3A_191[0] : i32 from vector<1xi32>
        %mul3A_193 = arith.constant 16 : i32
        %mul3A_194 = arith.muli %scan3A_82, %mul3A_193 : i32
        %add3A_195 = arith.constant 4 : i32
        %add3A_196 = arith.addi %mul3A_194, %add3A_195 : i32
        %dma_start3A_197 = arith.constant 0 : i32
        %dma_start3A_198 = arith.constant 0 : i32
        %dma_start3A_199 = arith.constant 0 : i32
        %dma_start3A_200 = arith.constant 0 : i32
        %dma_start3A_201 = tpu.memref_slice %arg6[%dma_start3A_197, %dma_start3A_199, %dma_start3A_200] : memref<2x400x64xf32, #tpu.memory_space<vmem>> -> memref<1x400x64xf32, #tpu.memory_space<vmem>>
        %dma_start3A_202 = tpu.memref_squeeze %dma_start3A_201 : memref<1x400x64xf32, #tpu.memory_space<vmem>> -> memref<400x64xf32, #tpu.memory_space<vmem>>
        %dma_start3A_203 = arith.constant 0 : i32
        %dma_start3A_204 = tpu.memref_slice %dma_start3A_202[%add3A_196, %dma_start3A_203] : memref<400x64xf32, #tpu.memory_space<vmem>> -> memref<1x64xf32, #tpu.memory_space<vmem>>
        %dma_start3A_205 = arith.constant 0 : i32
        %dma_start3A_206 = tpu.memref_slice %arg3[%squeeze3A_192, %dma_start3A_205] : memref<1000000x64xf32, #tpu.memory_space<hbm>> -> memref<1x64xf32, #tpu.memory_space<hbm>>
        %dma_start3A_207 = tpu.memref_slice %arg7[%dma_start3A_198] : memref<2x!tpu.dma_semaphore, #tpu.memory_space<semaphore_mem>> -> memref<1x!tpu.dma_semaphore, #tpu.memory_space<semaphore_mem>>
        %dma_start3A_208 = tpu.memref_squeeze %dma_start3A_207 : memref<1x!tpu.dma_semaphore, #tpu.memory_space<semaphore_mem>> -> memref<!tpu.dma_semaphore, #tpu.memory_space<semaphore_mem>>
        %dma_start3A_209 = arith.constant 0 : i32
        %dma_start3A_210 = arith.constant 0 : i32
        %dma_start3A_211 = tpu.memref_slice %arg6[%dma_start3A_197, %dma_start3A_209, %dma_start3A_210] : memref<2x400x64xf32, #tpu.memory_space<vmem>> -> memref<1x400x64xf32, #tpu.memory_space<vmem>>
        %dma_start3A_212 = tpu.memref_squeeze %dma_start3A_211 : memref<1x400x64xf32, #tpu.memory_space<vmem>> -> memref<400x64xf32, #tpu.memory_space<vmem>>
        %dma_start3A_213 = arith.constant 0 : i32
        %dma_start3A_214 = tpu.memref_slice %dma_start3A_212[%add3A_196, %dma_start3A_213] : memref<400x64xf32, #tpu.memory_space<vmem>> -> memref<1x64xf32, #tpu.memory_space<vmem>>
        %dma_start3A_215 = arith.constant 0 : i32
        %dma_start3A_216 = tpu.memref_slice %arg3[%squeeze3A_192, %dma_start3A_215] : memref<1000000x64xf32, #tpu.memory_space<hbm>> -> memref<1x64xf32, #tpu.memory_space<hbm>>
        tpu.enqueue_dma source(%dma_start3A_216 : memref<1x64xf32, #tpu.memory_space<hbm>>) target(%dma_start3A_214 : memref<1x64xf32, #tpu.memory_space<vmem>>) target_semaphore(%dma_start3A_208 : memref<!tpu.dma_semaphore, #tpu.memory_space<semaphore_mem>>)
        %slice3A_217 = vector.extract_strided_slice %get3A_89 {offsets = [5], sizes = [1], strides = [1]} : vector<16xi32> to vector<1xi32>
        %squeeze3A_218 = vector.extract %slice3A_217[0] : i32 from vector<1xi32>
        %mul3A_219 = arith.constant 16 : i32
        %mul3A_220 = arith.muli %scan3A_82, %mul3A_219 : i32
        %add3A_221 = arith.constant 5 : i32
        %add3A_222 = arith.addi %mul3A_220, %add3A_221 : i32
        %dma_start3A_223 = arith.constant 0 : i32
        %dma_start3A_224 = arith.constant 0 : i32
        %dma_start3A_225 = arith.constant 0 : i32
        %dma_start3A_226 = arith.constant 0 : i32
        %dma_start3A_227 = tpu.memref_slice %arg6[%dma_start3A_223, %dma_start3A_225, %dma_start3A_226] : memref<2x400x64xf32, #tpu.memory_space<vmem>> -> memref<1x400x64xf32, #tpu.memory_space<vmem>>
        %dma_start3A_228 = tpu.memref_squeeze %dma_start3A_227 : memref<1x400x64xf32, #tpu.memory_space<vmem>> -> memref<400x64xf32, #tpu.memory_space<vmem>>
        %dma_start3A_229 = arith.constant 0 : i32
        %dma_start3A_230 = tpu.memref_slice %dma_start3A_228[%add3A_222, %dma_start3A_229] : memref<400x64xf32, #tpu.memory_space<vmem>> -> memref<1x64xf32, #tpu.memory_space<vmem>>
        %dma_start3A_231 = arith.constant 0 : i32
        %dma_start3A_232 = tpu.memref_slice %arg3[%squeeze3A_218, %dma_start3A_231] : memref<1000000x64xf32, #tpu.memory_space<hbm>> -> memref<1x64xf32, #tpu.memory_space<hbm>>
        %dma_start3A_233 = tpu.memref_slice %arg7[%dma_start3A_224] : memref<2x!tpu.dma_semaphore, #tpu.memory_space<semaphore_mem>> -> memref<1x!tpu.dma_semaphore, #tpu.memory_space<semaphore_mem>>
        %dma_start3A_234 = tpu.memref_squeeze %dma_start3A_233 : memref<1x!tpu.dma_semaphore, #tpu.memory_space<semaphore_mem>> -> memref<!tpu.dma_semaphore, #tpu.memory_space<semaphore_mem>>
        %dma_start3A_235 = arith.constant 0 : i32
        %dma_start3A_236 = arith.constant 0 : i32
        %dma_start3A_237 = tpu.memref_slice %arg6[%dma_start3A_223, %dma_start3A_235, %dma_start3A_236] : memref<2x400x64xf32, #tpu.memory_space<vmem>> -> memref<1x400x64xf32, #tpu.memory_space<vmem>>
        %dma_start3A_238 = tpu.memref_squeeze %dma_start3A_237 : memref<1x400x64xf32, #tpu.memory_space<vmem>> -> memref<400x64xf32, #tpu.memory_space<vmem>>
        %dma_start3A_239 = arith.constant 0 : i32
        %dma_start3A_240 = tpu.memref_slice %dma_start3A_238[%add3A_222, %dma_start3A_239] : memref<400x64xf32, #tpu.memory_space<vmem>> -> memref<1x64xf32, #tpu.memory_space<vmem>>
        %dma_start3A_241 = arith.constant 0 : i32
        %dma_start3A_242 = tpu.memref_slice %arg3[%squeeze3A_218, %dma_start3A_241] : memref<1000000x64xf32, #tpu.memory_space<hbm>> -> memref<1x64xf32, #tpu.memory_space<hbm>>
        tpu.enqueue_dma source(%dma_start3A_242 : memref<1x64xf32, #tpu.memory_space<hbm>>) target(%dma_start3A_240 : memref<1x64xf32, #tpu.memory_space<vmem>>) target_semaphore(%dma_start3A_234 : memref<!tpu.dma_semaphore, #tpu.memory_space<semaphore_mem>>)
        %slice3A_243 = vector.extract_strided_slice %get3A_89 {offsets = [6], sizes = [1], strides = [1]} : vector<16xi32> to vector<1xi32>
        %squeeze3A_244 = vector.extract %slice3A_243[0] : i32 from vector<1xi32>
        %mul3A_245 = arith.constant 16 : i32
        %mul3A_246 = arith.muli %scan3A_82, %mul3A_245 : i32
        %add3A_247 = arith.constant 6 : i32
        %add3A_248 = arith.addi %mul3A_246, %add3A_247 : i32
        %dma_start3A_249 = arith.constant 0 : i32
        %dma_start3A_250 = arith.constant 0 : i32
        %dma_start3A_251 = arith.constant 0 : i32
        %dma_start3A_252 = arith.constant 0 : i32
        %dma_start3A_253 = tpu.memref_slice %arg6[%dma_start3A_249, %dma_start3A_251, %dma_start3A_252] : memref<2x400x64xf32, #tpu.memory_space<vmem>> -> memref<1x400x64xf32, #tpu.memory_space<vmem>>
        %dma_start3A_254 = tpu.memref_squeeze %dma_start3A_253 : memref<1x400x64xf32, #tpu.memory_space<vmem>> -> memref<400x64xf32, #tpu.memory_space<vmem>>
        %dma_start3A_255 = arith.constant 0 : i32
        %dma_start3A_256 = tpu.memref_slice %dma_start3A_254[%add3A_248, %dma_start3A_255] : memref<400x64xf32, #tpu.memory_space<vmem>> -> memref<1x64xf32, #tpu.memory_space<vmem>>
        %dma_start3A_257 = arith.constant 0 : i32
        %dma_start3A_258 = tpu.memref_slice %arg3[%squeeze3A_244, %dma_start3A_257] : memref<1000000x64xf32, #tpu.memory_space<hbm>> -> memref<1x64xf32, #tpu.memory_space<hbm>>
        %dma_start3A_259 = tpu.memref_slice %arg7[%dma_start3A_250] : memref<2x!tpu.dma_semaphore, #tpu.memory_space<semaphore_mem>> -> memref<1x!tpu.dma_semaphore, #tpu.memory_space<semaphore_mem>>
        %dma_start3A_260 = tpu.memref_squeeze %dma_start3A_259 : memref<1x!tpu.dma_semaphore, #tpu.memory_space<semaphore_mem>> -> memref<!tpu.dma_semaphore, #tpu.memory_space<semaphore_mem>>
        %dma_start3A_261 = arith.constant 0 : i32
        %dma_start3A_262 = arith.constant 0 : i32
        %dma_start3A_263 = tpu.memref_slice %arg6[%dma_start3A_249, %dma_start3A_261, %dma_start3A_262] : memref<2x400x64xf32, #tpu.memory_space<vmem>> -> memref<1x400x64xf32, #tpu.memory_space<vmem>>
        %dma_start3A_264 = tpu.memref_squeeze %dma_start3A_263 : memref<1x400x64xf32, #tpu.memory_space<vmem>> -> memref<400x64xf32, #tpu.memory_space<vmem>>
        %dma_start3A_265 = arith.constant 0 : i32
        %dma_start3A_266 = tpu.memref_slice %dma_start3A_264[%add3A_248, %dma_start3A_265] : memref<400x64xf32, #tpu.memory_space<vmem>> -> memref<1x64xf32, #tpu.memory_space<vmem>>
        %dma_start3A_267 = arith.constant 0 : i32
        %dma_start3A_268 = tpu.memref_slice %arg3[%squeeze3A_244, %dma_start3A_267] : memref<1000000x64xf32, #tpu.memory_space<hbm>> -> memref<1x64xf32, #tpu.memory_space<hbm>>
        tpu.enqueue_dma source(%dma_start3A_268 : memref<1x64xf32, #tpu.memory_space<hbm>>) target(%dma_start3A_266 : memref<1x64xf32, #tpu.memory_space<vmem>>) target_semaphore(%dma_start3A_260 : memref<!tpu.dma_semaphore, #tpu.memory_space<semaphore_mem>>)
        %slice3A_269 = vector.extract_strided_slice %get3A_89 {offsets = [7], sizes = [1], strides = [1]} : vector<16xi32> to vector<1xi32>
        %squeeze3A_270 = vector.extract %slice3A_269[0] : i32 from vector<1xi32>
        %mul3A_271 = arith.constant 16 : i32
        %mul3A_272 = arith.muli %scan3A_82, %mul3A_271 : i32
        %add3A_273 = arith.constant 7 : i32
        %add3A_274 = arith.addi %mul3A_272, %add3A_273 : i32
        %dma_start3A_275 = arith.constant 0 : i32
        %dma_start3A_276 = arith.constant 0 : i32
        %dma_start3A_277 = arith.constant 0 : i32
        %dma_start3A_278 = arith.constant 0 : i32
        %dma_start3A_279 = tpu.memref_slice %arg6[%dma_start3A_275, %dma_start3A_277, %dma_start3A_278] : memref<2x400x64xf32, #tpu.memory_space<vmem>> -> memref<1x400x64xf32, #tpu.memory_space<vmem>>
        %dma_start3A_280 = tpu.memref_squeeze %dma_start3A_279 : memref<1x400x64xf32, #tpu.memory_space<vmem>> -> memref<400x64xf32, #tpu.memory_space<vmem>>
        %dma_start3A_281 = arith.constant 0 : i32
        %dma_start3A_282 = tpu.memref_slice %dma_start3A_280[%add3A_274, %dma_start3A_281] : memref<400x64xf32, #tpu.memory_space<vmem>> -> memref<1x64xf32, #tpu.memory_space<vmem>>
        %dma_start3A_283 = arith.constant 0 : i32
        %dma_start3A_284 = tpu.memref_slice %arg3[%squeeze3A_270, %dma_start3A_283] : memref<1000000x64xf32, #tpu.memory_space<hbm>> -> memref<1x64xf32, #tpu.memory_space<hbm>>
        %dma_start3A_285 = tpu.memref_slice %arg7[%dma_start3A_276] : memref<2x!tpu.dma_semaphore, #tpu.memory_space<semaphore_mem>> -> memref<1x!tpu.dma_semaphore, #tpu.memory_space<semaphore_mem>>
        %dma_start3A_286 = tpu.memref_squeeze %dma_start3A_285 : memref<1x!tpu.dma_semaphore, #tpu.memory_space<semaphore_mem>> -> memref<!tpu.dma_semaphore, #tpu.memory_space<semaphore_mem>>
        %dma_start3A_287 = arith.constant 0 : i32
        %dma_start3A_288 = arith.constant 0 : i32
        %dma_start3A_289 = tpu.memref_slice %arg6[%dma_start3A_275, %dma_start3A_287, %dma_start3A_288] : memref<2x400x64xf32, #tpu.memory_space<vmem>> -> memref<1x400x64xf32, #tpu.memory_space<vmem>>
        %dma_start3A_290 = tpu.memref_squeeze %dma_start3A_289 : memref<1x400x64xf32, #tpu.memory_space<vmem>> -> memref<400x64xf32, #tpu.memory_space<vmem>>
        %dma_start3A_291 = arith.constant 0 : i32
        %dma_start3A_292 = tpu.memref_slice %dma_start3A_290[%add3A_274, %dma_start3A_291] : memref<400x64xf32, #tpu.memory_space<vmem>> -> memref<1x64xf32, #tpu.memory_space<vmem>>
        %dma_start3A_293 = arith.constant 0 : i32
        %dma_start3A_294 = tpu.memref_slice %arg3[%squeeze3A_270, %dma_start3A_293] : memref<1000000x64xf32, #tpu.memory_space<hbm>> -> memref<1x64xf32, #tpu.memory_space<hbm>>
        tpu.enqueue_dma source(%dma_start3A_294 : memref<1x64xf32, #tpu.memory_space<hbm>>) target(%dma_start3A_292 : memref<1x64xf32, #tpu.memory_space<vmem>>) target_semaphore(%dma_start3A_286 : memref<!tpu.dma_semaphore, #tpu.memory_space<semaphore_mem>>)
        %slice3A_295 = vector.extract_strided_slice %get3A_89 {offsets = [8], sizes = [1], strides = [1]} : vector<16xi32> to vector<1xi32>
        %squeeze3A_296 = vector.extract %slice3A_295[0] : i32 from vector<1xi32>
        %mul3A_297 = arith.constant 16 : i32
        %mul3A_298 = arith.muli %scan3A_82, %mul3A_297 : i32
        %add3A_299 = arith.constant 8 : i32
        %add3A_300 = arith.addi %mul3A_298, %add3A_299 : i32
        %dma_start3A_301 = arith.constant 0 : i32
        %dma_start3A_302 = arith.constant 0 : i32
        %dma_start3A_303 = arith.constant 0 : i32
        %dma_start3A_304 = arith.constant 0 : i32
        %dma_start3A_305 = tpu.memref_slice %arg6[%dma_start3A_301, %dma_start3A_303, %dma_start3A_304] : memref<2x400x64xf32, #tpu.memory_space<vmem>> -> memref<1x400x64xf32, #tpu.memory_space<vmem>>
        %dma_start3A_306 = tpu.memref_squeeze %dma_start3A_305 : memref<1x400x64xf32, #tpu.memory_space<vmem>> -> memref<400x64xf32, #tpu.memory_space<vmem>>
        %dma_start3A_307 = arith.constant 0 : i32
        %dma_start3A_308 = tpu.memref_slice %dma_start3A_306[%add3A_300, %dma_start3A_307] : memref<400x64xf32, #tpu.memory_space<vmem>> -> memref<1x64xf32, #tpu.memory_space<vmem>>
        %dma_start3A_309 = arith.constant 0 : i32
        %dma_start3A_310 = tpu.memref_slice %arg3[%squeeze3A_296, %dma_start3A_309] : memref<1000000x64xf32, #tpu.memory_space<hbm>> -> memref<1x64xf32, #tpu.memory_space<hbm>>
        %dma_start3A_311 = tpu.memref_slice %arg7[%dma_start3A_302] : memref<2x!tpu.dma_semaphore, #tpu.memory_space<semaphore_mem>> -> memref<1x!tpu.dma_semaphore, #tpu.memory_space<semaphore_mem>>
        %dma_start3A_312 = tpu.memref_squeeze %dma_start3A_311 : memref<1x!tpu.dma_semaphore, #tpu.memory_space<semaphore_mem>> -> memref<!tpu.dma_semaphore, #tpu.memory_space<semaphore_mem>>
        %dma_start3A_313 = arith.constant 0 : i32
        %dma_start3A_314 = arith.constant 0 : i32
        %dma_start3A_315 = tpu.memref_slice %arg6[%dma_start3A_301, %dma_start3A_313, %dma_start3A_314] : memref<2x400x64xf32, #tpu.memory_space<vmem>> -> memref<1x400x64xf32, #tpu.memory_space<vmem>>
        %dma_start3A_316 = tpu.memref_squeeze %dma_start3A_315 : memref<1x400x64xf32, #tpu.memory_space<vmem>> -> memref<400x64xf32, #tpu.memory_space<vmem>>
        %dma_start3A_317 = arith.constant 0 : i32
        %dma_start3A_318 = tpu.memref_slice %dma_start3A_316[%add3A_300, %dma_start3A_317] : memref<400x64xf32, #tpu.memory_space<vmem>> -> memref<1x64xf32, #tpu.memory_space<vmem>>
        %dma_start3A_319 = arith.constant 0 : i32
        %dma_start3A_320 = tpu.memref_slice %arg3[%squeeze3A_296, %dma_start3A_319] : memref<1000000x64xf32, #tpu.memory_space<hbm>> -> memref<1x64xf32, #tpu.memory_space<hbm>>
        tpu.enqueue_dma source(%dma_start3A_320 : memref<1x64xf32, #tpu.memory_space<hbm>>) target(%dma_start3A_318 : memref<1x64xf32, #tpu.memory_space<vmem>>) target_semaphore(%dma_start3A_312 : memref<!tpu.dma_semaphore, #tpu.memory_space<semaphore_mem>>)
        %slice3A_321 = vector.extract_strided_slice %get3A_89 {offsets = [9], sizes = [1], strides = [1]} : vector<16xi32> to vector<1xi32>
        %squeeze3A_322 = vector.extract %slice3A_321[0] : i32 from vector<1xi32>
        %mul3A_323 = arith.constant 16 : i32
        %mul3A_324 = arith.muli %scan3A_82, %mul3A_323 : i32
        %add3A_325 = arith.constant 9 : i32
        %add3A_326 = arith.addi %mul3A_324, %add3A_325 : i32
        %dma_start3A_327 = arith.constant 0 : i32
        %dma_start3A_328 = arith.constant 0 : i32
        %dma_start3A_329 = arith.constant 0 : i32
        %dma_start3A_330 = arith.constant 0 : i32
        %dma_start3A_331 = tpu.memref_slice %arg6[%dma_start3A_327, %dma_start3A_329, %dma_start3A_330] : memref<2x400x64xf32, #tpu.memory_space<vmem>> -> memref<1x400x64xf32, #tpu.memory_space<vmem>>
        %dma_start3A_332 = tpu.memref_squeeze %dma_start3A_331 : memref<1x400x64xf32, #tpu.memory_space<vmem>> -> memref<400x64xf32, #tpu.memory_space<vmem>>
        %dma_start3A_333 = arith.constant 0 : i32
        %dma_start3A_334 = tpu.memref_slice %dma_start3A_332[%add3A_326, %dma_start3A_333] : memref<400x64xf32, #tpu.memory_space<vmem>> -> memref<1x64xf32, #tpu.memory_space<vmem>>
        %dma_start3A_335 = arith.constant 0 : i32
        %dma_start3A_336 = tpu.memref_slice %arg3[%squeeze3A_322, %dma_start3A_335] : memref<1000000x64xf32, #tpu.memory_space<hbm>> -> memref<1x64xf32, #tpu.memory_space<hbm>>
        %dma_start3A_337 = tpu.memref_slice %arg7[%dma_start3A_328] : memref<2x!tpu.dma_semaphore, #tpu.memory_space<semaphore_mem>> -> memref<1x!tpu.dma_semaphore, #tpu.memory_space<semaphore_mem>>
        %dma_start3A_338 = tpu.memref_squeeze %dma_start3A_337 : memref<1x!tpu.dma_semaphore, #tpu.memory_space<semaphore_mem>> -> memref<!tpu.dma_semaphore, #tpu.memory_space<semaphore_mem>>
        %dma_start3A_339 = arith.constant 0 : i32
        %dma_start3A_340 = arith.constant 0 : i32
        %dma_start3A_341 = tpu.memref_slice %arg6[%dma_start3A_327, %dma_start3A_339, %dma_start3A_340] : memref<2x400x64xf32, #tpu.memory_space<vmem>> -> memref<1x400x64xf32, #tpu.memory_space<vmem>>
        %dma_start3A_342 = tpu.memref_squeeze %dma_start3A_341 : memref<1x400x64xf32, #tpu.memory_space<vmem>> -> memref<400x64xf32, #tpu.memory_space<vmem>>
        %dma_start3A_343 = arith.constant 0 : i32
        %dma_start3A_344 = tpu.memref_slice %dma_start3A_342[%add3A_326, %dma_start3A_343] : memref<400x64xf32, #tpu.memory_space<vmem>> -> memref<1x64xf32, #tpu.memory_space<vmem>>
        %dma_start3A_345 = arith.constant 0 : i32
        %dma_start3A_346 = tpu.memref_slice %arg3[%squeeze3A_322, %dma_start3A_345] : memref<1000000x64xf32, #tpu.memory_space<hbm>> -> memref<1x64xf32, #tpu.memory_space<hbm>>
        tpu.enqueue_dma source(%dma_start3A_346 : memref<1x64xf32, #tpu.memory_space<hbm>>) target(%dma_start3A_344 : memref<1x64xf32, #tpu.memory_space<vmem>>) target_semaphore(%dma_start3A_338 : memref<!tpu.dma_semaphore, #tpu.memory_space<semaphore_mem>>)
        %slice3A_347 = vector.extract_strided_slice %get3A_89 {offsets = [10], sizes = [1], strides = [1]} : vector<16xi32> to vector<1xi32>
        %squeeze3A_348 = vector.extract %slice3A_347[0] : i32 from vector<1xi32>
        %mul3A_349 = arith.constant 16 : i32
        %mul3A_350 = arith.muli %scan3A_82, %mul3A_349 : i32
        %add3A_351 = arith.constant 10 : i32
        %add3A_352 = arith.addi %mul3A_350, %add3A_351 : i32
        %dma_start3A_353 = arith.constant 0 : i32
        %dma_start3A_354 = arith.constant 0 : i32
        %dma_start3A_355 = arith.constant 0 : i32
        %dma_start3A_356 = arith.constant 0 : i32
        %dma_start3A_357 = tpu.memref_slice %arg6[%dma_start3A_353, %dma_start3A_355, %dma_start3A_356] : memref<2x400x64xf32, #tpu.memory_space<vmem>> -> memref<1x400x64xf32, #tpu.memory_space<vmem>>
        %dma_start3A_358 = tpu.memref_squeeze %dma_start3A_357 : memref<1x400x64xf32, #tpu.memory_space<vmem>> -> memref<400x64xf32, #tpu.memory_space<vmem>>
        %dma_start3A_359 = arith.constant 0 : i32
        %dma_start3A_360 = tpu.memref_slice %dma_start3A_358[%add3A_352, %dma_start3A_359] : memref<400x64xf32, #tpu.memory_space<vmem>> -> memref<1x64xf32, #tpu.memory_space<vmem>>
        %dma_start3A_361 = arith.constant 0 : i32
        %dma_start3A_362 = tpu.memref_slice %arg3[%squeeze3A_348, %dma_start3A_361] : memref<1000000x64xf32, #tpu.memory_space<hbm>> -> memref<1x64xf32, #tpu.memory_space<hbm>>
        %dma_start3A_363 = tpu.memref_slice %arg7[%dma_start3A_354] : memref<2x!tpu.dma_semaphore, #tpu.memory_space<semaphore_mem>> -> memref<1x!tpu.dma_semaphore, #tpu.memory_space<semaphore_mem>>
        %dma_start3A_364 = tpu.memref_squeeze %dma_start3A_363 : memref<1x!tpu.dma_semaphore, #tpu.memory_space<semaphore_mem>> -> memref<!tpu.dma_semaphore, #tpu.memory_space<semaphore_mem>>
        %dma_start3A_365 = arith.constant 0 : i32
        %dma_start3A_366 = arith.constant 0 : i32
        %dma_start3A_367 = tpu.memref_slice %arg6[%dma_start3A_353, %dma_start3A_365, %dma_start3A_366] : memref<2x400x64xf32, #tpu.memory_space<vmem>> -> memref<1x400x64xf32, #tpu.memory_space<vmem>>
        %dma_start3A_368 = tpu.memref_squeeze %dma_start3A_367 : memref<1x400x64xf32, #tpu.memory_space<vmem>> -> memref<400x64xf32, #tpu.memory_space<vmem>>
        %dma_start3A_369 = arith.constant 0 : i32
        %dma_start3A_370 = tpu.memref_slice %dma_start3A_368[%add3A_352, %dma_start3A_369] : memref<400x64xf32, #tpu.memory_space<vmem>> -> memref<1x64xf32, #tpu.memory_space<vmem>>
        %dma_start3A_371 = arith.constant 0 : i32
        %dma_start3A_372 = tpu.memref_slice %arg3[%squeeze3A_348, %dma_start3A_371] : memref<1000000x64xf32, #tpu.memory_space<hbm>> -> memref<1x64xf32, #tpu.memory_space<hbm>>
        tpu.enqueue_dma source(%dma_start3A_372 : memref<1x64xf32, #tpu.memory_space<hbm>>) target(%dma_start3A_370 : memref<1x64xf32, #tpu.memory_space<vmem>>) target_semaphore(%dma_start3A_364 : memref<!tpu.dma_semaphore, #tpu.memory_space<semaphore_mem>>)
        %slice3A_373 = vector.extract_strided_slice %get3A_89 {offsets = [11], sizes = [1], strides = [1]} : vector<16xi32> to vector<1xi32>
        %squeeze3A_374 = vector.extract %slice3A_373[0] : i32 from vector<1xi32>
        %mul3A_375 = arith.constant 16 : i32
        %mul3A_376 = arith.muli %scan3A_82, %mul3A_375 : i32
        %add3A_377 = arith.constant 11 : i32
        %add3A_378 = arith.addi %mul3A_376, %add3A_377 : i32
        %dma_start3A_379 = arith.constant 0 : i32
        %dma_start3A_380 = arith.constant 0 : i32
        %dma_start3A_381 = arith.constant 0 : i32
        %dma_start3A_382 = arith.constant 0 : i32
        %dma_start3A_383 = tpu.memref_slice %arg6[%dma_start3A_379, %dma_start3A_381, %dma_start3A_382] : memref<2x400x64xf32, #tpu.memory_space<vmem>> -> memref<1x400x64xf32, #tpu.memory_space<vmem>>
        %dma_start3A_384 = tpu.memref_squeeze %dma_start3A_383 : memref<1x400x64xf32, #tpu.memory_space<vmem>> -> memref<400x64xf32, #tpu.memory_space<vmem>>
        %dma_start3A_385 = arith.constant 0 : i32
        %dma_start3A_386 = tpu.memref_slice %dma_start3A_384[%add3A_378, %dma_start3A_385] : memref<400x64xf32, #tpu.memory_space<vmem>> -> memref<1x64xf32, #tpu.memory_space<vmem>>
        %dma_start3A_387 = arith.constant 0 : i32
        %dma_start3A_388 = tpu.memref_slice %arg3[%squeeze3A_374, %dma_start3A_387] : memref<1000000x64xf32, #tpu.memory_space<hbm>> -> memref<1x64xf32, #tpu.memory_space<hbm>>
        %dma_start3A_389 = tpu.memref_slice %arg7[%dma_start3A_380] : memref<2x!tpu.dma_semaphore, #tpu.memory_space<semaphore_mem>> -> memref<1x!tpu.dma_semaphore, #tpu.memory_space<semaphore_mem>>
        %dma_start3A_390 = tpu.memref_squeeze %dma_start3A_389 : memref<1x!tpu.dma_semaphore, #tpu.memory_space<semaphore_mem>> -> memref<!tpu.dma_semaphore, #tpu.memory_space<semaphore_mem>>
        %dma_start3A_391 = arith.constant 0 : i32
        %dma_start3A_392 = arith.constant 0 : i32
        %dma_start3A_393 = tpu.memref_slice %arg6[%dma_start3A_379, %dma_start3A_391, %dma_start3A_392] : memref<2x400x64xf32, #tpu.memory_space<vmem>> -> memref<1x400x64xf32, #tpu.memory_space<vmem>>
        %dma_start3A_394 = tpu.memref_squeeze %dma_start3A_393 : memref<1x400x64xf32, #tpu.memory_space<vmem>> -> memref<400x64xf32, #tpu.memory_space<vmem>>
        %dma_start3A_395 = arith.constant 0 : i32
        %dma_start3A_396 = tpu.memref_slice %dma_start3A_394[%add3A_378, %dma_start3A_395] : memref<400x64xf32, #tpu.memory_space<vmem>> -> memref<1x64xf32, #tpu.memory_space<vmem>>
        %dma_start3A_397 = arith.constant 0 : i32
        %dma_start3A_398 = tpu.memref_slice %arg3[%squeeze3A_374, %dma_start3A_397] : memref<1000000x64xf32, #tpu.memory_space<hbm>> -> memref<1x64xf32, #tpu.memory_space<hbm>>
        tpu.enqueue_dma source(%dma_start3A_398 : memref<1x64xf32, #tpu.memory_space<hbm>>) target(%dma_start3A_396 : memref<1x64xf32, #tpu.memory_space<vmem>>) target_semaphore(%dma_start3A_390 : memref<!tpu.dma_semaphore, #tpu.memory_space<semaphore_mem>>)
        %slice3A_399 = vector.extract_strided_slice %get3A_89 {offsets = [12], sizes = [1], strides = [1]} : vector<16xi32> to vector<1xi32>
        %squeeze3A_400 = vector.extract %slice3A_399[0] : i32 from vector<1xi32>
        %mul3A_401 = arith.constant 16 : i32
        %mul3A_402 = arith.muli %scan3A_82, %mul3A_401 : i32
        %add3A_403 = arith.constant 12 : i32
        %add3A_404 = arith.addi %mul3A_402, %add3A_403 : i32
        %dma_start3A_405 = arith.constant 0 : i32
        %dma_start3A_406 = arith.constant 0 : i32
        %dma_start3A_407 = arith.constant 0 : i32
        %dma_start3A_408 = arith.constant 0 : i32
        %dma_start3A_409 = tpu.memref_slice %arg6[%dma_start3A_405, %dma_start3A_407, %dma_start3A_408] : memref<2x400x64xf32, #tpu.memory_space<vmem>> -> memref<1x400x64xf32, #tpu.memory_space<vmem>>
        %dma_start3A_410 = tpu.memref_squeeze %dma_start3A_409 : memref<1x400x64xf32, #tpu.memory_space<vmem>> -> memref<400x64xf32, #tpu.memory_space<vmem>>
        %dma_start3A_411 = arith.constant 0 : i32
        %dma_start3A_412 = tpu.memref_slice %dma_start3A_410[%add3A_404, %dma_start3A_411] : memref<400x64xf32, #tpu.memory_space<vmem>> -> memref<1x64xf32, #tpu.memory_space<vmem>>
        %dma_start3A_413 = arith.constant 0 : i32
        %dma_start3A_414 = tpu.memref_slice %arg3[%squeeze3A_400, %dma_start3A_413] : memref<1000000x64xf32, #tpu.memory_space<hbm>> -> memref<1x64xf32, #tpu.memory_space<hbm>>
        %dma_start3A_415 = tpu.memref_slice %arg7[%dma_start3A_406] : memref<2x!tpu.dma_semaphore, #tpu.memory_space<semaphore_mem>> -> memref<1x!tpu.dma_semaphore, #tpu.memory_space<semaphore_mem>>
        %dma_start3A_416 = tpu.memref_squeeze %dma_start3A_415 : memref<1x!tpu.dma_semaphore, #tpu.memory_space<semaphore_mem>> -> memref<!tpu.dma_semaphore, #tpu.memory_space<semaphore_mem>>
        %dma_start3A_417 = arith.constant 0 : i32
        %dma_start3A_418 = arith.constant 0 : i32
        %dma_start3A_419 = tpu.memref_slice %arg6[%dma_start3A_405, %dma_start3A_417, %dma_start3A_418] : memref<2x400x64xf32, #tpu.memory_space<vmem>> -> memref<1x400x64xf32, #tpu.memory_space<vmem>>
        %dma_start3A_420 = tpu.memref_squeeze %dma_start3A_419 : memref<1x400x64xf32, #tpu.memory_space<vmem>> -> memref<400x64xf32, #tpu.memory_space<vmem>>
        %dma_start3A_421 = arith.constant 0 : i32
        %dma_start3A_422 = tpu.memref_slice %dma_start3A_420[%add3A_404, %dma_start3A_421] : memref<400x64xf32, #tpu.memory_space<vmem>> -> memref<1x64xf32, #tpu.memory_space<vmem>>
        %dma_start3A_423 = arith.constant 0 : i32
        %dma_start3A_424 = tpu.memref_slice %arg3[%squeeze3A_400, %dma_start3A_423] : memref<1000000x64xf32, #tpu.memory_space<hbm>> -> memref<1x64xf32, #tpu.memory_space<hbm>>
        tpu.enqueue_dma source(%dma_start3A_424 : memref<1x64xf32, #tpu.memory_space<hbm>>) target(%dma_start3A_422 : memref<1x64xf32, #tpu.memory_space<vmem>>) target_semaphore(%dma_start3A_416 : memref<!tpu.dma_semaphore, #tpu.memory_space<semaphore_mem>>)
        %slice3A_425 = vector.extract_strided_slice %get3A_89 {offsets = [13], sizes = [1], strides = [1]} : vector<16xi32> to vector<1xi32>
        %squeeze3A_426 = vector.extract %slice3A_425[0] : i32 from vector<1xi32>
        %mul3A_427 = arith.constant 16 : i32
        %mul3A_428 = arith.muli %scan3A_82, %mul3A_427 : i32
        %add3A_429 = arith.constant 13 : i32
        %add3A_430 = arith.addi %mul3A_428, %add3A_429 : i32
        %dma_start3A_431 = arith.constant 0 : i32
        %dma_start3A_432 = arith.constant 0 : i32
        %dma_start3A_433 = arith.constant 0 : i32
        %dma_start3A_434 = arith.constant 0 : i32
        %dma_start3A_435 = tpu.memref_slice %arg6[%dma_start3A_431, %dma_start3A_433, %dma_start3A_434] : memref<2x400x64xf32, #tpu.memory_space<vmem>> -> memref<1x400x64xf32, #tpu.memory_space<vmem>>
        %dma_start3A_436 = tpu.memref_squeeze %dma_start3A_435 : memref<1x400x64xf32, #tpu.memory_space<vmem>> -> memref<400x64xf32, #tpu.memory_space<vmem>>
        %dma_start3A_437 = arith.constant 0 : i32
        %dma_start3A_438 = tpu.memref_slice %dma_start3A_436[%add3A_430, %dma_start3A_437] : memref<400x64xf32, #tpu.memory_space<vmem>> -> memref<1x64xf32, #tpu.memory_space<vmem>>
        %dma_start3A_439 = arith.constant 0 : i32
        %dma_start3A_440 = tpu.memref_slice %arg3[%squeeze3A_426, %dma_start3A_439] : memref<1000000x64xf32, #tpu.memory_space<hbm>> -> memref<1x64xf32, #tpu.memory_space<hbm>>
        %dma_start3A_441 = tpu.memref_slice %arg7[%dma_start3A_432] : memref<2x!tpu.dma_semaphore, #tpu.memory_space<semaphore_mem>> -> memref<1x!tpu.dma_semaphore, #tpu.memory_space<semaphore_mem>>
        %dma_start3A_442 = tpu.memref_squeeze %dma_start3A_441 : memref<1x!tpu.dma_semaphore, #tpu.memory_space<semaphore_mem>> -> memref<!tpu.dma_semaphore, #tpu.memory_space<semaphore_mem>>
        %dma_start3A_443 = arith.constant 0 : i32
        %dma_start3A_444 = arith.constant 0 : i32
        %dma_start3A_445 = tpu.memref_slice %arg6[%dma_start3A_431, %dma_start3A_443, %dma_start3A_444] : memref<2x400x64xf32, #tpu.memory_space<vmem>> -> memref<1x400x64xf32, #tpu.memory_space<vmem>>
        %dma_start3A_446 = tpu.memref_squeeze %dma_start3A_445 : memref<1x400x64xf32, #tpu.memory_space<vmem>> -> memref<400x64xf32, #tpu.memory_space<vmem>>
        %dma_start3A_447 = arith.constant 0 : i32
        %dma_start3A_448 = tpu.memref_slice %dma_start3A_446[%add3A_430, %dma_start3A_447] : memref<400x64xf32, #tpu.memory_space<vmem>> -> memref<1x64xf32, #tpu.memory_space<vmem>>
        %dma_start3A_449 = arith.constant 0 : i32
        %dma_start3A_450 = tpu.memref_slice %arg3[%squeeze3A_426, %dma_start3A_449] : memref<1000000x64xf32, #tpu.memory_space<hbm>> -> memref<1x64xf32, #tpu.memory_space<hbm>>
        tpu.enqueue_dma source(%dma_start3A_450 : memref<1x64xf32, #tpu.memory_space<hbm>>) target(%dma_start3A_448 : memref<1x64xf32, #tpu.memory_space<vmem>>) target_semaphore(%dma_start3A_442 : memref<!tpu.dma_semaphore, #tpu.memory_space<semaphore_mem>>)
        %slice3A_451 = vector.extract_strided_slice %get3A_89 {offsets = [14], sizes = [1], strides = [1]} : vector<16xi32> to vector<1xi32>
        %squeeze3A_452 = vector.extract %slice3A_451[0] : i32 from vector<1xi32>
        %mul3A_453 = arith.constant 16 : i32
        %mul3A_454 = arith.muli %scan3A_82, %mul3A_453 : i32
        %add3A_455 = arith.constant 14 : i32
        %add3A_456 = arith.addi %mul3A_454, %add3A_455 : i32
        %dma_start3A_457 = arith.constant 0 : i32
        %dma_start3A_458 = arith.constant 0 : i32
        %dma_start3A_459 = arith.constant 0 : i32
        %dma_start3A_460 = arith.constant 0 : i32
        %dma_start3A_461 = tpu.memref_slice %arg6[%dma_start3A_457, %dma_start3A_459, %dma_start3A_460] : memref<2x400x64xf32, #tpu.memory_space<vmem>> -> memref<1x400x64xf32, #tpu.memory_space<vmem>>
        %dma_start3A_462 = tpu.memref_squeeze %dma_start3A_461 : memref<1x400x64xf32, #tpu.memory_space<vmem>> -> memref<400x64xf32, #tpu.memory_space<vmem>>
        %dma_start3A_463 = arith.constant 0 : i32
        %dma_start3A_464 = tpu.memref_slice %dma_start3A_462[%add3A_456, %dma_start3A_463] : memref<400x64xf32, #tpu.memory_space<vmem>> -> memref<1x64xf32, #tpu.memory_space<vmem>>
        %dma_start3A_465 = arith.constant 0 : i32
        %dma_start3A_466 = tpu.memref_slice %arg3[%squeeze3A_452, %dma_start3A_465] : memref<1000000x64xf32, #tpu.memory_space<hbm>> -> memref<1x64xf32, #tpu.memory_space<hbm>>
        %dma_start3A_467 = tpu.memref_slice %arg7[%dma_start3A_458] : memref<2x!tpu.dma_semaphore, #tpu.memory_space<semaphore_mem>> -> memref<1x!tpu.dma_semaphore, #tpu.memory_space<semaphore_mem>>
        %dma_start3A_468 = tpu.memref_squeeze %dma_start3A_467 : memref<1x!tpu.dma_semaphore, #tpu.memory_space<semaphore_mem>> -> memref<!tpu.dma_semaphore, #tpu.memory_space<semaphore_mem>>
        %dma_start3A_469 = arith.constant 0 : i32
        %dma_start3A_470 = arith.constant 0 : i32
        %dma_start3A_471 = tpu.memref_slice %arg6[%dma_start3A_457, %dma_start3A_469, %dma_start3A_470] : memref<2x400x64xf32, #tpu.memory_space<vmem>> -> memref<1x400x64xf32, #tpu.memory_space<vmem>>
        %dma_start3A_472 = tpu.memref_squeeze %dma_start3A_471 : memref<1x400x64xf32, #tpu.memory_space<vmem>> -> memref<400x64xf32, #tpu.memory_space<vmem>>
        %dma_start3A_473 = arith.constant 0 : i32
        %dma_start3A_474 = tpu.memref_slice %dma_start3A_472[%add3A_456, %dma_start3A_473] : memref<400x64xf32, #tpu.memory_space<vmem>> -> memref<1x64xf32, #tpu.memory_space<vmem>>
        %dma_start3A_475 = arith.constant 0 : i32
        %dma_start3A_476 = tpu.memref_slice %arg3[%squeeze3A_452, %dma_start3A_475] : memref<1000000x64xf32, #tpu.memory_space<hbm>> -> memref<1x64xf32, #tpu.memory_space<hbm>>
        tpu.enqueue_dma source(%dma_start3A_476 : memref<1x64xf32, #tpu.memory_space<hbm>>) target(%dma_start3A_474 : memref<1x64xf32, #tpu.memory_space<vmem>>) target_semaphore(%dma_start3A_468 : memref<!tpu.dma_semaphore, #tpu.memory_space<semaphore_mem>>)
        %slice3A_477 = vector.extract_strided_slice %get3A_89 {offsets = [15], sizes = [1], strides = [1]} : vector<16xi32> to vector<1xi32>
        %squeeze3A_478 = vector.extract %slice3A_477[0] : i32 from vector<1xi32>
        %mul3A_479 = arith.constant 16 : i32
        %mul3A_480 = arith.muli %scan3A_82, %mul3A_479 : i32
        %add3A_481 = arith.constant 15 : i32
        %add3A_482 = arith.addi %mul3A_480, %add3A_481 : i32
        %dma_start3A_483 = arith.constant 0 : i32
        %dma_start3A_484 = arith.constant 0 : i32
        %dma_start3A_485 = arith.constant 0 : i32
        %dma_start3A_486 = arith.constant 0 : i32
        %dma_start3A_487 = tpu.memref_slice %arg6[%dma_start3A_483, %dma_start3A_485, %dma_start3A_486] : memref<2x400x64xf32, #tpu.memory_space<vmem>> -> memref<1x400x64xf32, #tpu.memory_space<vmem>>
        %dma_start3A_488 = tpu.memref_squeeze %dma_start3A_487 : memref<1x400x64xf32, #tpu.memory_space<vmem>> -> memref<400x64xf32, #tpu.memory_space<vmem>>
        %dma_start3A_489 = arith.constant 0 : i32
        %dma_start3A_490 = tpu.memref_slice %dma_start3A_488[%add3A_482, %dma_start3A_489] : memref<400x64xf32, #tpu.memory_space<vmem>> -> memref<1x64xf32, #tpu.memory_space<vmem>>
        %dma_start3A_491 = arith.constant 0 : i32
        %dma_start3A_492 = tpu.memref_slice %arg3[%squeeze3A_478, %dma_start3A_491] : memref<1000000x64xf32, #tpu.memory_space<hbm>> -> memref<1x64xf32, #tpu.memory_space<hbm>>
        %dma_start3A_493 = tpu.memref_slice %arg7[%dma_start3A_484] : memref<2x!tpu.dma_semaphore, #tpu.memory_space<semaphore_mem>> -> memref<1x!tpu.dma_semaphore, #tpu.memory_space<semaphore_mem>>
        %dma_start3A_494 = tpu.memref_squeeze %dma_start3A_493 : memref<1x!tpu.dma_semaphore, #tpu.memory_space<semaphore_mem>> -> memref<!tpu.dma_semaphore, #tpu.memory_space<semaphore_mem>>
        %dma_start3A_495 = arith.constant 0 : i32
        %dma_start3A_496 = arith.constant 0 : i32
        %dma_start3A_497 = tpu.memref_slice %arg6[%dma_start3A_483, %dma_start3A_495, %dma_start3A_496] : memref<2x400x64xf32, #tpu.memory_space<vmem>> -> memref<1x400x64xf32, #tpu.memory_space<vmem>>
        %dma_start3A_498 = tpu.memref_squeeze %dma_start3A_497 : memref<1x400x64xf32, #tpu.memory_space<vmem>> -> memref<400x64xf32, #tpu.memory_space<vmem>>
        %dma_start3A_499 = arith.constant 0 : i32
        %dma_start3A_500 = tpu.memref_slice %dma_start3A_498[%add3A_482, %dma_start3A_499] : memref<400x64xf32, #tpu.memory_space<vmem>> -> memref<1x64xf32, #tpu.memory_space<vmem>>
        %dma_start3A_501 = arith.constant 0 : i32
        %dma_start3A_502 = tpu.memref_slice %arg3[%squeeze3A_478, %dma_start3A_501] : memref<1000000x64xf32, #tpu.memory_space<hbm>> -> memref<1x64xf32, #tpu.memory_space<hbm>>
        tpu.enqueue_dma source(%dma_start3A_502 : memref<1x64xf32, #tpu.memory_space<hbm>>) target(%dma_start3A_500 : memref<1x64xf32, #tpu.memory_space<vmem>>) target_semaphore(%dma_start3A_494 : memref<!tpu.dma_semaphore, #tpu.memory_space<semaphore_mem>>)
      }
      %scan3A_71 = arith.constant 25 : i32
      %scan3A_72 = arith.constant 0 : i32
      %scan3A_73 = arith.constant 0 : i32
      %scan3A_74 = arith.constant 25 : i32
      %scan3A_75 = arith.addi %scan3A_73, %scan3A_74 : i32
      %scan3A_76 = arith.constant 1 : i32
      scf.for %scan3A_82 = %scan3A_73 to %scan3A_75 step %scan3A_76  : i32 {
        %mul3A_83 = arith.constant 16 : i32
        %mul3A_84 = arith.muli %scan3A_82, %mul3A_83 : i32
        %add3A_85 = arith.constant 0 : i32
        %add3A_86 = arith.addi %mul3A_84, %add3A_85 : i32
        %dma_wait3A = arith.constant 1 : i32
        %dma_wait3A_87 = arith.constant 1 : i32
        %dma_wait3A_88 = arith.constant 0 : i32
        %dma_wait3A_89 = arith.constant 0 : i32
        %dma_wait3A_90 = tpu.memref_slice %arg6[%dma_wait3A, %dma_wait3A_88, %dma_wait3A_89] : memref<2x400x64xf32, #tpu.memory_space<vmem>> -> memref<1x400x64xf32, #tpu.memory_space<vmem>>
        %dma_wait3A_91 = tpu.memref_squeeze %dma_wait3A_90 : memref<1x400x64xf32, #tpu.memory_space<vmem>> -> memref<400x64xf32, #tpu.memory_space<vmem>>
        %dma_wait3A_92 = arith.constant 0 : i32
        %dma_wait3A_93 = tpu.memref_slice %dma_wait3A_91[%add3A_86, %dma_wait3A_92] : memref<400x64xf32, #tpu.memory_space<vmem>> -> memref<1x64xf32, #tpu.memory_space<vmem>>
        %dma_wait3A_94 = arith.constant 0 : i32
        %dma_wait3A_95 = arith.constant 0 : i32
        %dma_wait3A_96 = tpu.memref_slice %arg3[%dma_wait3A_94, %dma_wait3A_95] : memref<1000000x64xf32, #tpu.memory_space<hbm>> -> memref<1x64xf32, #tpu.memory_space<hbm>>
        %dma_wait3A_97 = tpu.memref_slice %arg7[%dma_wait3A_87] : memref<2x!tpu.dma_semaphore, #tpu.memory_space<semaphore_mem>> -> memref<1x!tpu.dma_semaphore, #tpu.memory_space<semaphore_mem>>
        %dma_wait3A_98 = tpu.memref_squeeze %dma_wait3A_97 : memref<1x!tpu.dma_semaphore, #tpu.memory_space<semaphore_mem>> -> memref<!tpu.dma_semaphore, #tpu.memory_space<semaphore_mem>>
        %dma_wait3A_99 = arith.constant 0 : i32
        %dma_wait3A_100 = arith.constant 0 : i32
        %dma_wait3A_101 = tpu.memref_slice %arg6[%dma_wait3A, %dma_wait3A_99, %dma_wait3A_100] : memref<2x400x64xf32, #tpu.memory_space<vmem>> -> memref<1x400x64xf32, #tpu.memory_space<vmem>>
        %dma_wait3A_102 = tpu.memref_squeeze %dma_wait3A_101 : memref<1x400x64xf32, #tpu.memory_space<vmem>> -> memref<400x64xf32, #tpu.memory_space<vmem>>
        %dma_wait3A_103 = arith.constant 0 : i32
        %dma_wait3A_104 = tpu.memref_slice %dma_wait3A_102[%add3A_86, %dma_wait3A_103] : memref<400x64xf32, #tpu.memory_space<vmem>> -> memref<1x64xf32, #tpu.memory_space<vmem>>
        %dma_wait3A_105 = arith.constant 0 : i32
        %dma_wait3A_106 = arith.constant 0 : i32
        %dma_wait3A_107 = tpu.memref_slice %arg3[%dma_wait3A_105, %dma_wait3A_106] : memref<1000000x64xf32, #tpu.memory_space<hbm>> -> memref<1x64xf32, #tpu.memory_space<hbm>>
        tpu.wait_dma2 semaphore(%dma_wait3A_98 : memref<!tpu.dma_semaphore, #tpu.memory_space<semaphore_mem>>) src(%dma_wait3A_107 : memref<1x64xf32, #tpu.memory_space<hbm>>) dst(%dma_wait3A_104 : memref<1x64xf32, #tpu.memory_space<vmem>>)
        %mul3A_108 = arith.constant 16 : i32
        %mul3A_109 = arith.muli %scan3A_82, %mul3A_108 : i32
        %add3A_110 = arith.constant 1 : i32
        %add3A_111 = arith.addi %mul3A_109, %add3A_110 : i32
        %dma_wait3A_112 = arith.constant 1 : i32
        %dma_wait3A_113 = arith.constant 1 : i32
        %dma_wait3A_114 = arith.constant 0 : i32
        %dma_wait3A_115 = arith.constant 0 : i32
        %dma_wait3A_116 = tpu.memref_slice %arg6[%dma_wait3A_112, %dma_wait3A_114, %dma_wait3A_115] : memref<2x400x64xf32, #tpu.memory_space<vmem>> -> memref<1x400x64xf32, #tpu.memory_space<vmem>>
        %dma_wait3A_117 = tpu.memref_squeeze %dma_wait3A_116 : memref<1x400x64xf32, #tpu.memory_space<vmem>> -> memref<400x64xf32, #tpu.memory_space<vmem>>
        %dma_wait3A_118 = arith.constant 0 : i32
        %dma_wait3A_119 = tpu.memref_slice %dma_wait3A_117[%add3A_111, %dma_wait3A_118] : memref<400x64xf32, #tpu.memory_space<vmem>> -> memref<1x64xf32, #tpu.memory_space<vmem>>
        %dma_wait3A_120 = arith.constant 0 : i32
        %dma_wait3A_121 = arith.constant 0 : i32
        %dma_wait3A_122 = tpu.memref_slice %arg3[%dma_wait3A_120, %dma_wait3A_121] : memref<1000000x64xf32, #tpu.memory_space<hbm>> -> memref<1x64xf32, #tpu.memory_space<hbm>>
        %dma_wait3A_123 = tpu.memref_slice %arg7[%dma_wait3A_113] : memref<2x!tpu.dma_semaphore, #tpu.memory_space<semaphore_mem>> -> memref<1x!tpu.dma_semaphore, #tpu.memory_space<semaphore_mem>>
        %dma_wait3A_124 = tpu.memref_squeeze %dma_wait3A_123 : memref<1x!tpu.dma_semaphore, #tpu.memory_space<semaphore_mem>> -> memref<!tpu.dma_semaphore, #tpu.memory_space<semaphore_mem>>
        %dma_wait3A_125 = arith.constant 0 : i32
        %dma_wait3A_126 = arith.constant 0 : i32
        %dma_wait3A_127 = tpu.memref_slice %arg6[%dma_wait3A_112, %dma_wait3A_125, %dma_wait3A_126] : memref<2x400x64xf32, #tpu.memory_space<vmem>> -> memref<1x400x64xf32, #tpu.memory_space<vmem>>
        %dma_wait3A_128 = tpu.memref_squeeze %dma_wait3A_127 : memref<1x400x64xf32, #tpu.memory_space<vmem>> -> memref<400x64xf32, #tpu.memory_space<vmem>>
        %dma_wait3A_129 = arith.constant 0 : i32
        %dma_wait3A_130 = tpu.memref_slice %dma_wait3A_128[%add3A_111, %dma_wait3A_129] : memref<400x64xf32, #tpu.memory_space<vmem>> -> memref<1x64xf32, #tpu.memory_space<vmem>>
        %dma_wait3A_131 = arith.constant 0 : i32
        %dma_wait3A_132 = arith.constant 0 : i32
        %dma_wait3A_133 = tpu.memref_slice %arg3[%dma_wait3A_131, %dma_wait3A_132] : memref<1000000x64xf32, #tpu.memory_space<hbm>> -> memref<1x64xf32, #tpu.memory_space<hbm>>
        tpu.wait_dma2 semaphore(%dma_wait3A_124 : memref<!tpu.dma_semaphore, #tpu.memory_space<semaphore_mem>>) src(%dma_wait3A_133 : memref<1x64xf32, #tpu.memory_space<hbm>>) dst(%dma_wait3A_130 : memref<1x64xf32, #tpu.memory_space<vmem>>)
        %mul3A_134 = arith.constant 16 : i32
        %mul3A_135 = arith.muli %scan3A_82, %mul3A_134 : i32
        %add3A_136 = arith.constant 2 : i32
        %add3A_137 = arith.addi %mul3A_135, %add3A_136 : i32
        %dma_wait3A_138 = arith.constant 1 : i32
        %dma_wait3A_139 = arith.constant 1 : i32
        %dma_wait3A_140 = arith.constant 0 : i32
        %dma_wait3A_141 = arith.constant 0 : i32
        %dma_wait3A_142 = tpu.memref_slice %arg6[%dma_wait3A_138, %dma_wait3A_140, %dma_wait3A_141] : memref<2x400x64xf32, #tpu.memory_space<vmem>> -> memref<1x400x64xf32, #tpu.memory_space<vmem>>
        %dma_wait3A_143 = tpu.memref_squeeze %dma_wait3A_142 : memref<1x400x64xf32, #tpu.memory_space<vmem>> -> memref<400x64xf32, #tpu.memory_space<vmem>>
        %dma_wait3A_144 = arith.constant 0 : i32
        %dma_wait3A_145 = tpu.memref_slice %dma_wait3A_143[%add3A_137, %dma_wait3A_144] : memref<400x64xf32, #tpu.memory_space<vmem>> -> memref<1x64xf32, #tpu.memory_space<vmem>>
        %dma_wait3A_146 = arith.constant 0 : i32
        %dma_wait3A_147 = arith.constant 0 : i32
        %dma_wait3A_148 = tpu.memref_slice %arg3[%dma_wait3A_146, %dma_wait3A_147] : memref<1000000x64xf32, #tpu.memory_space<hbm>> -> memref<1x64xf32, #tpu.memory_space<hbm>>
        %dma_wait3A_149 = tpu.memref_slice %arg7[%dma_wait3A_139] : memref<2x!tpu.dma_semaphore, #tpu.memory_space<semaphore_mem>> -> memref<1x!tpu.dma_semaphore, #tpu.memory_space<semaphore_mem>>
        %dma_wait3A_150 = tpu.memref_squeeze %dma_wait3A_149 : memref<1x!tpu.dma_semaphore, #tpu.memory_space<semaphore_mem>> -> memref<!tpu.dma_semaphore, #tpu.memory_space<semaphore_mem>>
        %dma_wait3A_151 = arith.constant 0 : i32
        %dma_wait3A_152 = arith.constant 0 : i32
        %dma_wait3A_153 = tpu.memref_slice %arg6[%dma_wait3A_138, %dma_wait3A_151, %dma_wait3A_152] : memref<2x400x64xf32, #tpu.memory_space<vmem>> -> memref<1x400x64xf32, #tpu.memory_space<vmem>>
        %dma_wait3A_154 = tpu.memref_squeeze %dma_wait3A_153 : memref<1x400x64xf32, #tpu.memory_space<vmem>> -> memref<400x64xf32, #tpu.memory_space<vmem>>
        %dma_wait3A_155 = arith.constant 0 : i32
        %dma_wait3A_156 = tpu.memref_slice %dma_wait3A_154[%add3A_137, %dma_wait3A_155] : memref<400x64xf32, #tpu.memory_space<vmem>> -> memref<1x64xf32, #tpu.memory_space<vmem>>
        %dma_wait3A_157 = arith.constant 0 : i32
        %dma_wait3A_158 = arith.constant 0 : i32
        %dma_wait3A_159 = tpu.memref_slice %arg3[%dma_wait3A_157, %dma_wait3A_158] : memref<1000000x64xf32, #tpu.memory_space<hbm>> -> memref<1x64xf32, #tpu.memory_space<hbm>>
        tpu.wait_dma2 semaphore(%dma_wait3A_150 : memref<!tpu.dma_semaphore, #tpu.memory_space<semaphore_mem>>) src(%dma_wait3A_159 : memref<1x64xf32, #tpu.memory_space<hbm>>) dst(%dma_wait3A_156 : memref<1x64xf32, #tpu.memory_space<vmem>>)
        %mul3A_160 = arith.constant 16 : i32
        %mul3A_161 = arith.muli %scan3A_82, %mul3A_160 : i32
        %add3A_162 = arith.constant 3 : i32
        %add3A_163 = arith.addi %mul3A_161, %add3A_162 : i32
        %dma_wait3A_164 = arith.constant 1 : i32
        %dma_wait3A_165 = arith.constant 1 : i32
        %dma_wait3A_166 = arith.constant 0 : i32
        %dma_wait3A_167 = arith.constant 0 : i32
        %dma_wait3A_168 = tpu.memref_slice %arg6[%dma_wait3A_164, %dma_wait3A_166, %dma_wait3A_167] : memref<2x400x64xf32, #tpu.memory_space<vmem>> -> memref<1x400x64xf32, #tpu.memory_space<vmem>>
        %dma_wait3A_169 = tpu.memref_squeeze %dma_wait3A_168 : memref<1x400x64xf32, #tpu.memory_space<vmem>> -> memref<400x64xf32, #tpu.memory_space<vmem>>
        %dma_wait3A_170 = arith.constant 0 : i32
        %dma_wait3A_171 = tpu.memref_slice %dma_wait3A_169[%add3A_163, %dma_wait3A_170] : memref<400x64xf32, #tpu.memory_space<vmem>> -> memref<1x64xf32, #tpu.memory_space<vmem>>
        %dma_wait3A_172 = arith.constant 0 : i32
        %dma_wait3A_173 = arith.constant 0 : i32
        %dma_wait3A_174 = tpu.memref_slice %arg3[%dma_wait3A_172, %dma_wait3A_173] : memref<1000000x64xf32, #tpu.memory_space<hbm>> -> memref<1x64xf32, #tpu.memory_space<hbm>>
        %dma_wait3A_175 = tpu.memref_slice %arg7[%dma_wait3A_165] : memref<2x!tpu.dma_semaphore, #tpu.memory_space<semaphore_mem>> -> memref<1x!tpu.dma_semaphore, #tpu.memory_space<semaphore_mem>>
        %dma_wait3A_176 = tpu.memref_squeeze %dma_wait3A_175 : memref<1x!tpu.dma_semaphore, #tpu.memory_space<semaphore_mem>> -> memref<!tpu.dma_semaphore, #tpu.memory_space<semaphore_mem>>
        %dma_wait3A_177 = arith.constant 0 : i32
        %dma_wait3A_178 = arith.constant 0 : i32
        %dma_wait3A_179 = tpu.memref_slice %arg6[%dma_wait3A_164, %dma_wait3A_177, %dma_wait3A_178] : memref<2x400x64xf32, #tpu.memory_space<vmem>> -> memref<1x400x64xf32, #tpu.memory_space<vmem>>
        %dma_wait3A_180 = tpu.memref_squeeze %dma_wait3A_179 : memref<1x400x64xf32, #tpu.memory_space<vmem>> -> memref<400x64xf32, #tpu.memory_space<vmem>>
        %dma_wait3A_181 = arith.constant 0 : i32
        %dma_wait3A_182 = tpu.memref_slice %dma_wait3A_180[%add3A_163, %dma_wait3A_181] : memref<400x64xf32, #tpu.memory_space<vmem>> -> memref<1x64xf32, #tpu.memory_space<vmem>>
        %dma_wait3A_183 = arith.constant 0 : i32
        %dma_wait3A_184 = arith.constant 0 : i32
        %dma_wait3A_185 = tpu.memref_slice %arg3[%dma_wait3A_183, %dma_wait3A_184] : memref<1000000x64xf32, #tpu.memory_space<hbm>> -> memref<1x64xf32, #tpu.memory_space<hbm>>
        tpu.wait_dma2 semaphore(%dma_wait3A_176 : memref<!tpu.dma_semaphore, #tpu.memory_space<semaphore_mem>>) src(%dma_wait3A_185 : memref<1x64xf32, #tpu.memory_space<hbm>>) dst(%dma_wait3A_182 : memref<1x64xf32, #tpu.memory_space<vmem>>)
        %mul3A_186 = arith.constant 16 : i32
        %mul3A_187 = arith.muli %scan3A_82, %mul3A_186 : i32
        %add3A_188 = arith.constant 4 : i32
        %add3A_189 = arith.addi %mul3A_187, %add3A_188 : i32
        %dma_wait3A_190 = arith.constant 1 : i32
        %dma_wait3A_191 = arith.constant 1 : i32
        %dma_wait3A_192 = arith.constant 0 : i32
        %dma_wait3A_193 = arith.constant 0 : i32
        %dma_wait3A_194 = tpu.memref_slice %arg6[%dma_wait3A_190, %dma_wait3A_192, %dma_wait3A_193] : memref<2x400x64xf32, #tpu.memory_space<vmem>> -> memref<1x400x64xf32, #tpu.memory_space<vmem>>
        %dma_wait3A_195 = tpu.memref_squeeze %dma_wait3A_194 : memref<1x400x64xf32, #tpu.memory_space<vmem>> -> memref<400x64xf32, #tpu.memory_space<vmem>>
        %dma_wait3A_196 = arith.constant 0 : i32
        %dma_wait3A_197 = tpu.memref_slice %dma_wait3A_195[%add3A_189, %dma_wait3A_196] : memref<400x64xf32, #tpu.memory_space<vmem>> -> memref<1x64xf32, #tpu.memory_space<vmem>>
        %dma_wait3A_198 = arith.constant 0 : i32
        %dma_wait3A_199 = arith.constant 0 : i32
        %dma_wait3A_200 = tpu.memref_slice %arg3[%dma_wait3A_198, %dma_wait3A_199] : memref<1000000x64xf32, #tpu.memory_space<hbm>> -> memref<1x64xf32, #tpu.memory_space<hbm>>
        %dma_wait3A_201 = tpu.memref_slice %arg7[%dma_wait3A_191] : memref<2x!tpu.dma_semaphore, #tpu.memory_space<semaphore_mem>> -> memref<1x!tpu.dma_semaphore, #tpu.memory_space<semaphore_mem>>
        %dma_wait3A_202 = tpu.memref_squeeze %dma_wait3A_201 : memref<1x!tpu.dma_semaphore, #tpu.memory_space<semaphore_mem>> -> memref<!tpu.dma_semaphore, #tpu.memory_space<semaphore_mem>>
        %dma_wait3A_203 = arith.constant 0 : i32
        %dma_wait3A_204 = arith.constant 0 : i32
        %dma_wait3A_205 = tpu.memref_slice %arg6[%dma_wait3A_190, %dma_wait3A_203, %dma_wait3A_204] : memref<2x400x64xf32, #tpu.memory_space<vmem>> -> memref<1x400x64xf32, #tpu.memory_space<vmem>>
        %dma_wait3A_206 = tpu.memref_squeeze %dma_wait3A_205 : memref<1x400x64xf32, #tpu.memory_space<vmem>> -> memref<400x64xf32, #tpu.memory_space<vmem>>
        %dma_wait3A_207 = arith.constant 0 : i32
        %dma_wait3A_208 = tpu.memref_slice %dma_wait3A_206[%add3A_189, %dma_wait3A_207] : memref<400x64xf32, #tpu.memory_space<vmem>> -> memref<1x64xf32, #tpu.memory_space<vmem>>
        %dma_wait3A_209 = arith.constant 0 : i32
        %dma_wait3A_210 = arith.constant 0 : i32
        %dma_wait3A_211 = tpu.memref_slice %arg3[%dma_wait3A_209, %dma_wait3A_210] : memref<1000000x64xf32, #tpu.memory_space<hbm>> -> memref<1x64xf32, #tpu.memory_space<hbm>>
        tpu.wait_dma2 semaphore(%dma_wait3A_202 : memref<!tpu.dma_semaphore, #tpu.memory_space<semaphore_mem>>) src(%dma_wait3A_211 : memref<1x64xf32, #tpu.memory_space<hbm>>) dst(%dma_wait3A_208 : memref<1x64xf32, #tpu.memory_space<vmem>>)
        %mul3A_212 = arith.constant 16 : i32
        %mul3A_213 = arith.muli %scan3A_82, %mul3A_212 : i32
        %add3A_214 = arith.constant 5 : i32
        %add3A_215 = arith.addi %mul3A_213, %add3A_214 : i32
        %dma_wait3A_216 = arith.constant 1 : i32
        %dma_wait3A_217 = arith.constant 1 : i32
        %dma_wait3A_218 = arith.constant 0 : i32
        %dma_wait3A_219 = arith.constant 0 : i32
        %dma_wait3A_220 = tpu.memref_slice %arg6[%dma_wait3A_216, %dma_wait3A_218, %dma_wait3A_219] : memref<2x400x64xf32, #tpu.memory_space<vmem>> -> memref<1x400x64xf32, #tpu.memory_space<vmem>>
        %dma_wait3A_221 = tpu.memref_squeeze %dma_wait3A_220 : memref<1x400x64xf32, #tpu.memory_space<vmem>> -> memref<400x64xf32, #tpu.memory_space<vmem>>
        %dma_wait3A_222 = arith.constant 0 : i32
        %dma_wait3A_223 = tpu.memref_slice %dma_wait3A_221[%add3A_215, %dma_wait3A_222] : memref<400x64xf32, #tpu.memory_space<vmem>> -> memref<1x64xf32, #tpu.memory_space<vmem>>
        %dma_wait3A_224 = arith.constant 0 : i32
        %dma_wait3A_225 = arith.constant 0 : i32
        %dma_wait3A_226 = tpu.memref_slice %arg3[%dma_wait3A_224, %dma_wait3A_225] : memref<1000000x64xf32, #tpu.memory_space<hbm>> -> memref<1x64xf32, #tpu.memory_space<hbm>>
        %dma_wait3A_227 = tpu.memref_slice %arg7[%dma_wait3A_217] : memref<2x!tpu.dma_semaphore, #tpu.memory_space<semaphore_mem>> -> memref<1x!tpu.dma_semaphore, #tpu.memory_space<semaphore_mem>>
        %dma_wait3A_228 = tpu.memref_squeeze %dma_wait3A_227 : memref<1x!tpu.dma_semaphore, #tpu.memory_space<semaphore_mem>> -> memref<!tpu.dma_semaphore, #tpu.memory_space<semaphore_mem>>
        %dma_wait3A_229 = arith.constant 0 : i32
        %dma_wait3A_230 = arith.constant 0 : i32
        %dma_wait3A_231 = tpu.memref_slice %arg6[%dma_wait3A_216, %dma_wait3A_229, %dma_wait3A_230] : memref<2x400x64xf32, #tpu.memory_space<vmem>> -> memref<1x400x64xf32, #tpu.memory_space<vmem>>
        %dma_wait3A_232 = tpu.memref_squeeze %dma_wait3A_231 : memref<1x400x64xf32, #tpu.memory_space<vmem>> -> memref<400x64xf32, #tpu.memory_space<vmem>>
        %dma_wait3A_233 = arith.constant 0 : i32
        %dma_wait3A_234 = tpu.memref_slice %dma_wait3A_232[%add3A_215, %dma_wait3A_233] : memref<400x64xf32, #tpu.memory_space<vmem>> -> memref<1x64xf32, #tpu.memory_space<vmem>>
        %dma_wait3A_235 = arith.constant 0 : i32
        %dma_wait3A_236 = arith.constant 0 : i32
        %dma_wait3A_237 = tpu.memref_slice %arg3[%dma_wait3A_235, %dma_wait3A_236] : memref<1000000x64xf32, #tpu.memory_space<hbm>> -> memref<1x64xf32, #tpu.memory_space<hbm>>
        tpu.wait_dma2 semaphore(%dma_wait3A_228 : memref<!tpu.dma_semaphore, #tpu.memory_space<semaphore_mem>>) src(%dma_wait3A_237 : memref<1x64xf32, #tpu.memory_space<hbm>>) dst(%dma_wait3A_234 : memref<1x64xf32, #tpu.memory_space<vmem>>)
        %mul3A_238 = arith.constant 16 : i32
        %mul3A_239 = arith.muli %scan3A_82, %mul3A_238 : i32
        %add3A_240 = arith.constant 6 : i32
        %add3A_241 = arith.addi %mul3A_239, %add3A_240 : i32
        %dma_wait3A_242 = arith.constant 1 : i32
        %dma_wait3A_243 = arith.constant 1 : i32
        %dma_wait3A_244 = arith.constant 0 : i32
        %dma_wait3A_245 = arith.constant 0 : i32
        %dma_wait3A_246 = tpu.memref_slice %arg6[%dma_wait3A_242, %dma_wait3A_244, %dma_wait3A_245] : memref<2x400x64xf32, #tpu.memory_space<vmem>> -> memref<1x400x64xf32, #tpu.memory_space<vmem>>
        %dma_wait3A_247 = tpu.memref_squeeze %dma_wait3A_246 : memref<1x400x64xf32, #tpu.memory_space<vmem>> -> memref<400x64xf32, #tpu.memory_space<vmem>>
        %dma_wait3A_248 = arith.constant 0 : i32
        %dma_wait3A_249 = tpu.memref_slice %dma_wait3A_247[%add3A_241, %dma_wait3A_248] : memref<400x64xf32, #tpu.memory_space<vmem>> -> memref<1x64xf32, #tpu.memory_space<vmem>>
        %dma_wait3A_250 = arith.constant 0 : i32
        %dma_wait3A_251 = arith.constant 0 : i32
        %dma_wait3A_252 = tpu.memref_slice %arg3[%dma_wait3A_250, %dma_wait3A_251] : memref<1000000x64xf32, #tpu.memory_space<hbm>> -> memref<1x64xf32, #tpu.memory_space<hbm>>
        %dma_wait3A_253 = tpu.memref_slice %arg7[%dma_wait3A_243] : memref<2x!tpu.dma_semaphore, #tpu.memory_space<semaphore_mem>> -> memref<1x!tpu.dma_semaphore, #tpu.memory_space<semaphore_mem>>
        %dma_wait3A_254 = tpu.memref_squeeze %dma_wait3A_253 : memref<1x!tpu.dma_semaphore, #tpu.memory_space<semaphore_mem>> -> memref<!tpu.dma_semaphore, #tpu.memory_space<semaphore_mem>>
        %dma_wait3A_255 = arith.constant 0 : i32
        %dma_wait3A_256 = arith.constant 0 : i32
        %dma_wait3A_257 = tpu.memref_slice %arg6[%dma_wait3A_242, %dma_wait3A_255, %dma_wait3A_256] : memref<2x400x64xf32, #tpu.memory_space<vmem>> -> memref<1x400x64xf32, #tpu.memory_space<vmem>>
        %dma_wait3A_258 = tpu.memref_squeeze %dma_wait3A_257 : memref<1x400x64xf32, #tpu.memory_space<vmem>> -> memref<400x64xf32, #tpu.memory_space<vmem>>
        %dma_wait3A_259 = arith.constant 0 : i32
        %dma_wait3A_260 = tpu.memref_slice %dma_wait3A_258[%add3A_241, %dma_wait3A_259] : memref<400x64xf32, #tpu.memory_space<vmem>> -> memref<1x64xf32, #tpu.memory_space<vmem>>
        %dma_wait3A_261 = arith.constant 0 : i32
        %dma_wait3A_262 = arith.constant 0 : i32
        %dma_wait3A_263 = tpu.memref_slice %arg3[%dma_wait3A_261, %dma_wait3A_262] : memref<1000000x64xf32, #tpu.memory_space<hbm>> -> memref<1x64xf32, #tpu.memory_space<hbm>>
        tpu.wait_dma2 semaphore(%dma_wait3A_254 : memref<!tpu.dma_semaphore, #tpu.memory_space<semaphore_mem>>) src(%dma_wait3A_263 : memref<1x64xf32, #tpu.memory_space<hbm>>) dst(%dma_wait3A_260 : memref<1x64xf32, #tpu.memory_space<vmem>>)
        %mul3A_264 = arith.constant 16 : i32
        %mul3A_265 = arith.muli %scan3A_82, %mul3A_264 : i32
        %add3A_266 = arith.constant 7 : i32
        %add3A_267 = arith.addi %mul3A_265, %add3A_266 : i32
        %dma_wait3A_268 = arith.constant 1 : i32
        %dma_wait3A_269 = arith.constant 1 : i32
        %dma_wait3A_270 = arith.constant 0 : i32
        %dma_wait3A_271 = arith.constant 0 : i32
        %dma_wait3A_272 = tpu.memref_slice %arg6[%dma_wait3A_268, %dma_wait3A_270, %dma_wait3A_271] : memref<2x400x64xf32, #tpu.memory_space<vmem>> -> memref<1x400x64xf32, #tpu.memory_space<vmem>>
        %dma_wait3A_273 = tpu.memref_squeeze %dma_wait3A_272 : memref<1x400x64xf32, #tpu.memory_space<vmem>> -> memref<400x64xf32, #tpu.memory_space<vmem>>
        %dma_wait3A_274 = arith.constant 0 : i32
        %dma_wait3A_275 = tpu.memref_slice %dma_wait3A_273[%add3A_267, %dma_wait3A_274] : memref<400x64xf32, #tpu.memory_space<vmem>> -> memref<1x64xf32, #tpu.memory_space<vmem>>
        %dma_wait3A_276 = arith.constant 0 : i32
        %dma_wait3A_277 = arith.constant 0 : i32
        %dma_wait3A_278 = tpu.memref_slice %arg3[%dma_wait3A_276, %dma_wait3A_277] : memref<1000000x64xf32, #tpu.memory_space<hbm>> -> memref<1x64xf32, #tpu.memory_space<hbm>>
        %dma_wait3A_279 = tpu.memref_slice %arg7[%dma_wait3A_269] : memref<2x!tpu.dma_semaphore, #tpu.memory_space<semaphore_mem>> -> memref<1x!tpu.dma_semaphore, #tpu.memory_space<semaphore_mem>>
        %dma_wait3A_280 = tpu.memref_squeeze %dma_wait3A_279 : memref<1x!tpu.dma_semaphore, #tpu.memory_space<semaphore_mem>> -> memref<!tpu.dma_semaphore, #tpu.memory_space<semaphore_mem>>
        %dma_wait3A_281 = arith.constant 0 : i32
        %dma_wait3A_282 = arith.constant 0 : i32
        %dma_wait3A_283 = tpu.memref_slice %arg6[%dma_wait3A_268, %dma_wait3A_281, %dma_wait3A_282] : memref<2x400x64xf32, #tpu.memory_space<vmem>> -> memref<1x400x64xf32, #tpu.memory_space<vmem>>
        %dma_wait3A_284 = tpu.memref_squeeze %dma_wait3A_283 : memref<1x400x64xf32, #tpu.memory_space<vmem>> -> memref<400x64xf32, #tpu.memory_space<vmem>>
        %dma_wait3A_285 = arith.constant 0 : i32
        %dma_wait3A_286 = tpu.memref_slice %dma_wait3A_284[%add3A_267, %dma_wait3A_285] : memref<400x64xf32, #tpu.memory_space<vmem>> -> memref<1x64xf32, #tpu.memory_space<vmem>>
        %dma_wait3A_287 = arith.constant 0 : i32
        %dma_wait3A_288 = arith.constant 0 : i32
        %dma_wait3A_289 = tpu.memref_slice %arg3[%dma_wait3A_287, %dma_wait3A_288] : memref<1000000x64xf32, #tpu.memory_space<hbm>> -> memref<1x64xf32, #tpu.memory_space<hbm>>
        tpu.wait_dma2 semaphore(%dma_wait3A_280 : memref<!tpu.dma_semaphore, #tpu.memory_space<semaphore_mem>>) src(%dma_wait3A_289 : memref<1x64xf32, #tpu.memory_space<hbm>>) dst(%dma_wait3A_286 : memref<1x64xf32, #tpu.memory_space<vmem>>)
        %mul3A_290 = arith.constant 16 : i32
        %mul3A_291 = arith.muli %scan3A_82, %mul3A_290 : i32
        %add3A_292 = arith.constant 8 : i32
        %add3A_293 = arith.addi %mul3A_291, %add3A_292 : i32
        %dma_wait3A_294 = arith.constant 1 : i32
        %dma_wait3A_295 = arith.constant 1 : i32
        %dma_wait3A_296 = arith.constant 0 : i32
        %dma_wait3A_297 = arith.constant 0 : i32
        %dma_wait3A_298 = tpu.memref_slice %arg6[%dma_wait3A_294, %dma_wait3A_296, %dma_wait3A_297] : memref<2x400x64xf32, #tpu.memory_space<vmem>> -> memref<1x400x64xf32, #tpu.memory_space<vmem>>
        %dma_wait3A_299 = tpu.memref_squeeze %dma_wait3A_298 : memref<1x400x64xf32, #tpu.memory_space<vmem>> -> memref<400x64xf32, #tpu.memory_space<vmem>>
        %dma_wait3A_300 = arith.constant 0 : i32
        %dma_wait3A_301 = tpu.memref_slice %dma_wait3A_299[%add3A_293, %dma_wait3A_300] : memref<400x64xf32, #tpu.memory_space<vmem>> -> memref<1x64xf32, #tpu.memory_space<vmem>>
        %dma_wait3A_302 = arith.constant 0 : i32
        %dma_wait3A_303 = arith.constant 0 : i32
        %dma_wait3A_304 = tpu.memref_slice %arg3[%dma_wait3A_302, %dma_wait3A_303] : memref<1000000x64xf32, #tpu.memory_space<hbm>> -> memref<1x64xf32, #tpu.memory_space<hbm>>
        %dma_wait3A_305 = tpu.memref_slice %arg7[%dma_wait3A_295] : memref<2x!tpu.dma_semaphore, #tpu.memory_space<semaphore_mem>> -> memref<1x!tpu.dma_semaphore, #tpu.memory_space<semaphore_mem>>
        %dma_wait3A_306 = tpu.memref_squeeze %dma_wait3A_305 : memref<1x!tpu.dma_semaphore, #tpu.memory_space<semaphore_mem>> -> memref<!tpu.dma_semaphore, #tpu.memory_space<semaphore_mem>>
        %dma_wait3A_307 = arith.constant 0 : i32
        %dma_wait3A_308 = arith.constant 0 : i32
        %dma_wait3A_309 = tpu.memref_slice %arg6[%dma_wait3A_294, %dma_wait3A_307, %dma_wait3A_308] : memref<2x400x64xf32, #tpu.memory_space<vmem>> -> memref<1x400x64xf32, #tpu.memory_space<vmem>>
        %dma_wait3A_310 = tpu.memref_squeeze %dma_wait3A_309 : memref<1x400x64xf32, #tpu.memory_space<vmem>> -> memref<400x64xf32, #tpu.memory_space<vmem>>
        %dma_wait3A_311 = arith.constant 0 : i32
        %dma_wait3A_312 = tpu.memref_slice %dma_wait3A_310[%add3A_293, %dma_wait3A_311] : memref<400x64xf32, #tpu.memory_space<vmem>> -> memref<1x64xf32, #tpu.memory_space<vmem>>
        %dma_wait3A_313 = arith.constant 0 : i32
        %dma_wait3A_314 = arith.constant 0 : i32
        %dma_wait3A_315 = tpu.memref_slice %arg3[%dma_wait3A_313, %dma_wait3A_314] : memref<1000000x64xf32, #tpu.memory_space<hbm>> -> memref<1x64xf32, #tpu.memory_space<hbm>>
        tpu.wait_dma2 semaphore(%dma_wait3A_306 : memref<!tpu.dma_semaphore, #tpu.memory_space<semaphore_mem>>) src(%dma_wait3A_315 : memref<1x64xf32, #tpu.memory_space<hbm>>) dst(%dma_wait3A_312 : memref<1x64xf32, #tpu.memory_space<vmem>>)
        %mul3A_316 = arith.constant 16 : i32
        %mul3A_317 = arith.muli %scan3A_82, %mul3A_316 : i32
        %add3A_318 = arith.constant 9 : i32
        %add3A_319 = arith.addi %mul3A_317, %add3A_318 : i32
        %dma_wait3A_320 = arith.constant 1 : i32
        %dma_wait3A_321 = arith.constant 1 : i32
        %dma_wait3A_322 = arith.constant 0 : i32
        %dma_wait3A_323 = arith.constant 0 : i32
        %dma_wait3A_324 = tpu.memref_slice %arg6[%dma_wait3A_320, %dma_wait3A_322, %dma_wait3A_323] : memref<2x400x64xf32, #tpu.memory_space<vmem>> -> memref<1x400x64xf32, #tpu.memory_space<vmem>>
        %dma_wait3A_325 = tpu.memref_squeeze %dma_wait3A_324 : memref<1x400x64xf32, #tpu.memory_space<vmem>> -> memref<400x64xf32, #tpu.memory_space<vmem>>
        %dma_wait3A_326 = arith.constant 0 : i32
        %dma_wait3A_327 = tpu.memref_slice %dma_wait3A_325[%add3A_319, %dma_wait3A_326] : memref<400x64xf32, #tpu.memory_space<vmem>> -> memref<1x64xf32, #tpu.memory_space<vmem>>
        %dma_wait3A_328 = arith.constant 0 : i32
        %dma_wait3A_329 = arith.constant 0 : i32
        %dma_wait3A_330 = tpu.memref_slice %arg3[%dma_wait3A_328, %dma_wait3A_329] : memref<1000000x64xf32, #tpu.memory_space<hbm>> -> memref<1x64xf32, #tpu.memory_space<hbm>>
        %dma_wait3A_331 = tpu.memref_slice %arg7[%dma_wait3A_321] : memref<2x!tpu.dma_semaphore, #tpu.memory_space<semaphore_mem>> -> memref<1x!tpu.dma_semaphore, #tpu.memory_space<semaphore_mem>>
        %dma_wait3A_332 = tpu.memref_squeeze %dma_wait3A_331 : memref<1x!tpu.dma_semaphore, #tpu.memory_space<semaphore_mem>> -> memref<!tpu.dma_semaphore, #tpu.memory_space<semaphore_mem>>
        %dma_wait3A_333 = arith.constant 0 : i32
        %dma_wait3A_334 = arith.constant 0 : i32
        %dma_wait3A_335 = tpu.memref_slice %arg6[%dma_wait3A_320, %dma_wait3A_333, %dma_wait3A_334] : memref<2x400x64xf32, #tpu.memory_space<vmem>> -> memref<1x400x64xf32, #tpu.memory_space<vmem>>
        %dma_wait3A_336 = tpu.memref_squeeze %dma_wait3A_335 : memref<1x400x64xf32, #tpu.memory_space<vmem>> -> memref<400x64xf32, #tpu.memory_space<vmem>>
        %dma_wait3A_337 = arith.constant 0 : i32
        %dma_wait3A_338 = tpu.memref_slice %dma_wait3A_336[%add3A_319, %dma_wait3A_337] : memref<400x64xf32, #tpu.memory_space<vmem>> -> memref<1x64xf32, #tpu.memory_space<vmem>>
        %dma_wait3A_339 = arith.constant 0 : i32
        %dma_wait3A_340 = arith.constant 0 : i32
        %dma_wait3A_341 = tpu.memref_slice %arg3[%dma_wait3A_339, %dma_wait3A_340] : memref<1000000x64xf32, #tpu.memory_space<hbm>> -> memref<1x64xf32, #tpu.memory_space<hbm>>
        tpu.wait_dma2 semaphore(%dma_wait3A_332 : memref<!tpu.dma_semaphore, #tpu.memory_space<semaphore_mem>>) src(%dma_wait3A_341 : memref<1x64xf32, #tpu.memory_space<hbm>>) dst(%dma_wait3A_338 : memref<1x64xf32, #tpu.memory_space<vmem>>)
        %mul3A_342 = arith.constant 16 : i32
        %mul3A_343 = arith.muli %scan3A_82, %mul3A_342 : i32
        %add3A_344 = arith.constant 10 : i32
        %add3A_345 = arith.addi %mul3A_343, %add3A_344 : i32
        %dma_wait3A_346 = arith.constant 1 : i32
        %dma_wait3A_347 = arith.constant 1 : i32
        %dma_wait3A_348 = arith.constant 0 : i32
        %dma_wait3A_349 = arith.constant 0 : i32
        %dma_wait3A_350 = tpu.memref_slice %arg6[%dma_wait3A_346, %dma_wait3A_348, %dma_wait3A_349] : memref<2x400x64xf32, #tpu.memory_space<vmem>> -> memref<1x400x64xf32, #tpu.memory_space<vmem>>
        %dma_wait3A_351 = tpu.memref_squeeze %dma_wait3A_350 : memref<1x400x64xf32, #tpu.memory_space<vmem>> -> memref<400x64xf32, #tpu.memory_space<vmem>>
        %dma_wait3A_352 = arith.constant 0 : i32
        %dma_wait3A_353 = tpu.memref_slice %dma_wait3A_351[%add3A_345, %dma_wait3A_352] : memref<400x64xf32, #tpu.memory_space<vmem>> -> memref<1x64xf32, #tpu.memory_space<vmem>>
        %dma_wait3A_354 = arith.constant 0 : i32
        %dma_wait3A_355 = arith.constant 0 : i32
        %dma_wait3A_356 = tpu.memref_slice %arg3[%dma_wait3A_354, %dma_wait3A_355] : memref<1000000x64xf32, #tpu.memory_space<hbm>> -> memref<1x64xf32, #tpu.memory_space<hbm>>
        %dma_wait3A_357 = tpu.memref_slice %arg7[%dma_wait3A_347] : memref<2x!tpu.dma_semaphore, #tpu.memory_space<semaphore_mem>> -> memref<1x!tpu.dma_semaphore, #tpu.memory_space<semaphore_mem>>
        %dma_wait3A_358 = tpu.memref_squeeze %dma_wait3A_357 : memref<1x!tpu.dma_semaphore, #tpu.memory_space<semaphore_mem>> -> memref<!tpu.dma_semaphore, #tpu.memory_space<semaphore_mem>>
        %dma_wait3A_359 = arith.constant 0 : i32
        %dma_wait3A_360 = arith.constant 0 : i32
        %dma_wait3A_361 = tpu.memref_slice %arg6[%dma_wait3A_346, %dma_wait3A_359, %dma_wait3A_360] : memref<2x400x64xf32, #tpu.memory_space<vmem>> -> memref<1x400x64xf32, #tpu.memory_space<vmem>>
        %dma_wait3A_362 = tpu.memref_squeeze %dma_wait3A_361 : memref<1x400x64xf32, #tpu.memory_space<vmem>> -> memref<400x64xf32, #tpu.memory_space<vmem>>
        %dma_wait3A_363 = arith.constant 0 : i32
        %dma_wait3A_364 = tpu.memref_slice %dma_wait3A_362[%add3A_345, %dma_wait3A_363] : memref<400x64xf32, #tpu.memory_space<vmem>> -> memref<1x64xf32, #tpu.memory_space<vmem>>
        %dma_wait3A_365 = arith.constant 0 : i32
        %dma_wait3A_366 = arith.constant 0 : i32
        %dma_wait3A_367 = tpu.memref_slice %arg3[%dma_wait3A_365, %dma_wait3A_366] : memref<1000000x64xf32, #tpu.memory_space<hbm>> -> memref<1x64xf32, #tpu.memory_space<hbm>>
        tpu.wait_dma2 semaphore(%dma_wait3A_358 : memref<!tpu.dma_semaphore, #tpu.memory_space<semaphore_mem>>) src(%dma_wait3A_367 : memref<1x64xf32, #tpu.memory_space<hbm>>) dst(%dma_wait3A_364 : memref<1x64xf32, #tpu.memory_space<vmem>>)
        %mul3A_368 = arith.constant 16 : i32
        %mul3A_369 = arith.muli %scan3A_82, %mul3A_368 : i32
        %add3A_370 = arith.constant 11 : i32
        %add3A_371 = arith.addi %mul3A_369, %add3A_370 : i32
        %dma_wait3A_372 = arith.constant 1 : i32
        %dma_wait3A_373 = arith.constant 1 : i32
        %dma_wait3A_374 = arith.constant 0 : i32
        %dma_wait3A_375 = arith.constant 0 : i32
        %dma_wait3A_376 = tpu.memref_slice %arg6[%dma_wait3A_372, %dma_wait3A_374, %dma_wait3A_375] : memref<2x400x64xf32, #tpu.memory_space<vmem>> -> memref<1x400x64xf32, #tpu.memory_space<vmem>>
        %dma_wait3A_377 = tpu.memref_squeeze %dma_wait3A_376 : memref<1x400x64xf32, #tpu.memory_space<vmem>> -> memref<400x64xf32, #tpu.memory_space<vmem>>
        %dma_wait3A_378 = arith.constant 0 : i32
        %dma_wait3A_379 = tpu.memref_slice %dma_wait3A_377[%add3A_371, %dma_wait3A_378] : memref<400x64xf32, #tpu.memory_space<vmem>> -> memref<1x64xf32, #tpu.memory_space<vmem>>
        %dma_wait3A_380 = arith.constant 0 : i32
        %dma_wait3A_381 = arith.constant 0 : i32
        %dma_wait3A_382 = tpu.memref_slice %arg3[%dma_wait3A_380, %dma_wait3A_381] : memref<1000000x64xf32, #tpu.memory_space<hbm>> -> memref<1x64xf32, #tpu.memory_space<hbm>>
        %dma_wait3A_383 = tpu.memref_slice %arg7[%dma_wait3A_373] : memref<2x!tpu.dma_semaphore, #tpu.memory_space<semaphore_mem>> -> memref<1x!tpu.dma_semaphore, #tpu.memory_space<semaphore_mem>>
        %dma_wait3A_384 = tpu.memref_squeeze %dma_wait3A_383 : memref<1x!tpu.dma_semaphore, #tpu.memory_space<semaphore_mem>> -> memref<!tpu.dma_semaphore, #tpu.memory_space<semaphore_mem>>
        %dma_wait3A_385 = arith.constant 0 : i32
        %dma_wait3A_386 = arith.constant 0 : i32
        %dma_wait3A_387 = tpu.memref_slice %arg6[%dma_wait3A_372, %dma_wait3A_385, %dma_wait3A_386] : memref<2x400x64xf32, #tpu.memory_space<vmem>> -> memref<1x400x64xf32, #tpu.memory_space<vmem>>
        %dma_wait3A_388 = tpu.memref_squeeze %dma_wait3A_387 : memref<1x400x64xf32, #tpu.memory_space<vmem>> -> memref<400x64xf32, #tpu.memory_space<vmem>>
        %dma_wait3A_389 = arith.constant 0 : i32
        %dma_wait3A_390 = tpu.memref_slice %dma_wait3A_388[%add3A_371, %dma_wait3A_389] : memref<400x64xf32, #tpu.memory_space<vmem>> -> memref<1x64xf32, #tpu.memory_space<vmem>>
        %dma_wait3A_391 = arith.constant 0 : i32
        %dma_wait3A_392 = arith.constant 0 : i32
        %dma_wait3A_393 = tpu.memref_slice %arg3[%dma_wait3A_391, %dma_wait3A_392] : memref<1000000x64xf32, #tpu.memory_space<hbm>> -> memref<1x64xf32, #tpu.memory_space<hbm>>
        tpu.wait_dma2 semaphore(%dma_wait3A_384 : memref<!tpu.dma_semaphore, #tpu.memory_space<semaphore_mem>>) src(%dma_wait3A_393 : memref<1x64xf32, #tpu.memory_space<hbm>>) dst(%dma_wait3A_390 : memref<1x64xf32, #tpu.memory_space<vmem>>)
        %mul3A_394 = arith.constant 16 : i32
        %mul3A_395 = arith.muli %scan3A_82, %mul3A_394 : i32
        %add3A_396 = arith.constant 12 : i32
        %add3A_397 = arith.addi %mul3A_395, %add3A_396 : i32
        %dma_wait3A_398 = arith.constant 1 : i32
        %dma_wait3A_399 = arith.constant 1 : i32
        %dma_wait3A_400 = arith.constant 0 : i32
        %dma_wait3A_401 = arith.constant 0 : i32
        %dma_wait3A_402 = tpu.memref_slice %arg6[%dma_wait3A_398, %dma_wait3A_400, %dma_wait3A_401] : memref<2x400x64xf32, #tpu.memory_space<vmem>> -> memref<1x400x64xf32, #tpu.memory_space<vmem>>
        %dma_wait3A_403 = tpu.memref_squeeze %dma_wait3A_402 : memref<1x400x64xf32, #tpu.memory_space<vmem>> -> memref<400x64xf32, #tpu.memory_space<vmem>>
        %dma_wait3A_404 = arith.constant 0 : i32
        %dma_wait3A_405 = tpu.memref_slice %dma_wait3A_403[%add3A_397, %dma_wait3A_404] : memref<400x64xf32, #tpu.memory_space<vmem>> -> memref<1x64xf32, #tpu.memory_space<vmem>>
        %dma_wait3A_406 = arith.constant 0 : i32
        %dma_wait3A_407 = arith.constant 0 : i32
        %dma_wait3A_408 = tpu.memref_slice %arg3[%dma_wait3A_406, %dma_wait3A_407] : memref<1000000x64xf32, #tpu.memory_space<hbm>> -> memref<1x64xf32, #tpu.memory_space<hbm>>
        %dma_wait3A_409 = tpu.memref_slice %arg7[%dma_wait3A_399] : memref<2x!tpu.dma_semaphore, #tpu.memory_space<semaphore_mem>> -> memref<1x!tpu.dma_semaphore, #tpu.memory_space<semaphore_mem>>
        %dma_wait3A_410 = tpu.memref_squeeze %dma_wait3A_409 : memref<1x!tpu.dma_semaphore, #tpu.memory_space<semaphore_mem>> -> memref<!tpu.dma_semaphore, #tpu.memory_space<semaphore_mem>>
        %dma_wait3A_411 = arith.constant 0 : i32
        %dma_wait3A_412 = arith.constant 0 : i32
        %dma_wait3A_413 = tpu.memref_slice %arg6[%dma_wait3A_398, %dma_wait3A_411, %dma_wait3A_412] : memref<2x400x64xf32, #tpu.memory_space<vmem>> -> memref<1x400x64xf32, #tpu.memory_space<vmem>>
        %dma_wait3A_414 = tpu.memref_squeeze %dma_wait3A_413 : memref<1x400x64xf32, #tpu.memory_space<vmem>> -> memref<400x64xf32, #tpu.memory_space<vmem>>
        %dma_wait3A_415 = arith.constant 0 : i32
        %dma_wait3A_416 = tpu.memref_slice %dma_wait3A_414[%add3A_397, %dma_wait3A_415] : memref<400x64xf32, #tpu.memory_space<vmem>> -> memref<1x64xf32, #tpu.memory_space<vmem>>
        %dma_wait3A_417 = arith.constant 0 : i32
        %dma_wait3A_418 = arith.constant 0 : i32
        %dma_wait3A_419 = tpu.memref_slice %arg3[%dma_wait3A_417, %dma_wait3A_418] : memref<1000000x64xf32, #tpu.memory_space<hbm>> -> memref<1x64xf32, #tpu.memory_space<hbm>>
        tpu.wait_dma2 semaphore(%dma_wait3A_410 : memref<!tpu.dma_semaphore, #tpu.memory_space<semaphore_mem>>) src(%dma_wait3A_419 : memref<1x64xf32, #tpu.memory_space<hbm>>) dst(%dma_wait3A_416 : memref<1x64xf32, #tpu.memory_space<vmem>>)
        %mul3A_420 = arith.constant 16 : i32
        %mul3A_421 = arith.muli %scan3A_82, %mul3A_420 : i32
        %add3A_422 = arith.constant 13 : i32
        %add3A_423 = arith.addi %mul3A_421, %add3A_422 : i32
        %dma_wait3A_424 = arith.constant 1 : i32
        %dma_wait3A_425 = arith.constant 1 : i32
        %dma_wait3A_426 = arith.constant 0 : i32
        %dma_wait3A_427 = arith.constant 0 : i32
        %dma_wait3A_428 = tpu.memref_slice %arg6[%dma_wait3A_424, %dma_wait3A_426, %dma_wait3A_427] : memref<2x400x64xf32, #tpu.memory_space<vmem>> -> memref<1x400x64xf32, #tpu.memory_space<vmem>>
        %dma_wait3A_429 = tpu.memref_squeeze %dma_wait3A_428 : memref<1x400x64xf32, #tpu.memory_space<vmem>> -> memref<400x64xf32, #tpu.memory_space<vmem>>
        %dma_wait3A_430 = arith.constant 0 : i32
        %dma_wait3A_431 = tpu.memref_slice %dma_wait3A_429[%add3A_423, %dma_wait3A_430] : memref<400x64xf32, #tpu.memory_space<vmem>> -> memref<1x64xf32, #tpu.memory_space<vmem>>
        %dma_wait3A_432 = arith.constant 0 : i32
        %dma_wait3A_433 = arith.constant 0 : i32
        %dma_wait3A_434 = tpu.memref_slice %arg3[%dma_wait3A_432, %dma_wait3A_433] : memref<1000000x64xf32, #tpu.memory_space<hbm>> -> memref<1x64xf32, #tpu.memory_space<hbm>>
        %dma_wait3A_435 = tpu.memref_slice %arg7[%dma_wait3A_425] : memref<2x!tpu.dma_semaphore, #tpu.memory_space<semaphore_mem>> -> memref<1x!tpu.dma_semaphore, #tpu.memory_space<semaphore_mem>>
        %dma_wait3A_436 = tpu.memref_squeeze %dma_wait3A_435 : memref<1x!tpu.dma_semaphore, #tpu.memory_space<semaphore_mem>> -> memref<!tpu.dma_semaphore, #tpu.memory_space<semaphore_mem>>
        %dma_wait3A_437 = arith.constant 0 : i32
        %dma_wait3A_438 = arith.constant 0 : i32
        %dma_wait3A_439 = tpu.memref_slice %arg6[%dma_wait3A_424, %dma_wait3A_437, %dma_wait3A_438] : memref<2x400x64xf32, #tpu.memory_space<vmem>> -> memref<1x400x64xf32, #tpu.memory_space<vmem>>
        %dma_wait3A_440 = tpu.memref_squeeze %dma_wait3A_439 : memref<1x400x64xf32, #tpu.memory_space<vmem>> -> memref<400x64xf32, #tpu.memory_space<vmem>>
        %dma_wait3A_441 = arith.constant 0 : i32
        %dma_wait3A_442 = tpu.memref_slice %dma_wait3A_440[%add3A_423, %dma_wait3A_441] : memref<400x64xf32, #tpu.memory_space<vmem>> -> memref<1x64xf32, #tpu.memory_space<vmem>>
        %dma_wait3A_443 = arith.constant 0 : i32
        %dma_wait3A_444 = arith.constant 0 : i32
        %dma_wait3A_445 = tpu.memref_slice %arg3[%dma_wait3A_443, %dma_wait3A_444] : memref<1000000x64xf32, #tpu.memory_space<hbm>> -> memref<1x64xf32, #tpu.memory_space<hbm>>
        tpu.wait_dma2 semaphore(%dma_wait3A_436 : memref<!tpu.dma_semaphore, #tpu.memory_space<semaphore_mem>>) src(%dma_wait3A_445 : memref<1x64xf32, #tpu.memory_space<hbm>>) dst(%dma_wait3A_442 : memref<1x64xf32, #tpu.memory_space<vmem>>)
        %mul3A_446 = arith.constant 16 : i32
        %mul3A_447 = arith.muli %scan3A_82, %mul3A_446 : i32
        %add3A_448 = arith.constant 14 : i32
        %add3A_449 = arith.addi %mul3A_447, %add3A_448 : i32
        %dma_wait3A_450 = arith.constant 1 : i32
        %dma_wait3A_451 = arith.constant 1 : i32
        %dma_wait3A_452 = arith.constant 0 : i32
        %dma_wait3A_453 = arith.constant 0 : i32
        %dma_wait3A_454 = tpu.memref_slice %arg6[%dma_wait3A_450, %dma_wait3A_452, %dma_wait3A_453] : memref<2x400x64xf32, #tpu.memory_space<vmem>> -> memref<1x400x64xf32, #tpu.memory_space<vmem>>
        %dma_wait3A_455 = tpu.memref_squeeze %dma_wait3A_454 : memref<1x400x64xf32, #tpu.memory_space<vmem>> -> memref<400x64xf32, #tpu.memory_space<vmem>>
        %dma_wait3A_456 = arith.constant 0 : i32
        %dma_wait3A_457 = tpu.memref_slice %dma_wait3A_455[%add3A_449, %dma_wait3A_456] : memref<400x64xf32, #tpu.memory_space<vmem>> -> memref<1x64xf32, #tpu.memory_space<vmem>>
        %dma_wait3A_458 = arith.constant 0 : i32
        %dma_wait3A_459 = arith.constant 0 : i32
        %dma_wait3A_460 = tpu.memref_slice %arg3[%dma_wait3A_458, %dma_wait3A_459] : memref<1000000x64xf32, #tpu.memory_space<hbm>> -> memref<1x64xf32, #tpu.memory_space<hbm>>
        %dma_wait3A_461 = tpu.memref_slice %arg7[%dma_wait3A_451] : memref<2x!tpu.dma_semaphore, #tpu.memory_space<semaphore_mem>> -> memref<1x!tpu.dma_semaphore, #tpu.memory_space<semaphore_mem>>
        %dma_wait3A_462 = tpu.memref_squeeze %dma_wait3A_461 : memref<1x!tpu.dma_semaphore, #tpu.memory_space<semaphore_mem>> -> memref<!tpu.dma_semaphore, #tpu.memory_space<semaphore_mem>>
        %dma_wait3A_463 = arith.constant 0 : i32
        %dma_wait3A_464 = arith.constant 0 : i32
        %dma_wait3A_465 = tpu.memref_slice %arg6[%dma_wait3A_450, %dma_wait3A_463, %dma_wait3A_464] : memref<2x400x64xf32, #tpu.memory_space<vmem>> -> memref<1x400x64xf32, #tpu.memory_space<vmem>>
        %dma_wait3A_466 = tpu.memref_squeeze %dma_wait3A_465 : memref<1x400x64xf32, #tpu.memory_space<vmem>> -> memref<400x64xf32, #tpu.memory_space<vmem>>
        %dma_wait3A_467 = arith.constant 0 : i32
        %dma_wait3A_468 = tpu.memref_slice %dma_wait3A_466[%add3A_449, %dma_wait3A_467] : memref<400x64xf32, #tpu.memory_space<vmem>> -> memref<1x64xf32, #tpu.memory_space<vmem>>
        %dma_wait3A_469 = arith.constant 0 : i32
        %dma_wait3A_470 = arith.constant 0 : i32
        %dma_wait3A_471 = tpu.memref_slice %arg3[%dma_wait3A_469, %dma_wait3A_470] : memref<1000000x64xf32, #tpu.memory_space<hbm>> -> memref<1x64xf32, #tpu.memory_space<hbm>>
        tpu.wait_dma2 semaphore(%dma_wait3A_462 : memref<!tpu.dma_semaphore, #tpu.memory_space<semaphore_mem>>) src(%dma_wait3A_471 : memref<1x64xf32, #tpu.memory_space<hbm>>) dst(%dma_wait3A_468 : memref<1x64xf32, #tpu.memory_space<vmem>>)
        %mul3A_472 = arith.constant 16 : i32
        %mul3A_473 = arith.muli %scan3A_82, %mul3A_472 : i32
        %add3A_474 = arith.constant 15 : i32
        %add3A_475 = arith.addi %mul3A_473, %add3A_474 : i32
        %dma_wait3A_476 = arith.constant 1 : i32
        %dma_wait3A_477 = arith.constant 1 : i32
        %dma_wait3A_478 = arith.constant 0 : i32
        %dma_wait3A_479 = arith.constant 0 : i32
        %dma_wait3A_480 = tpu.memref_slice %arg6[%dma_wait3A_476, %dma_wait3A_478, %dma_wait3A_479] : memref<2x400x64xf32, #tpu.memory_space<vmem>> -> memref<1x400x64xf32, #tpu.memory_space<vmem>>
        %dma_wait3A_481 = tpu.memref_squeeze %dma_wait3A_480 : memref<1x400x64xf32, #tpu.memory_space<vmem>> -> memref<400x64xf32, #tpu.memory_space<vmem>>
        %dma_wait3A_482 = arith.constant 0 : i32
        %dma_wait3A_483 = tpu.memref_slice %dma_wait3A_481[%add3A_475, %dma_wait3A_482] : memref<400x64xf32, #tpu.memory_space<vmem>> -> memref<1x64xf32, #tpu.memory_space<vmem>>
        %dma_wait3A_484 = arith.constant 0 : i32
        %dma_wait3A_485 = arith.constant 0 : i32
        %dma_wait3A_486 = tpu.memref_slice %arg3[%dma_wait3A_484, %dma_wait3A_485] : memref<1000000x64xf32, #tpu.memory_space<hbm>> -> memref<1x64xf32, #tpu.memory_space<hbm>>
        %dma_wait3A_487 = tpu.memref_slice %arg7[%dma_wait3A_477] : memref<2x!tpu.dma_semaphore, #tpu.memory_space<semaphore_mem>> -> memref<1x!tpu.dma_semaphore, #tpu.memory_space<semaphore_mem>>
        %dma_wait3A_488 = tpu.memref_squeeze %dma_wait3A_487 : memref<1x!tpu.dma_semaphore, #tpu.memory_space<semaphore_mem>> -> memref<!tpu.dma_semaphore, #tpu.memory_space<semaphore_mem>>
        %dma_wait3A_489 = arith.constant 0 : i32
        %dma_wait3A_490 = arith.constant 0 : i32
        %dma_wait3A_491 = tpu.memref_slice %arg6[%dma_wait3A_476, %dma_wait3A_489, %dma_wait3A_490] : memref<2x400x64xf32, #tpu.memory_space<vmem>> -> memref<1x400x64xf32, #tpu.memory_space<vmem>>
        %dma_wait3A_492 = tpu.memref_squeeze %dma_wait3A_491 : memref<1x400x64xf32, #tpu.memory_space<vmem>> -> memref<400x64xf32, #tpu.memory_space<vmem>>
        %dma_wait3A_493 = arith.constant 0 : i32
        %dma_wait3A_494 = tpu.memref_slice %dma_wait3A_492[%add3A_475, %dma_wait3A_493] : memref<400x64xf32, #tpu.memory_space<vmem>> -> memref<1x64xf32, #tpu.memory_space<vmem>>
        %dma_wait3A_495 = arith.constant 0 : i32
        %dma_wait3A_496 = arith.constant 0 : i32
        %dma_wait3A_497 = tpu.memref_slice %arg3[%dma_wait3A_495, %dma_wait3A_496] : memref<1000000x64xf32, #tpu.memory_space<hbm>> -> memref<1x64xf32, #tpu.memory_space<hbm>>
        tpu.wait_dma2 semaphore(%dma_wait3A_488 : memref<!tpu.dma_semaphore, #tpu.memory_space<semaphore_mem>>) src(%dma_wait3A_497 : memref<1x64xf32, #tpu.memory_space<hbm>>) dst(%dma_wait3A_494 : memref<1x64xf32, #tpu.memory_space<vmem>>)
      }
      %scan3A_77 = arith.constant 25 : i32
      %mul3A_78 = arith.constant 400 : i32
      %mul3A_79 = arith.muli %add3A_63, %mul3A_78 : i32
      %add3A_80 = arith.addi %mul3A_2, %mul3A_79 : i32
      %run_scoped3A_81 = arith.constant 1 : i32
      "tpu.region"() ({
        %run_scoped3A_82 = tpu.sem_alloc : memref<!tpu.dma_semaphore, #tpu.memory_space<semaphore_mem>>
        %dma_start3A = arith.constant 0 : i32
        %dma_start3A_83 = arith.constant 0 : i32
        %dma_start3A_84 = tpu.memref_slice %arg6[%run_scoped3A_81, %dma_start3A, %dma_start3A_83] : memref<2x400x64xf32, #tpu.memory_space<vmem>> -> memref<1x400x64xf32, #tpu.memory_space<vmem>>
        %dma_start3A_85 = tpu.memref_squeeze %dma_start3A_84 : memref<1x400x64xf32, #tpu.memory_space<vmem>> -> memref<400x64xf32, #tpu.memory_space<vmem>>
        %dma_start3A_86 = arith.constant 0 : i32
        %dma_start3A_87 = tpu.memref_slice %arg4[%add3A_80, %dma_start3A_86] : memref<204800x64xf32, #tpu.memory_space<hbm>> -> memref<400x64xf32, #tpu.memory_space<hbm>>
        %dma_start3A_88 = arith.constant 0 : i32
        %dma_start3A_89 = tpu.memref_slice %arg4[%add3A_80, %dma_start3A_88] : memref<204800x64xf32, #tpu.memory_space<hbm>> -> memref<400x64xf32, #tpu.memory_space<hbm>>
        %dma_start3A_90 = arith.constant 0 : i32
        %dma_start3A_91 = arith.constant 0 : i32
        %dma_start3A_92 = tpu.memref_slice %arg6[%run_scoped3A_81, %dma_start3A_90, %dma_start3A_91] : memref<2x400x64xf32, #tpu.memory_space<vmem>> -> memref<1x400x64xf32, #tpu.memory_space<vmem>>
        %dma_start3A_93 = tpu.memref_squeeze %dma_start3A_92 : memref<1x400x64xf32, #tpu.memory_space<vmem>> -> memref<400x64xf32, #tpu.memory_space<vmem>>
        tpu.enqueue_dma source(%dma_start3A_93 : memref<400x64xf32, #tpu.memory_space<vmem>>) target(%dma_start3A_89 : memref<400x64xf32, #tpu.memory_space<hbm>>) target_semaphore(%run_scoped3A_82 : memref<!tpu.dma_semaphore, #tpu.memory_space<semaphore_mem>>)
        %dma_wait3A = arith.constant 0 : i32
        %dma_wait3A_94 = arith.constant 0 : i32
        %dma_wait3A_95 = tpu.memref_slice %arg6[%run_scoped3A_81, %dma_wait3A, %dma_wait3A_94] : memref<2x400x64xf32, #tpu.memory_space<vmem>> -> memref<1x400x64xf32, #tpu.memory_space<vmem>>
        %dma_wait3A_96 = tpu.memref_squeeze %dma_wait3A_95 : memref<1x400x64xf32, #tpu.memory_space<vmem>> -> memref<400x64xf32, #tpu.memory_space<vmem>>
        %dma_wait3A_97 = arith.constant 0 : i32
        %dma_wait3A_98 = tpu.memref_slice %arg4[%add3A_80, %dma_wait3A_97] : memref<204800x64xf32, #tpu.memory_space<hbm>> -> memref<400x64xf32, #tpu.memory_space<hbm>>
        %dma_wait3A_99 = arith.constant 0 : i32
        %dma_wait3A_100 = tpu.memref_slice %arg4[%add3A_80, %dma_wait3A_99] : memref<204800x64xf32, #tpu.memory_space<hbm>> -> memref<400x64xf32, #tpu.memory_space<hbm>>
        %dma_wait3A_101 = arith.constant 0 : i32
        %dma_wait3A_102 = arith.constant 0 : i32
        %dma_wait3A_103 = tpu.memref_slice %arg6[%run_scoped3A_81, %dma_wait3A_101, %dma_wait3A_102] : memref<2x400x64xf32, #tpu.memory_space<vmem>> -> memref<1x400x64xf32, #tpu.memory_space<vmem>>
        %dma_wait3A_104 = tpu.memref_squeeze %dma_wait3A_103 : memref<1x400x64xf32, #tpu.memory_space<vmem>> -> memref<400x64xf32, #tpu.memory_space<vmem>>
        tpu.wait_dma2 semaphore(%run_scoped3A_82 : memref<!tpu.dma_semaphore, #tpu.memory_space<semaphore_mem>>) src(%dma_wait3A_104 : memref<400x64xf32, #tpu.memory_space<vmem>>) dst(%dma_wait3A_100 : memref<400x64xf32, #tpu.memory_space<hbm>>)
        tpu.yield
      }) : () -> ()
    }
    %scan3A_13 = arith.constant 7 : i32
    %scan3A_14 = arith.constant 0 : i32
    %scan3A_15 = arith.constant 0 : i32
    %scan3A_16 = arith.constant 25 : i32
    %scan3A_17 = arith.addi %scan3A_15, %scan3A_16 : i32
    %scan3A_18 = arith.constant 1 : i32
    scf.for %scan3A_37 = %scan3A_15 to %scan3A_17 step %scan3A_18  : i32 {
      %mul3A_38 = arith.constant 16 : i32
      %mul3A_39 = arith.muli %scan3A_37, %mul3A_38 : i32
      %add3A_40 = arith.constant 6000 : i32
      %add3A_41 = arith.addi %add3A_40, %mul3A_39 : i32
      %get3A = arith.index_cast %add3A_41 : i32 to index
      %get3A_42 = tpu.vector_load %arg5[%get3A] {strides = array<i32>} : memref<6400xi32, #tpu.memory_space<vmem>>, vector<16xi32>,
      %get3A_43 = vector.shape_cast %get3A_42 : vector<16xi32> to vector<16xi32>
      %slice3A = vector.extract_strided_slice %get3A_43 {offsets = [0], sizes = [1], strides = [1]} : vector<16xi32> to vector<1xi32>
      %squeeze3A = vector.extract %slice3A[0] : i32 from vector<1xi32>
      %mul3A_44 = arith.constant 16 : i32
      %mul3A_45 = arith.muli %scan3A_37, %mul3A_44 : i32
      %add3A_46 = arith.constant 0 : i32
      %add3A_47 = arith.addi %mul3A_45, %add3A_46 : i32
      %dma_start3A = arith.constant 1 : i32
      %dma_start3A_48 = arith.constant 1 : i32
      %dma_start3A_49 = arith.constant 0 : i32
      %dma_start3A_50 = arith.constant 0 : i32
      %dma_start3A_51 = tpu.memref_slice %arg6[%dma_start3A, %dma_start3A_49, %dma_start3A_50] : memref<2x400x64xf32, #tpu.memory_space<vmem>> -> memref<1x400x64xf32, #tpu.memory_space<vmem>>
      %dma_start3A_52 = tpu.memref_squeeze %dma_start3A_51 : memref<1x400x64xf32, #tpu.memory_space<vmem>> -> memref<400x64xf32, #tpu.memory_space<vmem>>
      %dma_start3A_53 = arith.constant 0 : i32
      %dma_start3A_54 = tpu.memref_slice %dma_start3A_52[%add3A_47, %dma_start3A_53] : memref<400x64xf32, #tpu.memory_space<vmem>> -> memref<1x64xf32, #tpu.memory_space<vmem>>
      %dma_start3A_55 = arith.constant 0 : i32
      %dma_start3A_56 = tpu.memref_slice %arg3[%squeeze3A, %dma_start3A_55] : memref<1000000x64xf32, #tpu.memory_space<hbm>> -> memref<1x64xf32, #tpu.memory_space<hbm>>
      %dma_start3A_57 = tpu.memref_slice %arg7[%dma_start3A_48] : memref<2x!tpu.dma_semaphore, #tpu.memory_space<semaphore_mem>> -> memref<1x!tpu.dma_semaphore, #tpu.memory_space<semaphore_mem>>
      %dma_start3A_58 = tpu.memref_squeeze %dma_start3A_57 : memref<1x!tpu.dma_semaphore, #tpu.memory_space<semaphore_mem>> -> memref<!tpu.dma_semaphore, #tpu.memory_space<semaphore_mem>>
      %dma_start3A_59 = arith.constant 0 : i32
      %dma_start3A_60 = arith.constant 0 : i32
      %dma_start3A_61 = tpu.memref_slice %arg6[%dma_start3A, %dma_start3A_59, %dma_start3A_60] : memref<2x400x64xf32, #tpu.memory_space<vmem>> -> memref<1x400x64xf32, #tpu.memory_space<vmem>>
      %dma_start3A_62 = tpu.memref_squeeze %dma_start3A_61 : memref<1x400x64xf32, #tpu.memory_space<vmem>> -> memref<400x64xf32, #tpu.memory_space<vmem>>
      %dma_start3A_63 = arith.constant 0 : i32
      %dma_start3A_64 = tpu.memref_slice %dma_start3A_62[%add3A_47, %dma_start3A_63] : memref<400x64xf32, #tpu.memory_space<vmem>> -> memref<1x64xf32, #tpu.memory_space<vmem>>
      %dma_start3A_65 = arith.constant 0 : i32
      %dma_start3A_66 = tpu.memref_slice %arg3[%squeeze3A, %dma_start3A_65] : memref<1000000x64xf32, #tpu.memory_space<hbm>> -> memref<1x64xf32, #tpu.memory_space<hbm>>
      tpu.enqueue_dma source(%dma_start3A_66 : memref<1x64xf32, #tpu.memory_space<hbm>>) target(%dma_start3A_64 : memref<1x64xf32, #tpu.memory_space<vmem>>) target_semaphore(%dma_start3A_58 : memref<!tpu.dma_semaphore, #tpu.memory_space<semaphore_mem>>)
      %slice3A_67 = vector.extract_strided_slice %get3A_43 {offsets = [1], sizes = [1], strides = [1]} : vector<16xi32> to vector<1xi32>
      %squeeze3A_68 = vector.extract %slice3A_67[0] : i32 from vector<1xi32>
      %mul3A_69 = arith.constant 16 : i32
      %mul3A_70 = arith.muli %scan3A_37, %mul3A_69 : i32
      %add3A_71 = arith.constant 1 : i32
      %add3A_72 = arith.addi %mul3A_70, %add3A_71 : i32
      %dma_start3A_73 = arith.constant 1 : i32
      %dma_start3A_74 = arith.constant 1 : i32
      %dma_start3A_75 = arith.constant 0 : i32
      %dma_start3A_76 = arith.constant 0 : i32
      %dma_start3A_77 = tpu.memref_slice %arg6[%dma_start3A_73, %dma_start3A_75, %dma_start3A_76] : memref<2x400x64xf32, #tpu.memory_space<vmem>> -> memref<1x400x64xf32, #tpu.memory_space<vmem>>
      %dma_start3A_78 = tpu.memref_squeeze %dma_start3A_77 : memref<1x400x64xf32, #tpu.memory_space<vmem>> -> memref<400x64xf32, #tpu.memory_space<vmem>>
      %dma_start3A_79 = arith.constant 0 : i32
      %dma_start3A_80 = tpu.memref_slice %dma_start3A_78[%add3A_72, %dma_start3A_79] : memref<400x64xf32, #tpu.memory_space<vmem>> -> memref<1x64xf32, #tpu.memory_space<vmem>>
      %dma_start3A_81 = arith.constant 0 : i32
      %dma_start3A_82 = tpu.memref_slice %arg3[%squeeze3A_68, %dma_start3A_81] : memref<1000000x64xf32, #tpu.memory_space<hbm>> -> memref<1x64xf32, #tpu.memory_space<hbm>>
      %dma_start3A_83 = tpu.memref_slice %arg7[%dma_start3A_74] : memref<2x!tpu.dma_semaphore, #tpu.memory_space<semaphore_mem>> -> memref<1x!tpu.dma_semaphore, #tpu.memory_space<semaphore_mem>>
      %dma_start3A_84 = tpu.memref_squeeze %dma_start3A_83 : memref<1x!tpu.dma_semaphore, #tpu.memory_space<semaphore_mem>> -> memref<!tpu.dma_semaphore, #tpu.memory_space<semaphore_mem>>
      %dma_start3A_85 = arith.constant 0 : i32
      %dma_start3A_86 = arith.constant 0 : i32
      %dma_start3A_87 = tpu.memref_slice %arg6[%dma_start3A_73, %dma_start3A_85, %dma_start3A_86] : memref<2x400x64xf32, #tpu.memory_space<vmem>> -> memref<1x400x64xf32, #tpu.memory_space<vmem>>
      %dma_start3A_88 = tpu.memref_squeeze %dma_start3A_87 : memref<1x400x64xf32, #tpu.memory_space<vmem>> -> memref<400x64xf32, #tpu.memory_space<vmem>>
      %dma_start3A_89 = arith.constant 0 : i32
      %dma_start3A_90 = tpu.memref_slice %dma_start3A_88[%add3A_72, %dma_start3A_89] : memref<400x64xf32, #tpu.memory_space<vmem>> -> memref<1x64xf32, #tpu.memory_space<vmem>>
      %dma_start3A_91 = arith.constant 0 : i32
      %dma_start3A_92 = tpu.memref_slice %arg3[%squeeze3A_68, %dma_start3A_91] : memref<1000000x64xf32, #tpu.memory_space<hbm>> -> memref<1x64xf32, #tpu.memory_space<hbm>>
      tpu.enqueue_dma source(%dma_start3A_92 : memref<1x64xf32, #tpu.memory_space<hbm>>) target(%dma_start3A_90 : memref<1x64xf32, #tpu.memory_space<vmem>>) target_semaphore(%dma_start3A_84 : memref<!tpu.dma_semaphore, #tpu.memory_space<semaphore_mem>>)
      %slice3A_93 = vector.extract_strided_slice %get3A_43 {offsets = [2], sizes = [1], strides = [1]} : vector<16xi32> to vector<1xi32>
      %squeeze3A_94 = vector.extract %slice3A_93[0] : i32 from vector<1xi32>
      %mul3A_95 = arith.constant 16 : i32
      %mul3A_96 = arith.muli %scan3A_37, %mul3A_95 : i32
      %add3A_97 = arith.constant 2 : i32
      %add3A_98 = arith.addi %mul3A_96, %add3A_97 : i32
      %dma_start3A_99 = arith.constant 1 : i32
      %dma_start3A_100 = arith.constant 1 : i32
      %dma_start3A_101 = arith.constant 0 : i32
      %dma_start3A_102 = arith.constant 0 : i32
      %dma_start3A_103 = tpu.memref_slice %arg6[%dma_start3A_99, %dma_start3A_101, %dma_start3A_102] : memref<2x400x64xf32, #tpu.memory_space<vmem>> -> memref<1x400x64xf32, #tpu.memory_space<vmem>>
      %dma_start3A_104 = tpu.memref_squeeze %dma_start3A_103 : memref<1x400x64xf32, #tpu.memory_space<vmem>> -> memref<400x64xf32, #tpu.memory_space<vmem>>
      %dma_start3A_105 = arith.constant 0 : i32
      %dma_start3A_106 = tpu.memref_slice %dma_start3A_104[%add3A_98, %dma_start3A_105] : memref<400x64xf32, #tpu.memory_space<vmem>> -> memref<1x64xf32, #tpu.memory_space<vmem>>
      %dma_start3A_107 = arith.constant 0 : i32
      %dma_start3A_108 = tpu.memref_slice %arg3[%squeeze3A_94, %dma_start3A_107] : memref<1000000x64xf32, #tpu.memory_space<hbm>> -> memref<1x64xf32, #tpu.memory_space<hbm>>
      %dma_start3A_109 = tpu.memref_slice %arg7[%dma_start3A_100] : memref<2x!tpu.dma_semaphore, #tpu.memory_space<semaphore_mem>> -> memref<1x!tpu.dma_semaphore, #tpu.memory_space<semaphore_mem>>
      %dma_start3A_110 = tpu.memref_squeeze %dma_start3A_109 : memref<1x!tpu.dma_semaphore, #tpu.memory_space<semaphore_mem>> -> memref<!tpu.dma_semaphore, #tpu.memory_space<semaphore_mem>>
      %dma_start3A_111 = arith.constant 0 : i32
      %dma_start3A_112 = arith.constant 0 : i32
      %dma_start3A_113 = tpu.memref_slice %arg6[%dma_start3A_99, %dma_start3A_111, %dma_start3A_112] : memref<2x400x64xf32, #tpu.memory_space<vmem>> -> memref<1x400x64xf32, #tpu.memory_space<vmem>>
      %dma_start3A_114 = tpu.memref_squeeze %dma_start3A_113 : memref<1x400x64xf32, #tpu.memory_space<vmem>> -> memref<400x64xf32, #tpu.memory_space<vmem>>
      %dma_start3A_115 = arith.constant 0 : i32
      %dma_start3A_116 = tpu.memref_slice %dma_start3A_114[%add3A_98, %dma_start3A_115] : memref<400x64xf32, #tpu.memory_space<vmem>> -> memref<1x64xf32, #tpu.memory_space<vmem>>
      %dma_start3A_117 = arith.constant 0 : i32
      %dma_start3A_118 = tpu.memref_slice %arg3[%squeeze3A_94, %dma_start3A_117] : memref<1000000x64xf32, #tpu.memory_space<hbm>> -> memref<1x64xf32, #tpu.memory_space<hbm>>
      tpu.enqueue_dma source(%dma_start3A_118 : memref<1x64xf32, #tpu.memory_space<hbm>>) target(%dma_start3A_116 : memref<1x64xf32, #tpu.memory_space<vmem>>) target_semaphore(%dma_start3A_110 : memref<!tpu.dma_semaphore, #tpu.memory_space<semaphore_mem>>)
      %slice3A_119 = vector.extract_strided_slice %get3A_43 {offsets = [3], sizes = [1], strides = [1]} : vector<16xi32> to vector<1xi32>
      %squeeze3A_120 = vector.extract %slice3A_119[0] : i32 from vector<1xi32>
      %mul3A_121 = arith.constant 16 : i32
      %mul3A_122 = arith.muli %scan3A_37, %mul3A_121 : i32
      %add3A_123 = arith.constant 3 : i32
      %add3A_124 = arith.addi %mul3A_122, %add3A_123 : i32
      %dma_start3A_125 = arith.constant 1 : i32
      %dma_start3A_126 = arith.constant 1 : i32
      %dma_start3A_127 = arith.constant 0 : i32
      %dma_start3A_128 = arith.constant 0 : i32
      %dma_start3A_129 = tpu.memref_slice %arg6[%dma_start3A_125, %dma_start3A_127, %dma_start3A_128] : memref<2x400x64xf32, #tpu.memory_space<vmem>> -> memref<1x400x64xf32, #tpu.memory_space<vmem>>
      %dma_start3A_130 = tpu.memref_squeeze %dma_start3A_129 : memref<1x400x64xf32, #tpu.memory_space<vmem>> -> memref<400x64xf32, #tpu.memory_space<vmem>>
      %dma_start3A_131 = arith.constant 0 : i32
      %dma_start3A_132 = tpu.memref_slice %dma_start3A_130[%add3A_124, %dma_start3A_131] : memref<400x64xf32, #tpu.memory_space<vmem>> -> memref<1x64xf32, #tpu.memory_space<vmem>>
      %dma_start3A_133 = arith.constant 0 : i32
      %dma_start3A_134 = tpu.memref_slice %arg3[%squeeze3A_120, %dma_start3A_133] : memref<1000000x64xf32, #tpu.memory_space<hbm>> -> memref<1x64xf32, #tpu.memory_space<hbm>>
      %dma_start3A_135 = tpu.memref_slice %arg7[%dma_start3A_126] : memref<2x!tpu.dma_semaphore, #tpu.memory_space<semaphore_mem>> -> memref<1x!tpu.dma_semaphore, #tpu.memory_space<semaphore_mem>>
      %dma_start3A_136 = tpu.memref_squeeze %dma_start3A_135 : memref<1x!tpu.dma_semaphore, #tpu.memory_space<semaphore_mem>> -> memref<!tpu.dma_semaphore, #tpu.memory_space<semaphore_mem>>
      %dma_start3A_137 = arith.constant 0 : i32
      %dma_start3A_138 = arith.constant 0 : i32
      %dma_start3A_139 = tpu.memref_slice %arg6[%dma_start3A_125, %dma_start3A_137, %dma_start3A_138] : memref<2x400x64xf32, #tpu.memory_space<vmem>> -> memref<1x400x64xf32, #tpu.memory_space<vmem>>
      %dma_start3A_140 = tpu.memref_squeeze %dma_start3A_139 : memref<1x400x64xf32, #tpu.memory_space<vmem>> -> memref<400x64xf32, #tpu.memory_space<vmem>>
      %dma_start3A_141 = arith.constant 0 : i32
      %dma_start3A_142 = tpu.memref_slice %dma_start3A_140[%add3A_124, %dma_start3A_141] : memref<400x64xf32, #tpu.memory_space<vmem>> -> memref<1x64xf32, #tpu.memory_space<vmem>>
      %dma_start3A_143 = arith.constant 0 : i32
      %dma_start3A_144 = tpu.memref_slice %arg3[%squeeze3A_120, %dma_start3A_143] : memref<1000000x64xf32, #tpu.memory_space<hbm>> -> memref<1x64xf32, #tpu.memory_space<hbm>>
      tpu.enqueue_dma source(%dma_start3A_144 : memref<1x64xf32, #tpu.memory_space<hbm>>) target(%dma_start3A_142 : memref<1x64xf32, #tpu.memory_space<vmem>>) target_semaphore(%dma_start3A_136 : memref<!tpu.dma_semaphore, #tpu.memory_space<semaphore_mem>>)
      %slice3A_145 = vector.extract_strided_slice %get3A_43 {offsets = [4], sizes = [1], strides = [1]} : vector<16xi32> to vector<1xi32>
      %squeeze3A_146 = vector.extract %slice3A_145[0] : i32 from vector<1xi32>
      %mul3A_147 = arith.constant 16 : i32
      %mul3A_148 = arith.muli %scan3A_37, %mul3A_147 : i32
      %add3A_149 = arith.constant 4 : i32
      %add3A_150 = arith.addi %mul3A_148, %add3A_149 : i32
      %dma_start3A_151 = arith.constant 1 : i32
      %dma_start3A_152 = arith.constant 1 : i32
      %dma_start3A_153 = arith.constant 0 : i32
      %dma_start3A_154 = arith.constant 0 : i32
      %dma_start3A_155 = tpu.memref_slice %arg6[%dma_start3A_151, %dma_start3A_153, %dma_start3A_154] : memref<2x400x64xf32, #tpu.memory_space<vmem>> -> memref<1x400x64xf32, #tpu.memory_space<vmem>>
      %dma_start3A_156 = tpu.memref_squeeze %dma_start3A_155 : memref<1x400x64xf32, #tpu.memory_space<vmem>> -> memref<400x64xf32, #tpu.memory_space<vmem>>
      %dma_start3A_157 = arith.constant 0 : i32
      %dma_start3A_158 = tpu.memref_slice %dma_start3A_156[%add3A_150, %dma_start3A_157] : memref<400x64xf32, #tpu.memory_space<vmem>> -> memref<1x64xf32, #tpu.memory_space<vmem>>
      %dma_start3A_159 = arith.constant 0 : i32
      %dma_start3A_160 = tpu.memref_slice %arg3[%squeeze3A_146, %dma_start3A_159] : memref<1000000x64xf32, #tpu.memory_space<hbm>> -> memref<1x64xf32, #tpu.memory_space<hbm>>
      %dma_start3A_161 = tpu.memref_slice %arg7[%dma_start3A_152] : memref<2x!tpu.dma_semaphore, #tpu.memory_space<semaphore_mem>> -> memref<1x!tpu.dma_semaphore, #tpu.memory_space<semaphore_mem>>
      %dma_start3A_162 = tpu.memref_squeeze %dma_start3A_161 : memref<1x!tpu.dma_semaphore, #tpu.memory_space<semaphore_mem>> -> memref<!tpu.dma_semaphore, #tpu.memory_space<semaphore_mem>>
      %dma_start3A_163 = arith.constant 0 : i32
      %dma_start3A_164 = arith.constant 0 : i32
      %dma_start3A_165 = tpu.memref_slice %arg6[%dma_start3A_151, %dma_start3A_163, %dma_start3A_164] : memref<2x400x64xf32, #tpu.memory_space<vmem>> -> memref<1x400x64xf32, #tpu.memory_space<vmem>>
      %dma_start3A_166 = tpu.memref_squeeze %dma_start3A_165 : memref<1x400x64xf32, #tpu.memory_space<vmem>> -> memref<400x64xf32, #tpu.memory_space<vmem>>
      %dma_start3A_167 = arith.constant 0 : i32
      %dma_start3A_168 = tpu.memref_slice %dma_start3A_166[%add3A_150, %dma_start3A_167] : memref<400x64xf32, #tpu.memory_space<vmem>> -> memref<1x64xf32, #tpu.memory_space<vmem>>
      %dma_start3A_169 = arith.constant 0 : i32
      %dma_start3A_170 = tpu.memref_slice %arg3[%squeeze3A_146, %dma_start3A_169] : memref<1000000x64xf32, #tpu.memory_space<hbm>> -> memref<1x64xf32, #tpu.memory_space<hbm>>
      tpu.enqueue_dma source(%dma_start3A_170 : memref<1x64xf32, #tpu.memory_space<hbm>>) target(%dma_start3A_168 : memref<1x64xf32, #tpu.memory_space<vmem>>) target_semaphore(%dma_start3A_162 : memref<!tpu.dma_semaphore, #tpu.memory_space<semaphore_mem>>)
      %slice3A_171 = vector.extract_strided_slice %get3A_43 {offsets = [5], sizes = [1], strides = [1]} : vector<16xi32> to vector<1xi32>
      %squeeze3A_172 = vector.extract %slice3A_171[0] : i32 from vector<1xi32>
      %mul3A_173 = arith.constant 16 : i32
      %mul3A_174 = arith.muli %scan3A_37, %mul3A_173 : i32
      %add3A_175 = arith.constant 5 : i32
      %add3A_176 = arith.addi %mul3A_174, %add3A_175 : i32
      %dma_start3A_177 = arith.constant 1 : i32
      %dma_start3A_178 = arith.constant 1 : i32
      %dma_start3A_179 = arith.constant 0 : i32
      %dma_start3A_180 = arith.constant 0 : i32
      %dma_start3A_181 = tpu.memref_slice %arg6[%dma_start3A_177, %dma_start3A_179, %dma_start3A_180] : memref<2x400x64xf32, #tpu.memory_space<vmem>> -> memref<1x400x64xf32, #tpu.memory_space<vmem>>
      %dma_start3A_182 = tpu.memref_squeeze %dma_start3A_181 : memref<1x400x64xf32, #tpu.memory_space<vmem>> -> memref<400x64xf32, #tpu.memory_space<vmem>>
      %dma_start3A_183 = arith.constant 0 : i32
      %dma_start3A_184 = tpu.memref_slice %dma_start3A_182[%add3A_176, %dma_start3A_183] : memref<400x64xf32, #tpu.memory_space<vmem>> -> memref<1x64xf32, #tpu.memory_space<vmem>>
      %dma_start3A_185 = arith.constant 0 : i32
      %dma_start3A_186 = tpu.memref_slice %arg3[%squeeze3A_172, %dma_start3A_185] : memref<1000000x64xf32, #tpu.memory_space<hbm>> -> memref<1x64xf32, #tpu.memory_space<hbm>>
      %dma_start3A_187 = tpu.memref_slice %arg7[%dma_start3A_178] : memref<2x!tpu.dma_semaphore, #tpu.memory_space<semaphore_mem>> -> memref<1x!tpu.dma_semaphore, #tpu.memory_space<semaphore_mem>>
      %dma_start3A_188 = tpu.memref_squeeze %dma_start3A_187 : memref<1x!tpu.dma_semaphore, #tpu.memory_space<semaphore_mem>> -> memref<!tpu.dma_semaphore, #tpu.memory_space<semaphore_mem>>
      %dma_start3A_189 = arith.constant 0 : i32
      %dma_start3A_190 = arith.constant 0 : i32
      %dma_start3A_191 = tpu.memref_slice %arg6[%dma_start3A_177, %dma_start3A_189, %dma_start3A_190] : memref<2x400x64xf32, #tpu.memory_space<vmem>> -> memref<1x400x64xf32, #tpu.memory_space<vmem>>
      %dma_start3A_192 = tpu.memref_squeeze %dma_start3A_191 : memref<1x400x64xf32, #tpu.memory_space<vmem>> -> memref<400x64xf32, #tpu.memory_space<vmem>>
      %dma_start3A_193 = arith.constant 0 : i32
      %dma_start3A_194 = tpu.memref_slice %dma_start3A_192[%add3A_176, %dma_start3A_193] : memref<400x64xf32, #tpu.memory_space<vmem>> -> memref<1x64xf32, #tpu.memory_space<vmem>>
      %dma_start3A_195 = arith.constant 0 : i32
      %dma_start3A_196 = tpu.memref_slice %arg3[%squeeze3A_172, %dma_start3A_195] : memref<1000000x64xf32, #tpu.memory_space<hbm>> -> memref<1x64xf32, #tpu.memory_space<hbm>>
      tpu.enqueue_dma source(%dma_start3A_196 : memref<1x64xf32, #tpu.memory_space<hbm>>) target(%dma_start3A_194 : memref<1x64xf32, #tpu.memory_space<vmem>>) target_semaphore(%dma_start3A_188 : memref<!tpu.dma_semaphore, #tpu.memory_space<semaphore_mem>>)
      %slice3A_197 = vector.extract_strided_slice %get3A_43 {offsets = [6], sizes = [1], strides = [1]} : vector<16xi32> to vector<1xi32>
      %squeeze3A_198 = vector.extract %slice3A_197[0] : i32 from vector<1xi32>
      %mul3A_199 = arith.constant 16 : i32
      %mul3A_200 = arith.muli %scan3A_37, %mul3A_199 : i32
      %add3A_201 = arith.constant 6 : i32
      %add3A_202 = arith.addi %mul3A_200, %add3A_201 : i32
      %dma_start3A_203 = arith.constant 1 : i32
      %dma_start3A_204 = arith.constant 1 : i32
      %dma_start3A_205 = arith.constant 0 : i32
      %dma_start3A_206 = arith.constant 0 : i32
      %dma_start3A_207 = tpu.memref_slice %arg6[%dma_start3A_203, %dma_start3A_205, %dma_start3A_206] : memref<2x400x64xf32, #tpu.memory_space<vmem>> -> memref<1x400x64xf32, #tpu.memory_space<vmem>>
      %dma_start3A_208 = tpu.memref_squeeze %dma_start3A_207 : memref<1x400x64xf32, #tpu.memory_space<vmem>> -> memref<400x64xf32, #tpu.memory_space<vmem>>
      %dma_start3A_209 = arith.constant 0 : i32
      %dma_start3A_210 = tpu.memref_slice %dma_start3A_208[%add3A_202, %dma_start3A_209] : memref<400x64xf32, #tpu.memory_space<vmem>> -> memref<1x64xf32, #tpu.memory_space<vmem>>
      %dma_start3A_211 = arith.constant 0 : i32
      %dma_start3A_212 = tpu.memref_slice %arg3[%squeeze3A_198, %dma_start3A_211] : memref<1000000x64xf32, #tpu.memory_space<hbm>> -> memref<1x64xf32, #tpu.memory_space<hbm>>
      %dma_start3A_213 = tpu.memref_slice %arg7[%dma_start3A_204] : memref<2x!tpu.dma_semaphore, #tpu.memory_space<semaphore_mem>> -> memref<1x!tpu.dma_semaphore, #tpu.memory_space<semaphore_mem>>
      %dma_start3A_214 = tpu.memref_squeeze %dma_start3A_213 : memref<1x!tpu.dma_semaphore, #tpu.memory_space<semaphore_mem>> -> memref<!tpu.dma_semaphore, #tpu.memory_space<semaphore_mem>>
      %dma_start3A_215 = arith.constant 0 : i32
      %dma_start3A_216 = arith.constant 0 : i32
      %dma_start3A_217 = tpu.memref_slice %arg6[%dma_start3A_203, %dma_start3A_215, %dma_start3A_216] : memref<2x400x64xf32, #tpu.memory_space<vmem>> -> memref<1x400x64xf32, #tpu.memory_space<vmem>>
      %dma_start3A_218 = tpu.memref_squeeze %dma_start3A_217 : memref<1x400x64xf32, #tpu.memory_space<vmem>> -> memref<400x64xf32, #tpu.memory_space<vmem>>
      %dma_start3A_219 = arith.constant 0 : i32
      %dma_start3A_220 = tpu.memref_slice %dma_start3A_218[%add3A_202, %dma_start3A_219] : memref<400x64xf32, #tpu.memory_space<vmem>> -> memref<1x64xf32, #tpu.memory_space<vmem>>
      %dma_start3A_221 = arith.constant 0 : i32
      %dma_start3A_222 = tpu.memref_slice %arg3[%squeeze3A_198, %dma_start3A_221] : memref<1000000x64xf32, #tpu.memory_space<hbm>> -> memref<1x64xf32, #tpu.memory_space<hbm>>
      tpu.enqueue_dma source(%dma_start3A_222 : memref<1x64xf32, #tpu.memory_space<hbm>>) target(%dma_start3A_220 : memref<1x64xf32, #tpu.memory_space<vmem>>) target_semaphore(%dma_start3A_214 : memref<!tpu.dma_semaphore, #tpu.memory_space<semaphore_mem>>)
      %slice3A_223 = vector.extract_strided_slice %get3A_43 {offsets = [7], sizes = [1], strides = [1]} : vector<16xi32> to vector<1xi32>
      %squeeze3A_224 = vector.extract %slice3A_223[0] : i32 from vector<1xi32>
      %mul3A_225 = arith.constant 16 : i32
      %mul3A_226 = arith.muli %scan3A_37, %mul3A_225 : i32
      %add3A_227 = arith.constant 7 : i32
      %add3A_228 = arith.addi %mul3A_226, %add3A_227 : i32
      %dma_start3A_229 = arith.constant 1 : i32
      %dma_start3A_230 = arith.constant 1 : i32
      %dma_start3A_231 = arith.constant 0 : i32
      %dma_start3A_232 = arith.constant 0 : i32
      %dma_start3A_233 = tpu.memref_slice %arg6[%dma_start3A_229, %dma_start3A_231, %dma_start3A_232] : memref<2x400x64xf32, #tpu.memory_space<vmem>> -> memref<1x400x64xf32, #tpu.memory_space<vmem>>
      %dma_start3A_234 = tpu.memref_squeeze %dma_start3A_233 : memref<1x400x64xf32, #tpu.memory_space<vmem>> -> memref<400x64xf32, #tpu.memory_space<vmem>>
      %dma_start3A_235 = arith.constant 0 : i32
      %dma_start3A_236 = tpu.memref_slice %dma_start3A_234[%add3A_228, %dma_start3A_235] : memref<400x64xf32, #tpu.memory_space<vmem>> -> memref<1x64xf32, #tpu.memory_space<vmem>>
      %dma_start3A_237 = arith.constant 0 : i32
      %dma_start3A_238 = tpu.memref_slice %arg3[%squeeze3A_224, %dma_start3A_237] : memref<1000000x64xf32, #tpu.memory_space<hbm>> -> memref<1x64xf32, #tpu.memory_space<hbm>>
      %dma_start3A_239 = tpu.memref_slice %arg7[%dma_start3A_230] : memref<2x!tpu.dma_semaphore, #tpu.memory_space<semaphore_mem>> -> memref<1x!tpu.dma_semaphore, #tpu.memory_space<semaphore_mem>>
      %dma_start3A_240 = tpu.memref_squeeze %dma_start3A_239 : memref<1x!tpu.dma_semaphore, #tpu.memory_space<semaphore_mem>> -> memref<!tpu.dma_semaphore, #tpu.memory_space<semaphore_mem>>
      %dma_start3A_241 = arith.constant 0 : i32
      %dma_start3A_242 = arith.constant 0 : i32
      %dma_start3A_243 = tpu.memref_slice %arg6[%dma_start3A_229, %dma_start3A_241, %dma_start3A_242] : memref<2x400x64xf32, #tpu.memory_space<vmem>> -> memref<1x400x64xf32, #tpu.memory_space<vmem>>
      %dma_start3A_244 = tpu.memref_squeeze %dma_start3A_243 : memref<1x400x64xf32, #tpu.memory_space<vmem>> -> memref<400x64xf32, #tpu.memory_space<vmem>>
      %dma_start3A_245 = arith.constant 0 : i32
      %dma_start3A_246 = tpu.memref_slice %dma_start3A_244[%add3A_228, %dma_start3A_245] : memref<400x64xf32, #tpu.memory_space<vmem>> -> memref<1x64xf32, #tpu.memory_space<vmem>>
      %dma_start3A_247 = arith.constant 0 : i32
      %dma_start3A_248 = tpu.memref_slice %arg3[%squeeze3A_224, %dma_start3A_247] : memref<1000000x64xf32, #tpu.memory_space<hbm>> -> memref<1x64xf32, #tpu.memory_space<hbm>>
      tpu.enqueue_dma source(%dma_start3A_248 : memref<1x64xf32, #tpu.memory_space<hbm>>) target(%dma_start3A_246 : memref<1x64xf32, #tpu.memory_space<vmem>>) target_semaphore(%dma_start3A_240 : memref<!tpu.dma_semaphore, #tpu.memory_space<semaphore_mem>>)
      %slice3A_249 = vector.extract_strided_slice %get3A_43 {offsets = [8], sizes = [1], strides = [1]} : vector<16xi32> to vector<1xi32>
      %squeeze3A_250 = vector.extract %slice3A_249[0] : i32 from vector<1xi32>
      %mul3A_251 = arith.constant 16 : i32
      %mul3A_252 = arith.muli %scan3A_37, %mul3A_251 : i32
      %add3A_253 = arith.constant 8 : i32
      %add3A_254 = arith.addi %mul3A_252, %add3A_253 : i32
      %dma_start3A_255 = arith.constant 1 : i32
      %dma_start3A_256 = arith.constant 1 : i32
      %dma_start3A_257 = arith.constant 0 : i32
      %dma_start3A_258 = arith.constant 0 : i32
      %dma_start3A_259 = tpu.memref_slice %arg6[%dma_start3A_255, %dma_start3A_257, %dma_start3A_258] : memref<2x400x64xf32, #tpu.memory_space<vmem>> -> memref<1x400x64xf32, #tpu.memory_space<vmem>>
      %dma_start3A_260 = tpu.memref_squeeze %dma_start3A_259 : memref<1x400x64xf32, #tpu.memory_space<vmem>> -> memref<400x64xf32, #tpu.memory_space<vmem>>
      %dma_start3A_261 = arith.constant 0 : i32
      %dma_start3A_262 = tpu.memref_slice %dma_start3A_260[%add3A_254, %dma_start3A_261] : memref<400x64xf32, #tpu.memory_space<vmem>> -> memref<1x64xf32, #tpu.memory_space<vmem>>
      %dma_start3A_263 = arith.constant 0 : i32
      %dma_start3A_264 = tpu.memref_slice %arg3[%squeeze3A_250, %dma_start3A_263] : memref<1000000x64xf32, #tpu.memory_space<hbm>> -> memref<1x64xf32, #tpu.memory_space<hbm>>
      %dma_start3A_265 = tpu.memref_slice %arg7[%dma_start3A_256] : memref<2x!tpu.dma_semaphore, #tpu.memory_space<semaphore_mem>> -> memref<1x!tpu.dma_semaphore, #tpu.memory_space<semaphore_mem>>
      %dma_start3A_266 = tpu.memref_squeeze %dma_start3A_265 : memref<1x!tpu.dma_semaphore, #tpu.memory_space<semaphore_mem>> -> memref<!tpu.dma_semaphore, #tpu.memory_space<semaphore_mem>>
      %dma_start3A_267 = arith.constant 0 : i32
      %dma_start3A_268 = arith.constant 0 : i32
      %dma_start3A_269 = tpu.memref_slice %arg6[%dma_start3A_255, %dma_start3A_267, %dma_start3A_268] : memref<2x400x64xf32, #tpu.memory_space<vmem>> -> memref<1x400x64xf32, #tpu.memory_space<vmem>>
      %dma_start3A_270 = tpu.memref_squeeze %dma_start3A_269 : memref<1x400x64xf32, #tpu.memory_space<vmem>> -> memref<400x64xf32, #tpu.memory_space<vmem>>
      %dma_start3A_271 = arith.constant 0 : i32
      %dma_start3A_272 = tpu.memref_slice %dma_start3A_270[%add3A_254, %dma_start3A_271] : memref<400x64xf32, #tpu.memory_space<vmem>> -> memref<1x64xf32, #tpu.memory_space<vmem>>
      %dma_start3A_273 = arith.constant 0 : i32
      %dma_start3A_274 = tpu.memref_slice %arg3[%squeeze3A_250, %dma_start3A_273] : memref<1000000x64xf32, #tpu.memory_space<hbm>> -> memref<1x64xf32, #tpu.memory_space<hbm>>
      tpu.enqueue_dma source(%dma_start3A_274 : memref<1x64xf32, #tpu.memory_space<hbm>>) target(%dma_start3A_272 : memref<1x64xf32, #tpu.memory_space<vmem>>) target_semaphore(%dma_start3A_266 : memref<!tpu.dma_semaphore, #tpu.memory_space<semaphore_mem>>)
      %slice3A_275 = vector.extract_strided_slice %get3A_43 {offsets = [9], sizes = [1], strides = [1]} : vector<16xi32> to vector<1xi32>
      %squeeze3A_276 = vector.extract %slice3A_275[0] : i32 from vector<1xi32>
      %mul3A_277 = arith.constant 16 : i32
      %mul3A_278 = arith.muli %scan3A_37, %mul3A_277 : i32
      %add3A_279 = arith.constant 9 : i32
      %add3A_280 = arith.addi %mul3A_278, %add3A_279 : i32
      %dma_start3A_281 = arith.constant 1 : i32
      %dma_start3A_282 = arith.constant 1 : i32
      %dma_start3A_283 = arith.constant 0 : i32
      %dma_start3A_284 = arith.constant 0 : i32
      %dma_start3A_285 = tpu.memref_slice %arg6[%dma_start3A_281, %dma_start3A_283, %dma_start3A_284] : memref<2x400x64xf32, #tpu.memory_space<vmem>> -> memref<1x400x64xf32, #tpu.memory_space<vmem>>
      %dma_start3A_286 = tpu.memref_squeeze %dma_start3A_285 : memref<1x400x64xf32, #tpu.memory_space<vmem>> -> memref<400x64xf32, #tpu.memory_space<vmem>>
      %dma_start3A_287 = arith.constant 0 : i32
      %dma_start3A_288 = tpu.memref_slice %dma_start3A_286[%add3A_280, %dma_start3A_287] : memref<400x64xf32, #tpu.memory_space<vmem>> -> memref<1x64xf32, #tpu.memory_space<vmem>>
      %dma_start3A_289 = arith.constant 0 : i32
      %dma_start3A_290 = tpu.memref_slice %arg3[%squeeze3A_276, %dma_start3A_289] : memref<1000000x64xf32, #tpu.memory_space<hbm>> -> memref<1x64xf32, #tpu.memory_space<hbm>>
      %dma_start3A_291 = tpu.memref_slice %arg7[%dma_start3A_282] : memref<2x!tpu.dma_semaphore, #tpu.memory_space<semaphore_mem>> -> memref<1x!tpu.dma_semaphore, #tpu.memory_space<semaphore_mem>>
      %dma_start3A_292 = tpu.memref_squeeze %dma_start3A_291 : memref<1x!tpu.dma_semaphore, #tpu.memory_space<semaphore_mem>> -> memref<!tpu.dma_semaphore, #tpu.memory_space<semaphore_mem>>
      %dma_start3A_293 = arith.constant 0 : i32
      %dma_start3A_294 = arith.constant 0 : i32
      %dma_start3A_295 = tpu.memref_slice %arg6[%dma_start3A_281, %dma_start3A_293, %dma_start3A_294] : memref<2x400x64xf32, #tpu.memory_space<vmem>> -> memref<1x400x64xf32, #tpu.memory_space<vmem>>
      %dma_start3A_296 = tpu.memref_squeeze %dma_start3A_295 : memref<1x400x64xf32, #tpu.memory_space<vmem>> -> memref<400x64xf32, #tpu.memory_space<vmem>>
      %dma_start3A_297 = arith.constant 0 : i32
      %dma_start3A_298 = tpu.memref_slice %dma_start3A_296[%add3A_280, %dma_start3A_297] : memref<400x64xf32, #tpu.memory_space<vmem>> -> memref<1x64xf32, #tpu.memory_space<vmem>>
      %dma_start3A_299 = arith.constant 0 : i32
      %dma_start3A_300 = tpu.memref_slice %arg3[%squeeze3A_276, %dma_start3A_299] : memref<1000000x64xf32, #tpu.memory_space<hbm>> -> memref<1x64xf32, #tpu.memory_space<hbm>>
      tpu.enqueue_dma source(%dma_start3A_300 : memref<1x64xf32, #tpu.memory_space<hbm>>) target(%dma_start3A_298 : memref<1x64xf32, #tpu.memory_space<vmem>>) target_semaphore(%dma_start3A_292 : memref<!tpu.dma_semaphore, #tpu.memory_space<semaphore_mem>>)
      %slice3A_301 = vector.extract_strided_slice %get3A_43 {offsets = [10], sizes = [1], strides = [1]} : vector<16xi32> to vector<1xi32>
      %squeeze3A_302 = vector.extract %slice3A_301[0] : i32 from vector<1xi32>
      %mul3A_303 = arith.constant 16 : i32
      %mul3A_304 = arith.muli %scan3A_37, %mul3A_303 : i32
      %add3A_305 = arith.constant 10 : i32
      %add3A_306 = arith.addi %mul3A_304, %add3A_305 : i32
      %dma_start3A_307 = arith.constant 1 : i32
      %dma_start3A_308 = arith.constant 1 : i32
      %dma_start3A_309 = arith.constant 0 : i32
      %dma_start3A_310 = arith.constant 0 : i32
      %dma_start3A_311 = tpu.memref_slice %arg6[%dma_start3A_307, %dma_start3A_309, %dma_start3A_310] : memref<2x400x64xf32, #tpu.memory_space<vmem>> -> memref<1x400x64xf32, #tpu.memory_space<vmem>>
      %dma_start3A_312 = tpu.memref_squeeze %dma_start3A_311 : memref<1x400x64xf32, #tpu.memory_space<vmem>> -> memref<400x64xf32, #tpu.memory_space<vmem>>
      %dma_start3A_313 = arith.constant 0 : i32
      %dma_start3A_314 = tpu.memref_slice %dma_start3A_312[%add3A_306, %dma_start3A_313] : memref<400x64xf32, #tpu.memory_space<vmem>> -> memref<1x64xf32, #tpu.memory_space<vmem>>
      %dma_start3A_315 = arith.constant 0 : i32
      %dma_start3A_316 = tpu.memref_slice %arg3[%squeeze3A_302, %dma_start3A_315] : memref<1000000x64xf32, #tpu.memory_space<hbm>> -> memref<1x64xf32, #tpu.memory_space<hbm>>
      %dma_start3A_317 = tpu.memref_slice %arg7[%dma_start3A_308] : memref<2x!tpu.dma_semaphore, #tpu.memory_space<semaphore_mem>> -> memref<1x!tpu.dma_semaphore, #tpu.memory_space<semaphore_mem>>
      %dma_start3A_318 = tpu.memref_squeeze %dma_start3A_317 : memref<1x!tpu.dma_semaphore, #tpu.memory_space<semaphore_mem>> -> memref<!tpu.dma_semaphore, #tpu.memory_space<semaphore_mem>>
      %dma_start3A_319 = arith.constant 0 : i32
      %dma_start3A_320 = arith.constant 0 : i32
      %dma_start3A_321 = tpu.memref_slice %arg6[%dma_start3A_307, %dma_start3A_319, %dma_start3A_320] : memref<2x400x64xf32, #tpu.memory_space<vmem>> -> memref<1x400x64xf32, #tpu.memory_space<vmem>>
      %dma_start3A_322 = tpu.memref_squeeze %dma_start3A_321 : memref<1x400x64xf32, #tpu.memory_space<vmem>> -> memref<400x64xf32, #tpu.memory_space<vmem>>
      %dma_start3A_323 = arith.constant 0 : i32
      %dma_start3A_324 = tpu.memref_slice %dma_start3A_322[%add3A_306, %dma_start3A_323] : memref<400x64xf32, #tpu.memory_space<vmem>> -> memref<1x64xf32, #tpu.memory_space<vmem>>
      %dma_start3A_325 = arith.constant 0 : i32
      %dma_start3A_326 = tpu.memref_slice %arg3[%squeeze3A_302, %dma_start3A_325] : memref<1000000x64xf32, #tpu.memory_space<hbm>> -> memref<1x64xf32, #tpu.memory_space<hbm>>
      tpu.enqueue_dma source(%dma_start3A_326 : memref<1x64xf32, #tpu.memory_space<hbm>>) target(%dma_start3A_324 : memref<1x64xf32, #tpu.memory_space<vmem>>) target_semaphore(%dma_start3A_318 : memref<!tpu.dma_semaphore, #tpu.memory_space<semaphore_mem>>)
      %slice3A_327 = vector.extract_strided_slice %get3A_43 {offsets = [11], sizes = [1], strides = [1]} : vector<16xi32> to vector<1xi32>
      %squeeze3A_328 = vector.extract %slice3A_327[0] : i32 from vector<1xi32>
      %mul3A_329 = arith.constant 16 : i32
      %mul3A_330 = arith.muli %scan3A_37, %mul3A_329 : i32
      %add3A_331 = arith.constant 11 : i32
      %add3A_332 = arith.addi %mul3A_330, %add3A_331 : i32
      %dma_start3A_333 = arith.constant 1 : i32
      %dma_start3A_334 = arith.constant 1 : i32
      %dma_start3A_335 = arith.constant 0 : i32
      %dma_start3A_336 = arith.constant 0 : i32
      %dma_start3A_337 = tpu.memref_slice %arg6[%dma_start3A_333, %dma_start3A_335, %dma_start3A_336] : memref<2x400x64xf32, #tpu.memory_space<vmem>> -> memref<1x400x64xf32, #tpu.memory_space<vmem>>
      %dma_start3A_338 = tpu.memref_squeeze %dma_start3A_337 : memref<1x400x64xf32, #tpu.memory_space<vmem>> -> memref<400x64xf32, #tpu.memory_space<vmem>>
      %dma_start3A_339 = arith.constant 0 : i32
      %dma_start3A_340 = tpu.memref_slice %dma_start3A_338[%add3A_332, %dma_start3A_339] : memref<400x64xf32, #tpu.memory_space<vmem>> -> memref<1x64xf32, #tpu.memory_space<vmem>>
      %dma_start3A_341 = arith.constant 0 : i32
      %dma_start3A_342 = tpu.memref_slice %arg3[%squeeze3A_328, %dma_start3A_341] : memref<1000000x64xf32, #tpu.memory_space<hbm>> -> memref<1x64xf32, #tpu.memory_space<hbm>>
      %dma_start3A_343 = tpu.memref_slice %arg7[%dma_start3A_334] : memref<2x!tpu.dma_semaphore, #tpu.memory_space<semaphore_mem>> -> memref<1x!tpu.dma_semaphore, #tpu.memory_space<semaphore_mem>>
      %dma_start3A_344 = tpu.memref_squeeze %dma_start3A_343 : memref<1x!tpu.dma_semaphore, #tpu.memory_space<semaphore_mem>> -> memref<!tpu.dma_semaphore, #tpu.memory_space<semaphore_mem>>
      %dma_start3A_345 = arith.constant 0 : i32
      %dma_start3A_346 = arith.constant 0 : i32
      %dma_start3A_347 = tpu.memref_slice %arg6[%dma_start3A_333, %dma_start3A_345, %dma_start3A_346] : memref<2x400x64xf32, #tpu.memory_space<vmem>> -> memref<1x400x64xf32, #tpu.memory_space<vmem>>
      %dma_start3A_348 = tpu.memref_squeeze %dma_start3A_347 : memref<1x400x64xf32, #tpu.memory_space<vmem>> -> memref<400x64xf32, #tpu.memory_space<vmem>>
      %dma_start3A_349 = arith.constant 0 : i32
      %dma_start3A_350 = tpu.memref_slice %dma_start3A_348[%add3A_332, %dma_start3A_349] : memref<400x64xf32, #tpu.memory_space<vmem>> -> memref<1x64xf32, #tpu.memory_space<vmem>>
      %dma_start3A_351 = arith.constant 0 : i32
      %dma_start3A_352 = tpu.memref_slice %arg3[%squeeze3A_328, %dma_start3A_351] : memref<1000000x64xf32, #tpu.memory_space<hbm>> -> memref<1x64xf32, #tpu.memory_space<hbm>>
      tpu.enqueue_dma source(%dma_start3A_352 : memref<1x64xf32, #tpu.memory_space<hbm>>) target(%dma_start3A_350 : memref<1x64xf32, #tpu.memory_space<vmem>>) target_semaphore(%dma_start3A_344 : memref<!tpu.dma_semaphore, #tpu.memory_space<semaphore_mem>>)
      %slice3A_353 = vector.extract_strided_slice %get3A_43 {offsets = [12], sizes = [1], strides = [1]} : vector<16xi32> to vector<1xi32>
      %squeeze3A_354 = vector.extract %slice3A_353[0] : i32 from vector<1xi32>
      %mul3A_355 = arith.constant 16 : i32
      %mul3A_356 = arith.muli %scan3A_37, %mul3A_355 : i32
      %add3A_357 = arith.constant 12 : i32
      %add3A_358 = arith.addi %mul3A_356, %add3A_357 : i32
      %dma_start3A_359 = arith.constant 1 : i32
      %dma_start3A_360 = arith.constant 1 : i32
      %dma_start3A_361 = arith.constant 0 : i32
      %dma_start3A_362 = arith.constant 0 : i32
      %dma_start3A_363 = tpu.memref_slice %arg6[%dma_start3A_359, %dma_start3A_361, %dma_start3A_362] : memref<2x400x64xf32, #tpu.memory_space<vmem>> -> memref<1x400x64xf32, #tpu.memory_space<vmem>>
      %dma_start3A_364 = tpu.memref_squeeze %dma_start3A_363 : memref<1x400x64xf32, #tpu.memory_space<vmem>> -> memref<400x64xf32, #tpu.memory_space<vmem>>
      %dma_start3A_365 = arith.constant 0 : i32
      %dma_start3A_366 = tpu.memref_slice %dma_start3A_364[%add3A_358, %dma_start3A_365] : memref<400x64xf32, #tpu.memory_space<vmem>> -> memref<1x64xf32, #tpu.memory_space<vmem>>
      %dma_start3A_367 = arith.constant 0 : i32
      %dma_start3A_368 = tpu.memref_slice %arg3[%squeeze3A_354, %dma_start3A_367] : memref<1000000x64xf32, #tpu.memory_space<hbm>> -> memref<1x64xf32, #tpu.memory_space<hbm>>
      %dma_start3A_369 = tpu.memref_slice %arg7[%dma_start3A_360] : memref<2x!tpu.dma_semaphore, #tpu.memory_space<semaphore_mem>> -> memref<1x!tpu.dma_semaphore, #tpu.memory_space<semaphore_mem>>
      %dma_start3A_370 = tpu.memref_squeeze %dma_start3A_369 : memref<1x!tpu.dma_semaphore, #tpu.memory_space<semaphore_mem>> -> memref<!tpu.dma_semaphore, #tpu.memory_space<semaphore_mem>>
      %dma_start3A_371 = arith.constant 0 : i32
      %dma_start3A_372 = arith.constant 0 : i32
      %dma_start3A_373 = tpu.memref_slice %arg6[%dma_start3A_359, %dma_start3A_371, %dma_start3A_372] : memref<2x400x64xf32, #tpu.memory_space<vmem>> -> memref<1x400x64xf32, #tpu.memory_space<vmem>>
      %dma_start3A_374 = tpu.memref_squeeze %dma_start3A_373 : memref<1x400x64xf32, #tpu.memory_space<vmem>> -> memref<400x64xf32, #tpu.memory_space<vmem>>
      %dma_start3A_375 = arith.constant 0 : i32
      %dma_start3A_376 = tpu.memref_slice %dma_start3A_374[%add3A_358, %dma_start3A_375] : memref<400x64xf32, #tpu.memory_space<vmem>> -> memref<1x64xf32, #tpu.memory_space<vmem>>
      %dma_start3A_377 = arith.constant 0 : i32
      %dma_start3A_378 = tpu.memref_slice %arg3[%squeeze3A_354, %dma_start3A_377] : memref<1000000x64xf32, #tpu.memory_space<hbm>> -> memref<1x64xf32, #tpu.memory_space<hbm>>
      tpu.enqueue_dma source(%dma_start3A_378 : memref<1x64xf32, #tpu.memory_space<hbm>>) target(%dma_start3A_376 : memref<1x64xf32, #tpu.memory_space<vmem>>) target_semaphore(%dma_start3A_370 : memref<!tpu.dma_semaphore, #tpu.memory_space<semaphore_mem>>)
      %slice3A_379 = vector.extract_strided_slice %get3A_43 {offsets = [13], sizes = [1], strides = [1]} : vector<16xi32> to vector<1xi32>
      %squeeze3A_380 = vector.extract %slice3A_379[0] : i32 from vector<1xi32>
      %mul3A_381 = arith.constant 16 : i32
      %mul3A_382 = arith.muli %scan3A_37, %mul3A_381 : i32
      %add3A_383 = arith.constant 13 : i32
      %add3A_384 = arith.addi %mul3A_382, %add3A_383 : i32
      %dma_start3A_385 = arith.constant 1 : i32
      %dma_start3A_386 = arith.constant 1 : i32
      %dma_start3A_387 = arith.constant 0 : i32
      %dma_start3A_388 = arith.constant 0 : i32
      %dma_start3A_389 = tpu.memref_slice %arg6[%dma_start3A_385, %dma_start3A_387, %dma_start3A_388] : memref<2x400x64xf32, #tpu.memory_space<vmem>> -> memref<1x400x64xf32, #tpu.memory_space<vmem>>
      %dma_start3A_390 = tpu.memref_squeeze %dma_start3A_389 : memref<1x400x64xf32, #tpu.memory_space<vmem>> -> memref<400x64xf32, #tpu.memory_space<vmem>>
      %dma_start3A_391 = arith.constant 0 : i32
      %dma_start3A_392 = tpu.memref_slice %dma_start3A_390[%add3A_384, %dma_start3A_391] : memref<400x64xf32, #tpu.memory_space<vmem>> -> memref<1x64xf32, #tpu.memory_space<vmem>>
      %dma_start3A_393 = arith.constant 0 : i32
      %dma_start3A_394 = tpu.memref_slice %arg3[%squeeze3A_380, %dma_start3A_393] : memref<1000000x64xf32, #tpu.memory_space<hbm>> -> memref<1x64xf32, #tpu.memory_space<hbm>>
      %dma_start3A_395 = tpu.memref_slice %arg7[%dma_start3A_386] : memref<2x!tpu.dma_semaphore, #tpu.memory_space<semaphore_mem>> -> memref<1x!tpu.dma_semaphore, #tpu.memory_space<semaphore_mem>>
      %dma_start3A_396 = tpu.memref_squeeze %dma_start3A_395 : memref<1x!tpu.dma_semaphore, #tpu.memory_space<semaphore_mem>> -> memref<!tpu.dma_semaphore, #tpu.memory_space<semaphore_mem>>
      %dma_start3A_397 = arith.constant 0 : i32
      %dma_start3A_398 = arith.constant 0 : i32
      %dma_start3A_399 = tpu.memref_slice %arg6[%dma_start3A_385, %dma_start3A_397, %dma_start3A_398] : memref<2x400x64xf32, #tpu.memory_space<vmem>> -> memref<1x400x64xf32, #tpu.memory_space<vmem>>
      %dma_start3A_400 = tpu.memref_squeeze %dma_start3A_399 : memref<1x400x64xf32, #tpu.memory_space<vmem>> -> memref<400x64xf32, #tpu.memory_space<vmem>>
      %dma_start3A_401 = arith.constant 0 : i32
      %dma_start3A_402 = tpu.memref_slice %dma_start3A_400[%add3A_384, %dma_start3A_401] : memref<400x64xf32, #tpu.memory_space<vmem>> -> memref<1x64xf32, #tpu.memory_space<vmem>>
      %dma_start3A_403 = arith.constant 0 : i32
      %dma_start3A_404 = tpu.memref_slice %arg3[%squeeze3A_380, %dma_start3A_403] : memref<1000000x64xf32, #tpu.memory_space<hbm>> -> memref<1x64xf32, #tpu.memory_space<hbm>>
      tpu.enqueue_dma source(%dma_start3A_404 : memref<1x64xf32, #tpu.memory_space<hbm>>) target(%dma_start3A_402 : memref<1x64xf32, #tpu.memory_space<vmem>>) target_semaphore(%dma_start3A_396 : memref<!tpu.dma_semaphore, #tpu.memory_space<semaphore_mem>>)
      %slice3A_405 = vector.extract_strided_slice %get3A_43 {offsets = [14], sizes = [1], strides = [1]} : vector<16xi32> to vector<1xi32>
      %squeeze3A_406 = vector.extract %slice3A_405[0] : i32 from vector<1xi32>
      %mul3A_407 = arith.constant 16 : i32
      %mul3A_408 = arith.muli %scan3A_37, %mul3A_407 : i32
      %add3A_409 = arith.constant 14 : i32
      %add3A_410 = arith.addi %mul3A_408, %add3A_409 : i32
      %dma_start3A_411 = arith.constant 1 : i32
      %dma_start3A_412 = arith.constant 1 : i32
      %dma_start3A_413 = arith.constant 0 : i32
      %dma_start3A_414 = arith.constant 0 : i32
      %dma_start3A_415 = tpu.memref_slice %arg6[%dma_start3A_411, %dma_start3A_413, %dma_start3A_414] : memref<2x400x64xf32, #tpu.memory_space<vmem>> -> memref<1x400x64xf32, #tpu.memory_space<vmem>>
      %dma_start3A_416 = tpu.memref_squeeze %dma_start3A_415 : memref<1x400x64xf32, #tpu.memory_space<vmem>> -> memref<400x64xf32, #tpu.memory_space<vmem>>
      %dma_start3A_417 = arith.constant 0 : i32
      %dma_start3A_418 = tpu.memref_slice %dma_start3A_416[%add3A_410, %dma_start3A_417] : memref<400x64xf32, #tpu.memory_space<vmem>> -> memref<1x64xf32, #tpu.memory_space<vmem>>
      %dma_start3A_419 = arith.constant 0 : i32
      %dma_start3A_420 = tpu.memref_slice %arg3[%squeeze3A_406, %dma_start3A_419] : memref<1000000x64xf32, #tpu.memory_space<hbm>> -> memref<1x64xf32, #tpu.memory_space<hbm>>
      %dma_start3A_421 = tpu.memref_slice %arg7[%dma_start3A_412] : memref<2x!tpu.dma_semaphore, #tpu.memory_space<semaphore_mem>> -> memref<1x!tpu.dma_semaphore, #tpu.memory_space<semaphore_mem>>
      %dma_start3A_422 = tpu.memref_squeeze %dma_start3A_421 : memref<1x!tpu.dma_semaphore, #tpu.memory_space<semaphore_mem>> -> memref<!tpu.dma_semaphore, #tpu.memory_space<semaphore_mem>>
      %dma_start3A_423 = arith.constant 0 : i32
      %dma_start3A_424 = arith.constant 0 : i32
      %dma_start3A_425 = tpu.memref_slice %arg6[%dma_start3A_411, %dma_start3A_423, %dma_start3A_424] : memref<2x400x64xf32, #tpu.memory_space<vmem>> -> memref<1x400x64xf32, #tpu.memory_space<vmem>>
      %dma_start3A_426 = tpu.memref_squeeze %dma_start3A_425 : memref<1x400x64xf32, #tpu.memory_space<vmem>> -> memref<400x64xf32, #tpu.memory_space<vmem>>
      %dma_start3A_427 = arith.constant 0 : i32
      %dma_start3A_428 = tpu.memref_slice %dma_start3A_426[%add3A_410, %dma_start3A_427] : memref<400x64xf32, #tpu.memory_space<vmem>> -> memref<1x64xf32, #tpu.memory_space<vmem>>
      %dma_start3A_429 = arith.constant 0 : i32
      %dma_start3A_430 = tpu.memref_slice %arg3[%squeeze3A_406, %dma_start3A_429] : memref<1000000x64xf32, #tpu.memory_space<hbm>> -> memref<1x64xf32, #tpu.memory_space<hbm>>
      tpu.enqueue_dma source(%dma_start3A_430 : memref<1x64xf32, #tpu.memory_space<hbm>>) target(%dma_start3A_428 : memref<1x64xf32, #tpu.memory_space<vmem>>) target_semaphore(%dma_start3A_422 : memref<!tpu.dma_semaphore, #tpu.memory_space<semaphore_mem>>)
      %slice3A_431 = vector.extract_strided_slice %get3A_43 {offsets = [15], sizes = [1], strides = [1]} : vector<16xi32> to vector<1xi32>
      %squeeze3A_432 = vector.extract %slice3A_431[0] : i32 from vector<1xi32>
      %mul3A_433 = arith.constant 16 : i32
      %mul3A_434 = arith.muli %scan3A_37, %mul3A_433 : i32
      %add3A_435 = arith.constant 15 : i32
      %add3A_436 = arith.addi %mul3A_434, %add3A_435 : i32
      %dma_start3A_437 = arith.constant 1 : i32
      %dma_start3A_438 = arith.constant 1 : i32
      %dma_start3A_439 = arith.constant 0 : i32
      %dma_start3A_440 = arith.constant 0 : i32
      %dma_start3A_441 = tpu.memref_slice %arg6[%dma_start3A_437, %dma_start3A_439, %dma_start3A_440] : memref<2x400x64xf32, #tpu.memory_space<vmem>> -> memref<1x400x64xf32, #tpu.memory_space<vmem>>
      %dma_start3A_442 = tpu.memref_squeeze %dma_start3A_441 : memref<1x400x64xf32, #tpu.memory_space<vmem>> -> memref<400x64xf32, #tpu.memory_space<vmem>>
      %dma_start3A_443 = arith.constant 0 : i32
      %dma_start3A_444 = tpu.memref_slice %dma_start3A_442[%add3A_436, %dma_start3A_443] : memref<400x64xf32, #tpu.memory_space<vmem>> -> memref<1x64xf32, #tpu.memory_space<vmem>>
      %dma_start3A_445 = arith.constant 0 : i32
      %dma_start3A_446 = tpu.memref_slice %arg3[%squeeze3A_432, %dma_start3A_445] : memref<1000000x64xf32, #tpu.memory_space<hbm>> -> memref<1x64xf32, #tpu.memory_space<hbm>>
      %dma_start3A_447 = tpu.memref_slice %arg7[%dma_start3A_438] : memref<2x!tpu.dma_semaphore, #tpu.memory_space<semaphore_mem>> -> memref<1x!tpu.dma_semaphore, #tpu.memory_space<semaphore_mem>>
      %dma_start3A_448 = tpu.memref_squeeze %dma_start3A_447 : memref<1x!tpu.dma_semaphore, #tpu.memory_space<semaphore_mem>> -> memref<!tpu.dma_semaphore, #tpu.memory_space<semaphore_mem>>
      %dma_start3A_449 = arith.constant 0 : i32
      %dma_start3A_450 = arith.constant 0 : i32
      %dma_start3A_451 = tpu.memref_slice %arg6[%dma_start3A_437, %dma_start3A_449, %dma_start3A_450] : memref<2x400x64xf32, #tpu.memory_space<vmem>> -> memref<1x400x64xf32, #tpu.memory_space<vmem>>
      %dma_start3A_452 = tpu.memref_squeeze %dma_start3A_451 : memref<1x400x64xf32, #tpu.memory_space<vmem>> -> memref<400x64xf32, #tpu.memory_space<vmem>>
      %dma_start3A_453 = arith.constant 0 : i32
      %dma_start3A_454 = tpu.memref_slice %dma_start3A_452[%add3A_436, %dma_start3A_453] : memref<400x64xf32, #tpu.memory_space<vmem>> -> memref<1x64xf32, #tpu.memory_space<vmem>>
      %dma_start3A_455 = arith.constant 0 : i32
      %dma_start3A_456 = tpu.memref_slice %arg3[%squeeze3A_432, %dma_start3A_455] : memref<1000000x64xf32, #tpu.memory_space<hbm>> -> memref<1x64xf32, #tpu.memory_space<hbm>>
      tpu.enqueue_dma source(%dma_start3A_456 : memref<1x64xf32, #tpu.memory_space<hbm>>) target(%dma_start3A_454 : memref<1x64xf32, #tpu.memory_space<vmem>>) target_semaphore(%dma_start3A_448 : memref<!tpu.dma_semaphore, #tpu.memory_space<semaphore_mem>>)
    }
    %scan3A_19 = arith.constant 25 : i32
    %scan3A_20 = arith.constant 0 : i32
    %scan3A_21 = arith.constant 0 : i32
    %scan3A_22 = arith.constant 25 : i32
    %scan3A_23 = arith.addi %scan3A_21, %scan3A_22 : i32
    %scan3A_24 = arith.constant 1 : i32
    scf.for %scan3A_37 = %scan3A_21 to %scan3A_23 step %scan3A_24  : i32 {
      %mul3A_38 = arith.constant 16 : i32
      %mul3A_39 = arith.muli %scan3A_37, %mul3A_38 : i32
      %add3A_40 = arith.constant 0 : i32
      %add3A_41 = arith.addi %mul3A_39, %add3A_40 : i32
      %dma_wait3A = arith.constant 0 : i32
      %dma_wait3A_42 = arith.constant 0 : i32
      %dma_wait3A_43 = arith.constant 0 : i32
      %dma_wait3A_44 = arith.constant 0 : i32
      %dma_wait3A_45 = tpu.memref_slice %arg6[%dma_wait3A, %dma_wait3A_43, %dma_wait3A_44] : memref<2x400x64xf32, #tpu.memory_space<vmem>> -> memref<1x400x64xf32, #tpu.memory_space<vmem>>
      %dma_wait3A_46 = tpu.memref_squeeze %dma_wait3A_45 : memref<1x400x64xf32, #tpu.memory_space<vmem>> -> memref<400x64xf32, #tpu.memory_space<vmem>>
      %dma_wait3A_47 = arith.constant 0 : i32
      %dma_wait3A_48 = tpu.memref_slice %dma_wait3A_46[%add3A_41, %dma_wait3A_47] : memref<400x64xf32, #tpu.memory_space<vmem>> -> memref<1x64xf32, #tpu.memory_space<vmem>>
      %dma_wait3A_49 = arith.constant 0 : i32
      %dma_wait3A_50 = arith.constant 0 : i32
      %dma_wait3A_51 = tpu.memref_slice %arg3[%dma_wait3A_49, %dma_wait3A_50] : memref<1000000x64xf32, #tpu.memory_space<hbm>> -> memref<1x64xf32, #tpu.memory_space<hbm>>
      %dma_wait3A_52 = tpu.memref_slice %arg7[%dma_wait3A_42] : memref<2x!tpu.dma_semaphore, #tpu.memory_space<semaphore_mem>> -> memref<1x!tpu.dma_semaphore, #tpu.memory_space<semaphore_mem>>
      %dma_wait3A_53 = tpu.memref_squeeze %dma_wait3A_52 : memref<1x!tpu.dma_semaphore, #tpu.memory_space<semaphore_mem>> -> memref<!tpu.dma_semaphore, #tpu.memory_space<semaphore_mem>>
      %dma_wait3A_54 = arith.constant 0 : i32
      %dma_wait3A_55 = arith.constant 0 : i32
      %dma_wait3A_56 = tpu.memref_slice %arg6[%dma_wait3A, %dma_wait3A_54, %dma_wait3A_55] : memref<2x400x64xf32, #tpu.memory_space<vmem>> -> memref<1x400x64xf32, #tpu.memory_space<vmem>>
      %dma_wait3A_57 = tpu.memref_squeeze %dma_wait3A_56 : memref<1x400x64xf32, #tpu.memory_space<vmem>> -> memref<400x64xf32, #tpu.memory_space<vmem>>
      %dma_wait3A_58 = arith.constant 0 : i32
      %dma_wait3A_59 = tpu.memref_slice %dma_wait3A_57[%add3A_41, %dma_wait3A_58] : memref<400x64xf32, #tpu.memory_space<vmem>> -> memref<1x64xf32, #tpu.memory_space<vmem>>
      %dma_wait3A_60 = arith.constant 0 : i32
      %dma_wait3A_61 = arith.constant 0 : i32
      %dma_wait3A_62 = tpu.memref_slice %arg3[%dma_wait3A_60, %dma_wait3A_61] : memref<1000000x64xf32, #tpu.memory_space<hbm>> -> memref<1x64xf32, #tpu.memory_space<hbm>>
      tpu.wait_dma2 semaphore(%dma_wait3A_53 : memref<!tpu.dma_semaphore, #tpu.memory_space<semaphore_mem>>) src(%dma_wait3A_62 : memref<1x64xf32, #tpu.memory_space<hbm>>) dst(%dma_wait3A_59 : memref<1x64xf32, #tpu.memory_space<vmem>>)
      %mul3A_63 = arith.constant 16 : i32
      %mul3A_64 = arith.muli %scan3A_37, %mul3A_63 : i32
      %add3A_65 = arith.constant 1 : i32
      %add3A_66 = arith.addi %mul3A_64, %add3A_65 : i32
      %dma_wait3A_67 = arith.constant 0 : i32
      %dma_wait3A_68 = arith.constant 0 : i32
      %dma_wait3A_69 = arith.constant 0 : i32
      %dma_wait3A_70 = arith.constant 0 : i32
      %dma_wait3A_71 = tpu.memref_slice %arg6[%dma_wait3A_67, %dma_wait3A_69, %dma_wait3A_70] : memref<2x400x64xf32, #tpu.memory_space<vmem>> -> memref<1x400x64xf32, #tpu.memory_space<vmem>>
      %dma_wait3A_72 = tpu.memref_squeeze %dma_wait3A_71 : memref<1x400x64xf32, #tpu.memory_space<vmem>> -> memref<400x64xf32, #tpu.memory_space<vmem>>
      %dma_wait3A_73 = arith.constant 0 : i32
      %dma_wait3A_74 = tpu.memref_slice %dma_wait3A_72[%add3A_66, %dma_wait3A_73] : memref<400x64xf32, #tpu.memory_space<vmem>> -> memref<1x64xf32, #tpu.memory_space<vmem>>
      %dma_wait3A_75 = arith.constant 0 : i32
      %dma_wait3A_76 = arith.constant 0 : i32
      %dma_wait3A_77 = tpu.memref_slice %arg3[%dma_wait3A_75, %dma_wait3A_76] : memref<1000000x64xf32, #tpu.memory_space<hbm>> -> memref<1x64xf32, #tpu.memory_space<hbm>>
      %dma_wait3A_78 = tpu.memref_slice %arg7[%dma_wait3A_68] : memref<2x!tpu.dma_semaphore, #tpu.memory_space<semaphore_mem>> -> memref<1x!tpu.dma_semaphore, #tpu.memory_space<semaphore_mem>>
      %dma_wait3A_79 = tpu.memref_squeeze %dma_wait3A_78 : memref<1x!tpu.dma_semaphore, #tpu.memory_space<semaphore_mem>> -> memref<!tpu.dma_semaphore, #tpu.memory_space<semaphore_mem>>
      %dma_wait3A_80 = arith.constant 0 : i32
      %dma_wait3A_81 = arith.constant 0 : i32
      %dma_wait3A_82 = tpu.memref_slice %arg6[%dma_wait3A_67, %dma_wait3A_80, %dma_wait3A_81] : memref<2x400x64xf32, #tpu.memory_space<vmem>> -> memref<1x400x64xf32, #tpu.memory_space<vmem>>
      %dma_wait3A_83 = tpu.memref_squeeze %dma_wait3A_82 : memref<1x400x64xf32, #tpu.memory_space<vmem>> -> memref<400x64xf32, #tpu.memory_space<vmem>>
      %dma_wait3A_84 = arith.constant 0 : i32
      %dma_wait3A_85 = tpu.memref_slice %dma_wait3A_83[%add3A_66, %dma_wait3A_84] : memref<400x64xf32, #tpu.memory_space<vmem>> -> memref<1x64xf32, #tpu.memory_space<vmem>>
      %dma_wait3A_86 = arith.constant 0 : i32
      %dma_wait3A_87 = arith.constant 0 : i32
      %dma_wait3A_88 = tpu.memref_slice %arg3[%dma_wait3A_86, %dma_wait3A_87] : memref<1000000x64xf32, #tpu.memory_space<hbm>> -> memref<1x64xf32, #tpu.memory_space<hbm>>
      tpu.wait_dma2 semaphore(%dma_wait3A_79 : memref<!tpu.dma_semaphore, #tpu.memory_space<semaphore_mem>>) src(%dma_wait3A_88 : memref<1x64xf32, #tpu.memory_space<hbm>>) dst(%dma_wait3A_85 : memref<1x64xf32, #tpu.memory_space<vmem>>)
      %mul3A_89 = arith.constant 16 : i32
      %mul3A_90 = arith.muli %scan3A_37, %mul3A_89 : i32
      %add3A_91 = arith.constant 2 : i32
      %add3A_92 = arith.addi %mul3A_90, %add3A_91 : i32
      %dma_wait3A_93 = arith.constant 0 : i32
      %dma_wait3A_94 = arith.constant 0 : i32
      %dma_wait3A_95 = arith.constant 0 : i32
      %dma_wait3A_96 = arith.constant 0 : i32
      %dma_wait3A_97 = tpu.memref_slice %arg6[%dma_wait3A_93, %dma_wait3A_95, %dma_wait3A_96] : memref<2x400x64xf32, #tpu.memory_space<vmem>> -> memref<1x400x64xf32, #tpu.memory_space<vmem>>
      %dma_wait3A_98 = tpu.memref_squeeze %dma_wait3A_97 : memref<1x400x64xf32, #tpu.memory_space<vmem>> -> memref<400x64xf32, #tpu.memory_space<vmem>>
      %dma_wait3A_99 = arith.constant 0 : i32
      %dma_wait3A_100 = tpu.memref_slice %dma_wait3A_98[%add3A_92, %dma_wait3A_99] : memref<400x64xf32, #tpu.memory_space<vmem>> -> memref<1x64xf32, #tpu.memory_space<vmem>>
      %dma_wait3A_101 = arith.constant 0 : i32
      %dma_wait3A_102 = arith.constant 0 : i32
      %dma_wait3A_103 = tpu.memref_slice %arg3[%dma_wait3A_101, %dma_wait3A_102] : memref<1000000x64xf32, #tpu.memory_space<hbm>> -> memref<1x64xf32, #tpu.memory_space<hbm>>
      %dma_wait3A_104 = tpu.memref_slice %arg7[%dma_wait3A_94] : memref<2x!tpu.dma_semaphore, #tpu.memory_space<semaphore_mem>> -> memref<1x!tpu.dma_semaphore, #tpu.memory_space<semaphore_mem>>
      %dma_wait3A_105 = tpu.memref_squeeze %dma_wait3A_104 : memref<1x!tpu.dma_semaphore, #tpu.memory_space<semaphore_mem>> -> memref<!tpu.dma_semaphore, #tpu.memory_space<semaphore_mem>>
      %dma_wait3A_106 = arith.constant 0 : i32
      %dma_wait3A_107 = arith.constant 0 : i32
      %dma_wait3A_108 = tpu.memref_slice %arg6[%dma_wait3A_93, %dma_wait3A_106, %dma_wait3A_107] : memref<2x400x64xf32, #tpu.memory_space<vmem>> -> memref<1x400x64xf32, #tpu.memory_space<vmem>>
      %dma_wait3A_109 = tpu.memref_squeeze %dma_wait3A_108 : memref<1x400x64xf32, #tpu.memory_space<vmem>> -> memref<400x64xf32, #tpu.memory_space<vmem>>
      %dma_wait3A_110 = arith.constant 0 : i32
      %dma_wait3A_111 = tpu.memref_slice %dma_wait3A_109[%add3A_92, %dma_wait3A_110] : memref<400x64xf32, #tpu.memory_space<vmem>> -> memref<1x64xf32, #tpu.memory_space<vmem>>
      %dma_wait3A_112 = arith.constant 0 : i32
      %dma_wait3A_113 = arith.constant 0 : i32
      %dma_wait3A_114 = tpu.memref_slice %arg3[%dma_wait3A_112, %dma_wait3A_113] : memref<1000000x64xf32, #tpu.memory_space<hbm>> -> memref<1x64xf32, #tpu.memory_space<hbm>>
      tpu.wait_dma2 semaphore(%dma_wait3A_105 : memref<!tpu.dma_semaphore, #tpu.memory_space<semaphore_mem>>) src(%dma_wait3A_114 : memref<1x64xf32, #tpu.memory_space<hbm>>) dst(%dma_wait3A_111 : memref<1x64xf32, #tpu.memory_space<vmem>>)
      %mul3A_115 = arith.constant 16 : i32
      %mul3A_116 = arith.muli %scan3A_37, %mul3A_115 : i32
      %add3A_117 = arith.constant 3 : i32
      %add3A_118 = arith.addi %mul3A_116, %add3A_117 : i32
      %dma_wait3A_119 = arith.constant 0 : i32
      %dma_wait3A_120 = arith.constant 0 : i32
      %dma_wait3A_121 = arith.constant 0 : i32
      %dma_wait3A_122 = arith.constant 0 : i32
      %dma_wait3A_123 = tpu.memref_slice %arg6[%dma_wait3A_119, %dma_wait3A_121, %dma_wait3A_122] : memref<2x400x64xf32, #tpu.memory_space<vmem>> -> memref<1x400x64xf32, #tpu.memory_space<vmem>>
      %dma_wait3A_124 = tpu.memref_squeeze %dma_wait3A_123 : memref<1x400x64xf32, #tpu.memory_space<vmem>> -> memref<400x64xf32, #tpu.memory_space<vmem>>
      %dma_wait3A_125 = arith.constant 0 : i32
      %dma_wait3A_126 = tpu.memref_slice %dma_wait3A_124[%add3A_118, %dma_wait3A_125] : memref<400x64xf32, #tpu.memory_space<vmem>> -> memref<1x64xf32, #tpu.memory_space<vmem>>
      %dma_wait3A_127 = arith.constant 0 : i32
      %dma_wait3A_128 = arith.constant 0 : i32
      %dma_wait3A_129 = tpu.memref_slice %arg3[%dma_wait3A_127, %dma_wait3A_128] : memref<1000000x64xf32, #tpu.memory_space<hbm>> -> memref<1x64xf32, #tpu.memory_space<hbm>>
      %dma_wait3A_130 = tpu.memref_slice %arg7[%dma_wait3A_120] : memref<2x!tpu.dma_semaphore, #tpu.memory_space<semaphore_mem>> -> memref<1x!tpu.dma_semaphore, #tpu.memory_space<semaphore_mem>>
      %dma_wait3A_131 = tpu.memref_squeeze %dma_wait3A_130 : memref<1x!tpu.dma_semaphore, #tpu.memory_space<semaphore_mem>> -> memref<!tpu.dma_semaphore, #tpu.memory_space<semaphore_mem>>
      %dma_wait3A_132 = arith.constant 0 : i32
      %dma_wait3A_133 = arith.constant 0 : i32
      %dma_wait3A_134 = tpu.memref_slice %arg6[%dma_wait3A_119, %dma_wait3A_132, %dma_wait3A_133] : memref<2x400x64xf32, #tpu.memory_space<vmem>> -> memref<1x400x64xf32, #tpu.memory_space<vmem>>
      %dma_wait3A_135 = tpu.memref_squeeze %dma_wait3A_134 : memref<1x400x64xf32, #tpu.memory_space<vmem>> -> memref<400x64xf32, #tpu.memory_space<vmem>>
      %dma_wait3A_136 = arith.constant 0 : i32
      %dma_wait3A_137 = tpu.memref_slice %dma_wait3A_135[%add3A_118, %dma_wait3A_136] : memref<400x64xf32, #tpu.memory_space<vmem>> -> memref<1x64xf32, #tpu.memory_space<vmem>>
      %dma_wait3A_138 = arith.constant 0 : i32
      %dma_wait3A_139 = arith.constant 0 : i32
      %dma_wait3A_140 = tpu.memref_slice %arg3[%dma_wait3A_138, %dma_wait3A_139] : memref<1000000x64xf32, #tpu.memory_space<hbm>> -> memref<1x64xf32, #tpu.memory_space<hbm>>
      tpu.wait_dma2 semaphore(%dma_wait3A_131 : memref<!tpu.dma_semaphore, #tpu.memory_space<semaphore_mem>>) src(%dma_wait3A_140 : memref<1x64xf32, #tpu.memory_space<hbm>>) dst(%dma_wait3A_137 : memref<1x64xf32, #tpu.memory_space<vmem>>)
      %mul3A_141 = arith.constant 16 : i32
      %mul3A_142 = arith.muli %scan3A_37, %mul3A_141 : i32
      %add3A_143 = arith.constant 4 : i32
      %add3A_144 = arith.addi %mul3A_142, %add3A_143 : i32
      %dma_wait3A_145 = arith.constant 0 : i32
      %dma_wait3A_146 = arith.constant 0 : i32
      %dma_wait3A_147 = arith.constant 0 : i32
      %dma_wait3A_148 = arith.constant 0 : i32
      %dma_wait3A_149 = tpu.memref_slice %arg6[%dma_wait3A_145, %dma_wait3A_147, %dma_wait3A_148] : memref<2x400x64xf32, #tpu.memory_space<vmem>> -> memref<1x400x64xf32, #tpu.memory_space<vmem>>
      %dma_wait3A_150 = tpu.memref_squeeze %dma_wait3A_149 : memref<1x400x64xf32, #tpu.memory_space<vmem>> -> memref<400x64xf32, #tpu.memory_space<vmem>>
      %dma_wait3A_151 = arith.constant 0 : i32
      %dma_wait3A_152 = tpu.memref_slice %dma_wait3A_150[%add3A_144, %dma_wait3A_151] : memref<400x64xf32, #tpu.memory_space<vmem>> -> memref<1x64xf32, #tpu.memory_space<vmem>>
      %dma_wait3A_153 = arith.constant 0 : i32
      %dma_wait3A_154 = arith.constant 0 : i32
      %dma_wait3A_155 = tpu.memref_slice %arg3[%dma_wait3A_153, %dma_wait3A_154] : memref<1000000x64xf32, #tpu.memory_space<hbm>> -> memref<1x64xf32, #tpu.memory_space<hbm>>
      %dma_wait3A_156 = tpu.memref_slice %arg7[%dma_wait3A_146] : memref<2x!tpu.dma_semaphore, #tpu.memory_space<semaphore_mem>> -> memref<1x!tpu.dma_semaphore, #tpu.memory_space<semaphore_mem>>
      %dma_wait3A_157 = tpu.memref_squeeze %dma_wait3A_156 : memref<1x!tpu.dma_semaphore, #tpu.memory_space<semaphore_mem>> -> memref<!tpu.dma_semaphore, #tpu.memory_space<semaphore_mem>>
      %dma_wait3A_158 = arith.constant 0 : i32
      %dma_wait3A_159 = arith.constant 0 : i32
      %dma_wait3A_160 = tpu.memref_slice %arg6[%dma_wait3A_145, %dma_wait3A_158, %dma_wait3A_159] : memref<2x400x64xf32, #tpu.memory_space<vmem>> -> memref<1x400x64xf32, #tpu.memory_space<vmem>>
      %dma_wait3A_161 = tpu.memref_squeeze %dma_wait3A_160 : memref<1x400x64xf32, #tpu.memory_space<vmem>> -> memref<400x64xf32, #tpu.memory_space<vmem>>
      %dma_wait3A_162 = arith.constant 0 : i32
      %dma_wait3A_163 = tpu.memref_slice %dma_wait3A_161[%add3A_144, %dma_wait3A_162] : memref<400x64xf32, #tpu.memory_space<vmem>> -> memref<1x64xf32, #tpu.memory_space<vmem>>
      %dma_wait3A_164 = arith.constant 0 : i32
      %dma_wait3A_165 = arith.constant 0 : i32
      %dma_wait3A_166 = tpu.memref_slice %arg3[%dma_wait3A_164, %dma_wait3A_165] : memref<1000000x64xf32, #tpu.memory_space<hbm>> -> memref<1x64xf32, #tpu.memory_space<hbm>>
      tpu.wait_dma2 semaphore(%dma_wait3A_157 : memref<!tpu.dma_semaphore, #tpu.memory_space<semaphore_mem>>) src(%dma_wait3A_166 : memref<1x64xf32, #tpu.memory_space<hbm>>) dst(%dma_wait3A_163 : memref<1x64xf32, #tpu.memory_space<vmem>>)
      %mul3A_167 = arith.constant 16 : i32
      %mul3A_168 = arith.muli %scan3A_37, %mul3A_167 : i32
      %add3A_169 = arith.constant 5 : i32
      %add3A_170 = arith.addi %mul3A_168, %add3A_169 : i32
      %dma_wait3A_171 = arith.constant 0 : i32
      %dma_wait3A_172 = arith.constant 0 : i32
      %dma_wait3A_173 = arith.constant 0 : i32
      %dma_wait3A_174 = arith.constant 0 : i32
      %dma_wait3A_175 = tpu.memref_slice %arg6[%dma_wait3A_171, %dma_wait3A_173, %dma_wait3A_174] : memref<2x400x64xf32, #tpu.memory_space<vmem>> -> memref<1x400x64xf32, #tpu.memory_space<vmem>>
      %dma_wait3A_176 = tpu.memref_squeeze %dma_wait3A_175 : memref<1x400x64xf32, #tpu.memory_space<vmem>> -> memref<400x64xf32, #tpu.memory_space<vmem>>
      %dma_wait3A_177 = arith.constant 0 : i32
      %dma_wait3A_178 = tpu.memref_slice %dma_wait3A_176[%add3A_170, %dma_wait3A_177] : memref<400x64xf32, #tpu.memory_space<vmem>> -> memref<1x64xf32, #tpu.memory_space<vmem>>
      %dma_wait3A_179 = arith.constant 0 : i32
      %dma_wait3A_180 = arith.constant 0 : i32
      %dma_wait3A_181 = tpu.memref_slice %arg3[%dma_wait3A_179, %dma_wait3A_180] : memref<1000000x64xf32, #tpu.memory_space<hbm>> -> memref<1x64xf32, #tpu.memory_space<hbm>>
      %dma_wait3A_182 = tpu.memref_slice %arg7[%dma_wait3A_172] : memref<2x!tpu.dma_semaphore, #tpu.memory_space<semaphore_mem>> -> memref<1x!tpu.dma_semaphore, #tpu.memory_space<semaphore_mem>>
      %dma_wait3A_183 = tpu.memref_squeeze %dma_wait3A_182 : memref<1x!tpu.dma_semaphore, #tpu.memory_space<semaphore_mem>> -> memref<!tpu.dma_semaphore, #tpu.memory_space<semaphore_mem>>
      %dma_wait3A_184 = arith.constant 0 : i32
      %dma_wait3A_185 = arith.constant 0 : i32
      %dma_wait3A_186 = tpu.memref_slice %arg6[%dma_wait3A_171, %dma_wait3A_184, %dma_wait3A_185] : memref<2x400x64xf32, #tpu.memory_space<vmem>> -> memref<1x400x64xf32, #tpu.memory_space<vmem>>
      %dma_wait3A_187 = tpu.memref_squeeze %dma_wait3A_186 : memref<1x400x64xf32, #tpu.memory_space<vmem>> -> memref<400x64xf32, #tpu.memory_space<vmem>>
      %dma_wait3A_188 = arith.constant 0 : i32
      %dma_wait3A_189 = tpu.memref_slice %dma_wait3A_187[%add3A_170, %dma_wait3A_188] : memref<400x64xf32, #tpu.memory_space<vmem>> -> memref<1x64xf32, #tpu.memory_space<vmem>>
      %dma_wait3A_190 = arith.constant 0 : i32
      %dma_wait3A_191 = arith.constant 0 : i32
      %dma_wait3A_192 = tpu.memref_slice %arg3[%dma_wait3A_190, %dma_wait3A_191] : memref<1000000x64xf32, #tpu.memory_space<hbm>> -> memref<1x64xf32, #tpu.memory_space<hbm>>
      tpu.wait_dma2 semaphore(%dma_wait3A_183 : memref<!tpu.dma_semaphore, #tpu.memory_space<semaphore_mem>>) src(%dma_wait3A_192 : memref<1x64xf32, #tpu.memory_space<hbm>>) dst(%dma_wait3A_189 : memref<1x64xf32, #tpu.memory_space<vmem>>)
      %mul3A_193 = arith.constant 16 : i32
      %mul3A_194 = arith.muli %scan3A_37, %mul3A_193 : i32
      %add3A_195 = arith.constant 6 : i32
      %add3A_196 = arith.addi %mul3A_194, %add3A_195 : i32
      %dma_wait3A_197 = arith.constant 0 : i32
      %dma_wait3A_198 = arith.constant 0 : i32
      %dma_wait3A_199 = arith.constant 0 : i32
      %dma_wait3A_200 = arith.constant 0 : i32
      %dma_wait3A_201 = tpu.memref_slice %arg6[%dma_wait3A_197, %dma_wait3A_199, %dma_wait3A_200] : memref<2x400x64xf32, #tpu.memory_space<vmem>> -> memref<1x400x64xf32, #tpu.memory_space<vmem>>
      %dma_wait3A_202 = tpu.memref_squeeze %dma_wait3A_201 : memref<1x400x64xf32, #tpu.memory_space<vmem>> -> memref<400x64xf32, #tpu.memory_space<vmem>>
      %dma_wait3A_203 = arith.constant 0 : i32
      %dma_wait3A_204 = tpu.memref_slice %dma_wait3A_202[%add3A_196, %dma_wait3A_203] : memref<400x64xf32, #tpu.memory_space<vmem>> -> memref<1x64xf32, #tpu.memory_space<vmem>>
      %dma_wait3A_205 = arith.constant 0 : i32
      %dma_wait3A_206 = arith.constant 0 : i32
      %dma_wait3A_207 = tpu.memref_slice %arg3[%dma_wait3A_205, %dma_wait3A_206] : memref<1000000x64xf32, #tpu.memory_space<hbm>> -> memref<1x64xf32, #tpu.memory_space<hbm>>
      %dma_wait3A_208 = tpu.memref_slice %arg7[%dma_wait3A_198] : memref<2x!tpu.dma_semaphore, #tpu.memory_space<semaphore_mem>> -> memref<1x!tpu.dma_semaphore, #tpu.memory_space<semaphore_mem>>
      %dma_wait3A_209 = tpu.memref_squeeze %dma_wait3A_208 : memref<1x!tpu.dma_semaphore, #tpu.memory_space<semaphore_mem>> -> memref<!tpu.dma_semaphore, #tpu.memory_space<semaphore_mem>>
      %dma_wait3A_210 = arith.constant 0 : i32
      %dma_wait3A_211 = arith.constant 0 : i32
      %dma_wait3A_212 = tpu.memref_slice %arg6[%dma_wait3A_197, %dma_wait3A_210, %dma_wait3A_211] : memref<2x400x64xf32, #tpu.memory_space<vmem>> -> memref<1x400x64xf32, #tpu.memory_space<vmem>>
      %dma_wait3A_213 = tpu.memref_squeeze %dma_wait3A_212 : memref<1x400x64xf32, #tpu.memory_space<vmem>> -> memref<400x64xf32, #tpu.memory_space<vmem>>
      %dma_wait3A_214 = arith.constant 0 : i32
      %dma_wait3A_215 = tpu.memref_slice %dma_wait3A_213[%add3A_196, %dma_wait3A_214] : memref<400x64xf32, #tpu.memory_space<vmem>> -> memref<1x64xf32, #tpu.memory_space<vmem>>
      %dma_wait3A_216 = arith.constant 0 : i32
      %dma_wait3A_217 = arith.constant 0 : i32
      %dma_wait3A_218 = tpu.memref_slice %arg3[%dma_wait3A_216, %dma_wait3A_217] : memref<1000000x64xf32, #tpu.memory_space<hbm>> -> memref<1x64xf32, #tpu.memory_space<hbm>>
      tpu.wait_dma2 semaphore(%dma_wait3A_209 : memref<!tpu.dma_semaphore, #tpu.memory_space<semaphore_mem>>) src(%dma_wait3A_218 : memref<1x64xf32, #tpu.memory_space<hbm>>) dst(%dma_wait3A_215 : memref<1x64xf32, #tpu.memory_space<vmem>>)
      %mul3A_219 = arith.constant 16 : i32
      %mul3A_220 = arith.muli %scan3A_37, %mul3A_219 : i32
      %add3A_221 = arith.constant 7 : i32
      %add3A_222 = arith.addi %mul3A_220, %add3A_221 : i32
      %dma_wait3A_223 = arith.constant 0 : i32
      %dma_wait3A_224 = arith.constant 0 : i32
      %dma_wait3A_225 = arith.constant 0 : i32
      %dma_wait3A_226 = arith.constant 0 : i32
      %dma_wait3A_227 = tpu.memref_slice %arg6[%dma_wait3A_223, %dma_wait3A_225, %dma_wait3A_226] : memref<2x400x64xf32, #tpu.memory_space<vmem>> -> memref<1x400x64xf32, #tpu.memory_space<vmem>>
      %dma_wait3A_228 = tpu.memref_squeeze %dma_wait3A_227 : memref<1x400x64xf32, #tpu.memory_space<vmem>> -> memref<400x64xf32, #tpu.memory_space<vmem>>
      %dma_wait3A_229 = arith.constant 0 : i32
      %dma_wait3A_230 = tpu.memref_slice %dma_wait3A_228[%add3A_222, %dma_wait3A_229] : memref<400x64xf32, #tpu.memory_space<vmem>> -> memref<1x64xf32, #tpu.memory_space<vmem>>
      %dma_wait3A_231 = arith.constant 0 : i32
      %dma_wait3A_232 = arith.constant 0 : i32
      %dma_wait3A_233 = tpu.memref_slice %arg3[%dma_wait3A_231, %dma_wait3A_232] : memref<1000000x64xf32, #tpu.memory_space<hbm>> -> memref<1x64xf32, #tpu.memory_space<hbm>>
      %dma_wait3A_234 = tpu.memref_slice %arg7[%dma_wait3A_224] : memref<2x!tpu.dma_semaphore, #tpu.memory_space<semaphore_mem>> -> memref<1x!tpu.dma_semaphore, #tpu.memory_space<semaphore_mem>>
      %dma_wait3A_235 = tpu.memref_squeeze %dma_wait3A_234 : memref<1x!tpu.dma_semaphore, #tpu.memory_space<semaphore_mem>> -> memref<!tpu.dma_semaphore, #tpu.memory_space<semaphore_mem>>
      %dma_wait3A_236 = arith.constant 0 : i32
      %dma_wait3A_237 = arith.constant 0 : i32
      %dma_wait3A_238 = tpu.memref_slice %arg6[%dma_wait3A_223, %dma_wait3A_236, %dma_wait3A_237] : memref<2x400x64xf32, #tpu.memory_space<vmem>> -> memref<1x400x64xf32, #tpu.memory_space<vmem>>
      %dma_wait3A_239 = tpu.memref_squeeze %dma_wait3A_238 : memref<1x400x64xf32, #tpu.memory_space<vmem>> -> memref<400x64xf32, #tpu.memory_space<vmem>>
      %dma_wait3A_240 = arith.constant 0 : i32
      %dma_wait3A_241 = tpu.memref_slice %dma_wait3A_239[%add3A_222, %dma_wait3A_240] : memref<400x64xf32, #tpu.memory_space<vmem>> -> memref<1x64xf32, #tpu.memory_space<vmem>>
      %dma_wait3A_242 = arith.constant 0 : i32
      %dma_wait3A_243 = arith.constant 0 : i32
      %dma_wait3A_244 = tpu.memref_slice %arg3[%dma_wait3A_242, %dma_wait3A_243] : memref<1000000x64xf32, #tpu.memory_space<hbm>> -> memref<1x64xf32, #tpu.memory_space<hbm>>
      tpu.wait_dma2 semaphore(%dma_wait3A_235 : memref<!tpu.dma_semaphore, #tpu.memory_space<semaphore_mem>>) src(%dma_wait3A_244 : memref<1x64xf32, #tpu.memory_space<hbm>>) dst(%dma_wait3A_241 : memref<1x64xf32, #tpu.memory_space<vmem>>)
      %mul3A_245 = arith.constant 16 : i32
      %mul3A_246 = arith.muli %scan3A_37, %mul3A_245 : i32
      %add3A_247 = arith.constant 8 : i32
      %add3A_248 = arith.addi %mul3A_246, %add3A_247 : i32
      %dma_wait3A_249 = arith.constant 0 : i32
      %dma_wait3A_250 = arith.constant 0 : i32
      %dma_wait3A_251 = arith.constant 0 : i32
      %dma_wait3A_252 = arith.constant 0 : i32
      %dma_wait3A_253 = tpu.memref_slice %arg6[%dma_wait3A_249, %dma_wait3A_251, %dma_wait3A_252] : memref<2x400x64xf32, #tpu.memory_space<vmem>> -> memref<1x400x64xf32, #tpu.memory_space<vmem>>
      %dma_wait3A_254 = tpu.memref_squeeze %dma_wait3A_253 : memref<1x400x64xf32, #tpu.memory_space<vmem>> -> memref<400x64xf32, #tpu.memory_space<vmem>>
      %dma_wait3A_255 = arith.constant 0 : i32
      %dma_wait3A_256 = tpu.memref_slice %dma_wait3A_254[%add3A_248, %dma_wait3A_255] : memref<400x64xf32, #tpu.memory_space<vmem>> -> memref<1x64xf32, #tpu.memory_space<vmem>>
      %dma_wait3A_257 = arith.constant 0 : i32
      %dma_wait3A_258 = arith.constant 0 : i32
      %dma_wait3A_259 = tpu.memref_slice %arg3[%dma_wait3A_257, %dma_wait3A_258] : memref<1000000x64xf32, #tpu.memory_space<hbm>> -> memref<1x64xf32, #tpu.memory_space<hbm>>
      %dma_wait3A_260 = tpu.memref_slice %arg7[%dma_wait3A_250] : memref<2x!tpu.dma_semaphore, #tpu.memory_space<semaphore_mem>> -> memref<1x!tpu.dma_semaphore, #tpu.memory_space<semaphore_mem>>
      %dma_wait3A_261 = tpu.memref_squeeze %dma_wait3A_260 : memref<1x!tpu.dma_semaphore, #tpu.memory_space<semaphore_mem>> -> memref<!tpu.dma_semaphore, #tpu.memory_space<semaphore_mem>>
      %dma_wait3A_262 = arith.constant 0 : i32
      %dma_wait3A_263 = arith.constant 0 : i32
      %dma_wait3A_264 = tpu.memref_slice %arg6[%dma_wait3A_249, %dma_wait3A_262, %dma_wait3A_263] : memref<2x400x64xf32, #tpu.memory_space<vmem>> -> memref<1x400x64xf32, #tpu.memory_space<vmem>>
      %dma_wait3A_265 = tpu.memref_squeeze %dma_wait3A_264 : memref<1x400x64xf32, #tpu.memory_space<vmem>> -> memref<400x64xf32, #tpu.memory_space<vmem>>
      %dma_wait3A_266 = arith.constant 0 : i32
      %dma_wait3A_267 = tpu.memref_slice %dma_wait3A_265[%add3A_248, %dma_wait3A_266] : memref<400x64xf32, #tpu.memory_space<vmem>> -> memref<1x64xf32, #tpu.memory_space<vmem>>
      %dma_wait3A_268 = arith.constant 0 : i32
      %dma_wait3A_269 = arith.constant 0 : i32
      %dma_wait3A_270 = tpu.memref_slice %arg3[%dma_wait3A_268, %dma_wait3A_269] : memref<1000000x64xf32, #tpu.memory_space<hbm>> -> memref<1x64xf32, #tpu.memory_space<hbm>>
      tpu.wait_dma2 semaphore(%dma_wait3A_261 : memref<!tpu.dma_semaphore, #tpu.memory_space<semaphore_mem>>) src(%dma_wait3A_270 : memref<1x64xf32, #tpu.memory_space<hbm>>) dst(%dma_wait3A_267 : memref<1x64xf32, #tpu.memory_space<vmem>>)
      %mul3A_271 = arith.constant 16 : i32
      %mul3A_272 = arith.muli %scan3A_37, %mul3A_271 : i32
      %add3A_273 = arith.constant 9 : i32
      %add3A_274 = arith.addi %mul3A_272, %add3A_273 : i32
      %dma_wait3A_275 = arith.constant 0 : i32
      %dma_wait3A_276 = arith.constant 0 : i32
      %dma_wait3A_277 = arith.constant 0 : i32
      %dma_wait3A_278 = arith.constant 0 : i32
      %dma_wait3A_279 = tpu.memref_slice %arg6[%dma_wait3A_275, %dma_wait3A_277, %dma_wait3A_278] : memref<2x400x64xf32, #tpu.memory_space<vmem>> -> memref<1x400x64xf32, #tpu.memory_space<vmem>>
      %dma_wait3A_280 = tpu.memref_squeeze %dma_wait3A_279 : memref<1x400x64xf32, #tpu.memory_space<vmem>> -> memref<400x64xf32, #tpu.memory_space<vmem>>
      %dma_wait3A_281 = arith.constant 0 : i32
      %dma_wait3A_282 = tpu.memref_slice %dma_wait3A_280[%add3A_274, %dma_wait3A_281] : memref<400x64xf32, #tpu.memory_space<vmem>> -> memref<1x64xf32, #tpu.memory_space<vmem>>
      %dma_wait3A_283 = arith.constant 0 : i32
      %dma_wait3A_284 = arith.constant 0 : i32
      %dma_wait3A_285 = tpu.memref_slice %arg3[%dma_wait3A_283, %dma_wait3A_284] : memref<1000000x64xf32, #tpu.memory_space<hbm>> -> memref<1x64xf32, #tpu.memory_space<hbm>>
      %dma_wait3A_286 = tpu.memref_slice %arg7[%dma_wait3A_276] : memref<2x!tpu.dma_semaphore, #tpu.memory_space<semaphore_mem>> -> memref<1x!tpu.dma_semaphore, #tpu.memory_space<semaphore_mem>>
      %dma_wait3A_287 = tpu.memref_squeeze %dma_wait3A_286 : memref<1x!tpu.dma_semaphore, #tpu.memory_space<semaphore_mem>> -> memref<!tpu.dma_semaphore, #tpu.memory_space<semaphore_mem>>
      %dma_wait3A_288 = arith.constant 0 : i32
      %dma_wait3A_289 = arith.constant 0 : i32
      %dma_wait3A_290 = tpu.memref_slice %arg6[%dma_wait3A_275, %dma_wait3A_288, %dma_wait3A_289] : memref<2x400x64xf32, #tpu.memory_space<vmem>> -> memref<1x400x64xf32, #tpu.memory_space<vmem>>
      %dma_wait3A_291 = tpu.memref_squeeze %dma_wait3A_290 : memref<1x400x64xf32, #tpu.memory_space<vmem>> -> memref<400x64xf32, #tpu.memory_space<vmem>>
      %dma_wait3A_292 = arith.constant 0 : i32
      %dma_wait3A_293 = tpu.memref_slice %dma_wait3A_291[%add3A_274, %dma_wait3A_292] : memref<400x64xf32, #tpu.memory_space<vmem>> -> memref<1x64xf32, #tpu.memory_space<vmem>>
      %dma_wait3A_294 = arith.constant 0 : i32
      %dma_wait3A_295 = arith.constant 0 : i32
      %dma_wait3A_296 = tpu.memref_slice %arg3[%dma_wait3A_294, %dma_wait3A_295] : memref<1000000x64xf32, #tpu.memory_space<hbm>> -> memref<1x64xf32, #tpu.memory_space<hbm>>
      tpu.wait_dma2 semaphore(%dma_wait3A_287 : memref<!tpu.dma_semaphore, #tpu.memory_space<semaphore_mem>>) src(%dma_wait3A_296 : memref<1x64xf32, #tpu.memory_space<hbm>>) dst(%dma_wait3A_293 : memref<1x64xf32, #tpu.memory_space<vmem>>)
      %mul3A_297 = arith.constant 16 : i32
      %mul3A_298 = arith.muli %scan3A_37, %mul3A_297 : i32
      %add3A_299 = arith.constant 10 : i32
      %add3A_300 = arith.addi %mul3A_298, %add3A_299 : i32
      %dma_wait3A_301 = arith.constant 0 : i32
      %dma_wait3A_302 = arith.constant 0 : i32
      %dma_wait3A_303 = arith.constant 0 : i32
      %dma_wait3A_304 = arith.constant 0 : i32
      %dma_wait3A_305 = tpu.memref_slice %arg6[%dma_wait3A_301, %dma_wait3A_303, %dma_wait3A_304] : memref<2x400x64xf32, #tpu.memory_space<vmem>> -> memref<1x400x64xf32, #tpu.memory_space<vmem>>
      %dma_wait3A_306 = tpu.memref_squeeze %dma_wait3A_305 : memref<1x400x64xf32, #tpu.memory_space<vmem>> -> memref<400x64xf32, #tpu.memory_space<vmem>>
      %dma_wait3A_307 = arith.constant 0 : i32
      %dma_wait3A_308 = tpu.memref_slice %dma_wait3A_306[%add3A_300, %dma_wait3A_307] : memref<400x64xf32, #tpu.memory_space<vmem>> -> memref<1x64xf32, #tpu.memory_space<vmem>>
      %dma_wait3A_309 = arith.constant 0 : i32
      %dma_wait3A_310 = arith.constant 0 : i32
      %dma_wait3A_311 = tpu.memref_slice %arg3[%dma_wait3A_309, %dma_wait3A_310] : memref<1000000x64xf32, #tpu.memory_space<hbm>> -> memref<1x64xf32, #tpu.memory_space<hbm>>
      %dma_wait3A_312 = tpu.memref_slice %arg7[%dma_wait3A_302] : memref<2x!tpu.dma_semaphore, #tpu.memory_space<semaphore_mem>> -> memref<1x!tpu.dma_semaphore, #tpu.memory_space<semaphore_mem>>
      %dma_wait3A_313 = tpu.memref_squeeze %dma_wait3A_312 : memref<1x!tpu.dma_semaphore, #tpu.memory_space<semaphore_mem>> -> memref<!tpu.dma_semaphore, #tpu.memory_space<semaphore_mem>>
      %dma_wait3A_314 = arith.constant 0 : i32
      %dma_wait3A_315 = arith.constant 0 : i32
      %dma_wait3A_316 = tpu.memref_slice %arg6[%dma_wait3A_301, %dma_wait3A_314, %dma_wait3A_315] : memref<2x400x64xf32, #tpu.memory_space<vmem>> -> memref<1x400x64xf32, #tpu.memory_space<vmem>>
      %dma_wait3A_317 = tpu.memref_squeeze %dma_wait3A_316 : memref<1x400x64xf32, #tpu.memory_space<vmem>> -> memref<400x64xf32, #tpu.memory_space<vmem>>
      %dma_wait3A_318 = arith.constant 0 : i32
      %dma_wait3A_319 = tpu.memref_slice %dma_wait3A_317[%add3A_300, %dma_wait3A_318] : memref<400x64xf32, #tpu.memory_space<vmem>> -> memref<1x64xf32, #tpu.memory_space<vmem>>
      %dma_wait3A_320 = arith.constant 0 : i32
      %dma_wait3A_321 = arith.constant 0 : i32
      %dma_wait3A_322 = tpu.memref_slice %arg3[%dma_wait3A_320, %dma_wait3A_321] : memref<1000000x64xf32, #tpu.memory_space<hbm>> -> memref<1x64xf32, #tpu.memory_space<hbm>>
      tpu.wait_dma2 semaphore(%dma_wait3A_313 : memref<!tpu.dma_semaphore, #tpu.memory_space<semaphore_mem>>) src(%dma_wait3A_322 : memref<1x64xf32, #tpu.memory_space<hbm>>) dst(%dma_wait3A_319 : memref<1x64xf32, #tpu.memory_space<vmem>>)
      %mul3A_323 = arith.constant 16 : i32
      %mul3A_324 = arith.muli %scan3A_37, %mul3A_323 : i32
      %add3A_325 = arith.constant 11 : i32
      %add3A_326 = arith.addi %mul3A_324, %add3A_325 : i32
      %dma_wait3A_327 = arith.constant 0 : i32
      %dma_wait3A_328 = arith.constant 0 : i32
      %dma_wait3A_329 = arith.constant 0 : i32
      %dma_wait3A_330 = arith.constant 0 : i32
      %dma_wait3A_331 = tpu.memref_slice %arg6[%dma_wait3A_327, %dma_wait3A_329, %dma_wait3A_330] : memref<2x400x64xf32, #tpu.memory_space<vmem>> -> memref<1x400x64xf32, #tpu.memory_space<vmem>>
      %dma_wait3A_332 = tpu.memref_squeeze %dma_wait3A_331 : memref<1x400x64xf32, #tpu.memory_space<vmem>> -> memref<400x64xf32, #tpu.memory_space<vmem>>
      %dma_wait3A_333 = arith.constant 0 : i32
      %dma_wait3A_334 = tpu.memref_slice %dma_wait3A_332[%add3A_326, %dma_wait3A_333] : memref<400x64xf32, #tpu.memory_space<vmem>> -> memref<1x64xf32, #tpu.memory_space<vmem>>
      %dma_wait3A_335 = arith.constant 0 : i32
      %dma_wait3A_336 = arith.constant 0 : i32
      %dma_wait3A_337 = tpu.memref_slice %arg3[%dma_wait3A_335, %dma_wait3A_336] : memref<1000000x64xf32, #tpu.memory_space<hbm>> -> memref<1x64xf32, #tpu.memory_space<hbm>>
      %dma_wait3A_338 = tpu.memref_slice %arg7[%dma_wait3A_328] : memref<2x!tpu.dma_semaphore, #tpu.memory_space<semaphore_mem>> -> memref<1x!tpu.dma_semaphore, #tpu.memory_space<semaphore_mem>>
      %dma_wait3A_339 = tpu.memref_squeeze %dma_wait3A_338 : memref<1x!tpu.dma_semaphore, #tpu.memory_space<semaphore_mem>> -> memref<!tpu.dma_semaphore, #tpu.memory_space<semaphore_mem>>
      %dma_wait3A_340 = arith.constant 0 : i32
      %dma_wait3A_341 = arith.constant 0 : i32
      %dma_wait3A_342 = tpu.memref_slice %arg6[%dma_wait3A_327, %dma_wait3A_340, %dma_wait3A_341] : memref<2x400x64xf32, #tpu.memory_space<vmem>> -> memref<1x400x64xf32, #tpu.memory_space<vmem>>
      %dma_wait3A_343 = tpu.memref_squeeze %dma_wait3A_342 : memref<1x400x64xf32, #tpu.memory_space<vmem>> -> memref<400x64xf32, #tpu.memory_space<vmem>>
      %dma_wait3A_344 = arith.constant 0 : i32
      %dma_wait3A_345 = tpu.memref_slice %dma_wait3A_343[%add3A_326, %dma_wait3A_344] : memref<400x64xf32, #tpu.memory_space<vmem>> -> memref<1x64xf32, #tpu.memory_space<vmem>>
      %dma_wait3A_346 = arith.constant 0 : i32
      %dma_wait3A_347 = arith.constant 0 : i32
      %dma_wait3A_348 = tpu.memref_slice %arg3[%dma_wait3A_346, %dma_wait3A_347] : memref<1000000x64xf32, #tpu.memory_space<hbm>> -> memref<1x64xf32, #tpu.memory_space<hbm>>
      tpu.wait_dma2 semaphore(%dma_wait3A_339 : memref<!tpu.dma_semaphore, #tpu.memory_space<semaphore_mem>>) src(%dma_wait3A_348 : memref<1x64xf32, #tpu.memory_space<hbm>>) dst(%dma_wait3A_345 : memref<1x64xf32, #tpu.memory_space<vmem>>)
      %mul3A_349 = arith.constant 16 : i32
      %mul3A_350 = arith.muli %scan3A_37, %mul3A_349 : i32
      %add3A_351 = arith.constant 12 : i32
      %add3A_352 = arith.addi %mul3A_350, %add3A_351 : i32
      %dma_wait3A_353 = arith.constant 0 : i32
      %dma_wait3A_354 = arith.constant 0 : i32
      %dma_wait3A_355 = arith.constant 0 : i32
      %dma_wait3A_356 = arith.constant 0 : i32
      %dma_wait3A_357 = tpu.memref_slice %arg6[%dma_wait3A_353, %dma_wait3A_355, %dma_wait3A_356] : memref<2x400x64xf32, #tpu.memory_space<vmem>> -> memref<1x400x64xf32, #tpu.memory_space<vmem>>
      %dma_wait3A_358 = tpu.memref_squeeze %dma_wait3A_357 : memref<1x400x64xf32, #tpu.memory_space<vmem>> -> memref<400x64xf32, #tpu.memory_space<vmem>>
      %dma_wait3A_359 = arith.constant 0 : i32
      %dma_wait3A_360 = tpu.memref_slice %dma_wait3A_358[%add3A_352, %dma_wait3A_359] : memref<400x64xf32, #tpu.memory_space<vmem>> -> memref<1x64xf32, #tpu.memory_space<vmem>>
      %dma_wait3A_361 = arith.constant 0 : i32
      %dma_wait3A_362 = arith.constant 0 : i32
      %dma_wait3A_363 = tpu.memref_slice %arg3[%dma_wait3A_361, %dma_wait3A_362] : memref<1000000x64xf32, #tpu.memory_space<hbm>> -> memref<1x64xf32, #tpu.memory_space<hbm>>
      %dma_wait3A_364 = tpu.memref_slice %arg7[%dma_wait3A_354] : memref<2x!tpu.dma_semaphore, #tpu.memory_space<semaphore_mem>> -> memref<1x!tpu.dma_semaphore, #tpu.memory_space<semaphore_mem>>
      %dma_wait3A_365 = tpu.memref_squeeze %dma_wait3A_364 : memref<1x!tpu.dma_semaphore, #tpu.memory_space<semaphore_mem>> -> memref<!tpu.dma_semaphore, #tpu.memory_space<semaphore_mem>>
      %dma_wait3A_366 = arith.constant 0 : i32
      %dma_wait3A_367 = arith.constant 0 : i32
      %dma_wait3A_368 = tpu.memref_slice %arg6[%dma_wait3A_353, %dma_wait3A_366, %dma_wait3A_367] : memref<2x400x64xf32, #tpu.memory_space<vmem>> -> memref<1x400x64xf32, #tpu.memory_space<vmem>>
      %dma_wait3A_369 = tpu.memref_squeeze %dma_wait3A_368 : memref<1x400x64xf32, #tpu.memory_space<vmem>> -> memref<400x64xf32, #tpu.memory_space<vmem>>
      %dma_wait3A_370 = arith.constant 0 : i32
      %dma_wait3A_371 = tpu.memref_slice %dma_wait3A_369[%add3A_352, %dma_wait3A_370] : memref<400x64xf32, #tpu.memory_space<vmem>> -> memref<1x64xf32, #tpu.memory_space<vmem>>
      %dma_wait3A_372 = arith.constant 0 : i32
      %dma_wait3A_373 = arith.constant 0 : i32
      %dma_wait3A_374 = tpu.memref_slice %arg3[%dma_wait3A_372, %dma_wait3A_373] : memref<1000000x64xf32, #tpu.memory_space<hbm>> -> memref<1x64xf32, #tpu.memory_space<hbm>>
      tpu.wait_dma2 semaphore(%dma_wait3A_365 : memref<!tpu.dma_semaphore, #tpu.memory_space<semaphore_mem>>) src(%dma_wait3A_374 : memref<1x64xf32, #tpu.memory_space<hbm>>) dst(%dma_wait3A_371 : memref<1x64xf32, #tpu.memory_space<vmem>>)
      %mul3A_375 = arith.constant 16 : i32
      %mul3A_376 = arith.muli %scan3A_37, %mul3A_375 : i32
      %add3A_377 = arith.constant 13 : i32
      %add3A_378 = arith.addi %mul3A_376, %add3A_377 : i32
      %dma_wait3A_379 = arith.constant 0 : i32
      %dma_wait3A_380 = arith.constant 0 : i32
      %dma_wait3A_381 = arith.constant 0 : i32
      %dma_wait3A_382 = arith.constant 0 : i32
      %dma_wait3A_383 = tpu.memref_slice %arg6[%dma_wait3A_379, %dma_wait3A_381, %dma_wait3A_382] : memref<2x400x64xf32, #tpu.memory_space<vmem>> -> memref<1x400x64xf32, #tpu.memory_space<vmem>>
      %dma_wait3A_384 = tpu.memref_squeeze %dma_wait3A_383 : memref<1x400x64xf32, #tpu.memory_space<vmem>> -> memref<400x64xf32, #tpu.memory_space<vmem>>
      %dma_wait3A_385 = arith.constant 0 : i32
      %dma_wait3A_386 = tpu.memref_slice %dma_wait3A_384[%add3A_378, %dma_wait3A_385] : memref<400x64xf32, #tpu.memory_space<vmem>> -> memref<1x64xf32, #tpu.memory_space<vmem>>
      %dma_wait3A_387 = arith.constant 0 : i32
      %dma_wait3A_388 = arith.constant 0 : i32
      %dma_wait3A_389 = tpu.memref_slice %arg3[%dma_wait3A_387, %dma_wait3A_388] : memref<1000000x64xf32, #tpu.memory_space<hbm>> -> memref<1x64xf32, #tpu.memory_space<hbm>>
      %dma_wait3A_390 = tpu.memref_slice %arg7[%dma_wait3A_380] : memref<2x!tpu.dma_semaphore, #tpu.memory_space<semaphore_mem>> -> memref<1x!tpu.dma_semaphore, #tpu.memory_space<semaphore_mem>>
      %dma_wait3A_391 = tpu.memref_squeeze %dma_wait3A_390 : memref<1x!tpu.dma_semaphore, #tpu.memory_space<semaphore_mem>> -> memref<!tpu.dma_semaphore, #tpu.memory_space<semaphore_mem>>
      %dma_wait3A_392 = arith.constant 0 : i32
      %dma_wait3A_393 = arith.constant 0 : i32
      %dma_wait3A_394 = tpu.memref_slice %arg6[%dma_wait3A_379, %dma_wait3A_392, %dma_wait3A_393] : memref<2x400x64xf32, #tpu.memory_space<vmem>> -> memref<1x400x64xf32, #tpu.memory_space<vmem>>
      %dma_wait3A_395 = tpu.memref_squeeze %dma_wait3A_394 : memref<1x400x64xf32, #tpu.memory_space<vmem>> -> memref<400x64xf32, #tpu.memory_space<vmem>>
      %dma_wait3A_396 = arith.constant 0 : i32
      %dma_wait3A_397 = tpu.memref_slice %dma_wait3A_395[%add3A_378, %dma_wait3A_396] : memref<400x64xf32, #tpu.memory_space<vmem>> -> memref<1x64xf32, #tpu.memory_space<vmem>>
      %dma_wait3A_398 = arith.constant 0 : i32
      %dma_wait3A_399 = arith.constant 0 : i32
      %dma_wait3A_400 = tpu.memref_slice %arg3[%dma_wait3A_398, %dma_wait3A_399] : memref<1000000x64xf32, #tpu.memory_space<hbm>> -> memref<1x64xf32, #tpu.memory_space<hbm>>
      tpu.wait_dma2 semaphore(%dma_wait3A_391 : memref<!tpu.dma_semaphore, #tpu.memory_space<semaphore_mem>>) src(%dma_wait3A_400 : memref<1x64xf32, #tpu.memory_space<hbm>>) dst(%dma_wait3A_397 : memref<1x64xf32, #tpu.memory_space<vmem>>)
      %mul3A_401 = arith.constant 16 : i32
      %mul3A_402 = arith.muli %scan3A_37, %mul3A_401 : i32
      %add3A_403 = arith.constant 14 : i32
      %add3A_404 = arith.addi %mul3A_402, %add3A_403 : i32
      %dma_wait3A_405 = arith.constant 0 : i32
      %dma_wait3A_406 = arith.constant 0 : i32
      %dma_wait3A_407 = arith.constant 0 : i32
      %dma_wait3A_408 = arith.constant 0 : i32
      %dma_wait3A_409 = tpu.memref_slice %arg6[%dma_wait3A_405, %dma_wait3A_407, %dma_wait3A_408] : memref<2x400x64xf32, #tpu.memory_space<vmem>> -> memref<1x400x64xf32, #tpu.memory_space<vmem>>
      %dma_wait3A_410 = tpu.memref_squeeze %dma_wait3A_409 : memref<1x400x64xf32, #tpu.memory_space<vmem>> -> memref<400x64xf32, #tpu.memory_space<vmem>>
      %dma_wait3A_411 = arith.constant 0 : i32
      %dma_wait3A_412 = tpu.memref_slice %dma_wait3A_410[%add3A_404, %dma_wait3A_411] : memref<400x64xf32, #tpu.memory_space<vmem>> -> memref<1x64xf32, #tpu.memory_space<vmem>>
      %dma_wait3A_413 = arith.constant 0 : i32
      %dma_wait3A_414 = arith.constant 0 : i32
      %dma_wait3A_415 = tpu.memref_slice %arg3[%dma_wait3A_413, %dma_wait3A_414] : memref<1000000x64xf32, #tpu.memory_space<hbm>> -> memref<1x64xf32, #tpu.memory_space<hbm>>
      %dma_wait3A_416 = tpu.memref_slice %arg7[%dma_wait3A_406] : memref<2x!tpu.dma_semaphore, #tpu.memory_space<semaphore_mem>> -> memref<1x!tpu.dma_semaphore, #tpu.memory_space<semaphore_mem>>
      %dma_wait3A_417 = tpu.memref_squeeze %dma_wait3A_416 : memref<1x!tpu.dma_semaphore, #tpu.memory_space<semaphore_mem>> -> memref<!tpu.dma_semaphore, #tpu.memory_space<semaphore_mem>>
      %dma_wait3A_418 = arith.constant 0 : i32
      %dma_wait3A_419 = arith.constant 0 : i32
      %dma_wait3A_420 = tpu.memref_slice %arg6[%dma_wait3A_405, %dma_wait3A_418, %dma_wait3A_419] : memref<2x400x64xf32, #tpu.memory_space<vmem>> -> memref<1x400x64xf32, #tpu.memory_space<vmem>>
      %dma_wait3A_421 = tpu.memref_squeeze %dma_wait3A_420 : memref<1x400x64xf32, #tpu.memory_space<vmem>> -> memref<400x64xf32, #tpu.memory_space<vmem>>
      %dma_wait3A_422 = arith.constant 0 : i32
      %dma_wait3A_423 = tpu.memref_slice %dma_wait3A_421[%add3A_404, %dma_wait3A_422] : memref<400x64xf32, #tpu.memory_space<vmem>> -> memref<1x64xf32, #tpu.memory_space<vmem>>
      %dma_wait3A_424 = arith.constant 0 : i32
      %dma_wait3A_425 = arith.constant 0 : i32
      %dma_wait3A_426 = tpu.memref_slice %arg3[%dma_wait3A_424, %dma_wait3A_425] : memref<1000000x64xf32, #tpu.memory_space<hbm>> -> memref<1x64xf32, #tpu.memory_space<hbm>>
      tpu.wait_dma2 semaphore(%dma_wait3A_417 : memref<!tpu.dma_semaphore, #tpu.memory_space<semaphore_mem>>) src(%dma_wait3A_426 : memref<1x64xf32, #tpu.memory_space<hbm>>) dst(%dma_wait3A_423 : memref<1x64xf32, #tpu.memory_space<vmem>>)
      %mul3A_427 = arith.constant 16 : i32
      %mul3A_428 = arith.muli %scan3A_37, %mul3A_427 : i32
      %add3A_429 = arith.constant 15 : i32
      %add3A_430 = arith.addi %mul3A_428, %add3A_429 : i32
      %dma_wait3A_431 = arith.constant 0 : i32
      %dma_wait3A_432 = arith.constant 0 : i32
      %dma_wait3A_433 = arith.constant 0 : i32
      %dma_wait3A_434 = arith.constant 0 : i32
      %dma_wait3A_435 = tpu.memref_slice %arg6[%dma_wait3A_431, %dma_wait3A_433, %dma_wait3A_434] : memref<2x400x64xf32, #tpu.memory_space<vmem>> -> memref<1x400x64xf32, #tpu.memory_space<vmem>>
      %dma_wait3A_436 = tpu.memref_squeeze %dma_wait3A_435 : memref<1x400x64xf32, #tpu.memory_space<vmem>> -> memref<400x64xf32, #tpu.memory_space<vmem>>
      %dma_wait3A_437 = arith.constant 0 : i32
      %dma_wait3A_438 = tpu.memref_slice %dma_wait3A_436[%add3A_430, %dma_wait3A_437] : memref<400x64xf32, #tpu.memory_space<vmem>> -> memref<1x64xf32, #tpu.memory_space<vmem>>
      %dma_wait3A_439 = arith.constant 0 : i32
      %dma_wait3A_440 = arith.constant 0 : i32
      %dma_wait3A_441 = tpu.memref_slice %arg3[%dma_wait3A_439, %dma_wait3A_440] : memref<1000000x64xf32, #tpu.memory_space<hbm>> -> memref<1x64xf32, #tpu.memory_space<hbm>>
      %dma_wait3A_442 = tpu.memref_slice %arg7[%dma_wait3A_432] : memref<2x!tpu.dma_semaphore, #tpu.memory_space<semaphore_mem>> -> memref<1x!tpu.dma_semaphore, #tpu.memory_space<semaphore_mem>>
      %dma_wait3A_443 = tpu.memref_squeeze %dma_wait3A_442 : memref<1x!tpu.dma_semaphore, #tpu.memory_space<semaphore_mem>> -> memref<!tpu.dma_semaphore, #tpu.memory_space<semaphore_mem>>
      %dma_wait3A_444 = arith.constant 0 : i32
      %dma_wait3A_445 = arith.constant 0 : i32
      %dma_wait3A_446 = tpu.memref_slice %arg6[%dma_wait3A_431, %dma_wait3A_444, %dma_wait3A_445] : memref<2x400x64xf32, #tpu.memory_space<vmem>> -> memref<1x400x64xf32, #tpu.memory_space<vmem>>
      %dma_wait3A_447 = tpu.memref_squeeze %dma_wait3A_446 : memref<1x400x64xf32, #tpu.memory_space<vmem>> -> memref<400x64xf32, #tpu.memory_space<vmem>>
      %dma_wait3A_448 = arith.constant 0 : i32
      %dma_wait3A_449 = tpu.memref_slice %dma_wait3A_447[%add3A_430, %dma_wait3A_448] : memref<400x64xf32, #tpu.memory_space<vmem>> -> memref<1x64xf32, #tpu.memory_space<vmem>>
      %dma_wait3A_450 = arith.constant 0 : i32
      %dma_wait3A_451 = arith.constant 0 : i32
      %dma_wait3A_452 = tpu.memref_slice %arg3[%dma_wait3A_450, %dma_wait3A_451] : memref<1000000x64xf32, #tpu.memory_space<hbm>> -> memref<1x64xf32, #tpu.memory_space<hbm>>
      tpu.wait_dma2 semaphore(%dma_wait3A_443 : memref<!tpu.dma_semaphore, #tpu.memory_space<semaphore_mem>>) src(%dma_wait3A_452 : memref<1x64xf32, #tpu.memory_space<hbm>>) dst(%dma_wait3A_449 : memref<1x64xf32, #tpu.memory_space<vmem>>)
    }
    %scan3A_25 = arith.constant 25 : i32
    %add3A_26 = arith.constant 5600 : i32
    %add3A_27 = arith.addi %mul3A_2, %add3A_26 : i32
    %run_scoped3A = arith.constant 0 : i32
    "tpu.region"() ({
      %run_scoped3A_37 = tpu.sem_alloc : memref<!tpu.dma_semaphore, #tpu.memory_space<semaphore_mem>>
      %dma_start3A = arith.constant 0 : i32
      %dma_start3A_38 = arith.constant 0 : i32
      %dma_start3A_39 = tpu.memref_slice %arg6[%run_scoped3A, %dma_start3A, %dma_start3A_38] : memref<2x400x64xf32, #tpu.memory_space<vmem>> -> memref<1x400x64xf32, #tpu.memory_space<vmem>>
      %dma_start3A_40 = tpu.memref_squeeze %dma_start3A_39 : memref<1x400x64xf32, #tpu.memory_space<vmem>> -> memref<400x64xf32, #tpu.memory_space<vmem>>
      %dma_start3A_41 = arith.constant 0 : i32
      %dma_start3A_42 = tpu.memref_slice %arg4[%add3A_27, %dma_start3A_41] : memref<204800x64xf32, #tpu.memory_space<hbm>> -> memref<400x64xf32, #tpu.memory_space<hbm>>
      %dma_start3A_43 = arith.constant 0 : i32
      %dma_start3A_44 = tpu.memref_slice %arg4[%add3A_27, %dma_start3A_43] : memref<204800x64xf32, #tpu.memory_space<hbm>> -> memref<400x64xf32, #tpu.memory_space<hbm>>
      %dma_start3A_45 = arith.constant 0 : i32
      %dma_start3A_46 = arith.constant 0 : i32
      %dma_start3A_47 = tpu.memref_slice %arg6[%run_scoped3A, %dma_start3A_45, %dma_start3A_46] : memref<2x400x64xf32, #tpu.memory_space<vmem>> -> memref<1x400x64xf32, #tpu.memory_space<vmem>>
      %dma_start3A_48 = tpu.memref_squeeze %dma_start3A_47 : memref<1x400x64xf32, #tpu.memory_space<vmem>> -> memref<400x64xf32, #tpu.memory_space<vmem>>
      tpu.enqueue_dma source(%dma_start3A_48 : memref<400x64xf32, #tpu.memory_space<vmem>>) target(%dma_start3A_44 : memref<400x64xf32, #tpu.memory_space<hbm>>) target_semaphore(%run_scoped3A_37 : memref<!tpu.dma_semaphore, #tpu.memory_space<semaphore_mem>>)
      %dma_wait3A = arith.constant 0 : i32
      %dma_wait3A_49 = arith.constant 0 : i32
      %dma_wait3A_50 = tpu.memref_slice %arg6[%run_scoped3A, %dma_wait3A, %dma_wait3A_49] : memref<2x400x64xf32, #tpu.memory_space<vmem>> -> memref<1x400x64xf32, #tpu.memory_space<vmem>>
      %dma_wait3A_51 = tpu.memref_squeeze %dma_wait3A_50 : memref<1x400x64xf32, #tpu.memory_space<vmem>> -> memref<400x64xf32, #tpu.memory_space<vmem>>
      %dma_wait3A_52 = arith.constant 0 : i32
      %dma_wait3A_53 = tpu.memref_slice %arg4[%add3A_27, %dma_wait3A_52] : memref<204800x64xf32, #tpu.memory_space<hbm>> -> memref<400x64xf32, #tpu.memory_space<hbm>>
      %dma_wait3A_54 = arith.constant 0 : i32
      %dma_wait3A_55 = tpu.memref_slice %arg4[%add3A_27, %dma_wait3A_54] : memref<204800x64xf32, #tpu.memory_space<hbm>> -> memref<400x64xf32, #tpu.memory_space<hbm>>
      %dma_wait3A_56 = arith.constant 0 : i32
      %dma_wait3A_57 = arith.constant 0 : i32
      %dma_wait3A_58 = tpu.memref_slice %arg6[%run_scoped3A, %dma_wait3A_56, %dma_wait3A_57] : memref<2x400x64xf32, #tpu.memory_space<vmem>> -> memref<1x400x64xf32, #tpu.memory_space<vmem>>
      %dma_wait3A_59 = tpu.memref_squeeze %dma_wait3A_58 : memref<1x400x64xf32, #tpu.memory_space<vmem>> -> memref<400x64xf32, #tpu.memory_space<vmem>>
      tpu.wait_dma2 semaphore(%run_scoped3A_37 : memref<!tpu.dma_semaphore, #tpu.memory_space<semaphore_mem>>) src(%dma_wait3A_59 : memref<400x64xf32, #tpu.memory_space<vmem>>) dst(%dma_wait3A_55 : memref<400x64xf32, #tpu.memory_space<hbm>>)
      tpu.yield
    }) : () -> ()
    %scan3A_28 = arith.constant 0 : i32
    %scan3A_29 = arith.constant 0 : i32
    %scan3A_30 = arith.constant 25 : i32
    %scan3A_31 = arith.addi %scan3A_29, %scan3A_30 : i32
    %scan3A_32 = arith.constant 1 : i32
    scf.for %scan3A_37 = %scan3A_29 to %scan3A_31 step %scan3A_32  : i32 {
      %mul3A_38 = arith.constant 16 : i32
      %mul3A_39 = arith.muli %scan3A_37, %mul3A_38 : i32
      %add3A_40 = arith.constant 0 : i32
      %add3A_41 = arith.addi %mul3A_39, %add3A_40 : i32
      %dma_wait3A = arith.constant 1 : i32
      %dma_wait3A_42 = arith.constant 1 : i32
      %dma_wait3A_43 = arith.constant 0 : i32
      %dma_wait3A_44 = arith.constant 0 : i32
      %dma_wait3A_45 = tpu.memref_slice %arg6[%dma_wait3A, %dma_wait3A_43, %dma_wait3A_44] : memref<2x400x64xf32, #tpu.memory_space<vmem>> -> memref<1x400x64xf32, #tpu.memory_space<vmem>>
      %dma_wait3A_46 = tpu.memref_squeeze %dma_wait3A_45 : memref<1x400x64xf32, #tpu.memory_space<vmem>> -> memref<400x64xf32, #tpu.memory_space<vmem>>
      %dma_wait3A_47 = arith.constant 0 : i32
      %dma_wait3A_48 = tpu.memref_slice %dma_wait3A_46[%add3A_41, %dma_wait3A_47] : memref<400x64xf32, #tpu.memory_space<vmem>> -> memref<1x64xf32, #tpu.memory_space<vmem>>
      %dma_wait3A_49 = arith.constant 0 : i32
      %dma_wait3A_50 = arith.constant 0 : i32
      %dma_wait3A_51 = tpu.memref_slice %arg3[%dma_wait3A_49, %dma_wait3A_50] : memref<1000000x64xf32, #tpu.memory_space<hbm>> -> memref<1x64xf32, #tpu.memory_space<hbm>>
      %dma_wait3A_52 = tpu.memref_slice %arg7[%dma_wait3A_42] : memref<2x!tpu.dma_semaphore, #tpu.memory_space<semaphore_mem>> -> memref<1x!tpu.dma_semaphore, #tpu.memory_space<semaphore_mem>>
      %dma_wait3A_53 = tpu.memref_squeeze %dma_wait3A_52 : memref<1x!tpu.dma_semaphore, #tpu.memory_space<semaphore_mem>> -> memref<!tpu.dma_semaphore, #tpu.memory_space<semaphore_mem>>
      %dma_wait3A_54 = arith.constant 0 : i32
      %dma_wait3A_55 = arith.constant 0 : i32
      %dma_wait3A_56 = tpu.memref_slice %arg6[%dma_wait3A, %dma_wait3A_54, %dma_wait3A_55] : memref<2x400x64xf32, #tpu.memory_space<vmem>> -> memref<1x400x64xf32, #tpu.memory_space<vmem>>
      %dma_wait3A_57 = tpu.memref_squeeze %dma_wait3A_56 : memref<1x400x64xf32, #tpu.memory_space<vmem>> -> memref<400x64xf32, #tpu.memory_space<vmem>>
      %dma_wait3A_58 = arith.constant 0 : i32
      %dma_wait3A_59 = tpu.memref_slice %dma_wait3A_57[%add3A_41, %dma_wait3A_58] : memref<400x64xf32, #tpu.memory_space<vmem>> -> memref<1x64xf32, #tpu.memory_space<vmem>>
      %dma_wait3A_60 = arith.constant 0 : i32
      %dma_wait3A_61 = arith.constant 0 : i32
      %dma_wait3A_62 = tpu.memref_slice %arg3[%dma_wait3A_60, %dma_wait3A_61] : memref<1000000x64xf32, #tpu.memory_space<hbm>> -> memref<1x64xf32, #tpu.memory_space<hbm>>
      tpu.wait_dma2 semaphore(%dma_wait3A_53 : memref<!tpu.dma_semaphore, #tpu.memory_space<semaphore_mem>>) src(%dma_wait3A_62 : memref<1x64xf32, #tpu.memory_space<hbm>>) dst(%dma_wait3A_59 : memref<1x64xf32, #tpu.memory_space<vmem>>)
      %mul3A_63 = arith.constant 16 : i32
      %mul3A_64 = arith.muli %scan3A_37, %mul3A_63 : i32
      %add3A_65 = arith.constant 1 : i32
      %add3A_66 = arith.addi %mul3A_64, %add3A_65 : i32
      %dma_wait3A_67 = arith.constant 1 : i32
      %dma_wait3A_68 = arith.constant 1 : i32
      %dma_wait3A_69 = arith.constant 0 : i32
      %dma_wait3A_70 = arith.constant 0 : i32
      %dma_wait3A_71 = tpu.memref_slice %arg6[%dma_wait3A_67, %dma_wait3A_69, %dma_wait3A_70] : memref<2x400x64xf32, #tpu.memory_space<vmem>> -> memref<1x400x64xf32, #tpu.memory_space<vmem>>
      %dma_wait3A_72 = tpu.memref_squeeze %dma_wait3A_71 : memref<1x400x64xf32, #tpu.memory_space<vmem>> -> memref<400x64xf32, #tpu.memory_space<vmem>>
      %dma_wait3A_73 = arith.constant 0 : i32
      %dma_wait3A_74 = tpu.memref_slice %dma_wait3A_72[%add3A_66, %dma_wait3A_73] : memref<400x64xf32, #tpu.memory_space<vmem>> -> memref<1x64xf32, #tpu.memory_space<vmem>>
      %dma_wait3A_75 = arith.constant 0 : i32
      %dma_wait3A_76 = arith.constant 0 : i32
      %dma_wait3A_77 = tpu.memref_slice %arg3[%dma_wait3A_75, %dma_wait3A_76] : memref<1000000x64xf32, #tpu.memory_space<hbm>> -> memref<1x64xf32, #tpu.memory_space<hbm>>
      %dma_wait3A_78 = tpu.memref_slice %arg7[%dma_wait3A_68] : memref<2x!tpu.dma_semaphore, #tpu.memory_space<semaphore_mem>> -> memref<1x!tpu.dma_semaphore, #tpu.memory_space<semaphore_mem>>
      %dma_wait3A_79 = tpu.memref_squeeze %dma_wait3A_78 : memref<1x!tpu.dma_semaphore, #tpu.memory_space<semaphore_mem>> -> memref<!tpu.dma_semaphore, #tpu.memory_space<semaphore_mem>>
      %dma_wait3A_80 = arith.constant 0 : i32
      %dma_wait3A_81 = arith.constant 0 : i32
      %dma_wait3A_82 = tpu.memref_slice %arg6[%dma_wait3A_67, %dma_wait3A_80, %dma_wait3A_81] : memref<2x400x64xf32, #tpu.memory_space<vmem>> -> memref<1x400x64xf32, #tpu.memory_space<vmem>>
      %dma_wait3A_83 = tpu.memref_squeeze %dma_wait3A_82 : memref<1x400x64xf32, #tpu.memory_space<vmem>> -> memref<400x64xf32, #tpu.memory_space<vmem>>
      %dma_wait3A_84 = arith.constant 0 : i32
      %dma_wait3A_85 = tpu.memref_slice %dma_wait3A_83[%add3A_66, %dma_wait3A_84] : memref<400x64xf32, #tpu.memory_space<vmem>> -> memref<1x64xf32, #tpu.memory_space<vmem>>
      %dma_wait3A_86 = arith.constant 0 : i32
      %dma_wait3A_87 = arith.constant 0 : i32
      %dma_wait3A_88 = tpu.memref_slice %arg3[%dma_wait3A_86, %dma_wait3A_87] : memref<1000000x64xf32, #tpu.memory_space<hbm>> -> memref<1x64xf32, #tpu.memory_space<hbm>>
      tpu.wait_dma2 semaphore(%dma_wait3A_79 : memref<!tpu.dma_semaphore, #tpu.memory_space<semaphore_mem>>) src(%dma_wait3A_88 : memref<1x64xf32, #tpu.memory_space<hbm>>) dst(%dma_wait3A_85 : memref<1x64xf32, #tpu.memory_space<vmem>>)
      %mul3A_89 = arith.constant 16 : i32
      %mul3A_90 = arith.muli %scan3A_37, %mul3A_89 : i32
      %add3A_91 = arith.constant 2 : i32
      %add3A_92 = arith.addi %mul3A_90, %add3A_91 : i32
      %dma_wait3A_93 = arith.constant 1 : i32
      %dma_wait3A_94 = arith.constant 1 : i32
      %dma_wait3A_95 = arith.constant 0 : i32
      %dma_wait3A_96 = arith.constant 0 : i32
      %dma_wait3A_97 = tpu.memref_slice %arg6[%dma_wait3A_93, %dma_wait3A_95, %dma_wait3A_96] : memref<2x400x64xf32, #tpu.memory_space<vmem>> -> memref<1x400x64xf32, #tpu.memory_space<vmem>>
      %dma_wait3A_98 = tpu.memref_squeeze %dma_wait3A_97 : memref<1x400x64xf32, #tpu.memory_space<vmem>> -> memref<400x64xf32, #tpu.memory_space<vmem>>
      %dma_wait3A_99 = arith.constant 0 : i32
      %dma_wait3A_100 = tpu.memref_slice %dma_wait3A_98[%add3A_92, %dma_wait3A_99] : memref<400x64xf32, #tpu.memory_space<vmem>> -> memref<1x64xf32, #tpu.memory_space<vmem>>
      %dma_wait3A_101 = arith.constant 0 : i32
      %dma_wait3A_102 = arith.constant 0 : i32
      %dma_wait3A_103 = tpu.memref_slice %arg3[%dma_wait3A_101, %dma_wait3A_102] : memref<1000000x64xf32, #tpu.memory_space<hbm>> -> memref<1x64xf32, #tpu.memory_space<hbm>>
      %dma_wait3A_104 = tpu.memref_slice %arg7[%dma_wait3A_94] : memref<2x!tpu.dma_semaphore, #tpu.memory_space<semaphore_mem>> -> memref<1x!tpu.dma_semaphore, #tpu.memory_space<semaphore_mem>>
      %dma_wait3A_105 = tpu.memref_squeeze %dma_wait3A_104 : memref<1x!tpu.dma_semaphore, #tpu.memory_space<semaphore_mem>> -> memref<!tpu.dma_semaphore, #tpu.memory_space<semaphore_mem>>
      %dma_wait3A_106 = arith.constant 0 : i32
      %dma_wait3A_107 = arith.constant 0 : i32
      %dma_wait3A_108 = tpu.memref_slice %arg6[%dma_wait3A_93, %dma_wait3A_106, %dma_wait3A_107] : memref<2x400x64xf32, #tpu.memory_space<vmem>> -> memref<1x400x64xf32, #tpu.memory_space<vmem>>
      %dma_wait3A_109 = tpu.memref_squeeze %dma_wait3A_108 : memref<1x400x64xf32, #tpu.memory_space<vmem>> -> memref<400x64xf32, #tpu.memory_space<vmem>>
      %dma_wait3A_110 = arith.constant 0 : i32
      %dma_wait3A_111 = tpu.memref_slice %dma_wait3A_109[%add3A_92, %dma_wait3A_110] : memref<400x64xf32, #tpu.memory_space<vmem>> -> memref<1x64xf32, #tpu.memory_space<vmem>>
      %dma_wait3A_112 = arith.constant 0 : i32
      %dma_wait3A_113 = arith.constant 0 : i32
      %dma_wait3A_114 = tpu.memref_slice %arg3[%dma_wait3A_112, %dma_wait3A_113] : memref<1000000x64xf32, #tpu.memory_space<hbm>> -> memref<1x64xf32, #tpu.memory_space<hbm>>
      tpu.wait_dma2 semaphore(%dma_wait3A_105 : memref<!tpu.dma_semaphore, #tpu.memory_space<semaphore_mem>>) src(%dma_wait3A_114 : memref<1x64xf32, #tpu.memory_space<hbm>>) dst(%dma_wait3A_111 : memref<1x64xf32, #tpu.memory_space<vmem>>)
      %mul3A_115 = arith.constant 16 : i32
      %mul3A_116 = arith.muli %scan3A_37, %mul3A_115 : i32
      %add3A_117 = arith.constant 3 : i32
      %add3A_118 = arith.addi %mul3A_116, %add3A_117 : i32
      %dma_wait3A_119 = arith.constant 1 : i32
      %dma_wait3A_120 = arith.constant 1 : i32
      %dma_wait3A_121 = arith.constant 0 : i32
      %dma_wait3A_122 = arith.constant 0 : i32
      %dma_wait3A_123 = tpu.memref_slice %arg6[%dma_wait3A_119, %dma_wait3A_121, %dma_wait3A_122] : memref<2x400x64xf32, #tpu.memory_space<vmem>> -> memref<1x400x64xf32, #tpu.memory_space<vmem>>
      %dma_wait3A_124 = tpu.memref_squeeze %dma_wait3A_123 : memref<1x400x64xf32, #tpu.memory_space<vmem>> -> memref<400x64xf32, #tpu.memory_space<vmem>>
      %dma_wait3A_125 = arith.constant 0 : i32
      %dma_wait3A_126 = tpu.memref_slice %dma_wait3A_124[%add3A_118, %dma_wait3A_125] : memref<400x64xf32, #tpu.memory_space<vmem>> -> memref<1x64xf32, #tpu.memory_space<vmem>>
      %dma_wait3A_127 = arith.constant 0 : i32
      %dma_wait3A_128 = arith.constant 0 : i32
      %dma_wait3A_129 = tpu.memref_slice %arg3[%dma_wait3A_127, %dma_wait3A_128] : memref<1000000x64xf32, #tpu.memory_space<hbm>> -> memref<1x64xf32, #tpu.memory_space<hbm>>
      %dma_wait3A_130 = tpu.memref_slice %arg7[%dma_wait3A_120] : memref<2x!tpu.dma_semaphore, #tpu.memory_space<semaphore_mem>> -> memref<1x!tpu.dma_semaphore, #tpu.memory_space<semaphore_mem>>
      %dma_wait3A_131 = tpu.memref_squeeze %dma_wait3A_130 : memref<1x!tpu.dma_semaphore, #tpu.memory_space<semaphore_mem>> -> memref<!tpu.dma_semaphore, #tpu.memory_space<semaphore_mem>>
      %dma_wait3A_132 = arith.constant 0 : i32
      %dma_wait3A_133 = arith.constant 0 : i32
      %dma_wait3A_134 = tpu.memref_slice %arg6[%dma_wait3A_119, %dma_wait3A_132, %dma_wait3A_133] : memref<2x400x64xf32, #tpu.memory_space<vmem>> -> memref<1x400x64xf32, #tpu.memory_space<vmem>>
      %dma_wait3A_135 = tpu.memref_squeeze %dma_wait3A_134 : memref<1x400x64xf32, #tpu.memory_space<vmem>> -> memref<400x64xf32, #tpu.memory_space<vmem>>
      %dma_wait3A_136 = arith.constant 0 : i32
      %dma_wait3A_137 = tpu.memref_slice %dma_wait3A_135[%add3A_118, %dma_wait3A_136] : memref<400x64xf32, #tpu.memory_space<vmem>> -> memref<1x64xf32, #tpu.memory_space<vmem>>
      %dma_wait3A_138 = arith.constant 0 : i32
      %dma_wait3A_139 = arith.constant 0 : i32
      %dma_wait3A_140 = tpu.memref_slice %arg3[%dma_wait3A_138, %dma_wait3A_139] : memref<1000000x64xf32, #tpu.memory_space<hbm>> -> memref<1x64xf32, #tpu.memory_space<hbm>>
      tpu.wait_dma2 semaphore(%dma_wait3A_131 : memref<!tpu.dma_semaphore, #tpu.memory_space<semaphore_mem>>) src(%dma_wait3A_140 : memref<1x64xf32, #tpu.memory_space<hbm>>) dst(%dma_wait3A_137 : memref<1x64xf32, #tpu.memory_space<vmem>>)
      %mul3A_141 = arith.constant 16 : i32
      %mul3A_142 = arith.muli %scan3A_37, %mul3A_141 : i32
      %add3A_143 = arith.constant 4 : i32
      %add3A_144 = arith.addi %mul3A_142, %add3A_143 : i32
      %dma_wait3A_145 = arith.constant 1 : i32
      %dma_wait3A_146 = arith.constant 1 : i32
      %dma_wait3A_147 = arith.constant 0 : i32
      %dma_wait3A_148 = arith.constant 0 : i32
      %dma_wait3A_149 = tpu.memref_slice %arg6[%dma_wait3A_145, %dma_wait3A_147, %dma_wait3A_148] : memref<2x400x64xf32, #tpu.memory_space<vmem>> -> memref<1x400x64xf32, #tpu.memory_space<vmem>>
      %dma_wait3A_150 = tpu.memref_squeeze %dma_wait3A_149 : memref<1x400x64xf32, #tpu.memory_space<vmem>> -> memref<400x64xf32, #tpu.memory_space<vmem>>
      %dma_wait3A_151 = arith.constant 0 : i32
      %dma_wait3A_152 = tpu.memref_slice %dma_wait3A_150[%add3A_144, %dma_wait3A_151] : memref<400x64xf32, #tpu.memory_space<vmem>> -> memref<1x64xf32, #tpu.memory_space<vmem>>
      %dma_wait3A_153 = arith.constant 0 : i32
      %dma_wait3A_154 = arith.constant 0 : i32
      %dma_wait3A_155 = tpu.memref_slice %arg3[%dma_wait3A_153, %dma_wait3A_154] : memref<1000000x64xf32, #tpu.memory_space<hbm>> -> memref<1x64xf32, #tpu.memory_space<hbm>>
      %dma_wait3A_156 = tpu.memref_slice %arg7[%dma_wait3A_146] : memref<2x!tpu.dma_semaphore, #tpu.memory_space<semaphore_mem>> -> memref<1x!tpu.dma_semaphore, #tpu.memory_space<semaphore_mem>>
      %dma_wait3A_157 = tpu.memref_squeeze %dma_wait3A_156 : memref<1x!tpu.dma_semaphore, #tpu.memory_space<semaphore_mem>> -> memref<!tpu.dma_semaphore, #tpu.memory_space<semaphore_mem>>
      %dma_wait3A_158 = arith.constant 0 : i32
      %dma_wait3A_159 = arith.constant 0 : i32
      %dma_wait3A_160 = tpu.memref_slice %arg6[%dma_wait3A_145, %dma_wait3A_158, %dma_wait3A_159] : memref<2x400x64xf32, #tpu.memory_space<vmem>> -> memref<1x400x64xf32, #tpu.memory_space<vmem>>
      %dma_wait3A_161 = tpu.memref_squeeze %dma_wait3A_160 : memref<1x400x64xf32, #tpu.memory_space<vmem>> -> memref<400x64xf32, #tpu.memory_space<vmem>>
      %dma_wait3A_162 = arith.constant 0 : i32
      %dma_wait3A_163 = tpu.memref_slice %dma_wait3A_161[%add3A_144, %dma_wait3A_162] : memref<400x64xf32, #tpu.memory_space<vmem>> -> memref<1x64xf32, #tpu.memory_space<vmem>>
      %dma_wait3A_164 = arith.constant 0 : i32
      %dma_wait3A_165 = arith.constant 0 : i32
      %dma_wait3A_166 = tpu.memref_slice %arg3[%dma_wait3A_164, %dma_wait3A_165] : memref<1000000x64xf32, #tpu.memory_space<hbm>> -> memref<1x64xf32, #tpu.memory_space<hbm>>
      tpu.wait_dma2 semaphore(%dma_wait3A_157 : memref<!tpu.dma_semaphore, #tpu.memory_space<semaphore_mem>>) src(%dma_wait3A_166 : memref<1x64xf32, #tpu.memory_space<hbm>>) dst(%dma_wait3A_163 : memref<1x64xf32, #tpu.memory_space<vmem>>)
      %mul3A_167 = arith.constant 16 : i32
      %mul3A_168 = arith.muli %scan3A_37, %mul3A_167 : i32
      %add3A_169 = arith.constant 5 : i32
      %add3A_170 = arith.addi %mul3A_168, %add3A_169 : i32
      %dma_wait3A_171 = arith.constant 1 : i32
      %dma_wait3A_172 = arith.constant 1 : i32
      %dma_wait3A_173 = arith.constant 0 : i32
      %dma_wait3A_174 = arith.constant 0 : i32
      %dma_wait3A_175 = tpu.memref_slice %arg6[%dma_wait3A_171, %dma_wait3A_173, %dma_wait3A_174] : memref<2x400x64xf32, #tpu.memory_space<vmem>> -> memref<1x400x64xf32, #tpu.memory_space<vmem>>
      %dma_wait3A_176 = tpu.memref_squeeze %dma_wait3A_175 : memref<1x400x64xf32, #tpu.memory_space<vmem>> -> memref<400x64xf32, #tpu.memory_space<vmem>>
      %dma_wait3A_177 = arith.constant 0 : i32
      %dma_wait3A_178 = tpu.memref_slice %dma_wait3A_176[%add3A_170, %dma_wait3A_177] : memref<400x64xf32, #tpu.memory_space<vmem>> -> memref<1x64xf32, #tpu.memory_space<vmem>>
      %dma_wait3A_179 = arith.constant 0 : i32
      %dma_wait3A_180 = arith.constant 0 : i32
      %dma_wait3A_181 = tpu.memref_slice %arg3[%dma_wait3A_179, %dma_wait3A_180] : memref<1000000x64xf32, #tpu.memory_space<hbm>> -> memref<1x64xf32, #tpu.memory_space<hbm>>
      %dma_wait3A_182 = tpu.memref_slice %arg7[%dma_wait3A_172] : memref<2x!tpu.dma_semaphore, #tpu.memory_space<semaphore_mem>> -> memref<1x!tpu.dma_semaphore, #tpu.memory_space<semaphore_mem>>
      %dma_wait3A_183 = tpu.memref_squeeze %dma_wait3A_182 : memref<1x!tpu.dma_semaphore, #tpu.memory_space<semaphore_mem>> -> memref<!tpu.dma_semaphore, #tpu.memory_space<semaphore_mem>>
      %dma_wait3A_184 = arith.constant 0 : i32
      %dma_wait3A_185 = arith.constant 0 : i32
      %dma_wait3A_186 = tpu.memref_slice %arg6[%dma_wait3A_171, %dma_wait3A_184, %dma_wait3A_185] : memref<2x400x64xf32, #tpu.memory_space<vmem>> -> memref<1x400x64xf32, #tpu.memory_space<vmem>>
      %dma_wait3A_187 = tpu.memref_squeeze %dma_wait3A_186 : memref<1x400x64xf32, #tpu.memory_space<vmem>> -> memref<400x64xf32, #tpu.memory_space<vmem>>
      %dma_wait3A_188 = arith.constant 0 : i32
      %dma_wait3A_189 = tpu.memref_slice %dma_wait3A_187[%add3A_170, %dma_wait3A_188] : memref<400x64xf32, #tpu.memory_space<vmem>> -> memref<1x64xf32, #tpu.memory_space<vmem>>
      %dma_wait3A_190 = arith.constant 0 : i32
      %dma_wait3A_191 = arith.constant 0 : i32
      %dma_wait3A_192 = tpu.memref_slice %arg3[%dma_wait3A_190, %dma_wait3A_191] : memref<1000000x64xf32, #tpu.memory_space<hbm>> -> memref<1x64xf32, #tpu.memory_space<hbm>>
      tpu.wait_dma2 semaphore(%dma_wait3A_183 : memref<!tpu.dma_semaphore, #tpu.memory_space<semaphore_mem>>) src(%dma_wait3A_192 : memref<1x64xf32, #tpu.memory_space<hbm>>) dst(%dma_wait3A_189 : memref<1x64xf32, #tpu.memory_space<vmem>>)
      %mul3A_193 = arith.constant 16 : i32
      %mul3A_194 = arith.muli %scan3A_37, %mul3A_193 : i32
      %add3A_195 = arith.constant 6 : i32
      %add3A_196 = arith.addi %mul3A_194, %add3A_195 : i32
      %dma_wait3A_197 = arith.constant 1 : i32
      %dma_wait3A_198 = arith.constant 1 : i32
      %dma_wait3A_199 = arith.constant 0 : i32
      %dma_wait3A_200 = arith.constant 0 : i32
      %dma_wait3A_201 = tpu.memref_slice %arg6[%dma_wait3A_197, %dma_wait3A_199, %dma_wait3A_200] : memref<2x400x64xf32, #tpu.memory_space<vmem>> -> memref<1x400x64xf32, #tpu.memory_space<vmem>>
      %dma_wait3A_202 = tpu.memref_squeeze %dma_wait3A_201 : memref<1x400x64xf32, #tpu.memory_space<vmem>> -> memref<400x64xf32, #tpu.memory_space<vmem>>
      %dma_wait3A_203 = arith.constant 0 : i32
      %dma_wait3A_204 = tpu.memref_slice %dma_wait3A_202[%add3A_196, %dma_wait3A_203] : memref<400x64xf32, #tpu.memory_space<vmem>> -> memref<1x64xf32, #tpu.memory_space<vmem>>
      %dma_wait3A_205 = arith.constant 0 : i32
      %dma_wait3A_206 = arith.constant 0 : i32
      %dma_wait3A_207 = tpu.memref_slice %arg3[%dma_wait3A_205, %dma_wait3A_206] : memref<1000000x64xf32, #tpu.memory_space<hbm>> -> memref<1x64xf32, #tpu.memory_space<hbm>>
      %dma_wait3A_208 = tpu.memref_slice %arg7[%dma_wait3A_198] : memref<2x!tpu.dma_semaphore, #tpu.memory_space<semaphore_mem>> -> memref<1x!tpu.dma_semaphore, #tpu.memory_space<semaphore_mem>>
      %dma_wait3A_209 = tpu.memref_squeeze %dma_wait3A_208 : memref<1x!tpu.dma_semaphore, #tpu.memory_space<semaphore_mem>> -> memref<!tpu.dma_semaphore, #tpu.memory_space<semaphore_mem>>
      %dma_wait3A_210 = arith.constant 0 : i32
      %dma_wait3A_211 = arith.constant 0 : i32
      %dma_wait3A_212 = tpu.memref_slice %arg6[%dma_wait3A_197, %dma_wait3A_210, %dma_wait3A_211] : memref<2x400x64xf32, #tpu.memory_space<vmem>> -> memref<1x400x64xf32, #tpu.memory_space<vmem>>
      %dma_wait3A_213 = tpu.memref_squeeze %dma_wait3A_212 : memref<1x400x64xf32, #tpu.memory_space<vmem>> -> memref<400x64xf32, #tpu.memory_space<vmem>>
      %dma_wait3A_214 = arith.constant 0 : i32
      %dma_wait3A_215 = tpu.memref_slice %dma_wait3A_213[%add3A_196, %dma_wait3A_214] : memref<400x64xf32, #tpu.memory_space<vmem>> -> memref<1x64xf32, #tpu.memory_space<vmem>>
      %dma_wait3A_216 = arith.constant 0 : i32
      %dma_wait3A_217 = arith.constant 0 : i32
      %dma_wait3A_218 = tpu.memref_slice %arg3[%dma_wait3A_216, %dma_wait3A_217] : memref<1000000x64xf32, #tpu.memory_space<hbm>> -> memref<1x64xf32, #tpu.memory_space<hbm>>
      tpu.wait_dma2 semaphore(%dma_wait3A_209 : memref<!tpu.dma_semaphore, #tpu.memory_space<semaphore_mem>>) src(%dma_wait3A_218 : memref<1x64xf32, #tpu.memory_space<hbm>>) dst(%dma_wait3A_215 : memref<1x64xf32, #tpu.memory_space<vmem>>)
      %mul3A_219 = arith.constant 16 : i32
      %mul3A_220 = arith.muli %scan3A_37, %mul3A_219 : i32
      %add3A_221 = arith.constant 7 : i32
      %add3A_222 = arith.addi %mul3A_220, %add3A_221 : i32
      %dma_wait3A_223 = arith.constant 1 : i32
      %dma_wait3A_224 = arith.constant 1 : i32
      %dma_wait3A_225 = arith.constant 0 : i32
      %dma_wait3A_226 = arith.constant 0 : i32
      %dma_wait3A_227 = tpu.memref_slice %arg6[%dma_wait3A_223, %dma_wait3A_225, %dma_wait3A_226] : memref<2x400x64xf32, #tpu.memory_space<vmem>> -> memref<1x400x64xf32, #tpu.memory_space<vmem>>
      %dma_wait3A_228 = tpu.memref_squeeze %dma_wait3A_227 : memref<1x400x64xf32, #tpu.memory_space<vmem>> -> memref<400x64xf32, #tpu.memory_space<vmem>>
      %dma_wait3A_229 = arith.constant 0 : i32
      %dma_wait3A_230 = tpu.memref_slice %dma_wait3A_228[%add3A_222, %dma_wait3A_229] : memref<400x64xf32, #tpu.memory_space<vmem>> -> memref<1x64xf32, #tpu.memory_space<vmem>>
      %dma_wait3A_231 = arith.constant 0 : i32
      %dma_wait3A_232 = arith.constant 0 : i32
      %dma_wait3A_233 = tpu.memref_slice %arg3[%dma_wait3A_231, %dma_wait3A_232] : memref<1000000x64xf32, #tpu.memory_space<hbm>> -> memref<1x64xf32, #tpu.memory_space<hbm>>
      %dma_wait3A_234 = tpu.memref_slice %arg7[%dma_wait3A_224] : memref<2x!tpu.dma_semaphore, #tpu.memory_space<semaphore_mem>> -> memref<1x!tpu.dma_semaphore, #tpu.memory_space<semaphore_mem>>
      %dma_wait3A_235 = tpu.memref_squeeze %dma_wait3A_234 : memref<1x!tpu.dma_semaphore, #tpu.memory_space<semaphore_mem>> -> memref<!tpu.dma_semaphore, #tpu.memory_space<semaphore_mem>>
      %dma_wait3A_236 = arith.constant 0 : i32
      %dma_wait3A_237 = arith.constant 0 : i32
      %dma_wait3A_238 = tpu.memref_slice %arg6[%dma_wait3A_223, %dma_wait3A_236, %dma_wait3A_237] : memref<2x400x64xf32, #tpu.memory_space<vmem>> -> memref<1x400x64xf32, #tpu.memory_space<vmem>>
      %dma_wait3A_239 = tpu.memref_squeeze %dma_wait3A_238 : memref<1x400x64xf32, #tpu.memory_space<vmem>> -> memref<400x64xf32, #tpu.memory_space<vmem>>
      %dma_wait3A_240 = arith.constant 0 : i32
      %dma_wait3A_241 = tpu.memref_slice %dma_wait3A_239[%add3A_222, %dma_wait3A_240] : memref<400x64xf32, #tpu.memory_space<vmem>> -> memref<1x64xf32, #tpu.memory_space<vmem>>
      %dma_wait3A_242 = arith.constant 0 : i32
      %dma_wait3A_243 = arith.constant 0 : i32
      %dma_wait3A_244 = tpu.memref_slice %arg3[%dma_wait3A_242, %dma_wait3A_243] : memref<1000000x64xf32, #tpu.memory_space<hbm>> -> memref<1x64xf32, #tpu.memory_space<hbm>>
      tpu.wait_dma2 semaphore(%dma_wait3A_235 : memref<!tpu.dma_semaphore, #tpu.memory_space<semaphore_mem>>) src(%dma_wait3A_244 : memref<1x64xf32, #tpu.memory_space<hbm>>) dst(%dma_wait3A_241 : memref<1x64xf32, #tpu.memory_space<vmem>>)
      %mul3A_245 = arith.constant 16 : i32
      %mul3A_246 = arith.muli %scan3A_37, %mul3A_245 : i32
      %add3A_247 = arith.constant 8 : i32
      %add3A_248 = arith.addi %mul3A_246, %add3A_247 : i32
      %dma_wait3A_249 = arith.constant 1 : i32
      %dma_wait3A_250 = arith.constant 1 : i32
      %dma_wait3A_251 = arith.constant 0 : i32
      %dma_wait3A_252 = arith.constant 0 : i32
      %dma_wait3A_253 = tpu.memref_slice %arg6[%dma_wait3A_249, %dma_wait3A_251, %dma_wait3A_252] : memref<2x400x64xf32, #tpu.memory_space<vmem>> -> memref<1x400x64xf32, #tpu.memory_space<vmem>>
      %dma_wait3A_254 = tpu.memref_squeeze %dma_wait3A_253 : memref<1x400x64xf32, #tpu.memory_space<vmem>> -> memref<400x64xf32, #tpu.memory_space<vmem>>
      %dma_wait3A_255 = arith.constant 0 : i32
      %dma_wait3A_256 = tpu.memref_slice %dma_wait3A_254[%add3A_248, %dma_wait3A_255] : memref<400x64xf32, #tpu.memory_space<vmem>> -> memref<1x64xf32, #tpu.memory_space<vmem>>
      %dma_wait3A_257 = arith.constant 0 : i32
      %dma_wait3A_258 = arith.constant 0 : i32
      %dma_wait3A_259 = tpu.memref_slice %arg3[%dma_wait3A_257, %dma_wait3A_258] : memref<1000000x64xf32, #tpu.memory_space<hbm>> -> memref<1x64xf32, #tpu.memory_space<hbm>>
      %dma_wait3A_260 = tpu.memref_slice %arg7[%dma_wait3A_250] : memref<2x!tpu.dma_semaphore, #tpu.memory_space<semaphore_mem>> -> memref<1x!tpu.dma_semaphore, #tpu.memory_space<semaphore_mem>>
      %dma_wait3A_261 = tpu.memref_squeeze %dma_wait3A_260 : memref<1x!tpu.dma_semaphore, #tpu.memory_space<semaphore_mem>> -> memref<!tpu.dma_semaphore, #tpu.memory_space<semaphore_mem>>
      %dma_wait3A_262 = arith.constant 0 : i32
      %dma_wait3A_263 = arith.constant 0 : i32
      %dma_wait3A_264 = tpu.memref_slice %arg6[%dma_wait3A_249, %dma_wait3A_262, %dma_wait3A_263] : memref<2x400x64xf32, #tpu.memory_space<vmem>> -> memref<1x400x64xf32, #tpu.memory_space<vmem>>
      %dma_wait3A_265 = tpu.memref_squeeze %dma_wait3A_264 : memref<1x400x64xf32, #tpu.memory_space<vmem>> -> memref<400x64xf32, #tpu.memory_space<vmem>>
      %dma_wait3A_266 = arith.constant 0 : i32
      %dma_wait3A_267 = tpu.memref_slice %dma_wait3A_265[%add3A_248, %dma_wait3A_266] : memref<400x64xf32, #tpu.memory_space<vmem>> -> memref<1x64xf32, #tpu.memory_space<vmem>>
      %dma_wait3A_268 = arith.constant 0 : i32
      %dma_wait3A_269 = arith.constant 0 : i32
      %dma_wait3A_270 = tpu.memref_slice %arg3[%dma_wait3A_268, %dma_wait3A_269] : memref<1000000x64xf32, #tpu.memory_space<hbm>> -> memref<1x64xf32, #tpu.memory_space<hbm>>
      tpu.wait_dma2 semaphore(%dma_wait3A_261 : memref<!tpu.dma_semaphore, #tpu.memory_space<semaphore_mem>>) src(%dma_wait3A_270 : memref<1x64xf32, #tpu.memory_space<hbm>>) dst(%dma_wait3A_267 : memref<1x64xf32, #tpu.memory_space<vmem>>)
      %mul3A_271 = arith.constant 16 : i32
      %mul3A_272 = arith.muli %scan3A_37, %mul3A_271 : i32
      %add3A_273 = arith.constant 9 : i32
      %add3A_274 = arith.addi %mul3A_272, %add3A_273 : i32
      %dma_wait3A_275 = arith.constant 1 : i32
      %dma_wait3A_276 = arith.constant 1 : i32
      %dma_wait3A_277 = arith.constant 0 : i32
      %dma_wait3A_278 = arith.constant 0 : i32
      %dma_wait3A_279 = tpu.memref_slice %arg6[%dma_wait3A_275, %dma_wait3A_277, %dma_wait3A_278] : memref<2x400x64xf32, #tpu.memory_space<vmem>> -> memref<1x400x64xf32, #tpu.memory_space<vmem>>
      %dma_wait3A_280 = tpu.memref_squeeze %dma_wait3A_279 : memref<1x400x64xf32, #tpu.memory_space<vmem>> -> memref<400x64xf32, #tpu.memory_space<vmem>>
      %dma_wait3A_281 = arith.constant 0 : i32
      %dma_wait3A_282 = tpu.memref_slice %dma_wait3A_280[%add3A_274, %dma_wait3A_281] : memref<400x64xf32, #tpu.memory_space<vmem>> -> memref<1x64xf32, #tpu.memory_space<vmem>>
      %dma_wait3A_283 = arith.constant 0 : i32
      %dma_wait3A_284 = arith.constant 0 : i32
      %dma_wait3A_285 = tpu.memref_slice %arg3[%dma_wait3A_283, %dma_wait3A_284] : memref<1000000x64xf32, #tpu.memory_space<hbm>> -> memref<1x64xf32, #tpu.memory_space<hbm>>
      %dma_wait3A_286 = tpu.memref_slice %arg7[%dma_wait3A_276] : memref<2x!tpu.dma_semaphore, #tpu.memory_space<semaphore_mem>> -> memref<1x!tpu.dma_semaphore, #tpu.memory_space<semaphore_mem>>
      %dma_wait3A_287 = tpu.memref_squeeze %dma_wait3A_286 : memref<1x!tpu.dma_semaphore, #tpu.memory_space<semaphore_mem>> -> memref<!tpu.dma_semaphore, #tpu.memory_space<semaphore_mem>>
      %dma_wait3A_288 = arith.constant 0 : i32
      %dma_wait3A_289 = arith.constant 0 : i32
      %dma_wait3A_290 = tpu.memref_slice %arg6[%dma_wait3A_275, %dma_wait3A_288, %dma_wait3A_289] : memref<2x400x64xf32, #tpu.memory_space<vmem>> -> memref<1x400x64xf32, #tpu.memory_space<vmem>>
      %dma_wait3A_291 = tpu.memref_squeeze %dma_wait3A_290 : memref<1x400x64xf32, #tpu.memory_space<vmem>> -> memref<400x64xf32, #tpu.memory_space<vmem>>
      %dma_wait3A_292 = arith.constant 0 : i32
      %dma_wait3A_293 = tpu.memref_slice %dma_wait3A_291[%add3A_274, %dma_wait3A_292] : memref<400x64xf32, #tpu.memory_space<vmem>> -> memref<1x64xf32, #tpu.memory_space<vmem>>
      %dma_wait3A_294 = arith.constant 0 : i32
      %dma_wait3A_295 = arith.constant 0 : i32
      %dma_wait3A_296 = tpu.memref_slice %arg3[%dma_wait3A_294, %dma_wait3A_295] : memref<1000000x64xf32, #tpu.memory_space<hbm>> -> memref<1x64xf32, #tpu.memory_space<hbm>>
      tpu.wait_dma2 semaphore(%dma_wait3A_287 : memref<!tpu.dma_semaphore, #tpu.memory_space<semaphore_mem>>) src(%dma_wait3A_296 : memref<1x64xf32, #tpu.memory_space<hbm>>) dst(%dma_wait3A_293 : memref<1x64xf32, #tpu.memory_space<vmem>>)
      %mul3A_297 = arith.constant 16 : i32
      %mul3A_298 = arith.muli %scan3A_37, %mul3A_297 : i32
      %add3A_299 = arith.constant 10 : i32
      %add3A_300 = arith.addi %mul3A_298, %add3A_299 : i32
      %dma_wait3A_301 = arith.constant 1 : i32
      %dma_wait3A_302 = arith.constant 1 : i32
      %dma_wait3A_303 = arith.constant 0 : i32
      %dma_wait3A_304 = arith.constant 0 : i32
      %dma_wait3A_305 = tpu.memref_slice %arg6[%dma_wait3A_301, %dma_wait3A_303, %dma_wait3A_304] : memref<2x400x64xf32, #tpu.memory_space<vmem>> -> memref<1x400x64xf32, #tpu.memory_space<vmem>>
      %dma_wait3A_306 = tpu.memref_squeeze %dma_wait3A_305 : memref<1x400x64xf32, #tpu.memory_space<vmem>> -> memref<400x64xf32, #tpu.memory_space<vmem>>
      %dma_wait3A_307 = arith.constant 0 : i32
      %dma_wait3A_308 = tpu.memref_slice %dma_wait3A_306[%add3A_300, %dma_wait3A_307] : memref<400x64xf32, #tpu.memory_space<vmem>> -> memref<1x64xf32, #tpu.memory_space<vmem>>
      %dma_wait3A_309 = arith.constant 0 : i32
      %dma_wait3A_310 = arith.constant 0 : i32
      %dma_wait3A_311 = tpu.memref_slice %arg3[%dma_wait3A_309, %dma_wait3A_310] : memref<1000000x64xf32, #tpu.memory_space<hbm>> -> memref<1x64xf32, #tpu.memory_space<hbm>>
      %dma_wait3A_312 = tpu.memref_slice %arg7[%dma_wait3A_302] : memref<2x!tpu.dma_semaphore, #tpu.memory_space<semaphore_mem>> -> memref<1x!tpu.dma_semaphore, #tpu.memory_space<semaphore_mem>>
      %dma_wait3A_313 = tpu.memref_squeeze %dma_wait3A_312 : memref<1x!tpu.dma_semaphore, #tpu.memory_space<semaphore_mem>> -> memref<!tpu.dma_semaphore, #tpu.memory_space<semaphore_mem>>
      %dma_wait3A_314 = arith.constant 0 : i32
      %dma_wait3A_315 = arith.constant 0 : i32
      %dma_wait3A_316 = tpu.memref_slice %arg6[%dma_wait3A_301, %dma_wait3A_314, %dma_wait3A_315] : memref<2x400x64xf32, #tpu.memory_space<vmem>> -> memref<1x400x64xf32, #tpu.memory_space<vmem>>
      %dma_wait3A_317 = tpu.memref_squeeze %dma_wait3A_316 : memref<1x400x64xf32, #tpu.memory_space<vmem>> -> memref<400x64xf32, #tpu.memory_space<vmem>>
      %dma_wait3A_318 = arith.constant 0 : i32
      %dma_wait3A_319 = tpu.memref_slice %dma_wait3A_317[%add3A_300, %dma_wait3A_318] : memref<400x64xf32, #tpu.memory_space<vmem>> -> memref<1x64xf32, #tpu.memory_space<vmem>>
      %dma_wait3A_320 = arith.constant 0 : i32
      %dma_wait3A_321 = arith.constant 0 : i32
      %dma_wait3A_322 = tpu.memref_slice %arg3[%dma_wait3A_320, %dma_wait3A_321] : memref<1000000x64xf32, #tpu.memory_space<hbm>> -> memref<1x64xf32, #tpu.memory_space<hbm>>
      tpu.wait_dma2 semaphore(%dma_wait3A_313 : memref<!tpu.dma_semaphore, #tpu.memory_space<semaphore_mem>>) src(%dma_wait3A_322 : memref<1x64xf32, #tpu.memory_space<hbm>>) dst(%dma_wait3A_319 : memref<1x64xf32, #tpu.memory_space<vmem>>)
      %mul3A_323 = arith.constant 16 : i32
      %mul3A_324 = arith.muli %scan3A_37, %mul3A_323 : i32
      %add3A_325 = arith.constant 11 : i32
      %add3A_326 = arith.addi %mul3A_324, %add3A_325 : i32
      %dma_wait3A_327 = arith.constant 1 : i32
      %dma_wait3A_328 = arith.constant 1 : i32
      %dma_wait3A_329 = arith.constant 0 : i32
      %dma_wait3A_330 = arith.constant 0 : i32
      %dma_wait3A_331 = tpu.memref_slice %arg6[%dma_wait3A_327, %dma_wait3A_329, %dma_wait3A_330] : memref<2x400x64xf32, #tpu.memory_space<vmem>> -> memref<1x400x64xf32, #tpu.memory_space<vmem>>
      %dma_wait3A_332 = tpu.memref_squeeze %dma_wait3A_331 : memref<1x400x64xf32, #tpu.memory_space<vmem>> -> memref<400x64xf32, #tpu.memory_space<vmem>>
      %dma_wait3A_333 = arith.constant 0 : i32
      %dma_wait3A_334 = tpu.memref_slice %dma_wait3A_332[%add3A_326, %dma_wait3A_333] : memref<400x64xf32, #tpu.memory_space<vmem>> -> memref<1x64xf32, #tpu.memory_space<vmem>>
      %dma_wait3A_335 = arith.constant 0 : i32
      %dma_wait3A_336 = arith.constant 0 : i32
      %dma_wait3A_337 = tpu.memref_slice %arg3[%dma_wait3A_335, %dma_wait3A_336] : memref<1000000x64xf32, #tpu.memory_space<hbm>> -> memref<1x64xf32, #tpu.memory_space<hbm>>
      %dma_wait3A_338 = tpu.memref_slice %arg7[%dma_wait3A_328] : memref<2x!tpu.dma_semaphore, #tpu.memory_space<semaphore_mem>> -> memref<1x!tpu.dma_semaphore, #tpu.memory_space<semaphore_mem>>
      %dma_wait3A_339 = tpu.memref_squeeze %dma_wait3A_338 : memref<1x!tpu.dma_semaphore, #tpu.memory_space<semaphore_mem>> -> memref<!tpu.dma_semaphore, #tpu.memory_space<semaphore_mem>>
      %dma_wait3A_340 = arith.constant 0 : i32
      %dma_wait3A_341 = arith.constant 0 : i32
      %dma_wait3A_342 = tpu.memref_slice %arg6[%dma_wait3A_327, %dma_wait3A_340, %dma_wait3A_341] : memref<2x400x64xf32, #tpu.memory_space<vmem>> -> memref<1x400x64xf32, #tpu.memory_space<vmem>>
      %dma_wait3A_343 = tpu.memref_squeeze %dma_wait3A_342 : memref<1x400x64xf32, #tpu.memory_space<vmem>> -> memref<400x64xf32, #tpu.memory_space<vmem>>
      %dma_wait3A_344 = arith.constant 0 : i32
      %dma_wait3A_345 = tpu.memref_slice %dma_wait3A_343[%add3A_326, %dma_wait3A_344] : memref<400x64xf32, #tpu.memory_space<vmem>> -> memref<1x64xf32, #tpu.memory_space<vmem>>
      %dma_wait3A_346 = arith.constant 0 : i32
      %dma_wait3A_347 = arith.constant 0 : i32
      %dma_wait3A_348 = tpu.memref_slice %arg3[%dma_wait3A_346, %dma_wait3A_347] : memref<1000000x64xf32, #tpu.memory_space<hbm>> -> memref<1x64xf32, #tpu.memory_space<hbm>>
      tpu.wait_dma2 semaphore(%dma_wait3A_339 : memref<!tpu.dma_semaphore, #tpu.memory_space<semaphore_mem>>) src(%dma_wait3A_348 : memref<1x64xf32, #tpu.memory_space<hbm>>) dst(%dma_wait3A_345 : memref<1x64xf32, #tpu.memory_space<vmem>>)
      %mul3A_349 = arith.constant 16 : i32
      %mul3A_350 = arith.muli %scan3A_37, %mul3A_349 : i32
      %add3A_351 = arith.constant 12 : i32
      %add3A_352 = arith.addi %mul3A_350, %add3A_351 : i32
      %dma_wait3A_353 = arith.constant 1 : i32
      %dma_wait3A_354 = arith.constant 1 : i32
      %dma_wait3A_355 = arith.constant 0 : i32
      %dma_wait3A_356 = arith.constant 0 : i32
      %dma_wait3A_357 = tpu.memref_slice %arg6[%dma_wait3A_353, %dma_wait3A_355, %dma_wait3A_356] : memref<2x400x64xf32, #tpu.memory_space<vmem>> -> memref<1x400x64xf32, #tpu.memory_space<vmem>>
      %dma_wait3A_358 = tpu.memref_squeeze %dma_wait3A_357 : memref<1x400x64xf32, #tpu.memory_space<vmem>> -> memref<400x64xf32, #tpu.memory_space<vmem>>
      %dma_wait3A_359 = arith.constant 0 : i32
      %dma_wait3A_360 = tpu.memref_slice %dma_wait3A_358[%add3A_352, %dma_wait3A_359] : memref<400x64xf32, #tpu.memory_space<vmem>> -> memref<1x64xf32, #tpu.memory_space<vmem>>
      %dma_wait3A_361 = arith.constant 0 : i32
      %dma_wait3A_362 = arith.constant 0 : i32
      %dma_wait3A_363 = tpu.memref_slice %arg3[%dma_wait3A_361, %dma_wait3A_362] : memref<1000000x64xf32, #tpu.memory_space<hbm>> -> memref<1x64xf32, #tpu.memory_space<hbm>>
      %dma_wait3A_364 = tpu.memref_slice %arg7[%dma_wait3A_354] : memref<2x!tpu.dma_semaphore, #tpu.memory_space<semaphore_mem>> -> memref<1x!tpu.dma_semaphore, #tpu.memory_space<semaphore_mem>>
      %dma_wait3A_365 = tpu.memref_squeeze %dma_wait3A_364 : memref<1x!tpu.dma_semaphore, #tpu.memory_space<semaphore_mem>> -> memref<!tpu.dma_semaphore, #tpu.memory_space<semaphore_mem>>
      %dma_wait3A_366 = arith.constant 0 : i32
      %dma_wait3A_367 = arith.constant 0 : i32
      %dma_wait3A_368 = tpu.memref_slice %arg6[%dma_wait3A_353, %dma_wait3A_366, %dma_wait3A_367] : memref<2x400x64xf32, #tpu.memory_space<vmem>> -> memref<1x400x64xf32, #tpu.memory_space<vmem>>
      %dma_wait3A_369 = tpu.memref_squeeze %dma_wait3A_368 : memref<1x400x64xf32, #tpu.memory_space<vmem>> -> memref<400x64xf32, #tpu.memory_space<vmem>>
      %dma_wait3A_370 = arith.constant 0 : i32
      %dma_wait3A_371 = tpu.memref_slice %dma_wait3A_369[%add3A_352, %dma_wait3A_370] : memref<400x64xf32, #tpu.memory_space<vmem>> -> memref<1x64xf32, #tpu.memory_space<vmem>>
      %dma_wait3A_372 = arith.constant 0 : i32
      %dma_wait3A_373 = arith.constant 0 : i32
      %dma_wait3A_374 = tpu.memref_slice %arg3[%dma_wait3A_372, %dma_wait3A_373] : memref<1000000x64xf32, #tpu.memory_space<hbm>> -> memref<1x64xf32, #tpu.memory_space<hbm>>
      tpu.wait_dma2 semaphore(%dma_wait3A_365 : memref<!tpu.dma_semaphore, #tpu.memory_space<semaphore_mem>>) src(%dma_wait3A_374 : memref<1x64xf32, #tpu.memory_space<hbm>>) dst(%dma_wait3A_371 : memref<1x64xf32, #tpu.memory_space<vmem>>)
      %mul3A_375 = arith.constant 16 : i32
      %mul3A_376 = arith.muli %scan3A_37, %mul3A_375 : i32
      %add3A_377 = arith.constant 13 : i32
      %add3A_378 = arith.addi %mul3A_376, %add3A_377 : i32
      %dma_wait3A_379 = arith.constant 1 : i32
      %dma_wait3A_380 = arith.constant 1 : i32
      %dma_wait3A_381 = arith.constant 0 : i32
      %dma_wait3A_382 = arith.constant 0 : i32
      %dma_wait3A_383 = tpu.memref_slice %arg6[%dma_wait3A_379, %dma_wait3A_381, %dma_wait3A_382] : memref<2x400x64xf32, #tpu.memory_space<vmem>> -> memref<1x400x64xf32, #tpu.memory_space<vmem>>
      %dma_wait3A_384 = tpu.memref_squeeze %dma_wait3A_383 : memref<1x400x64xf32, #tpu.memory_space<vmem>> -> memref<400x64xf32, #tpu.memory_space<vmem>>
      %dma_wait3A_385 = arith.constant 0 : i32
      %dma_wait3A_386 = tpu.memref_slice %dma_wait3A_384[%add3A_378, %dma_wait3A_385] : memref<400x64xf32, #tpu.memory_space<vmem>> -> memref<1x64xf32, #tpu.memory_space<vmem>>
      %dma_wait3A_387 = arith.constant 0 : i32
      %dma_wait3A_388 = arith.constant 0 : i32
      %dma_wait3A_389 = tpu.memref_slice %arg3[%dma_wait3A_387, %dma_wait3A_388] : memref<1000000x64xf32, #tpu.memory_space<hbm>> -> memref<1x64xf32, #tpu.memory_space<hbm>>
      %dma_wait3A_390 = tpu.memref_slice %arg7[%dma_wait3A_380] : memref<2x!tpu.dma_semaphore, #tpu.memory_space<semaphore_mem>> -> memref<1x!tpu.dma_semaphore, #tpu.memory_space<semaphore_mem>>
      %dma_wait3A_391 = tpu.memref_squeeze %dma_wait3A_390 : memref<1x!tpu.dma_semaphore, #tpu.memory_space<semaphore_mem>> -> memref<!tpu.dma_semaphore, #tpu.memory_space<semaphore_mem>>
      %dma_wait3A_392 = arith.constant 0 : i32
      %dma_wait3A_393 = arith.constant 0 : i32
      %dma_wait3A_394 = tpu.memref_slice %arg6[%dma_wait3A_379, %dma_wait3A_392, %dma_wait3A_393] : memref<2x400x64xf32, #tpu.memory_space<vmem>> -> memref<1x400x64xf32, #tpu.memory_space<vmem>>
      %dma_wait3A_395 = tpu.memref_squeeze %dma_wait3A_394 : memref<1x400x64xf32, #tpu.memory_space<vmem>> -> memref<400x64xf32, #tpu.memory_space<vmem>>
      %dma_wait3A_396 = arith.constant 0 : i32
      %dma_wait3A_397 = tpu.memref_slice %dma_wait3A_395[%add3A_378, %dma_wait3A_396] : memref<400x64xf32, #tpu.memory_space<vmem>> -> memref<1x64xf32, #tpu.memory_space<vmem>>
      %dma_wait3A_398 = arith.constant 0 : i32
      %dma_wait3A_399 = arith.constant 0 : i32
      %dma_wait3A_400 = tpu.memref_slice %arg3[%dma_wait3A_398, %dma_wait3A_399] : memref<1000000x64xf32, #tpu.memory_space<hbm>> -> memref<1x64xf32, #tpu.memory_space<hbm>>
      tpu.wait_dma2 semaphore(%dma_wait3A_391 : memref<!tpu.dma_semaphore, #tpu.memory_space<semaphore_mem>>) src(%dma_wait3A_400 : memref<1x64xf32, #tpu.memory_space<hbm>>) dst(%dma_wait3A_397 : memref<1x64xf32, #tpu.memory_space<vmem>>)
      %mul3A_401 = arith.constant 16 : i32
      %mul3A_402 = arith.muli %scan3A_37, %mul3A_401 : i32
      %add3A_403 = arith.constant 14 : i32
      %add3A_404 = arith.addi %mul3A_402, %add3A_403 : i32
      %dma_wait3A_405 = arith.constant 1 : i32
      %dma_wait3A_406 = arith.constant 1 : i32
      %dma_wait3A_407 = arith.constant 0 : i32
      %dma_wait3A_408 = arith.constant 0 : i32
      %dma_wait3A_409 = tpu.memref_slice %arg6[%dma_wait3A_405, %dma_wait3A_407, %dma_wait3A_408] : memref<2x400x64xf32, #tpu.memory_space<vmem>> -> memref<1x400x64xf32, #tpu.memory_space<vmem>>
      %dma_wait3A_410 = tpu.memref_squeeze %dma_wait3A_409 : memref<1x400x64xf32, #tpu.memory_space<vmem>> -> memref<400x64xf32, #tpu.memory_space<vmem>>
      %dma_wait3A_411 = arith.constant 0 : i32
      %dma_wait3A_412 = tpu.memref_slice %dma_wait3A_410[%add3A_404, %dma_wait3A_411] : memref<400x64xf32, #tpu.memory_space<vmem>> -> memref<1x64xf32, #tpu.memory_space<vmem>>
      %dma_wait3A_413 = arith.constant 0 : i32
      %dma_wait3A_414 = arith.constant 0 : i32
      %dma_wait3A_415 = tpu.memref_slice %arg3[%dma_wait3A_413, %dma_wait3A_414] : memref<1000000x64xf32, #tpu.memory_space<hbm>> -> memref<1x64xf32, #tpu.memory_space<hbm>>
      %dma_wait3A_416 = tpu.memref_slice %arg7[%dma_wait3A_406] : memref<2x!tpu.dma_semaphore, #tpu.memory_space<semaphore_mem>> -> memref<1x!tpu.dma_semaphore, #tpu.memory_space<semaphore_mem>>
      %dma_wait3A_417 = tpu.memref_squeeze %dma_wait3A_416 : memref<1x!tpu.dma_semaphore, #tpu.memory_space<semaphore_mem>> -> memref<!tpu.dma_semaphore, #tpu.memory_space<semaphore_mem>>
      %dma_wait3A_418 = arith.constant 0 : i32
      %dma_wait3A_419 = arith.constant 0 : i32
      %dma_wait3A_420 = tpu.memref_slice %arg6[%dma_wait3A_405, %dma_wait3A_418, %dma_wait3A_419] : memref<2x400x64xf32, #tpu.memory_space<vmem>> -> memref<1x400x64xf32, #tpu.memory_space<vmem>>
      %dma_wait3A_421 = tpu.memref_squeeze %dma_wait3A_420 : memref<1x400x64xf32, #tpu.memory_space<vmem>> -> memref<400x64xf32, #tpu.memory_space<vmem>>
      %dma_wait3A_422 = arith.constant 0 : i32
      %dma_wait3A_423 = tpu.memref_slice %dma_wait3A_421[%add3A_404, %dma_wait3A_422] : memref<400x64xf32, #tpu.memory_space<vmem>> -> memref<1x64xf32, #tpu.memory_space<vmem>>
      %dma_wait3A_424 = arith.constant 0 : i32
      %dma_wait3A_425 = arith.constant 0 : i32
      %dma_wait3A_426 = tpu.memref_slice %arg3[%dma_wait3A_424, %dma_wait3A_425] : memref<1000000x64xf32, #tpu.memory_space<hbm>> -> memref<1x64xf32, #tpu.memory_space<hbm>>
      tpu.wait_dma2 semaphore(%dma_wait3A_417 : memref<!tpu.dma_semaphore, #tpu.memory_space<semaphore_mem>>) src(%dma_wait3A_426 : memref<1x64xf32, #tpu.memory_space<hbm>>) dst(%dma_wait3A_423 : memref<1x64xf32, #tpu.memory_space<vmem>>)
      %mul3A_427 = arith.constant 16 : i32
      %mul3A_428 = arith.muli %scan3A_37, %mul3A_427 : i32
      %add3A_429 = arith.constant 15 : i32
      %add3A_430 = arith.addi %mul3A_428, %add3A_429 : i32
      %dma_wait3A_431 = arith.constant 1 : i32
      %dma_wait3A_432 = arith.constant 1 : i32
      %dma_wait3A_433 = arith.constant 0 : i32
      %dma_wait3A_434 = arith.constant 0 : i32
      %dma_wait3A_435 = tpu.memref_slice %arg6[%dma_wait3A_431, %dma_wait3A_433, %dma_wait3A_434] : memref<2x400x64xf32, #tpu.memory_space<vmem>> -> memref<1x400x64xf32, #tpu.memory_space<vmem>>
      %dma_wait3A_436 = tpu.memref_squeeze %dma_wait3A_435 : memref<1x400x64xf32, #tpu.memory_space<vmem>> -> memref<400x64xf32, #tpu.memory_space<vmem>>
      %dma_wait3A_437 = arith.constant 0 : i32
      %dma_wait3A_438 = tpu.memref_slice %dma_wait3A_436[%add3A_430, %dma_wait3A_437] : memref<400x64xf32, #tpu.memory_space<vmem>> -> memref<1x64xf32, #tpu.memory_space<vmem>>
      %dma_wait3A_439 = arith.constant 0 : i32
      %dma_wait3A_440 = arith.constant 0 : i32
      %dma_wait3A_441 = tpu.memref_slice %arg3[%dma_wait3A_439, %dma_wait3A_440] : memref<1000000x64xf32, #tpu.memory_space<hbm>> -> memref<1x64xf32, #tpu.memory_space<hbm>>
      %dma_wait3A_442 = tpu.memref_slice %arg7[%dma_wait3A_432] : memref<2x!tpu.dma_semaphore, #tpu.memory_space<semaphore_mem>> -> memref<1x!tpu.dma_semaphore, #tpu.memory_space<semaphore_mem>>
      %dma_wait3A_443 = tpu.memref_squeeze %dma_wait3A_442 : memref<1x!tpu.dma_semaphore, #tpu.memory_space<semaphore_mem>> -> memref<!tpu.dma_semaphore, #tpu.memory_space<semaphore_mem>>
      %dma_wait3A_444 = arith.constant 0 : i32
      %dma_wait3A_445 = arith.constant 0 : i32
      %dma_wait3A_446 = tpu.memref_slice %arg6[%dma_wait3A_431, %dma_wait3A_444, %dma_wait3A_445] : memref<2x400x64xf32, #tpu.memory_space<vmem>> -> memref<1x400x64xf32, #tpu.memory_space<vmem>>
      %dma_wait3A_447 = tpu.memref_squeeze %dma_wait3A_446 : memref<1x400x64xf32, #tpu.memory_space<vmem>> -> memref<400x64xf32, #tpu.memory_space<vmem>>
      %dma_wait3A_448 = arith.constant 0 : i32
      %dma_wait3A_449 = tpu.memref_slice %dma_wait3A_447[%add3A_430, %dma_wait3A_448] : memref<400x64xf32, #tpu.memory_space<vmem>> -> memref<1x64xf32, #tpu.memory_space<vmem>>
      %dma_wait3A_450 = arith.constant 0 : i32
      %dma_wait3A_451 = arith.constant 0 : i32
      %dma_wait3A_452 = tpu.memref_slice %arg3[%dma_wait3A_450, %dma_wait3A_451] : memref<1000000x64xf32, #tpu.memory_space<hbm>> -> memref<1x64xf32, #tpu.memory_space<hbm>>
      tpu.wait_dma2 semaphore(%dma_wait3A_443 : memref<!tpu.dma_semaphore, #tpu.memory_space<semaphore_mem>>) src(%dma_wait3A_452 : memref<1x64xf32, #tpu.memory_space<hbm>>) dst(%dma_wait3A_449 : memref<1x64xf32, #tpu.memory_space<vmem>>)
    }
    %scan3A_33 = arith.constant 25 : i32
    %add3A_34 = arith.constant 6000 : i32
    %add3A_35 = arith.addi %mul3A_2, %add3A_34 : i32
    %run_scoped3A_36 = arith.constant 1 : i32
    "tpu.region"() ({
      %run_scoped3A_37 = tpu.sem_alloc : memref<!tpu.dma_semaphore, #tpu.memory_space<semaphore_mem>>
      %dma_start3A = arith.constant 0 : i32
      %dma_start3A_38 = arith.constant 0 : i32
      %dma_start3A_39 = tpu.memref_slice %arg6[%run_scoped3A_36, %dma_start3A, %dma_start3A_38] : memref<2x400x64xf32, #tpu.memory_space<vmem>> -> memref<1x400x64xf32, #tpu.memory_space<vmem>>
      %dma_start3A_40 = tpu.memref_squeeze %dma_start3A_39 : memref<1x400x64xf32, #tpu.memory_space<vmem>> -> memref<400x64xf32, #tpu.memory_space<vmem>>
      %dma_start3A_41 = arith.constant 0 : i32
      %dma_start3A_42 = tpu.memref_slice %arg4[%add3A_35, %dma_start3A_41] : memref<204800x64xf32, #tpu.memory_space<hbm>> -> memref<400x64xf32, #tpu.memory_space<hbm>>
      %dma_start3A_43 = arith.constant 0 : i32
      %dma_start3A_44 = tpu.memref_slice %arg4[%add3A_35, %dma_start3A_43] : memref<204800x64xf32, #tpu.memory_space<hbm>> -> memref<400x64xf32, #tpu.memory_space<hbm>>
      %dma_start3A_45 = arith.constant 0 : i32
      %dma_start3A_46 = arith.constant 0 : i32
      %dma_start3A_47 = tpu.memref_slice %arg6[%run_scoped3A_36, %dma_start3A_45, %dma_start3A_46] : memref<2x400x64xf32, #tpu.memory_space<vmem>> -> memref<1x400x64xf32, #tpu.memory_space<vmem>>
      %dma_start3A_48 = tpu.memref_squeeze %dma_start3A_47 : memref<1x400x64xf32, #tpu.memory_space<vmem>> -> memref<400x64xf32, #tpu.memory_space<vmem>>
      tpu.enqueue_dma source(%dma_start3A_48 : memref<400x64xf32, #tpu.memory_space<vmem>>) target(%dma_start3A_44 : memref<400x64xf32, #tpu.memory_space<hbm>>) target_semaphore(%run_scoped3A_37 : memref<!tpu.dma_semaphore, #tpu.memory_space<semaphore_mem>>)
      %dma_wait3A = arith.constant 0 : i32
      %dma_wait3A_49 = arith.constant 0 : i32
      %dma_wait3A_50 = tpu.memref_slice %arg6[%run_scoped3A_36, %dma_wait3A, %dma_wait3A_49] : memref<2x400x64xf32, #tpu.memory_space<vmem>> -> memref<1x400x64xf32, #tpu.memory_space<vmem>>
      %dma_wait3A_51 = tpu.memref_squeeze %dma_wait3A_50 : memref<1x400x64xf32, #tpu.memory_space<vmem>> -> memref<400x64xf32, #tpu.memory_space<vmem>>
      %dma_wait3A_52 = arith.constant 0 : i32
      %dma_wait3A_53 = tpu.memref_slice %arg4[%add3A_35, %dma_wait3A_52] : memref<204800x64xf32, #tpu.memory_space<hbm>> -> memref<400x64xf32, #tpu.memory_space<hbm>>
      %dma_wait3A_54 = arith.constant 0 : i32
      %dma_wait3A_55 = tpu.memref_slice %arg4[%add3A_35, %dma_wait3A_54] : memref<204800x64xf32, #tpu.memory_space<hbm>> -> memref<400x64xf32, #tpu.memory_space<hbm>>
      %dma_wait3A_56 = arith.constant 0 : i32
      %dma_wait3A_57 = arith.constant 0 : i32
      %dma_wait3A_58 = tpu.memref_slice %arg6[%run_scoped3A_36, %dma_wait3A_56, %dma_wait3A_57] : memref<2x400x64xf32, #tpu.memory_space<vmem>> -> memref<1x400x64xf32, #tpu.memory_space<vmem>>
      %dma_wait3A_59 = tpu.memref_squeeze %dma_wait3A_58 : memref<1x400x64xf32, #tpu.memory_space<vmem>> -> memref<400x64xf32, #tpu.memory_space<vmem>>
      tpu.wait_dma2 semaphore(%run_scoped3A_37 : memref<!tpu.dma_semaphore, #tpu.memory_space<semaphore_mem>>) src(%dma_wait3A_59 : memref<400x64xf32, #tpu.memory_space<vmem>>) dst(%dma_wait3A_55 : memref<400x64xf32, #tpu.memory_space<hbm>>)
      tpu.yield
    }) : () -> ()
    return
  }
}

</mosaic_0001>

<sc_bundles>
// kernel: kernel.3.cloned.1.call-start
scs
__scs_entry_jumppad:
0x0: {  	(pc) =	sbr.rel $0x88, $3  }
0x1: {  	(tag) =	ssettag $0x0;
	lr =	simm.s32 $0x1  }
0x2: {  	[smem:$0x3F9F] =	sst lr;
	_ =	strace $0xD0000000  }
0x3: {  	_ = 	snop  }
0x4: {  	_ = 	snop  }
0x5: {  	_ = 	snop  }
0x6: {  	_ = 	snop  }
0x7: {  	_ = 	snop  }
__scs_overlays_trampoline_lowered:
0x8: {  	[smem:$0x3FAE] =	sst s0  }
0x9: {  	[smem:$0x3FAF] =	sst s1  }
0xa: {  	[smem:$0x3FB0] =	sst s2  }
0xb: {  	[smem:$0x3FB1] =	sst s3  }
0xc: {  	[smem:$0x3FB2] =	sst s4  }
0xd: {  	[smem:$0x3FB3] =	sst s5  }
0xe: {  	[smem:$0x3FB4] =	sst s6  }
0xf: {  	[smem:$0x3FB5] =	sst s7  }
0x10: {  	[smem:$0x3FB6] =	sst s8  }
0x11: {  	[smem:$0x3FB7] =	sst s9;
	s0 =	simm.s32 @!p0 $0x0  }
0x12: {  	s1 =	sld [smem:$0x3F9D];
	s0 =	simm.s32 @p0 $0x1  }
0x13: {  	[smem:$0x3FB8] =	sst s0;
	s0 =	simm.s32 @!p1 $0x0  }
0x14: {  	s2 =	sld [smem:$0x3F9C];
	s0 =	simm.s32 @p1 $0x1  }
0x15: {  	[smem:$0x3FB9] =	sst s0;
	s0 =	simm.s32 @!p2 $0x0  }
0x16: {  	s3 =	sld [smem:$0x3FDB];
	s0 =	simm.s32 @p2 $0x1  }
0x17: {  	s4 =	simm.s32 $0x1BF5;
	[smem:$0x3FBB] =	sst s0  }
0x18: {  	s0 =	sld [smem:$0x3F9E];
	_ =	swait.ge [sflag:s4], $0x0  }
0x19: {  	s7 =	sld [smem:$0x3F9F]  }
0x1a: {  	s8 =	sadd.s32 $0xFFFFE003, lr  }
0x1b: {  	s9 =	sadd.s32 $0xFFFFFEF7, lr;
	s5 =	simm.s32 $0xFFFFFFFF;
	p2 =	slt.u32 s8, $0xFFFFF086  }
0x1c: {  	p1 =	slt.u32 s9, $0xF7A;
	s5 =	simm.s32 @!p2 $0x0  }
0x1d: {  	s5 =	simm.s32 @p1 $0x1;
	p0 =	seq.s32 s7, s2  }
0x1e: {  	s7 =	smul.u32 @!p0 $0xF7A, s2;
	p2 =	seq.s32 @!p0 s5, $0x0  }
0x1f: {  	s9 =	smul.u32 $0xF7A, s1;
	s8 =	simm.s32 @!p0 $0x1BF5;
	p2 =	por !p2, p0  }
0x20: {  	[sflag:s8] =	ssyncset.s32 @!p0 $0xFFFFF086;
	s6 =	sadd.s32 @!p0 s3, s7;
	s7 =	simm.s32 @!p0 $0x108  }
0x21: {  	s3 =	sadd.s32 s3, s9;
	s6 =	sadd.s32 @!p0 $0x88, s6;
	s7 =	simm.s32 @p2 $0x1082  }
0x22: {  	[simem:s7], [sflag:s8] =	dma.local @!p0 [hbm:s6], $0xF7A  }
0x23: {  	s9 =	sor.u32 $0xD0000000, s2;
	s6 =	simm.s32 $0x108;
	_ =	swait.ge @!p0 [sflag:s8], $0x0  }
0x24: {  	s3 =	sadd.s32 $0x88, s3;
	s6 =	simm.s32 @!p1 $0x1082;
	[sflag:s4] =	ssyncset.s32 $0xFFFFF086  }
0x25: {  	[simem:s6], [sflag:s4] =	dma.local [hbm:s3], $0xF7A  }
0x26: {  	[smem:$0x3F9F] =	sst s1;
	(tag) =	ssettag s2;
	_ =	strace s9  }
0x27: {  	s1 =	sld [smem:$0x3FAF]  }
0x28: {  	s2 =	sld [smem:$0x3FB0]  }
0x29: {  	s4 =	sld [smem:$0x3FB2]  }
0x2a: {  	p0 =	seq.s32 s5, $0x0;
	s5 =	sld [smem:$0x3FB3]  }
0x2b: {  	s6 =	sld [smem:$0x3FB4]  }
0x2c: {  	s7 =	sld [smem:$0x3FB5]  }
0x2d: {  	s3 =	simm.s32 $0x108;
	s8 =	sld [smem:$0x3FB6]  }
0x2e: {  	s3 =	simm.s32 @!p0 $0x1082;
	s9 =	sld [smem:$0x3FB7]  }
0x2f: {  	lr =	sadd.s32 s0, s3;
	s0 =	sld [smem:$0x3FAE]  }
0x30: {  	s3 =	sld [smem:$0x3FB1]  }
0x31: {  	[smem:$0x3FBA] =	sst s10  }
0x32: {  	s10 =	sld [smem:$0x3FB8];
	_ =	sdelay $0x3  }
0x33: {  	p0 =	seq.s32 s10, $0x1;
	s10 =	sld [smem:$0x3FBA];
	_ =	sdelay $0x3  }
0x34: {  	[smem:$0x3FBA] =	sst s10  }
0x35: {  	s10 =	sld [smem:$0x3FB9];
	_ =	sdelay $0x3  }
0x36: {  	p1 =	seq.s32 s10, $0x1;
	s10 =	sld [smem:$0x3FBA];
	_ =	sdelay $0x3  }
0x37: {  	[smem:$0x3FBA] =	sst s10  }
0x38: {  	s10 =	sld [smem:$0x3FBB]  }
0x39: {  	_ = 	snop;
	(pc) =	sbr.ind lr, $3  }
0x3a: {  	_ = 	snop  }
0x3b: {  	_ = 	snop  }
0x3c: {  	p2 =	seq.s32 s10, $0x1;
	s10 =	sld [smem:$0x3FBA]  }
0x3d: {  	_ =	shalt  }
0x3e: {  	_ =	shalt  }
0x3f: {  	_ =	shalt  }
0x40: {  	_ =	shalt  }
0x41: {  	_ =	shalt  }
0x42: {  	_ =	shalt  }
0x43: {  	_ =	shalt  }
0x44: {  	_ =	shalt  }
0x45: {  	_ =	shalt  }
0x46: {  	_ =	shalt  }
0x47: {  	_ =	shalt  }
0x48: {  	_ =	shalt  }
0x49: {  	_ =	shalt  }
0x4a: {  	_ =	shalt  }
0x4b: {  	_ =	shalt  }
0x4c: {  	_ =	shalt  }
0x4d: {  	_ =	shalt  }
0x4e: {  	_ =	shalt  }
0x4f: {  	_ =	shalt  }
0x50: {  	_ =	shalt  }
0x51: {  	_ =	shalt  }
0x52: {  	_ =	shalt  }
0x53: {  	_ =	shalt  }
0x54: {  	_ =	shalt  }
0x55: {  	_ =	shalt  }
0x56: {  	_ =	shalt  }
0x57: {  	_ =	shalt  }
0x58: {  	_ =	shalt  }
0x59: {  	_ =	shalt  }
0x5a: {  	_ =	shalt  }
0x5b: {  	_ =	shalt  }
0x5c: {  	_ =	shalt  }
0x5d: {  	_ =	shalt  }
0x5e: {  	_ =	shalt  }
0x5f: {  	_ =	shalt  }
0x60: {  	_ =	shalt  }
0x61: {  	_ =	shalt  }
0x62: {  	_ =	shalt  }
0x63: {  	_ =	shalt  }
0x64: {  	_ =	shalt  }
0x65: {  	_ =	shalt  }
0x66: {  	_ =	shalt  }
0x67: {  	_ =	shalt  }
0x68: {  	_ =	shalt  }
0x69: {  	_ =	shalt  }
0x6a: {  	_ =	shalt  }
0x6b: {  	_ =	shalt  }
0x6c: {  	_ =	shalt  }
0x6d: {  	_ =	shalt  }
0x6e: {  	_ =	shalt  }
0x6f: {  	_ =	shalt  }
0x70: {  	_ =	shalt  }
0x71: {  	_ =	shalt  }
0x72: {  	_ =	shalt  }
0x73: {  	_ =	shalt  }
0x74: {  	_ =	shalt  }
0x75: {  	_ =	shalt  }
0x76: {  	_ =	shalt  }
0x77: {  	_ =	shalt  }
0x78: {  	_ =	shalt  }
0x79: {  	_ =	shalt  }
0x7a: {  	_ =	shalt  }
0x7b: {  	_ =	shalt  }
0x7c: {  	_ =	shalt  }
0x7d: {  	_ =	shalt  }
0x7e: {  	_ =	shalt  }
0x7f: {  	_ =	shalt  }
0x80: {  	_ =	shalt  }
0x81: {  	_ =	shalt  }
0x82: {  	_ =	shalt  }
0x83: {  	_ =	shalt  }
0x84: {  	_ =	shalt  }
0x85: {  	_ =	shalt  }
0x86: {  	_ =	shalt  }
0x87: {  	_ =	shalt  }
.Lfunc_end0:
.L_simem_size_0:
called_computation.1_lowered:
.L_overlay_start_0:
0x88: {  	s2 =	sld [smem:$0x3FD9]  }
0x89: {  	s3 =	sld [smem:$0x3FFE];
	_ =	sdelay $0x1  }
0x8a: {  	s1 =	srdreg.scid  }
0x8b: {  	s0 =	sand.u32 $0x1, s1  }
0x8c: {  	s17 =	sshll.u32 s0, $0xA;
	s2 =	sadd.s32 s3, s2  }
0x8d: {  	s2 =	sadd.s32 s2, s17  }
0x8e: {  	[smem:$0x3FC6] =	sst s2  }
0x8f: {  	_ = 	snop  }
0x90: {  	s2 =	sld [smem:$0x3FD0];
	(tm) =	ssettm $0x1  }
0x91: {  	s18 =	sld [smem:$0x3FFB];
	_ =	sdelay $0x3  }
0x92: {  	_ =	strace s18  }
0x93: {  	s3 =	sld [smem:$0x3FFC];
	_ =	sdelay $0x3  }
0x94: {  	_ =	strace s3  }
0x95: {  	s3 =	sld [smem:$0x3FFD];
	_ =	sdelay $0x3  }
0x96: {  	_ =	strace s3  }
0x97: {  	_ =	strace $0x8FFFFFFF  }
0x98: {  	s19 =	sld [smem:$0x3FDB];
	_ =	sdelay $0x1  }
0x99: {  	s4 =	simm.s32 $_scs_section_size  }
0x9a: {  	s5 =	simm.s32 $_size__tile_overlayer_lowered;
	s6 =	simm.s32 $_tile_overlayer_lowered  }
0x9b: {  	s22 =	simm.s32 $0x1BFF;
	s21 =	sshll.u32 s6, $0x1;
	s3 =	sadd.s32 s4, s19  }
0x9c: {  	s7 =	simm.s32 $0x0;
	s20 =	sshll.u32 s5, $0x1;
	s5 =	sadd.s32 s21, s3  }
0x9d: {  	[timem:s7], [sflag:s22] =	dma.local [hbm:s5], s20  }
0x9e: {  	_ =	swait.ge [sflag:s22], s20  }
0x9f: {  	s4 =	ssub.s32 $0x0, s20;
	[sflag:s22] =	ssyncset.done $0x0  }
0xa0: {  	[sflag:s22] =	ssyncadd.s32 s4;
	_ =	sdelay $0x1  }
0xa1: {  	s23 =	simm.s32 $0x1B8B  }
0xa2: {  	_ =	swait.ge [sflag:s23], $0x1  }
0xa3: {  	[sflag:s23] =	ssyncset.done $0x0  }
0xa4: {  	s25 =	simm.s32 $0x1B8E;
	s24 =	sld [smem:$0x3FFE];
	[sflag:s23] =	ssyncadd.s32 $0xFFFFFFFF  }
0xa5: {  	s26 =	simm.s32 $execute0_lowered;
	[smem:$0x3FD2] =	sst s25  }
0xa6: {  	s5 =	sshll.u32 s26, $0x1;
	_ =	strace $0x80000046;
	[dreg:$0x1] =	wrdreg $0xFFFFFFFF  }
0xa7: {  	s28 =	simm.s32 $_size_execute0_lowered;
	s3 =	sadd.s32 s3, s5;
	[dreg:$0x0] =	wrdreg $0x0  }
0xa8: {  	s5 =	sshll.u32 s28, $0x1;
	[dreg:$0x2] =	wrdreg s3  }
0xa9: {  	[dreg:$0x3] =	wrdreg s5  }
0xaa: {  	[dreg:$0x4] =	wrdreg $0xC0  }
0xab: {  	_ =	task [dreg:s7], $0x5FFFF  }
0xac: {  	[dreg:$0x1] =	wrdreg $0xFFFFFFFF  }
0xad: {  	[dreg:$0x0] =	wrdreg $0x60  }
0xae: {  	[dreg:$0x2] =	wrdreg s2  }
0xaf: {  	[dreg:$0x3] =	wrdreg s24  }
0xb0: {  	[dreg:$0x4] =	wrdreg $0x9  }
0xb1: {  	_ =	task.clear_ibuf [dreg:s7], $0x5FFFF;
	_ =	strace $0x90000046  }
0xb2: {  	s29 =	simm.s32 $0x9;
	_ =	strace $0x80000048  }
0xb3: {  	_ =	swait.ge [sflag:s29], $0x1  }
0xb4: {  	[sflag:s29] =	ssyncadd.s32 $0xFFFFFFFF  }
0xb5: {  	_ =	strace $0x90000048  }
0xb6: {  	_ =	sfence  }
0xb7: {  	s30 =	sld [smem:$0x0];
	_ =	sdelay $0x2  }
0xb8: {  	s31 =	sshll.u32 s1, $0xD;
	s1 =	sshrl.u32 s1, $0x2  }
0xb9: {  	s3 =	sand.u32 $0x4000, s31;
	s1 =	sadd.s32 s1, s30  }
0xba: {  	s0 =	sor.u32 s3, s0;
	s1 =	sshll.u32 s1, $0x11  }
0xbb: {  	s0 =	sor.u32 s1, s0  }
0xbc: {  	s0 =	sadd.s32 $0x8F2B, s0  }
0xbd: {  	[sflag:s0] =	ssyncadd.remote.s32 $0x1  }
0xbe: {  	_ =	sfence.sel $0xFFFF  }
0xbf: {  	[dreg:$0x0] =	wrdreg $0xFFFFFFFF;
	(pc) =	sbr.abs _section_cstart, $3  }
0xc0: {  	[dreg:$0x1] =	wrdreg $0xFFFFFFFF  }
0xc1: {  	_ =	task.clear_ibuf [dreg:s7], $0x2FFFF;
	_ =	strace $0x9FFFFFFF  }
0xc2: {  	(tm) =	ssettm $0x7FFFFFFF  }
0xc3: {  	_ =	shalt  }
tec
execute0_lowered:
.L_overlay_start_1:
0x0: {  	(tag) =	ssettag $0x1  }
0x1: {  	s2 =	srdreg.scid;
	s0 =	stileid.u32  }
0x2: {  	s1 =	rddreg [dreg:$0x0];
	s6 =	sand.u32 $0x1, s2;
	s3 =	sshll.u32 s0, $0x1  }
0x3: {  	s5 =	rddreg [dreg:$0x1];
	s2 =	simm.s32 $0x0;
	s4 =	sor.u32 s6, s3  }
0x4: {  	[smem:$0x7FF] =	sst s2;
	s6 =	ssub.s32 $0x2, s6;
	s3 =	smul.u32 $0x1900, s4  }
0x5: {  	_ =	strace $0x80000047;
	s7 =	smul.u32 $0xC8000, s4;
	s8 =	sshrl.u32 s6, $0x1  }
0x6: {  	s4 =	sadd.s32 $0x800, s5;
	s5 =	sadd.s32 $0xF42C00, s5;
	s10 =	ssub.s32 s6, s8  }
0x7: {  	s9 =	sshrl.u32 s3, $0x3;
	s7 =	sshrl.u32 s7, $0x3;
	s31 =	smax.u32 s10, $0x1  }
0x8: {  	s26 =	sadd.s32 s1, s9;
	s28 =	sadd.s32 s5, s7;
	[dreg:$0x6] =	wrdreg s31  }
0x9: {  	s11 =	simm.s32 $0x1;
	[dreg:$0x3] =	wrdreg s26;
	s29 =	sadd.s32 $0x15E00, s28  }
0xa: {  	s13 =	simm.s32 $0x2;
	s30 =	sadd.s32 $0x17700, s28;
	[dreg:$0x4] =	wrdreg s29  }
0xb: {  	s10 =	simm.s32 $0x3;
	s1 =	simm.s32 $0x0;
	[dreg:$0x5] =	wrdreg s30  }
.LBB2_1:
0xc: {  	[dreg:$0x7] =	wrdreg s1  }
0xd: {  	s0 =	rddreg [dreg:$0x3]  }
0xe: {  	[tilespmem:s2], [sflag:$0x3] =	stream.linear.gather [hbm4b:s0+s2], $0x1900, $0x38;
	[tilespmem:$0x1A900] =	vst v63  }
0xf: {  	_ =	swait.ge [sflag:s10], $0x1900  }
0x10: {  	[sflag:s10] =	ssyncset.done $0x0  }
0x11: {  	[sflag:s10] =	ssyncadd.s32 $0xFFFFE700  }
0x12: {  	v0 =	vld [tilespmem:s2+$0x0];
	_ =	sdelay $0x4  }
0x13: {  	v0 =	vshll.u32 v0, $0x4  }
0x14: {  	(v2sf) =	vpush v0, $0x0  }
0x15: {  	(v2sf) =	vpush v0, $0x1  }
0x16: {  	(v2sf) =	vpush v0, $0x2;
	_ =	sdelay $0x1  }
0x17: {  	(v2sf) =	vpush v0, $0x4;
	_ =	sdelay $0x1  }
0x18: {  	(v2sf) =	vpush v0, $0x3  }
0x19: {  	(v2sf) =	vpush v0, $0x5  }
0x1a: {  	s18 =	simm.s32 $0x2000;
	s17 =	simm.s32 $0x0;
	s19 =	simm.s32 $0x0;
	(v2sf) =	vpush v0, $0x6  }
.LBB2_2:
0x1b: {  	p0 =	sne.s32 s18, $0x30000  }
0x1c: {  	s1 =	sadd.s32 $0x1980, s17;
	s23 =	sadd.s32 $0x1E80, s17;
	s20 =	smov.u32 s18  }
0x1d: {  	s18 =	sadd.s32 $0x2000, s18;
	s26 =	sadd.s32 $0x1C80, s17;
	s21 =	sadd.s32 $0x1F00, s17;
	(v2sf) =	vpush v0, $0x7  }
0x1e: {  	s29 =	sadd.s32 $0x1B80, s17;
	s24 =	sadd.s32 $0x1D00, s17;
	s22 =	sadd.s32 $0x1F80, s17  }
0x1f: {  	s30 =	sadd.s32 $0x1900, s17;
	s31 =	sadd.s32 $0x1B00, s17;
	(v2sf) =	vpush v0, $0x8  }
0x20: {  	s16 =	simm.s32 $0x0;
	s0 =	sadd.s32 $0x1C00, s17;
	s19 =	sadd.s32 $0x10, s19  }
0x21: {  	s6 =	sadd.s32 $0x1A00, s17;
	s25 =	sadd.s32 $0x1E00, s17;
	s28 =	spop (v2sf);
	(v2sf) =	vpush v0, $0x9  }
0x22: {  	s7 =	sand.u32 $0x1FFFFFF0, s28;
	s28 =	sadd.s32 $0x1D80, s17;
	s8 =	spop (v2sf)  }
0x23: {  	s7 =	sadd.s32 s4, s7;
	s8 =	sand.u32 $0x1FFFFFF0, s8;
	s9 =	spop (v2sf);
	(v2sf) =	vpush v0, $0xA  }
0x24: {  	[tilespmem:s30], [sflag:$0x1] =	stream.linear.gather [hbm4b:s7+s16], $0x80, $0x38;
	[tilespmem:$0x1A900] =	vst v63  }
0x25: {  	s7 =	sadd.s32 s4, s8;
	s8 =	sadd.s32 $0x1A80, s17;
	s30 =	spop (v2sf);
	(v2sf) =	vpush v0, $0xB  }
0x26: {  	[tilespmem:s1], [sflag:$0x1] =	stream.linear.gather [hbm4b:s7+s16], $0x80, $0x38;
	[tilespmem:$0x1A900] =	vst v63  }
0x27: {  	s1 =	sand.u32 $0x1FFFFFF0, s9;
	s7 =	sand.u32 $0x1FFFFFF0, s30;
	s9 =	spop (v2sf);
	(v2sf) =	vpush v0, $0xC  }
0x28: {  	s1 =	sadd.s32 s4, s1;
	s9 =	sand.u32 $0x1FFFFFF0, s9;
	s30 =	spop (v2sf)  }
0x29: {  	[tilespmem:s6], [sflag:$0x1] =	stream.linear.gather [hbm4b:s1+s16], $0x80, $0x38;
	(v2sf) =	vpush v0, $0xD;
	[tilespmem:$0x1A900] =	vst v63  }
0x2a: {  	s1 =	sadd.s32 s4, s9;
	s6 =	sand.u32 $0x1FFFFFF0, s30;
	s9 =	spop (v2sf)  }
0x2b: {  	[tilespmem:s8], [sflag:$0x1] =	stream.linear.gather [hbm4b:s1+s16], $0x80, $0x38;
	(v2sf) =	vpush v0, $0xE;
	[tilespmem:$0x1A900] =	vst v63  }
0x2c: {  	s1 =	sadd.s32 s4, s7;
	s7 =	sand.u32 $0x1FFFFFF0, s9;
	s8 =	spop (v2sf)  }
0x2d: {  	[tilespmem:s31], [sflag:$0x1] =	stream.linear.gather [hbm4b:s1+s16], $0x80, $0x38;
	(v2sf) =	vpush v0, $0xF;
	[tilespmem:$0x1A900] =	vst v63  }
0x2e: {  	s1 =	sadd.s32 s4, s6;
	s6 =	sand.u32 $0x1FFFFFF0, s8;
	s8 =	spop (v2sf)  }
0x2f: {  	[tilespmem:s29], [sflag:$0x1] =	stream.linear.gather [hbm4b:s1+s16], $0x80, $0x38;
	[tilespmem:$0x1A900] =	vst v63  }
0x30: {  	s1 =	sadd.s32 s4, s7;
	s7 =	sand.u32 $0x1FFFFFF0, s8;
	s8 =	spop (v2sf)  }
0x31: {  	[tilespmem:s0], [sflag:$0x1] =	stream.linear.gather [hbm4b:s1+s16], $0x80, $0x38;
	[tilespmem:$0x1A900] =	vst v63  }
0x32: {  	s0 =	sadd.s32 s4, s6;
	s1 =	sand.u32 $0x1FFFFFF0, s8;
	s6 =	spop (v2sf)  }
0x33: {  	[tilespmem:s26], [sflag:$0x1] =	stream.linear.gather [hbm4b:s0+s16], $0x80, $0x38;
	[tilespmem:$0x1A900] =	vst v63  }
0x34: {  	s0 =	sadd.s32 s4, s7;
	s6 =	sand.u32 $0x1FFFFFF0, s6;
	s7 =	spop (v2sf)  }
0x35: {  	[tilespmem:s24], [sflag:$0x1] =	stream.linear.gather [hbm4b:s0+s16], $0x80, $0x38;
	[tilespmem:$0x1A900] =	vst v63  }
0x36: {  	s0 =	sadd.s32 s4, s1;
	s1 =	sand.u32 $0x1FFFFFF0, s7;
	s7 =	spop (v2sf)  }
0x37: {  	[tilespmem:s28], [sflag:$0x1] =	stream.linear.gather [hbm4b:s0+s16], $0x80, $0x38;
	[tilespmem:$0x1A900] =	vst v63  }
0x38: {  	s0 =	sadd.s32 s4, s6;
	s6 =	sand.u32 $0x1FFFFFF0, s7;
	s7 =	spop (v2sf)  }
0x39: {  	[tilespmem:s25], [sflag:$0x1] =	stream.linear.gather [hbm4b:s0+s16], $0x80, $0x38;
	[tilespmem:$0x1A900] =	vst v63  }
0x3a: {  	s0 =	sadd.s32 s4, s1;
	s1 =	sand.u32 $0x1FFFFFF0, s7;
	s7 =	spop (v2sf)  }
0x3b: {  	[tilespmem:s23], [sflag:$0x1] =	stream.linear.gather [hbm4b:s0+s16], $0x80, $0x38;
	[tilespmem:$0x1A900] =	vst v63  }
0x3c: {  	s0 =	sadd.s32 s4, s6;
	s6 =	sand.u32 $0x1FFFFFF0, s7;
	s7 =	spop (v2sf)  }
0x3d: {  	[tilespmem:s21], [sflag:$0x1] =	stream.linear.gather [hbm4b:s0+s16], $0x80, $0x38;
	[tilespmem:$0x1A900] =	vst v63  }
0x3e: {  	s0 =	sadd.s32 s4, s1;
	s1 =	sand.u32 $0x1FFFFFF0, s7  }
0x3f: {  	[tilespmem:s22], [sflag:$0x1] =	stream.linear.gather [hbm4b:s0+s16], $0x80, $0x38;
	[tilespmem:$0x1A900] =	vst v63  }
0x40: {  	s6 =	sadd.s32 s4, s6;
	s0 =	sadd.s32 $0x2000, s17  }
0x41: {  	[tilespmem:s0], [sflag:$0x1] =	stream.linear.gather [hbm4b:s6+s16], $0x80, $0x38;
	[tilespmem:$0x1A900] =	vst v63  }
0x42: {  	s1 =	sadd.s32 s4, s1;
	s0 =	sadd.s32 $0x2080, s17  }
0x43: {  	[tilespmem:s0], [sflag:$0x1] =	stream.linear.gather [hbm4b:s1+s16], $0x80, $0x38;
	[tilespmem:$0x1A900] =	vst v63  }
0x44: {  	v0 =	vld [tilespmem:s19+$0x0];
	_ =	sdelay $0x4  }
0x45: {  	v0 =	vshll.u32 v0, $0x4  }
0x46: {  	(v2sf) =	vpush v0, $0x0  }
0x47: {  	(v2sf) =	vpush v0, $0x1  }
0x48: {  	(v2sf) =	vpush v0, $0x2;
	_ =	sdelay $0x1  }
0x49: {  	(v2sf) =	vpush v0, $0x4  }
.Ltmp0:
0x4a: {  	(pc) =	sbr.rel @p0 .LBB2_2-.Ltmp0, $3  }
0x4b: {  	(v2sf) =	vpush v0, $0x3  }
0x4c: {  	(v2sf) =	vpush v0, $0x5;
	_ =	sdelay $0x1  }
0x4d: {  	s17 =	sshra.s32 s20, $0x2;
	(v2sf) =	vpush v0, $0x6  }
0x4e: {  	_ =	sdelay $0x1  }
0x4f: {  	(v2sf) =	vpush v0, $0x7  }
0x50: {  	s0 =	sadd.s32 $0x1980, s17;
	s20 =	sadd.s32 $0x1E80, s17;
	s1 =	sadd.s32 $0x1C80, s17  }
0x51: {  	s18 =	sadd.s32 $0x1F00, s17;
	s6 =	sadd.s32 $0x1B80, s17;
	s7 =	sadd.s32 $0x1D00, s17;
	(v2sf) =	vpush v0, $0x8  }
0x52: {  	s19 =	sadd.s32 $0x1F80, s17;
	s8 =	sadd.s32 $0x1900, s17;
	s22 =	spop (v2sf)  }
0x53: {  	s9 =	sadd.s32 $0x1B00, s17;
	s22 =	sand.u32 $0x1FFFFFF0, s22;
	s24 =	spop (v2sf)  }
0x54: {  	s22 =	sadd.s32 s4, s22;
	s24 =	sand.u32 $0x1FFFFFF0, s24;
	s25 =	spop (v2sf)  }
0x55: {  	(v2sf) =	vpush v0, $0x9;
	[tilespmem:s8], [sflag:$0x1] =	stream.linear.gather [hbm4b:s22+s16], $0x80, $0x38;
	[tilespmem:$0x1A900] =	vst v63  }
0x56: {  	s21 =	sadd.s32 $0x1C00, s17;
	s26 =	sadd.s32 s4, s24;
	s28 =	spop (v2sf)  }
0x57: {  	(v2sf) =	vpush v0, $0xA;
	[tilespmem:s0], [sflag:$0x1] =	stream.linear.gather [hbm4b:s26+s16], $0x80, $0x38;
	[tilespmem:$0x1A900] =	vst v63  }
0x58: {  	s23 =	sadd.s32 $0x1A00, s17;
	s29 =	sand.u32 $0x1FFFFFF0, s25;
	s30 =	spop (v2sf)  }
0x59: {  	s8 =	sadd.s32 $0x1E00, s17;
	(v2sf) =	vpush v0, $0xB;
	s22 =	sadd.s32 s4, s29;
	s25 =	sand.u32 $0x1FFFFFF0, s30  }
0x5a: {  	[tilespmem:s23], [sflag:$0x1] =	stream.linear.gather [hbm4b:s22+s16], $0x80, $0x38;
	[tilespmem:$0x1A900] =	vst v63  }
0x5b: {  	s26 =	sadd.s32 $0x1A80, s17;
	(v2sf) =	vpush v0, $0xC;
	s12 =	spop (v2sf);
	s14 =	sadd.s32 s4, s25  }
0x5c: {  	[tilespmem:s26], [sflag:$0x1] =	stream.linear.gather [hbm4b:s14+s16], $0x80, $0x38;
	[tilespmem:$0x1A900] =	vst v63  }
0x5d: {  	s0 =	sadd.s32 $0x1D80, s17;
	s31 =	sand.u32 $0x1FFFFFF0, s28;
	(v2sf) =	vpush v0, $0xD;
	s15 =	spop (v2sf)  }
0x5e: {  	s22 =	sadd.s32 s4, s31;
	s23 =	sand.u32 $0x1FFFFFF0, s12;
	s26 =	spop (v2sf)  }
0x5f: {  	(v2sf) =	vpush v0, $0xE;
	[tilespmem:s9], [sflag:$0x1] =	stream.linear.gather [hbm4b:s22+s16], $0x80, $0x38;
	[tilespmem:$0x1A900] =	vst v63  }
0x60: {  	s23 =	sadd.s32 s4, s23;
	s25 =	sand.u32 $0x1FFFFFF0, s15;
	s29 =	spop (v2sf)  }
0x61: {  	(v2sf) =	vpush v0, $0xF;
	[tilespmem:s6], [sflag:$0x1] =	stream.linear.gather [hbm4b:s23+s16], $0x80, $0x38;
	[tilespmem:$0x1A900] =	vst v63  }
0x62: {  	s28 =	sand.u32 $0x1FFFFFF0, s26;
	s9 =	sadd.s32 s4, s25;
	s30 =	sand.u32 $0x1FFFFFF0, s29  }
0x63: {  	[tilespmem:s21], [sflag:$0x1] =	stream.linear.gather [hbm4b:s9+s16], $0x80, $0x38;
	[tilespmem:$0x1A900] =	vst v63  }
0x64: {  	s6 =	sadd.s32 s4, s28;
	s9 =	sadd.s32 s4, s30;
	s31 =	spop (v2sf)  }
0x65: {  	[tilespmem:s1], [sflag:$0x1] =	stream.linear.gather [hbm4b:s6+s16], $0x80, $0x38;
	[tilespmem:$0x1A900] =	vst v63  }
0x66: {  	s30 =	sadd.s32 $0x2000, s17;
	s12 =	sand.u32 $0x1FFFFFF0, s31;
	s14 =	spop (v2sf)  }
0x67: {  	[tilespmem:s7], [sflag:$0x1] =	stream.linear.gather [hbm4b:s9+s16], $0x80, $0x38;
	[tilespmem:$0x1A900] =	vst v63  }
0x68: {  	s6 =	sand.u32 $0x1FFFFFF0, s14;
	s1 =	sadd.s32 s4, s12;
	s15 =	spop (v2sf)  }
0x69: {  	[tilespmem:s0], [sflag:$0x1] =	stream.linear.gather [hbm4b:s1+s16], $0x80, $0x38;
	[tilespmem:$0x1A900] =	vst v63  }
0x6a: {  	s6 =	sadd.s32 s4, s6;
	s21 =	sand.u32 $0x1FFFFFF0, s15;
	s22 =	spop (v2sf)  }
0x6b: {  	[tilespmem:s8], [sflag:$0x1] =	stream.linear.gather [hbm4b:s6+s16], $0x80, $0x38;
	[tilespmem:$0x1A900] =	vst v63  }
0x6c: {  	s0 =	sadd.s32 s4, s21;
	s1 =	sand.u32 $0x1FFFFFF0, s22;
	s23 =	spop (v2sf)  }
0x6d: {  	[tilespmem:s20], [sflag:$0x1] =	stream.linear.gather [hbm4b:s0+s16], $0x80, $0x38;
	[tilespmem:$0x1A900] =	vst v63  }
0x6e: {  	s24 =	sand.u32 $0x1FFFFFF0, s23;
	s1 =	sadd.s32 s4, s1;
	s25 =	spop (v2sf)  }
0x6f: {  	[tilespmem:s18], [sflag:$0x1] =	stream.linear.gather [hbm4b:s1+s16], $0x80, $0x38;
	[tilespmem:$0x1A900] =	vst v63  }
0x70: {  	s26 =	sand.u32 $0x1FFFFFF0, s25;
	s28 =	spop (v2sf);
	s0 =	sadd.s32 s4, s24  }
0x71: {  	[tilespmem:s19], [sflag:$0x1] =	stream.linear.gather [hbm4b:s0+s16], $0x80, $0x38;
	[tilespmem:$0x1A900] =	vst v63  }
0x72: {  	s31 =	sadd.s32 $0x2080, s17;
	s29 =	sand.u32 $0x1FFFFFF0, s28;
	s1 =	sadd.s32 s4, s26  }
0x73: {  	[tilespmem:s30], [sflag:$0x1] =	stream.linear.gather [hbm4b:s1+s16], $0x80, $0x38;
	[tilespmem:$0x1A900] =	vst v63  }
0x74: {  	s17 =	simm.s32 $0x190;
	s18 =	simm.s32 $0x320;
	s0 =	sadd.s32 s4, s29  }
0x75: {  	[tilespmem:s31], [sflag:$0x1] =	stream.linear.gather [hbm4b:s0+s16], $0x80, $0x38;
	[tilespmem:$0x1A900] =	vst v63  }
.LBB2_4:
0x76: {  	v0 =	vld [tilespmem:s17+$0x0];
	_ =	sdelay $0x4  }
0x77: {  	v0 =	vshll.u32 v0, $0x4  }
0x78: {  	(v2sf) =	vpush v0, $0x0  }
0x79: {  	(v2sf) =	vpush v0, $0x1  }
0x7a: {  	(v2sf) =	vpush v0, $0x2;
	_ =	sdelay $0x1  }
0x7b: {  	(v2sf) =	vpush v0, $0x4;
	_ =	sdelay $0x1  }
0x7c: {  	(v2sf) =	vpush v0, $0x3  }
0x7d: {  	s19 =	sshllo.u32 s16, $0x1;
	(v2sf) =	vpush v0, $0x5  }
0x7e: {  	s21 =	simm.s32 $0x2000;
	s20 =	simm.s32 $0x0;
	s22 =	smov.u32 s17;
	(v2sf) =	vpush v0, $0x6  }
.LBB2_5:
0x7f: {  	p0 =	sne.s32 s21, $0x30000  }
0x80: {  	s0 =	sadd.s32 $0xE180, s20;
	s26 =	sadd.s32 $0xE680, s20;
	s23 =	smov.u32 s21  }
0x81: {  	s21 =	sadd.s32 $0x2000, s21;
	s30 =	sadd.s32 $0xE480, s20;
	s24 =	sadd.s32 $0xE700, s20;
	(v2sf) =	vpush v0, $0x7  }
0x82: {  	s1 =	sadd.s32 $0xE380, s20;
	s29 =	sadd.s32 $0xE500, s20;
	s25 =	sadd.s32 $0xE780, s20  }
0x83: {  	s6 =	sadd.s32 $0xE100, s20;
	s7 =	sadd.s32 $0xE300, s20;
	(v2sf) =	vpush v0, $0x8  }
0x84: {  	s8 =	sadd.s32 $0xE400, s20;
	s22 =	sadd.s32 $0x10, s22  }
0x85: {  	s9 =	sadd.s32 $0xE200, s20;
	s28 =	sadd.s32 $0xE600, s20;
	s31 =	spop (v2sf);
	(v2sf) =	vpush v0, $0x9  }
0x86: {  	s15 =	sand.u32 $0x1FFFFFF0, s31;
	s31 =	sadd.s32 $0xE580, s20;
	s12 =	spop (v2sf)  }
0x87: {  	s15 =	sadd.s32 s4, s15;
	s12 =	sand.u32 $0x1FFFFFF0, s12;
	s14 =	spop (v2sf);
	(v2sf) =	vpush v0, $0xA  }
0x88: {  	[tilespmem:s6], [sflag:$0x2] =	stream.linear.gather [hbm4b:s15+s2], $0x80, $0x38;
	[tilespmem:$0x1A900] =	vst v63  }
0x89: {  	s6 =	sadd.s32 s4, s12;
	s12 =	sadd.s32 $0xE280, s20;
	s15 =	spop (v2sf);
	(v2sf) =	vpush v0, $0xB  }
0x8a: {  	[tilespmem:s0], [sflag:$0x2] =	stream.linear.gather [hbm4b:s6+s2], $0x80, $0x38;
	[tilespmem:$0x1A900] =	vst v63  }
0x8b: {  	s0 =	sand.u32 $0x1FFFFFF0, s14;
	s6 =	sand.u32 $0x1FFFFFF0, s15;
	s14 =	spop (v2sf);
	(v2sf) =	vpush v0, $0xC  }
0x8c: {  	s0 =	sadd.s32 s4, s0;
	s14 =	sand.u32 $0x1FFFFFF0, s14;
	s15 =	spop (v2sf)  }
0x8d: {  	[tilespmem:s9], [sflag:$0x2] =	stream.linear.gather [hbm4b:s0+s2], $0x80, $0x38;
	(v2sf) =	vpush v0, $0xD;
	[tilespmem:$0x1A900] =	vst v63  }
0x8e: {  	s0 =	sadd.s32 s4, s14;
	s9 =	sand.u32 $0x1FFFFFF0, s15;
	s14 =	spop (v2sf)  }
0x8f: {  	[tilespmem:s12], [sflag:$0x2] =	stream.linear.gather [hbm4b:s0+s2], $0x80, $0x38;
	(v2sf) =	vpush v0, $0xE;
	[tilespmem:$0x1A900] =	vst v63  }
0x90: {  	s0 =	sadd.s32 s4, s6;
	s6 =	sand.u32 $0x1FFFFFF0, s14;
	s12 =	spop (v2sf)  }
0x91: {  	[tilespmem:s7], [sflag:$0x2] =	stream.linear.gather [hbm4b:s0+s2], $0x80, $0x38;
	(v2sf) =	vpush v0, $0xF;
	[tilespmem:$0x1A900] =	vst v63  }
0x92: {  	s0 =	sadd.s32 s4, s9;
	s7 =	sand.u32 $0x1FFFFFF0, s12;
	s9 =	spop (v2sf)  }
0x93: {  	[tilespmem:s1], [sflag:$0x2] =	stream.linear.gather [hbm4b:s0+s2], $0x80, $0x38;
	[tilespmem:$0x1A900] =	vst v63  }
0x94: {  	s0 =	sadd.s32 s4, s6;
	s1 =	sand.u32 $0x1FFFFFF0, s9;
	s6 =	spop (v2sf)  }
0x95: {  	[tilespmem:s8], [sflag:$0x2] =	stream.linear.gather [hbm4b:s0+s2], $0x80, $0x38;
	[tilespmem:$0x1A900] =	vst v63  }
0x96: {  	s0 =	sadd.s32 s4, s7;
	s6 =	sand.u32 $0x1FFFFFF0, s6;
	s7 =	spop (v2sf)  }
0x97: {  	[tilespmem:s30], [sflag:$0x2] =	stream.linear.gather [hbm4b:s0+s2], $0x80, $0x38;
	[tilespmem:$0x1A900] =	vst v63  }
0x98: {  	s0 =	sadd.s32 s4, s1;
	s1 =	sand.u32 $0x1FFFFFF0, s7;
	s7 =	spop (v2sf)  }
0x99: {  	[tilespmem:s29], [sflag:$0x2] =	stream.linear.gather [hbm4b:s0+s2], $0x80, $0x38;
	[tilespmem:$0x1A900] =	vst v63  }
0x9a: {  	s0 =	sadd.s32 s4, s6;
	s6 =	sand.u32 $0x1FFFFFF0, s7;
	s7 =	spop (v2sf)  }
0x9b: {  	[tilespmem:s31], [sflag:$0x2] =	stream.linear.gather [hbm4b:s0+s2], $0x80, $0x38;
	[tilespmem:$0x1A900] =	vst v63  }
0x9c: {  	s0 =	sadd.s32 s4, s1;
	s1 =	sand.u32 $0x1FFFFFF0, s7;
	s7 =	spop (v2sf)  }
0x9d: {  	[tilespmem:s28], [sflag:$0x2] =	stream.linear.gather [hbm4b:s0+s2], $0x80, $0x38;
	[tilespmem:$0x1A900] =	vst v63  }
0x9e: {  	s0 =	sadd.s32 s4, s6;
	s6 =	sand.u32 $0x1FFFFFF0, s7;
	s7 =	spop (v2sf)  }
0x9f: {  	[tilespmem:s26], [sflag:$0x2] =	stream.linear.gather [hbm4b:s0+s2], $0x80, $0x38;
	[tilespmem:$0x1A900] =	vst v63  }
0xa0: {  	s0 =	sadd.s32 s4, s1;
	s1 =	sand.u32 $0x1FFFFFF0, s7;
	s7 =	spop (v2sf)  }
0xa1: {  	[tilespmem:s24], [sflag:$0x2] =	stream.linear.gather [hbm4b:s0+s2], $0x80, $0x38;
	[tilespmem:$0x1A900] =	vst v63  }
0xa2: {  	s0 =	sadd.s32 s4, s6;
	s6 =	sand.u32 $0x1FFFFFF0, s7  }
0xa3: {  	[tilespmem:s25], [sflag:$0x2] =	stream.linear.gather [hbm4b:s0+s2], $0x80, $0x38;
	[tilespmem:$0x1A900] =	vst v63  }
0xa4: {  	s1 =	sadd.s32 s4, s1;
	s0 =	sadd.s32 $0xE800, s20  }
0xa5: {  	[tilespmem:s0], [sflag:$0x2] =	stream.linear.gather [hbm4b:s1+s2], $0x80, $0x38;
	[tilespmem:$0x1A900] =	vst v63  }
0xa6: {  	s0 =	sadd.s32 $0xE880, s20;
	s1 =	sadd.s32 s4, s6  }
0xa7: {  	[tilespmem:s0], [sflag:$0x2] =	stream.linear.gather [hbm4b:s1+s2], $0x80, $0x38;
	[tilespmem:$0x1A900] =	vst v63  }
0xa8: {  	v0 =	vld [tilespmem:s22+$0x0];
	_ =	sdelay $0x4  }
0xa9: {  	v0 =	vshll.u32 v0, $0x4  }
0xaa: {  	(v2sf) =	vpush v0, $0x0  }
0xab: {  	(v2sf) =	vpush v0, $0x1  }
0xac: {  	(v2sf) =	vpush v0, $0x2;
	_ =	sdelay $0x1  }
0xad: {  	(v2sf) =	vpush v0, $0x4  }
.Ltmp1:
0xae: {  	(pc) =	sbr.rel @p0 .LBB2_5-.Ltmp1, $3  }
0xaf: {  	(v2sf) =	vpush v0, $0x3  }
0xb0: {  	(v2sf) =	vpush v0, $0x5;
	_ =	sdelay $0x1  }
0xb1: {  	s20 =	sshra.s32 s23, $0x2;
	(v2sf) =	vpush v0, $0x6  }
0xb2: {  	_ =	sdelay $0x1  }
0xb3: {  	s0 =	sadd.s32 $0xE180, s20;
	s23 =	sadd.s32 $0xE680, s20  }
0xb4: {  	s1 =	sadd.s32 $0xE480, s20;
	s21 =	sadd.s32 $0xE700, s20;
	(v2sf) =	vpush v0, $0x7;
	s6 =	sadd.s32 $0xE380, s20  }
0xb5: {  	s7 =	sadd.s32 $0xE500, s20;
	s22 =	sadd.s32 $0xE780, s20;
	s8 =	sadd.s32 $0xE100, s20  }
0xb6: {  	s9 =	sadd.s32 $0xE300, s20;
	s12 =	sadd.s32 $0xE400, s20;
	(v2sf) =	vpush v0, $0x8;
	s14 =	spop (v2sf)  }
0xb7: {  	s15 =	sadd.s32 $0xE200, s20;
	s14 =	sand.u32 $0x1FFFFFF0, s14;
	s24 =	spop (v2sf)  }
0xb8: {  	(v2sf) =	vpush v0, $0x9;
	s14 =	sadd.s32 s4, s14;
	s24 =	sand.u32 $0x1FFFFFF0, s24;
	s25 =	spop (v2sf)  }
0xb9: {  	[tilespmem:s8], [sflag:$0x2] =	stream.linear.gather [hbm4b:s14+s2], $0x80, $0x38;
	[tilespmem:$0x1A900] =	vst v63  }
0xba: {  	(v2sf) =	vpush v0, $0xA;
	s26 =	sadd.s32 s4, s24;
	s29 =	sand.u32 $0x1FFFFFF0, s25;
	s28 =	spop (v2sf)  }
0xbb: {  	[tilespmem:s0], [sflag:$0x2] =	stream.linear.gather [hbm4b:s26+s2], $0x80, $0x38;
	[tilespmem:$0x1A900] =	vst v63  }
0xbc: {  	s8 =	sadd.s32 $0xE600, s20;
	(v2sf) =	vpush v0, $0xB;
	s14 =	sadd.s32 s4, s29;
	s30 =	spop (v2sf)  }
0xbd: {  	s0 =	sadd.s32 $0xE580, s20;
	s26 =	sadd.s32 $0xE280, s20;
	s25 =	sand.u32 $0x1FFFFFF0, s30  }
0xbe: {  	(v2sf) =	vpush v0, $0xC;
	[tilespmem:s15], [sflag:$0x2] =	stream.linear.gather [hbm4b:s14+s2], $0x80, $0x38;
	[tilespmem:$0x1A900] =	vst v63  }
0xbf: {  	s31 =	sand.u32 $0x1FFFFFF0, s28;
	s28 =	spop (v2sf);
	s29 =	sadd.s32 s4, s25  }
0xc0: {  	(v2sf) =	vpush v0, $0xD;
	[tilespmem:s26], [sflag:$0x2] =	stream.linear.gather [hbm4b:s29+s2], $0x80, $0x38;
	[tilespmem:$0x1A900] =	vst v63  }
0xc1: {  	s14 =	sadd.s32 s4, s31;
	s15 =	sand.u32 $0x1FFFFFF0, s28;
	s30 =	spop (v2sf)  }
0xc2: {  	(v2sf) =	vpush v0, $0xE;
	[tilespmem:s9], [sflag:$0x2] =	stream.linear.gather [hbm4b:s14+s2], $0x80, $0x38;
	[tilespmem:$0x1A900] =	vst v63  }
0xc3: {  	s15 =	sadd.s32 s4, s15;
	s31 =	sand.u32 $0x1FFFFFF0, s30;
	s24 =	spop (v2sf)  }
0xc4: {  	(v2sf) =	vpush v0, $0xF;
	[tilespmem:s6], [sflag:$0x2] =	stream.linear.gather [hbm4b:s15+s2], $0x80, $0x38;
	[tilespmem:$0x1A900] =	vst v63  }
0xc5: {  	s25 =	sand.u32 $0x1FFFFFF0, s24;
	s26 =	spop (v2sf);
	s9 =	sadd.s32 s4, s31  }
0xc6: {  	[tilespmem:s12], [sflag:$0x2] =	stream.linear.gather [hbm4b:s9+s2], $0x80, $0x38;
	[tilespmem:$0x1A900] =	vst v63  }
0xc7: {  	s28 =	sand.u32 $0x1FFFFFF0, s26;
	s6 =	sadd.s32 s4, s25;
	s29 =	spop (v2sf)  }
0xc8: {  	[tilespmem:s1], [sflag:$0x2] =	stream.linear.gather [hbm4b:s6+s2], $0x80, $0x38;
	[tilespmem:$0x1A900] =	vst v63  }
0xc9: {  	s9 =	sadd.s32 s4, s28;
	s30 =	sand.u32 $0x1FFFFFF0, s29;
	s31 =	spop (v2sf)  }
0xca: {  	[tilespmem:s7], [sflag:$0x2] =	stream.linear.gather [hbm4b:s9+s2], $0x80, $0x38;
	[tilespmem:$0x1A900] =	vst v63  }
0xcb: {  	s6 =	sand.u32 $0x1FFFFFF0, s31;
	s1 =	sadd.s32 s4, s30;
	s9 =	spop (v2sf)  }
0xcc: {  	[tilespmem:s0], [sflag:$0x2] =	stream.linear.gather [hbm4b:s1+s2], $0x80, $0x38;
	[tilespmem:$0x1A900] =	vst v63  }
0xcd: {  	s6 =	sadd.s32 s4, s6;
	s12 =	sand.u32 $0x1FFFFFF0, s9;
	s14 =	spop (v2sf)  }
0xce: {  	[tilespmem:s8], [sflag:$0x2] =	stream.linear.gather [hbm4b:s6+s2], $0x80, $0x38;
	[tilespmem:$0x1A900] =	vst v63  }
0xcf: {  	s0 =	sadd.s32 s4, s12;
	s1 =	sand.u32 $0x1FFFFFF0, s14;
	s15 =	spop (v2sf)  }
0xd0: {  	[tilespmem:s23], [sflag:$0x2] =	stream.linear.gather [hbm4b:s0+s2], $0x80, $0x38;
	[tilespmem:$0x1A900] =	vst v63  }
0xd1: {  	s24 =	sand.u32 $0x1FFFFFF0, s15;
	s1 =	sadd.s32 s4, s1;
	s25 =	spop (v2sf)  }
0xd2: {  	[tilespmem:s21], [sflag:$0x2] =	stream.linear.gather [hbm4b:s1+s2], $0x80, $0x38;
	[tilespmem:$0x1A900] =	vst v63  }
0xd3: {  	s26 =	sand.u32 $0x1FFFFFF0, s25;
	s28 =	spop (v2sf);
	s0 =	sadd.s32 s4, s24  }
0xd4: {  	[tilespmem:s22], [sflag:$0x2] =	stream.linear.gather [hbm4b:s0+s2], $0x80, $0x38;
	[tilespmem:$0x1A900] =	vst v63  }
0xd5: {  	s30 =	sadd.s32 $0xE800, s20;
	s29 =	sand.u32 $0x1FFFFFF0, s28;
	s1 =	sadd.s32 s4, s26  }
0xd6: {  	[tilespmem:s30], [sflag:$0x2] =	stream.linear.gather [hbm4b:s1+s2], $0x80, $0x38;
	[tilespmem:$0x1A900] =	vst v63  }
0xd7: {  	s31 =	sadd.s32 $0xE880, s20;
	s0 =	sadd.s32 s4, s29  }
0xd8: {  	[tilespmem:s31], [sflag:$0x2] =	stream.linear.gather [hbm4b:s0+s2], $0x80, $0x38;
	[tilespmem:$0x1A900] =	vst v63  }
0xd9: {  	_ =	swait.ge [sflag:s11], $0x80  }
0xda: {  	[sflag:s11] =	ssyncset.done $0x0  }
0xdb: {  	[sflag:s11] =	ssyncadd.s32 $0xFFFFFF80  }
0xdc: {  	_ =	swait.ge [sflag:s11], $0x80  }
0xdd: {  	[sflag:s11] =	ssyncset.done $0x0  }
0xde: {  	[sflag:s11] =	ssyncadd.s32 $0xFFFFFF80  }
0xdf: {  	_ =	swait.ge [sflag:s11], $0x80  }
0xe0: {  	[sflag:s11] =	ssyncset.done $0x0  }
0xe1: {  	[sflag:s11] =	ssyncadd.s32 $0xFFFFFF80  }
0xe2: {  	_ =	swait.ge [sflag:s11], $0x80  }
0xe3: {  	[sflag:s11] =	ssyncset.done $0x0  }
0xe4: {  	[sflag:s11] =	ssyncadd.s32 $0xFFFFFF80  }
0xe5: {  	_ =	swait.ge [sflag:s11], $0x80  }
0xe6: {  	[sflag:s11] =	ssyncset.done $0x0  }
0xe7: {  	[sflag:s11] =	ssyncadd.s32 $0xFFFFFF80  }
0xe8: {  	_ =	swait.ge [sflag:s11], $0x80  }
0xe9: {  	[sflag:s11] =	ssyncset.done $0x0  }
0xea: {  	[sflag:s11] =	ssyncadd.s32 $0xFFFFFF80  }
0xeb: {  	_ =	swait.ge [sflag:s11], $0x80  }
0xec: {  	[sflag:s11] =	ssyncset.done $0x0  }
0xed: {  	[sflag:s11] =	ssyncadd.s32 $0xFFFFFF80  }
0xee: {  	_ =	swait.ge [sflag:s11], $0x80  }
0xef: {  	[sflag:s11] =	ssyncset.done $0x0  }
0xf0: {  	[sflag:s11] =	ssyncadd.s32 $0xFFFFFF80  }
0xf1: {  	_ =	swait.ge [sflag:s11], $0x80  }
0xf2: {  	[sflag:s11] =	ssyncset.done $0x0  }
0xf3: {  	[sflag:s11] =	ssyncadd.s32 $0xFFFFFF80  }
0xf4: {  	_ =	swait.ge [sflag:s11], $0x80  }
0xf5: {  	[sflag:s11] =	ssyncset.done $0x0  }
0xf6: {  	[sflag:s11] =	ssyncadd.s32 $0xFFFFFF80  }
0xf7: {  	_ =	swait.ge [sflag:s11], $0x80  }
0xf8: {  	[sflag:s11] =	ssyncset.done $0x0  }
0xf9: {  	[sflag:s11] =	ssyncadd.s32 $0xFFFFFF80  }
0xfa: {  	_ =	swait.ge [sflag:s11], $0x80  }
0xfb: {  	[sflag:s11] =	ssyncset.done $0x0  }
0xfc: {  	[sflag:s11] =	ssyncadd.s32 $0xFFFFFF80  }
0xfd: {  	_ =	swait.ge [sflag:s11], $0x80  }
0xfe: {  	[sflag:s11] =	ssyncset.done $0x0  }
0xff: {  	[sflag:s11] =	ssyncadd.s32 $0xFFFFFF80  }
0x100: {  	_ =	swait.ge [sflag:s11], $0x80  }
0x101: {  	[sflag:s11] =	ssyncset.done $0x0  }
0x102: {  	[sflag:s11] =	ssyncadd.s32 $0xFFFFFF80  }
0x103: {  	_ =	swait.ge [sflag:s11], $0x80  }
0x104: {  	[sflag:s11] =	ssyncset.done $0x0  }
0x105: {  	[sflag:s11] =	ssyncadd.s32 $0xFFFFFF80  }
0x106: {  	_ =	swait.ge [sflag:s11], $0x80  }
0x107: {  	s20 =	simm.s32 $0x18;
	[sflag:s11] =	ssyncset.done $0x0  }
.LBB2_7:
0x108: {  	p0 =	sne.s32 s20, $0x1;
	s20 =	sadd.s32 $0xFFFFFFFF, s20;
	[sflag:s11] =	ssyncadd.s32 $0xFFFFFF80  }
0x109: {  	_ =	swait.ge [sflag:s11], $0x80  }
0x10a: {  	[sflag:s11] =	ssyncset.done $0x0  }
0x10b: {  	[sflag:s11] =	ssyncadd.s32 $0xFFFFFF80  }
0x10c: {  	_ =	swait.ge [sflag:s11], $0x80  }
0x10d: {  	[sflag:s11] =	ssyncset.done $0x0  }
0x10e: {  	[sflag:s11] =	ssyncadd.s32 $0xFFFFFF80  }
0x10f: {  	_ =	swait.ge [sflag:s11], $0x80  }
0x110: {  	[sflag:s11] =	ssyncset.done $0x0  }
0x111: {  	[sflag:s11] =	ssyncadd.s32 $0xFFFFFF80  }
0x112: {  	_ =	swait.ge [sflag:s11], $0x80  }
0x113: {  	[sflag:s11] =	ssyncset.done $0x0  }
0x114: {  	[sflag:s11] =	ssyncadd.s32 $0xFFFFFF80  }
0x115: {  	_ =	swait.ge [sflag:s11], $0x80  }
0x116: {  	[sflag:s11] =	ssyncset.done $0x0  }
0x117: {  	[sflag:s11] =	ssyncadd.s32 $0xFFFFFF80  }
0x118: {  	_ =	swait.ge [sflag:s11], $0x80  }
0x119: {  	[sflag:s11] =	ssyncset.done $0x0  }
0x11a: {  	[sflag:s11] =	ssyncadd.s32 $0xFFFFFF80  }
0x11b: {  	_ =	swait.ge [sflag:s11], $0x80  }
0x11c: {  	[sflag:s11] =	ssyncset.done $0x0  }
0x11d: {  	[sflag:s11] =	ssyncadd.s32 $0xFFFFFF80  }
0x11e: {  	_ =	swait.ge [sflag:s11], $0x80  }
0x11f: {  	[sflag:s11] =	ssyncset.done $0x0  }
0x120: {  	[sflag:s11] =	ssyncadd.s32 $0xFFFFFF80  }
0x121: {  	_ =	swait.ge [sflag:s11], $0x80  }
0x122: {  	[sflag:s11] =	ssyncset.done $0x0  }
0x123: {  	[sflag:s11] =	ssyncadd.s32 $0xFFFFFF80  }
0x124: {  	_ =	swait.ge [sflag:s11], $0x80  }
0x125: {  	[sflag:s11] =	ssyncset.done $0x0  }
0x126: {  	[sflag:s11] =	ssyncadd.s32 $0xFFFFFF80  }
0x127: {  	_ =	swait.ge [sflag:s11], $0x80  }
0x128: {  	[sflag:s11] =	ssyncset.done $0x0  }
0x129: {  	[sflag:s11] =	ssyncadd.s32 $0xFFFFFF80  }
0x12a: {  	_ =	swait.ge [sflag:s11], $0x80  }
0x12b: {  	[sflag:s11] =	ssyncset.done $0x0  }
0x12c: {  	[sflag:s11] =	ssyncadd.s32 $0xFFFFFF80  }
0x12d: {  	_ =	swait.ge [sflag:s11], $0x80  }
0x12e: {  	[sflag:s11] =	ssyncset.done $0x0  }
0x12f: {  	[sflag:s11] =	ssyncadd.s32 $0xFFFFFF80  }
0x130: {  	_ =	swait.ge [sflag:s11], $0x80  }
0x131: {  	[sflag:s11] =	ssyncset.done $0x0  }
0x132: {  	[sflag:s11] =	ssyncadd.s32 $0xFFFFFF80  }
.Ltmp2:
0x133: {  	_ =	swait.ge [sflag:s11], $0x80;
	(pc) =	sbr.rel @p0 .LBB2_7-.Ltmp2, $4  }
0x134: {  	[sflag:s11] =	ssyncset.done $0x0  }
0x135: {  	[sflag:s11] =	ssyncadd.s32 $0xFFFFFF80  }
0x136: {  	_ =	swait.ge [sflag:s11], $0x80  }
0x137: {  	[sflag:s11] =	ssyncset.done $0x0  }
0x138: {  	s0 =	smul.u32 $0x320, s16;
	_ =	sdelay $0x1  }
0x139: {  	s0 =	sadd.s32 s3, s0  }
0x13a: {  	[sflag:s11] =	ssyncadd.s32 $0xFFFFFF80;
	s0 =	sshll.u32 s0, $0x4  }
0x13b: {  	s1 =	simm.s32 $0x0;
	s6 =	simm.s32 $0x1900;
	s0 =	sadd.s32 s5, s0  }
0x13c: {  	[hbm4b:s0+s1] =	stream.linear.scatter [tilespmem:s6], [sflag:$0x3], $0xC800, $0x38;
	[tilespmem:$0x1A900] =	vst v63  }
0x13d: {  	_ =	swait.ge [sflag:s10], $0xC800  }
0x13e: {  	[sflag:s10] =	ssyncset.done $0x0  }
0x13f: {  	[sflag:s10] =	ssyncadd.s32 $0xFFFF3800  }
0x140: {  	v0 =	vld [tilespmem:s18+$0x0];
	_ =	sdelay $0x4  }
0x141: {  	v0 =	vshll.u32 v0, $0x4  }
0x142: {  	(v2sf) =	vpush v0, $0x0  }
0x143: {  	(v2sf) =	vpush v0, $0x1  }
0x144: {  	(v2sf) =	vpush v0, $0x2;
	_ =	sdelay $0x1  }
0x145: {  	(v2sf) =	vpush v0, $0x4;
	_ =	sdelay $0x1  }
0x146: {  	(v2sf) =	vpush v0, $0x3  }
0x147: {  	(v2sf) =	vpush v0, $0x5  }
0x148: {  	s21 =	simm.s32 $0x2000;
	s20 =	simm.s32 $0x0;
	s22 =	smov.u32 s18;
	(v2sf) =	vpush v0, $0x6  }
.LBB2_9:
0x149: {  	p0 =	sne.s32 s21, $0x30000  }
0x14a: {  	s0 =	sadd.s32 $0x1980, s20;
	s26 =	sadd.s32 $0x1E80, s20;
	s23 =	smov.u32 s21  }
0x14b: {  	s21 =	sadd.s32 $0x2000, s21;
	s30 =	sadd.s32 $0x1C80, s20;
	s24 =	sadd.s32 $0x1F00, s20;
	(v2sf) =	vpush v0, $0x7  }
0x14c: {  	s1 =	sadd.s32 $0x1B80, s20;
	s29 =	sadd.s32 $0x1D00, s20;
	s25 =	sadd.s32 $0x1F80, s20  }
0x14d: {  	s6 =	sadd.s32 $0x1900, s20;
	s7 =	sadd.s32 $0x1B00, s20;
	(v2sf) =	vpush v0, $0x8  }
0x14e: {  	s8 =	sadd.s32 $0x1C00, s20;
	s22 =	sadd.s32 $0x10, s22  }
0x14f: {  	s9 =	sadd.s32 $0x1A00, s20;
	s28 =	sadd.s32 $0x1E00, s20;
	s12 =	spop (v2sf);
	(v2sf) =	vpush v0, $0x9  }
0x150: {  	s31 =	sadd.s32 $0x1D80, s20;
	s12 =	sand.u32 $0x1FFFFFF0, s12;
	s14 =	spop (v2sf)  }
0x151: {  	s12 =	sadd.s32 s4, s12;
	s14 =	sand.u32 $0x1FFFFFF0, s14;
	s15 =	spop (v2sf);
	(v2sf) =	vpush v0, $0xA  }
0x152: {  	[tilespmem:s6], [sflag:$0x1] =	stream.linear.gather [hbm4b:s12+s2], $0x80, $0x38;
	[tilespmem:$0x1A900] =	vst v63  }
0x153: {  	s6 =	sadd.s32 s4, s14;
	s12 =	sadd.s32 $0x1A80, s20;
	s14 =	spop (v2sf);
	(v2sf) =	vpush v0, $0xB  }
0x154: {  	[tilespmem:s0], [sflag:$0x1] =	stream.linear.gather [hbm4b:s6+s2], $0x80, $0x38;
	[tilespmem:$0x1A900] =	vst v63  }
0x155: {  	s0 =	sand.u32 $0x1FFFFFF0, s15;
	s6 =	sand.u32 $0x1FFFFFF0, s14;
	s14 =	spop (v2sf);
	(v2sf) =	vpush v0, $0xC  }
0x156: {  	s0 =	sadd.s32 s4, s0;
	s14 =	sand.u32 $0x1FFFFFF0, s14;
	s15 =	spop (v2sf)  }
0x157: {  	[tilespmem:s9], [sflag:$0x1] =	stream.linear.gather [hbm4b:s0+s2], $0x80, $0x38;
	(v2sf) =	vpush v0, $0xD;
	[tilespmem:$0x1A900] =	vst v63  }
0x158: {  	s0 =	sadd.s32 s4, s14;
	s9 =	sand.u32 $0x1FFFFFF0, s15;
	s14 =	spop (v2sf)  }
0x159: {  	[tilespmem:s12], [sflag:$0x1] =	stream.linear.gather [hbm4b:s0+s2], $0x80, $0x38;
	(v2sf) =	vpush v0, $0xE;
	[tilespmem:$0x1A900] =	vst v63  }
0x15a: {  	s0 =	sadd.s32 s4, s6;
	s6 =	sand.u32 $0x1FFFFFF0, s14;
	s12 =	spop (v2sf)  }
0x15b: {  	[tilespmem:s7], [sflag:$0x1] =	stream.linear.gather [hbm4b:s0+s2], $0x80, $0x38;
	(v2sf) =	vpush v0, $0xF;
	[tilespmem:$0x1A900] =	vst v63  }
0x15c: {  	s0 =	sadd.s32 s4, s9;
	s7 =	sand.u32 $0x1FFFFFF0, s12;
	s9 =	spop (v2sf)  }
0x15d: {  	[tilespmem:s1], [sflag:$0x1] =	stream.linear.gather [hbm4b:s0+s2], $0x80, $0x38;
	[tilespmem:$0x1A900] =	vst v63  }
0x15e: {  	s0 =	sadd.s32 s4, s6;
	s1 =	sand.u32 $0x1FFFFFF0, s9;
	s6 =	spop (v2sf)  }
0x15f: {  	[tilespmem:s8], [sflag:$0x1] =	stream.linear.gather [hbm4b:s0+s2], $0x80, $0x38;
	[tilespmem:$0x1A900] =	vst v63  }
0x160: {  	s0 =	sadd.s32 s4, s7;
	s6 =	sand.u32 $0x1FFFFFF0, s6;
	s7 =	spop (v2sf)  }
0x161: {  	[tilespmem:s30], [sflag:$0x1] =	stream.linear.gather [hbm4b:s0+s2], $0x80, $0x38;
	[tilespmem:$0x1A900] =	vst v63  }
0x162: {  	s0 =	sadd.s32 s4, s1;
	s1 =	sand.u32 $0x1FFFFFF0, s7;
	s7 =	spop (v2sf)  }
0x163: {  	[tilespmem:s29], [sflag:$0x1] =	stream.linear.gather [hbm4b:s0+s2], $0x80, $0x38;
	[tilespmem:$0x1A900] =	vst v63  }
0x164: {  	s0 =	sadd.s32 s4, s6;
	s6 =	sand.u32 $0x1FFFFFF0, s7;
	s7 =	spop (v2sf)  }
0x165: {  	[tilespmem:s31], [sflag:$0x1] =	stream.linear.gather [hbm4b:s0+s2], $0x80, $0x38;
	[tilespmem:$0x1A900] =	vst v63  }
0x166: {  	s0 =	sadd.s32 s4, s1;
	s1 =	sand.u32 $0x1FFFFFF0, s7;
	s7 =	spop (v2sf)  }
0x167: {  	[tilespmem:s28], [sflag:$0x1] =	stream.linear.gather [hbm4b:s0+s2], $0x80, $0x38;
	[tilespmem:$0x1A900] =	vst v63  }
0x168: {  	s0 =	sadd.s32 s4, s6;
	s6 =	sand.u32 $0x1FFFFFF0, s7;
	s7 =	spop (v2sf)  }
0x169: {  	[tilespmem:s26], [sflag:$0x1] =	stream.linear.gather [hbm4b:s0+s2], $0x80, $0x38;
	[tilespmem:$0x1A900] =	vst v63  }
0x16a: {  	s0 =	sadd.s32 s4, s1;
	s1 =	sand.u32 $0x1FFFFFF0, s7;
	s7 =	spop (v2sf)  }
0x16b: {  	[tilespmem:s24], [sflag:$0x1] =	stream.linear.gather [hbm4b:s0+s2], $0x80, $0x38;
	[tilespmem:$0x1A900] =	vst v63  }
0x16c: {  	s0 =	sadd.s32 s4, s6;
	s6 =	sand.u32 $0x1FFFFFF0, s7  }
0x16d: {  	[tilespmem:s25], [sflag:$0x1] =	stream.linear.gather [hbm4b:s0+s2], $0x80, $0x38;
	[tilespmem:$0x1A900] =	vst v63  }
0x16e: {  	s1 =	sadd.s32 s4, s1;
	s0 =	sadd.s32 $0x2000, s20  }
0x16f: {  	[tilespmem:s0], [sflag:$0x1] =	stream.linear.gather [hbm4b:s1+s2], $0x80, $0x38;
	[tilespmem:$0x1A900] =	vst v63  }
0x170: {  	s0 =	sadd.s32 $0x2080, s20;
	s1 =	sadd.s32 s4, s6  }
0x171: {  	[tilespmem:s0], [sflag:$0x1] =	stream.linear.gather [hbm4b:s1+s2], $0x80, $0x38;
	[tilespmem:$0x1A900] =	vst v63  }
0x172: {  	v0 =	vld [tilespmem:s22+$0x0];
	_ =	sdelay $0x4  }
0x173: {  	v0 =	vshll.u32 v0, $0x4  }
0x174: {  	(v2sf) =	vpush v0, $0x0  }
0x175: {  	(v2sf) =	vpush v0, $0x1  }
0x176: {  	(v2sf) =	vpush v0, $0x2;
	_ =	sdelay $0x1  }
0x177: {  	(v2sf) =	vpush v0, $0x4  }
.Ltmp3:
0x178: {  	(pc) =	sbr.rel @p0 .LBB2_9-.Ltmp3, $3  }
0x179: {  	(v2sf) =	vpush v0, $0x3  }
0x17a: {  	(v2sf) =	vpush v0, $0x5;
	_ =	sdelay $0x1  }
0x17b: {  	s20 =	sshra.s32 s23, $0x2;
	(v2sf) =	vpush v0, $0x6  }
0x17c: {  	_ =	sdelay $0x1  }
0x17d: {  	s0 =	sadd.s32 $0x1980, s20;
	s23 =	sadd.s32 $0x1E80, s20  }
0x17e: {  	s1 =	sadd.s32 $0x1C80, s20;
	s21 =	sadd.s32 $0x1F00, s20;
	(v2sf) =	vpush v0, $0x7;
	s6 =	sadd.s32 $0x1B80, s20  }
0x17f: {  	s7 =	sadd.s32 $0x1D00, s20;
	s22 =	sadd.s32 $0x1F80, s20;
	s8 =	sadd.s32 $0x1900, s20  }
0x180: {  	s9 =	sadd.s32 $0x1B00, s20;
	s12 =	sadd.s32 $0x1C00, s20;
	(v2sf) =	vpush v0, $0x8;
	s14 =	spop (v2sf)  }
0x181: {  	s15 =	sadd.s32 $0x1A00, s20;
	s14 =	sand.u32 $0x1FFFFFF0, s14;
	s24 =	spop (v2sf)  }
0x182: {  	(v2sf) =	vpush v0, $0x9;
	s14 =	sadd.s32 s4, s14;
	s24 =	sand.u32 $0x1FFFFFF0, s24;
	s25 =	spop (v2sf)  }
0x183: {  	[tilespmem:s8], [sflag:$0x1] =	stream.linear.gather [hbm4b:s14+s2], $0x80, $0x38;
	[tilespmem:$0x1A900] =	vst v63  }
0x184: {  	(v2sf) =	vpush v0, $0xA;
	s26 =	sadd.s32 s4, s24;
	s29 =	sand.u32 $0x1FFFFFF0, s25;
	s28 =	spop (v2sf)  }
0x185: {  	[tilespmem:s0], [sflag:$0x1] =	stream.linear.gather [hbm4b:s26+s2], $0x80, $0x38;
	[tilespmem:$0x1A900] =	vst v63  }
0x186: {  	s8 =	sadd.s32 $0x1E00, s20;
	(v2sf) =	vpush v0, $0xB;
	s14 =	sadd.s32 s4, s29;
	s30 =	spop (v2sf)  }
0x187: {  	s0 =	sadd.s32 $0x1D80, s20;
	s26 =	sadd.s32 $0x1A80, s20;
	s25 =	sand.u32 $0x1FFFFFF0, s30  }
0x188: {  	(v2sf) =	vpush v0, $0xC;
	[tilespmem:s15], [sflag:$0x1] =	stream.linear.gather [hbm4b:s14+s2], $0x80, $0x38;
	[tilespmem:$0x1A900] =	vst v63  }
0x189: {  	s31 =	sand.u32 $0x1FFFFFF0, s28;
	s28 =	spop (v2sf);
	s29 =	sadd.s32 s4, s25  }
0x18a: {  	(v2sf) =	vpush v0, $0xD;
	[tilespmem:s26], [sflag:$0x1] =	stream.linear.gather [hbm4b:s29+s2], $0x80, $0x38;
	[tilespmem:$0x1A900] =	vst v63  }
0x18b: {  	s14 =	sadd.s32 s4, s31;
	s15 =	sand.u32 $0x1FFFFFF0, s28;
	s30 =	spop (v2sf)  }
0x18c: {  	(v2sf) =	vpush v0, $0xE;
	[tilespmem:s9], [sflag:$0x1] =	stream.linear.gather [hbm4b:s14+s2], $0x80, $0x38;
	[tilespmem:$0x1A900] =	vst v63  }
0x18d: {  	s15 =	sadd.s32 s4, s15;
	s31 =	sand.u32 $0x1FFFFFF0, s30;
	s24 =	spop (v2sf)  }
0x18e: {  	(v2sf) =	vpush v0, $0xF;
	[tilespmem:s6], [sflag:$0x1] =	stream.linear.gather [hbm4b:s15+s2], $0x80, $0x38;
	[tilespmem:$0x1A900] =	vst v63  }
0x18f: {  	s25 =	sand.u32 $0x1FFFFFF0, s24;
	s26 =	spop (v2sf);
	s9 =	sadd.s32 s4, s31  }
0x190: {  	[tilespmem:s12], [sflag:$0x1] =	stream.linear.gather [hbm4b:s9+s2], $0x80, $0x38;
	[tilespmem:$0x1A900] =	vst v63  }
0x191: {  	s28 =	sand.u32 $0x1FFFFFF0, s26;
	s6 =	sadd.s32 s4, s25;
	s29 =	spop (v2sf)  }
0x192: {  	[tilespmem:s1], [sflag:$0x1] =	stream.linear.gather [hbm4b:s6+s2], $0x80, $0x38;
	[tilespmem:$0x1A900] =	vst v63  }
0x193: {  	s9 =	sadd.s32 s4, s28;
	s30 =	sand.u32 $0x1FFFFFF0, s29;
	s31 =	spop (v2sf)  }
0x194: {  	[tilespmem:s7], [sflag:$0x1] =	stream.linear.gather [hbm4b:s9+s2], $0x80, $0x38;
	[tilespmem:$0x1A900] =	vst v63  }
0x195: {  	s6 =	sand.u32 $0x1FFFFFF0, s31;
	s1 =	sadd.s32 s4, s30;
	s9 =	spop (v2sf)  }
0x196: {  	[tilespmem:s0], [sflag:$0x1] =	stream.linear.gather [hbm4b:s1+s2], $0x80, $0x38;
	[tilespmem:$0x1A900] =	vst v63  }
0x197: {  	s6 =	sadd.s32 s4, s6;
	s12 =	sand.u32 $0x1FFFFFF0, s9;
	s14 =	spop (v2sf)  }
0x198: {  	[tilespmem:s8], [sflag:$0x1] =	stream.linear.gather [hbm4b:s6+s2], $0x80, $0x38;
	[tilespmem:$0x1A900] =	vst v63  }
0x199: {  	s0 =	sadd.s32 s4, s12;
	s1 =	sand.u32 $0x1FFFFFF0, s14;
	s15 =	spop (v2sf)  }
0x19a: {  	[tilespmem:s23], [sflag:$0x1] =	stream.linear.gather [hbm4b:s0+s2], $0x80, $0x38;
	[tilespmem:$0x1A900] =	vst v63  }
0x19b: {  	s24 =	sand.u32 $0x1FFFFFF0, s15;
	s1 =	sadd.s32 s4, s1;
	s25 =	spop (v2sf)  }
0x19c: {  	[tilespmem:s21], [sflag:$0x1] =	stream.linear.gather [hbm4b:s1+s2], $0x80, $0x38;
	[tilespmem:$0x1A900] =	vst v63  }
0x19d: {  	s26 =	sand.u32 $0x1FFFFFF0, s25;
	s28 =	spop (v2sf);
	s0 =	sadd.s32 s4, s24  }
0x19e: {  	[tilespmem:s22], [sflag:$0x1] =	stream.linear.gather [hbm4b:s0+s2], $0x80, $0x38;
	[tilespmem:$0x1A900] =	vst v63  }
0x19f: {  	s30 =	sadd.s32 $0x2000, s20;
	s29 =	sand.u32 $0x1FFFFFF0, s28;
	s1 =	sadd.s32 s4, s26  }
0x1a0: {  	[tilespmem:s30], [sflag:$0x1] =	stream.linear.gather [hbm4b:s1+s2], $0x80, $0x38;
	[tilespmem:$0x1A900] =	vst v63  }
0x1a1: {  	s31 =	sadd.s32 $0x2080, s20;
	s0 =	sadd.s32 s4, s29  }
0x1a2: {  	[tilespmem:s31], [sflag:$0x1] =	stream.linear.gather [hbm4b:s0+s2], $0x80, $0x38;
	[tilespmem:$0x1A900] =	vst v63  }
0x1a3: {  	_ =	swait.ge [sflag:s13], $0x80  }
0x1a4: {  	[sflag:s13] =	ssyncset.done $0x0  }
0x1a5: {  	[sflag:s13] =	ssyncadd.s32 $0xFFFFFF80  }
0x1a6: {  	_ =	swait.ge [sflag:s13], $0x80  }
0x1a7: {  	[sflag:s13] =	ssyncset.done $0x0  }
0x1a8: {  	[sflag:s13] =	ssyncadd.s32 $0xFFFFFF80  }
0x1a9: {  	_ =	swait.ge [sflag:s13], $0x80  }
0x1aa: {  	[sflag:s13] =	ssyncset.done $0x0  }
0x1ab: {  	[sflag:s13] =	ssyncadd.s32 $0xFFFFFF80  }
0x1ac: {  	_ =	swait.ge [sflag:s13], $0x80  }
0x1ad: {  	[sflag:s13] =	ssyncset.done $0x0  }
0x1ae: {  	[sflag:s13] =	ssyncadd.s32 $0xFFFFFF80  }
0x1af: {  	_ =	swait.ge [sflag:s13], $0x80  }
0x1b0: {  	[sflag:s13] =	ssyncset.done $0x0  }
0x1b1: {  	[sflag:s13] =	ssyncadd.s32 $0xFFFFFF80  }
0x1b2: {  	_ =	swait.ge [sflag:s13], $0x80  }
0x1b3: {  	[sflag:s13] =	ssyncset.done $0x0  }
0x1b4: {  	[sflag:s13] =	ssyncadd.s32 $0xFFFFFF80  }
0x1b5: {  	_ =	swait.ge [sflag:s13], $0x80  }
0x1b6: {  	[sflag:s13] =	ssyncset.done $0x0  }
0x1b7: {  	[sflag:s13] =	ssyncadd.s32 $0xFFFFFF80  }
0x1b8: {  	_ =	swait.ge [sflag:s13], $0x80  }
0x1b9: {  	[sflag:s13] =	ssyncset.done $0x0  }
0x1ba: {  	[sflag:s13] =	ssyncadd.s32 $0xFFFFFF80  }
0x1bb: {  	_ =	swait.ge [sflag:s13], $0x80  }
0x1bc: {  	[sflag:s13] =	ssyncset.done $0x0  }
0x1bd: {  	[sflag:s13] =	ssyncadd.s32 $0xFFFFFF80  }
0x1be: {  	_ =	swait.ge [sflag:s13], $0x80  }
0x1bf: {  	[sflag:s13] =	ssyncset.done $0x0  }
0x1c0: {  	[sflag:s13] =	ssyncadd.s32 $0xFFFFFF80  }
0x1c1: {  	_ =	swait.ge [sflag:s13], $0x80  }
0x1c2: {  	[sflag:s13] =	ssyncset.done $0x0  }
0x1c3: {  	[sflag:s13] =	ssyncadd.s32 $0xFFFFFF80  }
0x1c4: {  	_ =	swait.ge [sflag:s13], $0x80  }
0x1c5: {  	[sflag:s13] =	ssyncset.done $0x0  }
0x1c6: {  	[sflag:s13] =	ssyncadd.s32 $0xFFFFFF80  }
0x1c7: {  	_ =	swait.ge [sflag:s13], $0x80  }
0x1c8: {  	[sflag:s13] =	ssyncset.done $0x0  }
0x1c9: {  	[sflag:s13] =	ssyncadd.s32 $0xFFFFFF80  }
0x1ca: {  	_ =	swait.ge [sflag:s13], $0x80  }
0x1cb: {  	[sflag:s13] =	ssyncset.done $0x0  }
0x1cc: {  	[sflag:s13] =	ssyncadd.s32 $0xFFFFFF80  }
0x1cd: {  	_ =	swait.ge [sflag:s13], $0x80  }
0x1ce: {  	[sflag:s13] =	ssyncset.done $0x0  }
0x1cf: {  	[sflag:s13] =	ssyncadd.s32 $0xFFFFFF80  }
0x1d0: {  	_ =	swait.ge [sflag:s13], $0x80  }
0x1d1: {  	s20 =	simm.s32 $0x18;
	[sflag:s13] =	ssyncset.done $0x0  }
.LBB2_11:
0x1d2: {  	p0 =	sne.s32 s20, $0x1;
	s20 =	sadd.s32 $0xFFFFFFFF, s20;
	[sflag:s13] =	ssyncadd.s32 $0xFFFFFF80  }
0x1d3: {  	_ =	swait.ge [sflag:s13], $0x80  }
0x1d4: {  	[sflag:s13] =	ssyncset.done $0x0  }
0x1d5: {  	[sflag:s13] =	ssyncadd.s32 $0xFFFFFF80  }
0x1d6: {  	_ =	swait.ge [sflag:s13], $0x80  }
0x1d7: {  	[sflag:s13] =	ssyncset.done $0x0  }
0x1d8: {  	[sflag:s13] =	ssyncadd.s32 $0xFFFFFF80  }
0x1d9: {  	_ =	swait.ge [sflag:s13], $0x80  }
0x1da: {  	[sflag:s13] =	ssyncset.done $0x0  }
0x1db: {  	[sflag:s13] =	ssyncadd.s32 $0xFFFFFF80  }
0x1dc: {  	_ =	swait.ge [sflag:s13], $0x80  }
0x1dd: {  	[sflag:s13] =	ssyncset.done $0x0  }
0x1de: {  	[sflag:s13] =	ssyncadd.s32 $0xFFFFFF80  }
0x1df: {  	_ =	swait.ge [sflag:s13], $0x80  }
0x1e0: {  	[sflag:s13] =	ssyncset.done $0x0  }
0x1e1: {  	[sflag:s13] =	ssyncadd.s32 $0xFFFFFF80  }
0x1e2: {  	_ =	swait.ge [sflag:s13], $0x80  }
0x1e3: {  	[sflag:s13] =	ssyncset.done $0x0  }
0x1e4: {  	[sflag:s13] =	ssyncadd.s32 $0xFFFFFF80  }
0x1e5: {  	_ =	swait.ge [sflag:s13], $0x80  }
0x1e6: {  	[sflag:s13] =	ssyncset.done $0x0  }
0x1e7: {  	[sflag:s13] =	ssyncadd.s32 $0xFFFFFF80  }
0x1e8: {  	_ =	swait.ge [sflag:s13], $0x80  }
0x1e9: {  	[sflag:s13] =	ssyncset.done $0x0  }
0x1ea: {  	[sflag:s13] =	ssyncadd.s32 $0xFFFFFF80  }
0x1eb: {  	_ =	swait.ge [sflag:s13], $0x80  }
0x1ec: {  	[sflag:s13] =	ssyncset.done $0x0  }
0x1ed: {  	[sflag:s13] =	ssyncadd.s32 $0xFFFFFF80  }
0x1ee: {  	_ =	swait.ge [sflag:s13], $0x80  }
0x1ef: {  	[sflag:s13] =	ssyncset.done $0x0  }
0x1f0: {  	[sflag:s13] =	ssyncadd.s32 $0xFFFFFF80  }
0x1f1: {  	_ =	swait.ge [sflag:s13], $0x80  }
0x1f2: {  	[sflag:s13] =	ssyncset.done $0x0  }
0x1f3: {  	[sflag:s13] =	ssyncadd.s32 $0xFFFFFF80  }
0x1f4: {  	_ =	swait.ge [sflag:s13], $0x80  }
0x1f5: {  	[sflag:s13] =	ssyncset.done $0x0  }
0x1f6: {  	[sflag:s13] =	ssyncadd.s32 $0xFFFFFF80  }
0x1f7: {  	_ =	swait.ge [sflag:s13], $0x80  }
0x1f8: {  	[sflag:s13] =	ssyncset.done $0x0  }
0x1f9: {  	[sflag:s13] =	ssyncadd.s32 $0xFFFFFF80  }
0x1fa: {  	_ =	swait.ge [sflag:s13], $0x80  }
0x1fb: {  	[sflag:s13] =	ssyncset.done $0x0  }
0x1fc: {  	[sflag:s13] =	ssyncadd.s32 $0xFFFFFF80  }
.Ltmp4:
0x1fd: {  	_ =	swait.ge [sflag:s13], $0x80;
	(pc) =	sbr.rel @p0 .LBB2_11-.Ltmp4, $4  }
0x1fe: {  	[sflag:s13] =	ssyncset.done $0x0  }
0x1ff: {  	[sflag:s13] =	ssyncadd.s32 $0xFFFFFF80  }
0x200: {  	_ =	swait.ge [sflag:s13], $0x80  }
0x201: {  	[sflag:s13] =	ssyncset.done $0x0  }
0x202: {  	s0 =	smul.u32 $0x190, s19;
	_ =	sdelay $0x1  }
0x203: {  	[sflag:s13] =	ssyncadd.s32 $0xFFFFFF80;
	s16 =	sadd.s32 $0x1, s16;
	s0 =	sadd.s32 s3, s0  }
0x204: {  	s1 =	simm.s32 $0x0;
	p0 =	sne.s32 s16, $0x7;
	s0 =	sshll.u32 s0, $0x4  }
.Ltmp5:
0x205: {  	s6 =	simm.s32 $0xE100;
	s0 =	sadd.s32 s5, s0;
	(pc) =	sbr.rel @p0 .LBB2_4-.Ltmp5, $4  }
0x206: {  	[hbm4b:s0+s1] =	stream.linear.scatter [tilespmem:s6], [sflag:$0x3], $0xC800, $0x38;
	[tilespmem:$0x1A900] =	vst v63  }
0x207: {  	_ =	swait.ge [sflag:s10], $0xC800  }
0x208: {  	[sflag:s10] =	ssyncset.done $0x0  }
0x209: {  	s17 =	sadd.s32 $0x320, s17;
	s18 =	sadd.s32 $0x320, s18;
	[sflag:s10] =	ssyncadd.s32 $0xFFFF3800  }
0x20a: {  	s17 =	simm.s32 $0x1770  }
0x20b: {  	v0 =	vld [tilespmem:s17+$0x0];
	_ =	sdelay $0x4  }
0x20c: {  	v0 =	vshll.u32 v0, $0x4  }
0x20d: {  	(v2sf) =	vpush v0, $0x0  }
0x20e: {  	(v2sf) =	vpush v0, $0x1  }
0x20f: {  	(v2sf) =	vpush v0, $0x2;
	_ =	sdelay $0x1  }
0x210: {  	(v2sf) =	vpush v0, $0x4;
	_ =	sdelay $0x1  }
0x211: {  	(v2sf) =	vpush v0, $0x3  }
0x212: {  	(v2sf) =	vpush v0, $0x5  }
0x213: {  	s18 =	simm.s32 $0x2000;
	s16 =	simm.s32 $0x0;
	(v2sf) =	vpush v0, $0x6  }
.LBB2_14:
0x214: {  	p0 =	sne.s32 s18, $0x30000  }
0x215: {  	s0 =	sadd.s32 $0xE180, s16;
	s22 =	sadd.s32 $0xE680, s16;
	s19 =	smov.u32 s18  }
0x216: {  	s18 =	sadd.s32 $0x2000, s18;
	s25 =	sadd.s32 $0xE480, s16;
	s20 =	sadd.s32 $0xE700, s16;
	(v2sf) =	vpush v0, $0x7  }
0x217: {  	s1 =	sadd.s32 $0xE380, s16;
	s24 =	sadd.s32 $0xE500, s16;
	s21 =	sadd.s32 $0xE780, s16  }
0x218: {  	s6 =	sadd.s32 $0xE100, s16;
	s7 =	sadd.s32 $0xE300, s16;
	(v2sf) =	vpush v0, $0x8  }
0x219: {  	s8 =	sadd.s32 $0xE400, s16;
	s17 =	sadd.s32 $0x10, s17  }
0x21a: {  	s9 =	sadd.s32 $0xE200, s16;
	s23 =	sadd.s32 $0xE600, s16;
	s12 =	spop (v2sf);
	(v2sf) =	vpush v0, $0x9  }
0x21b: {  	s26 =	sadd.s32 $0xE580, s16;
	s12 =	sand.u32 $0x1FFFFFF0, s12;
	s14 =	spop (v2sf)  }
0x21c: {  	s12 =	sadd.s32 s4, s12;
	s14 =	sand.u32 $0x1FFFFFF0, s14;
	s15 =	spop (v2sf);
	(v2sf) =	vpush v0, $0xA  }
0x21d: {  	[tilespmem:s6], [sflag:$0x2] =	stream.linear.gather [hbm4b:s12+s2], $0x80, $0x38;
	[tilespmem:$0x1A900] =	vst v63  }
0x21e: {  	s6 =	sadd.s32 s4, s14;
	s12 =	sadd.s32 $0xE280, s16;
	s14 =	spop (v2sf);
	(v2sf) =	vpush v0, $0xB  }
0x21f: {  	[tilespmem:s0], [sflag:$0x2] =	stream.linear.gather [hbm4b:s6+s2], $0x80, $0x38;
	[tilespmem:$0x1A900] =	vst v63  }
0x220: {  	s0 =	sand.u32 $0x1FFFFFF0, s15;
	s6 =	sand.u32 $0x1FFFFFF0, s14;
	s14 =	spop (v2sf);
	(v2sf) =	vpush v0, $0xC  }
0x221: {  	s0 =	sadd.s32 s4, s0;
	s14 =	sand.u32 $0x1FFFFFF0, s14;
	s15 =	spop (v2sf)  }
0x222: {  	[tilespmem:s9], [sflag:$0x2] =	stream.linear.gather [hbm4b:s0+s2], $0x80, $0x38;
	(v2sf) =	vpush v0, $0xD;
	[tilespmem:$0x1A900] =	vst v63  }
0x223: {  	s0 =	sadd.s32 s4, s14;
	s9 =	sand.u32 $0x1FFFFFF0, s15;
	s14 =	spop (v2sf)  }
0x224: {  	[tilespmem:s12], [sflag:$0x2] =	stream.linear.gather [hbm4b:s0+s2], $0x80, $0x38;
	(v2sf) =	vpush v0, $0xE;
	[tilespmem:$0x1A900] =	vst v63  }
0x225: {  	s0 =	sadd.s32 s4, s6;
	s6 =	sand.u32 $0x1FFFFFF0, s14;
	s12 =	spop (v2sf)  }
0x226: {  	[tilespmem:s7], [sflag:$0x2] =	stream.linear.gather [hbm4b:s0+s2], $0x80, $0x38;
	(v2sf) =	vpush v0, $0xF;
	[tilespmem:$0x1A900] =	vst v63  }
0x227: {  	s0 =	sadd.s32 s4, s9;
	s7 =	sand.u32 $0x1FFFFFF0, s12;
	s9 =	spop (v2sf)  }
0x228: {  	[tilespmem:s1], [sflag:$0x2] =	stream.linear.gather [hbm4b:s0+s2], $0x80, $0x38;
	[tilespmem:$0x1A900] =	vst v63  }
0x229: {  	s0 =	sadd.s32 s4, s6;
	s1 =	sand.u32 $0x1FFFFFF0, s9;
	s6 =	spop (v2sf)  }
0x22a: {  	[tilespmem:s8], [sflag:$0x2] =	stream.linear.gather [hbm4b:s0+s2], $0x80, $0x38;
	[tilespmem:$0x1A900] =	vst v63  }
0x22b: {  	s0 =	sadd.s32 s4, s7;
	s6 =	sand.u32 $0x1FFFFFF0, s6;
	s7 =	spop (v2sf)  }
0x22c: {  	[tilespmem:s25], [sflag:$0x2] =	stream.linear.gather [hbm4b:s0+s2], $0x80, $0x38;
	[tilespmem:$0x1A900] =	vst v63  }
0x22d: {  	s0 =	sadd.s32 s4, s1;
	s1 =	sand.u32 $0x1FFFFFF0, s7;
	s7 =	spop (v2sf)  }
0x22e: {  	[tilespmem:s24], [sflag:$0x2] =	stream.linear.gather [hbm4b:s0+s2], $0x80, $0x38;
	[tilespmem:$0x1A900] =	vst v63  }
0x22f: {  	s0 =	sadd.s32 s4, s6;
	s6 =	sand.u32 $0x1FFFFFF0, s7;
	s7 =	spop (v2sf)  }
0x230: {  	[tilespmem:s26], [sflag:$0x2] =	stream.linear.gather [hbm4b:s0+s2], $0x80, $0x38;
	[tilespmem:$0x1A900] =	vst v63  }
0x231: {  	s0 =	sadd.s32 s4, s1;
	s1 =	sand.u32 $0x1FFFFFF0, s7;
	s7 =	spop (v2sf)  }
0x232: {  	[tilespmem:s23], [sflag:$0x2] =	stream.linear.gather [hbm4b:s0+s2], $0x80, $0x38;
	[tilespmem:$0x1A900] =	vst v63  }
0x233: {  	s0 =	sadd.s32 s4, s6;
	s6 =	sand.u32 $0x1FFFFFF0, s7;
	s7 =	spop (v2sf)  }
0x234: {  	[tilespmem:s22], [sflag:$0x2] =	stream.linear.gather [hbm4b:s0+s2], $0x80, $0x38;
	[tilespmem:$0x1A900] =	vst v63  }
0x235: {  	s0 =	sadd.s32 s4, s1;
	s1 =	sand.u32 $0x1FFFFFF0, s7;
	s7 =	spop (v2sf)  }
0x236: {  	[tilespmem:s20], [sflag:$0x2] =	stream.linear.gather [hbm4b:s0+s2], $0x80, $0x38;
	[tilespmem:$0x1A900] =	vst v63  }
0x237: {  	s0 =	sadd.s32 s4, s6;
	s6 =	sand.u32 $0x1FFFFFF0, s7  }
0x238: {  	[tilespmem:s21], [sflag:$0x2] =	stream.linear.gather [hbm4b:s0+s2], $0x80, $0x38;
	[tilespmem:$0x1A900] =	vst v63  }
0x239: {  	s1 =	sadd.s32 s4, s1;
	s0 =	sadd.s32 $0xE800, s16  }
0x23a: {  	[tilespmem:s0], [sflag:$0x2] =	stream.linear.gather [hbm4b:s1+s2], $0x80, $0x38;
	[tilespmem:$0x1A900] =	vst v63  }
0x23b: {  	s0 =	sadd.s32 $0xE880, s16;
	s1 =	sadd.s32 s4, s6  }
0x23c: {  	[tilespmem:s0], [sflag:$0x2] =	stream.linear.gather [hbm4b:s1+s2], $0x80, $0x38;
	[tilespmem:$0x1A900] =	vst v63  }
0x23d: {  	v0 =	vld [tilespmem:s17+$0x0];
	_ =	sdelay $0x4  }
0x23e: {  	v0 =	vshll.u32 v0, $0x4  }
0x23f: {  	(v2sf) =	vpush v0, $0x0  }
0x240: {  	(v2sf) =	vpush v0, $0x1  }
0x241: {  	(v2sf) =	vpush v0, $0x2;
	_ =	sdelay $0x1  }
0x242: {  	(v2sf) =	vpush v0, $0x4  }
.Ltmp6:
0x243: {  	(pc) =	sbr.rel @p0 .LBB2_14-.Ltmp6, $3  }
0x244: {  	(v2sf) =	vpush v0, $0x3  }
0x245: {  	(v2sf) =	vpush v0, $0x5;
	_ =	sdelay $0x1  }
0x246: {  	s16 =	sshra.s32 s19, $0x2;
	(v2sf) =	vpush v0, $0x6  }
0x247: {  	_ =	sdelay $0x1  }
0x248: {  	s0 =	sadd.s32 $0xE180, s16;
	s19 =	sadd.s32 $0xE680, s16  }
0x249: {  	s1 =	sadd.s32 $0xE480, s16;
	s17 =	sadd.s32 $0xE700, s16;
	(v2sf) =	vpush v0, $0x7;
	s6 =	sadd.s32 $0xE380, s16  }
0x24a: {  	s7 =	sadd.s32 $0xE500, s16;
	s18 =	sadd.s32 $0xE780, s16;
	s8 =	sadd.s32 $0xE100, s16  }
0x24b: {  	s9 =	sadd.s32 $0xE300, s16;
	s12 =	sadd.s32 $0xE400, s16;
	(v2sf) =	vpush v0, $0x8;
	s14 =	spop (v2sf)  }
0x24c: {  	s15 =	sadd.s32 $0xE200, s16;
	s14 =	sand.u32 $0x1FFFFFF0, s14;
	s20 =	spop (v2sf)  }
0x24d: {  	(v2sf) =	vpush v0, $0x9;
	s14 =	sadd.s32 s4, s14;
	s20 =	sand.u32 $0x1FFFFFF0, s20;
	s21 =	spop (v2sf)  }
0x24e: {  	[tilespmem:s8], [sflag:$0x2] =	stream.linear.gather [hbm4b:s14+s2], $0x80, $0x38;
	[tilespmem:$0x1A900] =	vst v63  }
0x24f: {  	s22 =	sadd.s32 $0xE280, s16;
	(v2sf) =	vpush v0, $0xA;
	s25 =	sadd.s32 s4, s20;
	s26 =	spop (v2sf)  }
0x250: {  	[tilespmem:s0], [sflag:$0x2] =	stream.linear.gather [hbm4b:s25+s2], $0x80, $0x38;
	[tilespmem:$0x1A900] =	vst v63  }
0x251: {  	s8 =	sadd.s32 $0xE600, s16;
	s28 =	sand.u32 $0x1FFFFFF0, s21;
	(v2sf) =	vpush v0, $0xB;
	s29 =	spop (v2sf)  }
0x252: {  	s14 =	sadd.s32 s4, s28;
	s0 =	sadd.s32 $0xE580, s16;
	s21 =	sand.u32 $0x1FFFFFF0, s29  }
0x253: {  	(v2sf) =	vpush v0, $0xC;
	[tilespmem:s15], [sflag:$0x2] =	stream.linear.gather [hbm4b:s14+s2], $0x80, $0x38;
	[tilespmem:$0x1A900] =	vst v63  }
0x254: {  	s30 =	sand.u32 $0x1FFFFFF0, s26;
	s31 =	spop (v2sf);
	s23 =	sadd.s32 s4, s21  }
0x255: {  	(v2sf) =	vpush v0, $0xD;
	[tilespmem:s22], [sflag:$0x2] =	stream.linear.gather [hbm4b:s23+s2], $0x80, $0x38;
	[tilespmem:$0x1A900] =	vst v63  }
0x256: {  	s14 =	sadd.s32 s4, s30;
	s15 =	sand.u32 $0x1FFFFFF0, s31;
	s24 =	spop (v2sf)  }
0x257: {  	(v2sf) =	vpush v0, $0xE;
	[tilespmem:s9], [sflag:$0x2] =	stream.linear.gather [hbm4b:s14+s2], $0x80, $0x38;
	[tilespmem:$0x1A900] =	vst v63  }
0x258: {  	s15 =	sadd.s32 s4, s15;
	s25 =	sand.u32 $0x1FFFFFF0, s24;
	s26 =	spop (v2sf)  }
0x259: {  	(v2sf) =	vpush v0, $0xF;
	[tilespmem:s6], [sflag:$0x2] =	stream.linear.gather [hbm4b:s15+s2], $0x80, $0x38;
	[tilespmem:$0x1A900] =	vst v63  }
0x25a: {  	s28 =	sand.u32 $0x1FFFFFF0, s26;
	s29 =	spop (v2sf);
	s9 =	sadd.s32 s4, s25  }
0x25b: {  	[tilespmem:s12], [sflag:$0x2] =	stream.linear.gather [hbm4b:s9+s2], $0x80, $0x38;
	[tilespmem:$0x1A900] =	vst v63  }
0x25c: {  	s30 =	sand.u32 $0x1FFFFFF0, s29;
	s6 =	sadd.s32 s4, s28;
	s31 =	spop (v2sf)  }
0x25d: {  	[tilespmem:s1], [sflag:$0x2] =	stream.linear.gather [hbm4b:s6+s2], $0x80, $0x38;
	[tilespmem:$0x1A900] =	vst v63  }
0x25e: {  	s9 =	sadd.s32 s4, s30;
	s14 =	sand.u32 $0x1FFFFFF0, s31;
	s15 =	spop (v2sf)  }
0x25f: {  	[tilespmem:s7], [sflag:$0x2] =	stream.linear.gather [hbm4b:s9+s2], $0x80, $0x38;
	[tilespmem:$0x1A900] =	vst v63  }
0x260: {  	s6 =	sand.u32 $0x1FFFFFF0, s15;
	s1 =	sadd.s32 s4, s14;
	s20 =	spop (v2sf)  }
0x261: {  	[tilespmem:s0], [sflag:$0x2] =	stream.linear.gather [hbm4b:s1+s2], $0x80, $0x38;
	[tilespmem:$0x1A900] =	vst v63  }
0x262: {  	s6 =	sadd.s32 s4, s6;
	s21 =	sand.u32 $0x1FFFFFF0, s20;
	s22 =	spop (v2sf)  }
0x263: {  	[tilespmem:s8], [sflag:$0x2] =	stream.linear.gather [hbm4b:s6+s2], $0x80, $0x38;
	[tilespmem:$0x1A900] =	vst v63  }
0x264: {  	s0 =	sadd.s32 s4, s21;
	s1 =	sand.u32 $0x1FFFFFF0, s22;
	s23 =	spop (v2sf)  }
0x265: {  	[tilespmem:s19], [sflag:$0x2] =	stream.linear.gather [hbm4b:s0+s2], $0x80, $0x38;
	[tilespmem:$0x1A900] =	vst v63  }
0x266: {  	s24 =	sand.u32 $0x1FFFFFF0, s23;
	s1 =	sadd.s32 s4, s1;
	s25 =	spop (v2sf)  }
0x267: {  	[tilespmem:s17], [sflag:$0x2] =	stream.linear.gather [hbm4b:s1+s2], $0x80, $0x38;
	[tilespmem:$0x1A900] =	vst v63  }
0x268: {  	s26 =	sand.u32 $0x1FFFFFF0, s25;
	s28 =	spop (v2sf);
	s0 =	sadd.s32 s4, s24  }
0x269: {  	[tilespmem:s18], [sflag:$0x2] =	stream.linear.gather [hbm4b:s0+s2], $0x80, $0x38;
	[tilespmem:$0x1A900] =	vst v63  }
0x26a: {  	s30 =	sadd.s32 $0xE800, s16;
	s29 =	sand.u32 $0x1FFFFFF0, s28;
	s1 =	sadd.s32 s4, s26  }
0x26b: {  	[tilespmem:s30], [sflag:$0x2] =	stream.linear.gather [hbm4b:s1+s2], $0x80, $0x38;
	[tilespmem:$0x1A900] =	vst v63  }
0x26c: {  	s31 =	sadd.s32 $0xE880, s16;
	s0 =	sadd.s32 s4, s29  }
0x26d: {  	[tilespmem:s31], [sflag:$0x2] =	stream.linear.gather [hbm4b:s0+s2], $0x80, $0x38;
	[tilespmem:$0x1A900] =	vst v63  }
0x26e: {  	_ =	swait.ge [sflag:s11], $0x80  }
0x26f: {  	[sflag:s11] =	ssyncset.done $0x0  }
0x270: {  	[sflag:s11] =	ssyncadd.s32 $0xFFFFFF80  }
0x271: {  	_ =	swait.ge [sflag:s11], $0x80  }
0x272: {  	[sflag:s11] =	ssyncset.done $0x0  }
0x273: {  	[sflag:s11] =	ssyncadd.s32 $0xFFFFFF80  }
0x274: {  	_ =	swait.ge [sflag:s11], $0x80  }
0x275: {  	[sflag:s11] =	ssyncset.done $0x0  }
0x276: {  	[sflag:s11] =	ssyncadd.s32 $0xFFFFFF80  }
0x277: {  	_ =	swait.ge [sflag:s11], $0x80  }
0x278: {  	[sflag:s11] =	ssyncset.done $0x0  }
0x279: {  	[sflag:s11] =	ssyncadd.s32 $0xFFFFFF80  }
0x27a: {  	_ =	swait.ge [sflag:s11], $0x80  }
0x27b: {  	[sflag:s11] =	ssyncset.done $0x0  }
0x27c: {  	[sflag:s11] =	ssyncadd.s32 $0xFFFFFF80  }
0x27d: {  	_ =	swait.ge [sflag:s11], $0x80  }
0x27e: {  	[sflag:s11] =	ssyncset.done $0x0  }
0x27f: {  	[sflag:s11] =	ssyncadd.s32 $0xFFFFFF80  }
0x280: {  	_ =	swait.ge [sflag:s11], $0x80  }
0x281: {  	[sflag:s11] =	ssyncset.done $0x0  }
0x282: {  	[sflag:s11] =	ssyncadd.s32 $0xFFFFFF80  }
0x283: {  	_ =	swait.ge [sflag:s11], $0x80  }
0x284: {  	[sflag:s11] =	ssyncset.done $0x0  }
0x285: {  	[sflag:s11] =	ssyncadd.s32 $0xFFFFFF80  }
0x286: {  	_ =	swait.ge [sflag:s11], $0x80  }
0x287: {  	[sflag:s11] =	ssyncset.done $0x0  }
0x288: {  	[sflag:s11] =	ssyncadd.s32 $0xFFFFFF80  }
0x289: {  	_ =	swait.ge [sflag:s11], $0x80  }
0x28a: {  	[sflag:s11] =	ssyncset.done $0x0  }
0x28b: {  	[sflag:s11] =	ssyncadd.s32 $0xFFFFFF80  }
0x28c: {  	_ =	swait.ge [sflag:s11], $0x80  }
0x28d: {  	[sflag:s11] =	ssyncset.done $0x0  }
0x28e: {  	[sflag:s11] =	ssyncadd.s32 $0xFFFFFF80  }
0x28f: {  	_ =	swait.ge [sflag:s11], $0x80  }
0x290: {  	[sflag:s11] =	ssyncset.done $0x0  }
0x291: {  	[sflag:s11] =	ssyncadd.s32 $0xFFFFFF80  }
0x292: {  	_ =	swait.ge [sflag:s11], $0x80  }
0x293: {  	[sflag:s11] =	ssyncset.done $0x0  }
0x294: {  	[sflag:s11] =	ssyncadd.s32 $0xFFFFFF80  }
0x295: {  	_ =	swait.ge [sflag:s11], $0x80  }
0x296: {  	[sflag:s11] =	ssyncset.done $0x0  }
0x297: {  	[sflag:s11] =	ssyncadd.s32 $0xFFFFFF80  }
0x298: {  	_ =	swait.ge [sflag:s11], $0x80  }
0x299: {  	[sflag:s11] =	ssyncset.done $0x0  }
0x29a: {  	[sflag:s11] =	ssyncadd.s32 $0xFFFFFF80  }
0x29b: {  	_ =	swait.ge [sflag:s11], $0x80  }
0x29c: {  	s16 =	simm.s32 $0x18;
	[sflag:s11] =	ssyncset.done $0x0  }
.LBB2_16:
0x29d: {  	p0 =	sne.s32 s16, $0x1;
	s16 =	sadd.s32 $0xFFFFFFFF, s16;
	[sflag:s11] =	ssyncadd.s32 $0xFFFFFF80  }
0x29e: {  	_ =	swait.ge [sflag:s11], $0x80  }
0x29f: {  	[sflag:s11] =	ssyncset.done $0x0  }
0x2a0: {  	[sflag:s11] =	ssyncadd.s32 $0xFFFFFF80  }
0x2a1: {  	_ =	swait.ge [sflag:s11], $0x80  }
0x2a2: {  	[sflag:s11] =	ssyncset.done $0x0  }
0x2a3: {  	[sflag:s11] =	ssyncadd.s32 $0xFFFFFF80  }
0x2a4: {  	_ =	swait.ge [sflag:s11], $0x80  }
0x2a5: {  	[sflag:s11] =	ssyncset.done $0x0  }
0x2a6: {  	[sflag:s11] =	ssyncadd.s32 $0xFFFFFF80  }
0x2a7: {  	_ =	swait.ge [sflag:s11], $0x80  }
0x2a8: {  	[sflag:s11] =	ssyncset.done $0x0  }
0x2a9: {  	[sflag:s11] =	ssyncadd.s32 $0xFFFFFF80  }
0x2aa: {  	_ =	swait.ge [sflag:s11], $0x80  }
0x2ab: {  	[sflag:s11] =	ssyncset.done $0x0  }
0x2ac: {  	[sflag:s11] =	ssyncadd.s32 $0xFFFFFF80  }
0x2ad: {  	_ =	swait.ge [sflag:s11], $0x80  }
0x2ae: {  	[sflag:s11] =	ssyncset.done $0x0  }
0x2af: {  	[sflag:s11] =	ssyncadd.s32 $0xFFFFFF80  }
0x2b0: {  	_ =	swait.ge [sflag:s11], $0x80  }
0x2b1: {  	[sflag:s11] =	ssyncset.done $0x0  }
0x2b2: {  	[sflag:s11] =	ssyncadd.s32 $0xFFFFFF80  }
0x2b3: {  	_ =	swait.ge [sflag:s11], $0x80  }
0x2b4: {  	[sflag:s11] =	ssyncset.done $0x0  }
0x2b5: {  	[sflag:s11] =	ssyncadd.s32 $0xFFFFFF80  }
0x2b6: {  	_ =	swait.ge [sflag:s11], $0x80  }
0x2b7: {  	[sflag:s11] =	ssyncset.done $0x0  }
0x2b8: {  	[sflag:s11] =	ssyncadd.s32 $0xFFFFFF80  }
0x2b9: {  	_ =	swait.ge [sflag:s11], $0x80  }
0x2ba: {  	[sflag:s11] =	ssyncset.done $0x0  }
0x2bb: {  	[sflag:s11] =	ssyncadd.s32 $0xFFFFFF80  }
0x2bc: {  	_ =	swait.ge [sflag:s11], $0x80  }
0x2bd: {  	[sflag:s11] =	ssyncset.done $0x0  }
0x2be: {  	[sflag:s11] =	ssyncadd.s32 $0xFFFFFF80  }
0x2bf: {  	_ =	swait.ge [sflag:s11], $0x80  }
0x2c0: {  	[sflag:s11] =	ssyncset.done $0x0  }
0x2c1: {  	[sflag:s11] =	ssyncadd.s32 $0xFFFFFF80  }
0x2c2: {  	_ =	swait.ge [sflag:s11], $0x80  }
0x2c3: {  	[sflag:s11] =	ssyncset.done $0x0  }
0x2c4: {  	[sflag:s11] =	ssyncadd.s32 $0xFFFFFF80  }
0x2c5: {  	_ =	swait.ge [sflag:s11], $0x80  }
0x2c6: {  	[sflag:s11] =	ssyncset.done $0x0  }
0x2c7: {  	[sflag:s11] =	ssyncadd.s32 $0xFFFFFF80  }
.Ltmp7:
0x2c8: {  	_ =	swait.ge [sflag:s11], $0x80;
	(pc) =	sbr.rel @p0 .LBB2_16-.Ltmp7, $4  }
0x2c9: {  	[sflag:s11] =	ssyncset.done $0x0  }
0x2ca: {  	[sflag:s11] =	ssyncadd.s32 $0xFFFFFF80  }
0x2cb: {  	_ =	swait.ge [sflag:s11], $0x80  }
0x2cc: {  	[sflag:s11] =	ssyncset.done $0x0  }
0x2cd: {  	[sflag:s11] =	ssyncadd.s32 $0xFFFFFF80;
	s0 =	rddreg [dreg:$0x4];
	s1 =	simm.s32 $0x1900  }
0x2ce: {  	[hbm4b:s0+s2] =	stream.linear.scatter [tilespmem:s1], [sflag:$0x3], $0xC800, $0x38;
	[tilespmem:$0x1A900] =	vst v63  }
0x2cf: {  	_ =	swait.ge [sflag:s10], $0xC800  }
0x2d0: {  	[sflag:s10] =	ssyncset.done $0x0  }
0x2d1: {  	[sflag:s10] =	ssyncadd.s32 $0xFFFF3800  }
0x2d2: {  	_ =	swait.ge [sflag:s13], $0x80  }
0x2d3: {  	[sflag:s13] =	ssyncset.done $0x0  }
0x2d4: {  	[sflag:s13] =	ssyncadd.s32 $0xFFFFFF80  }
0x2d5: {  	_ =	swait.ge [sflag:s13], $0x80  }
0x2d6: {  	[sflag:s13] =	ssyncset.done $0x0  }
0x2d7: {  	[sflag:s13] =	ssyncadd.s32 $0xFFFFFF80  }
0x2d8: {  	_ =	swait.ge [sflag:s13], $0x80  }
0x2d9: {  	[sflag:s13] =	ssyncset.done $0x0  }
0x2da: {  	[sflag:s13] =	ssyncadd.s32 $0xFFFFFF80  }
0x2db: {  	_ =	swait.ge [sflag:s13], $0x80  }
0x2dc: {  	[sflag:s13] =	ssyncset.done $0x0  }
0x2dd: {  	[sflag:s13] =	ssyncadd.s32 $0xFFFFFF80  }
0x2de: {  	_ =	swait.ge [sflag:s13], $0x80  }
0x2df: {  	[sflag:s13] =	ssyncset.done $0x0  }
0x2e0: {  	[sflag:s13] =	ssyncadd.s32 $0xFFFFFF80  }
0x2e1: {  	_ =	swait.ge [sflag:s13], $0x80  }
0x2e2: {  	[sflag:s13] =	ssyncset.done $0x0  }
0x2e3: {  	[sflag:s13] =	ssyncadd.s32 $0xFFFFFF80  }
0x2e4: {  	_ =	swait.ge [sflag:s13], $0x80  }
0x2e5: {  	[sflag:s13] =	ssyncset.done $0x0  }
0x2e6: {  	[sflag:s13] =	ssyncadd.s32 $0xFFFFFF80  }
0x2e7: {  	_ =	swait.ge [sflag:s13], $0x80  }
0x2e8: {  	[sflag:s13] =	ssyncset.done $0x0  }
0x2e9: {  	[sflag:s13] =	ssyncadd.s32 $0xFFFFFF80  }
0x2ea: {  	_ =	swait.ge [sflag:s13], $0x80  }
0x2eb: {  	[sflag:s13] =	ssyncset.done $0x0  }
0x2ec: {  	[sflag:s13] =	ssyncadd.s32 $0xFFFFFF80  }
0x2ed: {  	_ =	swait.ge [sflag:s13], $0x80  }
0x2ee: {  	[sflag:s13] =	ssyncset.done $0x0  }
0x2ef: {  	[sflag:s13] =	ssyncadd.s32 $0xFFFFFF80  }
0x2f0: {  	_ =	swait.ge [sflag:s13], $0x80  }
0x2f1: {  	[sflag:s13] =	ssyncset.done $0x0  }
0x2f2: {  	[sflag:s13] =	ssyncadd.s32 $0xFFFFFF80  }
0x2f3: {  	_ =	swait.ge [sflag:s13], $0x80  }
0x2f4: {  	[sflag:s13] =	ssyncset.done $0x0  }
0x2f5: {  	[sflag:s13] =	ssyncadd.s32 $0xFFFFFF80  }
0x2f6: {  	_ =	swait.ge [sflag:s13], $0x80  }
0x2f7: {  	[sflag:s13] =	ssyncset.done $0x0  }
0x2f8: {  	[sflag:s13] =	ssyncadd.s32 $0xFFFFFF80  }
0x2f9: {  	_ =	swait.ge [sflag:s13], $0x80  }
0x2fa: {  	[sflag:s13] =	ssyncset.done $0x0  }
0x2fb: {  	[sflag:s13] =	ssyncadd.s32 $0xFFFFFF80  }
0x2fc: {  	_ =	swait.ge [sflag:s13], $0x80  }
0x2fd: {  	[sflag:s13] =	ssyncset.done $0x0  }
0x2fe: {  	[sflag:s13] =	ssyncadd.s32 $0xFFFFFF80  }
0x2ff: {  	_ =	swait.ge [sflag:s13], $0x80  }
0x300: {  	s16 =	simm.s32 $0x18;
	[sflag:s13] =	ssyncset.done $0x0  }
.LBB2_18:
0x301: {  	p0 =	sne.s32 s16, $0x1;
	s16 =	sadd.s32 $0xFFFFFFFF, s16;
	[sflag:s13] =	ssyncadd.s32 $0xFFFFFF80  }
0x302: {  	_ =	swait.ge [sflag:s13], $0x80  }
0x303: {  	[sflag:s13] =	ssyncset.done $0x0  }
0x304: {  	[sflag:s13] =	ssyncadd.s32 $0xFFFFFF80  }
0x305: {  	_ =	swait.ge [sflag:s13], $0x80  }
0x306: {  	[sflag:s13] =	ssyncset.done $0x0  }
0x307: {  	[sflag:s13] =	ssyncadd.s32 $0xFFFFFF80  }
0x308: {  	_ =	swait.ge [sflag:s13], $0x80  }
0x309: {  	[sflag:s13] =	ssyncset.done $0x0  }
0x30a: {  	[sflag:s13] =	ssyncadd.s32 $0xFFFFFF80  }
0x30b: {  	_ =	swait.ge [sflag:s13], $0x80  }
0x30c: {  	[sflag:s13] =	ssyncset.done $0x0  }
0x30d: {  	[sflag:s13] =	ssyncadd.s32 $0xFFFFFF80  }
0x30e: {  	_ =	swait.ge [sflag:s13], $0x80  }
0x30f: {  	[sflag:s13] =	ssyncset.done $0x0  }
0x310: {  	[sflag:s13] =	ssyncadd.s32 $0xFFFFFF80  }
0x311: {  	_ =	swait.ge [sflag:s13], $0x80  }
0x312: {  	[sflag:s13] =	ssyncset.done $0x0  }
0x313: {  	[sflag:s13] =	ssyncadd.s32 $0xFFFFFF80  }
0x314: {  	_ =	swait.ge [sflag:s13], $0x80  }
0x315: {  	[sflag:s13] =	ssyncset.done $0x0  }
0x316: {  	[sflag:s13] =	ssyncadd.s32 $0xFFFFFF80  }
0x317: {  	_ =	swait.ge [sflag:s13], $0x80  }
0x318: {  	[sflag:s13] =	ssyncset.done $0x0  }
0x319: {  	[sflag:s13] =	ssyncadd.s32 $0xFFFFFF80  }
0x31a: {  	_ =	swait.ge [sflag:s13], $0x80  }
0x31b: {  	[sflag:s13] =	ssyncset.done $0x0  }
0x31c: {  	[sflag:s13] =	ssyncadd.s32 $0xFFFFFF80  }
0x31d: {  	_ =	swait.ge [sflag:s13], $0x80  }
0x31e: {  	[sflag:s13] =	ssyncset.done $0x0  }
0x31f: {  	[sflag:s13] =	ssyncadd.s32 $0xFFFFFF80  }
0x320: {  	_ =	swait.ge [sflag:s13], $0x80  }
0x321: {  	[sflag:s13] =	ssyncset.done $0x0  }
0x322: {  	[sflag:s13] =	ssyncadd.s32 $0xFFFFFF80  }
0x323: {  	_ =	swait.ge [sflag:s13], $0x80  }
0x324: {  	[sflag:s13] =	ssyncset.done $0x0  }
0x325: {  	[sflag:s13] =	ssyncadd.s32 $0xFFFFFF80  }
0x326: {  	_ =	swait.ge [sflag:s13], $0x80  }
0x327: {  	[sflag:s13] =	ssyncset.done $0x0  }
0x328: {  	[sflag:s13] =	ssyncadd.s32 $0xFFFFFF80  }
0x329: {  	_ =	swait.ge [sflag:s13], $0x80  }
0x32a: {  	[sflag:s13] =	ssyncset.done $0x0  }
0x32b: {  	[sflag:s13] =	ssyncadd.s32 $0xFFFFFF80  }
.Ltmp8:
0x32c: {  	_ =	swait.ge [sflag:s13], $0x80;
	(pc) =	sbr.rel @p0 .LBB2_18-.Ltmp8, $4  }
0x32d: {  	[sflag:s13] =	ssyncset.done $0x0  }
0x32e: {  	[sflag:s13] =	ssyncadd.s32 $0xFFFFFF80  }
0x32f: {  	_ =	swait.ge [sflag:s13], $0x80  }
0x330: {  	[sflag:s13] =	ssyncset.done $0x0  }
0x331: {  	[sflag:s13] =	ssyncadd.s32 $0xFFFFFF80;
	s0 =	rddreg [dreg:$0x5];
	s1 =	simm.s32 $0xE100  }
0x332: {  	[hbm4b:s0+s2] =	stream.linear.scatter [tilespmem:s1], [sflag:$0x3], $0xC800, $0x38;
	[tilespmem:$0x1A900] =	vst v63  }
0x333: {  	_ =	swait.ge [sflag:s10], $0xC800  }
0x334: {  	s30 =	rddreg [dreg:$0x7]  }
0x335: {  	s31 =	rddreg [dreg:$0x6];
	s1 =	sadd.s32 $0x1, s30  }
0x336: {  	p0 =	sne.s32 s1, s31  }
.Ltmp9:
0x337: {  	_ = 	snop;
	(pc) =	sbr.rel @p0 .LBB2_1-.Ltmp9, $3  }
0x338: {  	_ =	sdelay $0x1  }
0x339: {  	[sflag:s10] =	ssyncset.done $0x0  }
0x33a: {  	[sflag:s10] =	ssyncadd.s32 $0xFFFF3800  }
0x33b: {  	_ =	sfence.sel $0x180000  }
0x33c: {  	[bflag:$0x0] =	sbarrier.arrive $0xFFFF  }
0x33d: {  	_ =	strace $0x90000047  }
0x33e: {  	s0 =	stileid.u32;
	[bflag:$0x2] =	sbarrier.arrive $0xFFFF  }
0x33f: {  	p0 =	sne.s32 s0, $0x0;
	s0 =	rddreg [dreg:$0x2]  }
0x340: {  	s0 =	sadd.s32 @!p0 $0x100000, s0  }
0x341: {  	[sflag:s0] =	ssyncadd.tile.s32 @!p0 $0x1;
	_ =	shalt  }
.Lfunc_end2:
_tile_overlayer_lowered:
.L_overlay_start_2:
0x342: {  	(tag) =	ssettag $0x2  }
0x343: {  	s0 =	rddreg [dreg:$0x0];
	s2 =	stileid.u32  }
0x344: {  	s1 =	rddreg [dreg:$0x1];
	p0 =	sne.s32 s2, $0x0  }
0x345: {  	s3 =	rddreg [dreg:$0x2];
	[bflag:$0x3] =	sbarrier.arrive $0xFFFF;
	s2 =	simm.s32 @!p0 $0x1C03  }
0x346: {  	[timem:s3], [sflag:s2] =	dma.local @!p0 [hbm:s0], s1  }
0x347: {  	s0 =	simm.s32 @!p0 $0x3  }
0x348: {  	_ =	swait.ge @!p0 [sflag:s0], s1  }
0x349: {  	s1 =	ssub.s32 @!p0 $0x0, s1;
	[sflag:s0] =	ssyncset.done @!p0 $0x0  }
0x34a: {  	[sflag:s0] =	ssyncadd.s32 @!p0 s1  }
0x34b: {  	[bflag:$0x3] =	sbarrier.arrive $0xFFFF  }
0x34c: {  	_ =	shalt  }

// kernel: sparse-core-data-format-call.cloned.1.call-start
scs
called_computation_lowered:
.L_overlay_start_0:
0x0: {  	s2 =	sld [smem:$0x3FD9]  }
0x1: {  	s3 =	sld [smem:$0x3FFE];
	_ =	sdelay $0x1  }
0x2: {  	s1 =	srdreg.scid  }
0x3: {  	s0 =	sand.u32 $0x1, s1  }
0x4: {  	s18 =	sshll.u32 s0, $0xA;
	s2 =	sadd.s32 s3, s2  }
0x5: {  	s2 =	sadd.s32 s2, s18  }
0x6: {  	[smem:$0x3FC6] =	sst s2  }
0x7: {  	_ = 	snop  }
0x8: {  	s2 =	sld [smem:$0x3FD0];
	(tm) =	ssettm $0x1  }
0x9: {  	s19 =	sld [smem:$0x3FFB];
	_ =	sdelay $0x3  }
0xa: {  	_ =	strace s19  }
0xb: {  	s3 =	sld [smem:$0x3FFC];
	_ =	sdelay $0x3  }
0xc: {  	_ =	strace s3  }
0xd: {  	s3 =	sld [smem:$0x3FFD];
	_ =	sdelay $0x3  }
0xe: {  	_ =	strace s3  }
0xf: {  	_ =	strace $0x8FFFFFFF  }
0x10: {  	s20 =	sld [smem:$0x3FDB];
	_ =	sdelay $0x1  }
0x11: {  	s4 =	simm.s32 $_scs_section_size  }
0x12: {  	s5 =	simm.s32 $_size__tile_overlayer_lowered;
	s6 =	simm.s32 $_tile_overlayer_lowered  }
0x13: {  	s23 =	simm.s32 $0x1BFF;
	s22 =	sshll.u32 s6, $0x1;
	s3 =	sadd.s32 s4, s20  }
0x14: {  	s7 =	simm.s32 $0x0;
	s21 =	sshll.u32 s5, $0x1;
	s5 =	sadd.s32 s22, s3  }
0x15: {  	[timem:s7], [sflag:s23] =	dma.local [hbm:s5], s21  }
0x16: {  	_ =	swait.ge [sflag:s23], s21  }
0x17: {  	s4 =	ssub.s32 $0x0, s21;
	[sflag:s23] =	ssyncset.done $0x0  }
0x18: {  	[sflag:s23] =	ssyncadd.s32 s4;
	_ =	sdelay $0x1  }
0x19: {  	s24 =	simm.s32 $0x1B8B  }
0x1a: {  	_ =	swait.ge [sflag:s24], $0x1  }
0x1b: {  	[sflag:s24] =	ssyncset.done $0x0  }
0x1c: {  	s26 =	simm.s32 $0x1B8E;
	s25 =	sld [smem:$0x3FFE];
	[sflag:s24] =	ssyncadd.s32 $0xFFFFFFFF  }
0x1d: {  	s27 =	simm.s32 $execute0_lowered;
	[smem:$0x3FD2] =	sst s26  }
0x1e: {  	s5 =	sshll.u32 s27, $0x1;
	_ =	strace $0x80000049;
	[dreg:$0x1] =	wrdreg $0xFFFFFFFF  }
0x1f: {  	s28 =	simm.s32 $_size_execute0_lowered;
	s3 =	sadd.s32 s3, s5;
	[dreg:$0x0] =	wrdreg $0x0  }
0x20: {  	s5 =	sshll.u32 s28, $0x1;
	[dreg:$0x2] =	wrdreg s3  }
0x21: {  	[dreg:$0x3] =	wrdreg s5  }
0x22: {  	[dreg:$0x4] =	wrdreg $0xC0  }
0x23: {  	_ =	task [dreg:s7], $0x5FFFF  }
0x24: {  	[dreg:$0x1] =	wrdreg $0xFFFFFFFF  }
0x25: {  	[dreg:$0x0] =	wrdreg $0x60  }
0x26: {  	[dreg:$0x2] =	wrdreg s25  }
0x27: {  	[dreg:$0x3] =	wrdreg s2  }
0x28: {  	[dreg:$0x4] =	wrdreg $0x9  }
0x29: {  	_ =	task.clear_ibuf [dreg:s7], $0x5FFFF;
	_ =	strace $0x90000049  }
0x2a: {  	s29 =	simm.s32 $0x9;
	_ =	strace $0x8000004B  }
0x2b: {  	_ =	swait.ge [sflag:s29], $0x1  }
0x2c: {  	[sflag:s29] =	ssyncadd.s32 $0xFFFFFFFF  }
0x2d: {  	_ =	strace $0x9000004B  }
0x2e: {  	_ =	sfence  }
0x2f: {  	s30 =	sld [smem:$0x0];
	_ =	sdelay $0x2  }
0x30: {  	s31 =	sshll.u32 s1, $0xD;
	s1 =	sshrl.u32 s1, $0x2  }
0x31: {  	s3 =	sand.u32 $0x4000, s31;
	s1 =	sadd.s32 s1, s30  }
0x32: {  	s0 =	sor.u32 s3, s0;
	s1 =	sshll.u32 s1, $0x11  }
0x33: {  	s0 =	sor.u32 s1, s0  }
0x34: {  	s0 =	sadd.s32 $0x8F2B, s0  }
0x35: {  	[sflag:s0] =	ssyncadd.remote.s32 $0x1  }
0x36: {  	_ =	sfence.sel $0xFFFF  }
0x37: {  	[dreg:$0x0] =	wrdreg $0xFFFFFFFF;
	(pc) =	sbr.abs _section_cstart, $3  }
0x38: {  	[dreg:$0x1] =	wrdreg $0xFFFFFFFF  }
0x39: {  	_ =	task.clear_ibuf [dreg:s7], $0x2FFFF;
	_ =	strace $0x9FFFFFFF  }
0x3a: {  	(tm) =	ssettm $0x7FFFFFFF  }
0x3b: {  	_ =	shalt  }
tec
execute0_lowered:
.L_overlay_start_1:
0x0: {  	(tag) =	ssettag $0x1  }
0x1: {  	s0 =	stileid.u32;
	s6 =	rddreg [dreg:$0x0]  }
0x2: {  	s2 =	rddreg [dreg:$0x1];
	s5 =	srdreg.scid  }
0x3: {  	s31 =	simm.s32 $0x2;
	s13 =	simm.s32 $0x0;
	s1 =	sshll.u32 s0, $0x7  }
0x4: {  	s14 =	simm.s32 $0x0;
	s12 =	simm.s32 $0x0;
	s3 =	sand.u32 $0x380, s1  }
0x5: {  	s5 =	sshll.u32 s5, $0x4;
	s6 =	sadd.s32 $0xF42C00, s6;
	s4 =	ssub.s32 $0x400, s3  }
0x6: {  	s1 =	rddreg [dreg:$0x2];
	_ =	strace $0x8000004A;
	s7 =	sand.u32 $0x380, s4  }
0x7: {  	s5 =	sand.u32 $0x10, s5;
	p0 =	sne.s32 s7, $0x0;
	s7 =	simm.s32 $0x1  }
.Ltmp0:
0x8: {  	s8 =	sshrl.u32 s4, $0xA;
	s7 =	simm.s32 @!p0 $0x0;
	(pc) =	sbr.rel .LBB1_1-.Ltmp0, $4  }
0x9: {  	s9 =	sor.u32 s0, s5;
	s4 =	simm.s32 $0x1;
	s30 =	sadd.s32 s7, s8  }
0xa: {  	s11 =	smov.u32 s3;
	[sflag:s4] =	ssyncpa.u1 $0x0;
	s5 =	smul.u32 $0x32, s30  }
0xb: {  	[sflag:s31] =	ssyncpa.u1 $0x0;
	p0 =	por $0x0, $0x0;
	s7 =	sshrl.u32 s9, $0x3  }
0xc: {  	s9 =	simm.s32 $0x2000;
	s10 =	smov.u32 s7;
	s8 =	sor.u32 $0x1, s5  }
.LBB1_4:
0xd: {  	s17 =	sand.u32 $0x1F80, s14;
	s13 =	sshll.u32 s13, $0xD  }
0xe: {  	[tilespmem:s16+$0x810 ss:$0x81] =	vst.msk $0xffff, v2;
	s18 =	sshrl.u32 s14, $0x3;
	s31 =	sand.u32 $0x7, s14;
	s17 =	sadd.s32 s2, s17  }
0xf: {  	[tilespmem:s16+$0x1020 ss:$0x81] =	vst.msk $0xffff, v0;
	s18 =	sand.u32 $0xF, s18;
	s14 =	sshll.u32 s31, $0x12;
	s13 =	sadd.s32 s13, s17  }
0x10: {  	[tilespmem:s16+$0x0 ss:$0x81] =	vst.msk $0xffff, v1;
	s14 =	sor.u32 $0x400, s14;
	s13 =	sadd.s32 s18, s13  }
0x11: {  	[hbm4b:s13+s14] =	stream.strided.scatter [tilespmem:s15], [sflag:$0x2], $0x2000, s9, s14, $0x20;
	[tilespmem:$0x8080] =	vst v63  }
.LBB1_5:
0x12: {  	s15 =	sadd.s32 $0x4, s10  }
0x13: {  	s13 =	sadd.s32 $0x400, s11;
	s17 =	smov.u32 s11;
	p2 =	sgt.s32 s15, $0xC7  }
0x14: {  	s17 =	smov.u32 @p2 s13  }
0x15: {  	s15 =	smov.u32 @p2 s7;
	p2 =	sgt.s32 s17, $0x3FF  }
0x16: {  	s17 =	smov.u32 @p2 s3;
	p2 =	sne.s32 s12, s8  }
.Ltmp1:
0x17: {  	p1 =	slt.u32 s12, $0x2;
	(pc) =	sbr.rel @!p2 .LBB1_6-.Ltmp1, $4  }
0x18: {  	s16 =	simm.s32 @!p1 $0x2  }
0x19: {  	s14 =	smov.u32 s11;
	p0 =	por !p0, !p0;
	_ =	swait.ge @!p1 [sflag:s16], $0x2000  }
0x1a: {  	s13 =	smov.u32 s10;
	[sflag:s16] =	ssyncset.done @!p1 $0x0;
	s10 =	smov.u32 s15  }
0x1b: {  	s12 =	sadd.s32 $0x1, s12;
	[sflag:s16] =	ssyncadd.s32 @!p1 $0xFFFFE000;
	s11 =	smov.u32 s17  }
.LBB1_1:
0x1c: {  	p1 =	sge.u32 s12, s5  }
0x1d: {  	s15 =	sand.u32 @!p1 $0x1FFFFFF, s10  }
0x1e: {  	s16 =	smulhi.u32 @!p1 $0x147AE15, s15;
	_ =	sdelay $0x1  }
0x1f: {  	s16 =	smul.u32 @!p1 $0xC8, s16  }
0x20: {  	s17 =	sxor.u32 @!p1 $0xFFFFFFFF, s12;
	s18 =	smul.u32 @!p1 $0xC80, s11  }
0x21: {  	s31 =	sadd.s32 $0xFFFFFFFF, s12;
	s17 =	sshll.u32 @!p1 s17, $0xD;
	s15 =	ssub.s32 @!p1 s15, s16  }
0x22: {  	s16 =	sand.u32 @!p1 $0x2000, s17;
	s17 =	sadd.s32 @!p1 s6, s18;
	s15 =	sshll.u32 @!p1 s15, $0x4  }
0x23: {  	s18 =	simm.s32 @!p1 $0x6400;
	s15 =	sadd.s32 @!p1 s15, s17;
	s17 =	simm.s32 @!p1 $0x40  }
0x24: {  	[tilespmem:s16], [sflag:$0x1] =	stream.strided.gather @!p1 [hbm4b:s15+s17], $0x2000, s18, s17, $0x38;
	[tilespmem:$0x8080] =	vst v63  }
0x25: {  	p1 =	sge.u32 s31, s5  }
.Ltmp2:
0x26: {  	_ = 	snop;
	(pc) =	sbr.rel @p1 .LBB1_5-.Ltmp2, $1  }
0x27: {  	_ =	sdelay $0x3  }
0x28: {  	s15 =	simm.s32 $0x1  }
0x29: {  	_ =	swait.ge [sflag:s4], $0x2000;
	s15 =	simm.s32 @!p0 $0x0  }
0x2a: {  	[sflag:s4] =	ssyncset.done $0x0;
	s16 =	sshll.u32 s15, $0xD  }
0x2b: {  	[sflag:s4] =	ssyncadd.s32 $0xFFFFE000;
	s19 =	sor.u32 $0x20, s16  }
0x2c: {  	s15 =	smul.u32 $0x8100, s15;
	v3 =	vld [tilespmem:s19+$0x10]  }
0x2d: {  	s30 =	sand.u32 $0x1, s12;
	v2 =	vld [tilespmem:s19+$0xFFFFFFF0]  }
0x2e: {  	s16 =	smul.u32 $0x8100, s30;
	s15 =	sshrl.u32 s15, $0x2;
	v0 =	vld [tilespmem:s19+$0x0]  }
0x2f: {  	v1 =	vld [tilespmem:s19+$0xFFFFFFE0];
	s17 =	sor.u32 $0x4000, s15  }
0x30: {  	s31 =	sshrl.u32 s16, $0x2;
	s16 =	sadd.s32 $0x0, s17  }
0x31: {  	s18 =	simm.s32 $0x4;
	s19 =	sadd.s32 $0x40, s19;
	s15 =	sor.u32 $0x4000, s31;
	[tilespmem:s16+$0x1830 ss:$0x81] =	vst.msk $0xffff, v3  }
.LBB1_3:
0x32: {  	v3 =	vld [tilespmem:s19+$0x10];
	p1 =	sne.s32 s18, $0x1FC;
	[tilespmem:s16+$0x810 ss:$0x81] =	vst.msk $0xffff, v2;
	s20 =	smov.u32 s18;
	s18 =	sadd.s32 $0x4, s18  }
.Ltmp3:
0x33: {  	v2 =	vld [tilespmem:s19+$0xFFFFFFF0];
	[tilespmem:s16+$0x1020 ss:$0x81] =	vst.msk $0xffff, v0;
	(pc) =	sbr.rel @p1 .LBB1_3-.Ltmp3, $4  }
0x34: {  	v0 =	vld [tilespmem:s19+$0x0];
	[tilespmem:s16+$0x0 ss:$0x81] =	vst.msk $0xffff, v1  }
0x35: {  	s16 =	sshra.s32 s20, $0x2;
	v1 =	vld [tilespmem:s19+$0xFFFFFFE0]  }
0x36: {  	s16 =	sadd.s32 s16, s17  }
0x37: {  	s19 =	sadd.s32 $0x40, s19;
	[tilespmem:s16+$0x1830 ss:$0x81] =	vst.msk $0xffff, v3  }
.Ltmp4:
0x38: {  	_ = 	snop;
	(pc) =	sbr.rel .LBB1_4-.Ltmp4, $1  }
0x39: {  	_ =	sdelay $0x3  }
.LBB1_6:
0x3a: {  	_ =	sfence.sel $0x180000  }
0x3b: {  	s2 =	simm.s32 $0x1;
	[bflag:$0x0] =	sbarrier.arrive $0xFFFF  }
0x3c: {  	s31 =	simm.s32 $0x2;
	[sflag:s2] =	ssyncpa.u1 $0x1  }
0x3d: {  	[sflag:s31] =	ssyncpa.u1 $0x1  }
0x3e: {  	p0 =	sne.s32 s0, $0x0;
	_ =	strace $0x9000004A  }
0x3f: {  	s0 =	sadd.s32 @!p0 $0x100000, s1;
	[bflag:$0x2] =	sbarrier.arrive $0xFFFF  }
0x40: {  	[sflag:s0] =	ssyncadd.tile.s32 @!p0 $0x1;
	_ =	shalt  }
.Lfunc_end1:
_tile_overlayer_lowered:
.L_overlay_start_2:
0x41: {  	(tag) =	ssettag $0x2  }
0x42: {  	s0 =	rddreg [dreg:$0x0];
	s2 =	stileid.u32  }
0x43: {  	s1 =	rddreg [dreg:$0x1];
	p0 =	sne.s32 s2, $0x0  }
0x44: {  	s3 =	rddreg [dreg:$0x2];
	[bflag:$0x3] =	sbarrier.arrive $0xFFFF;
	s2 =	simm.s32 @!p0 $0x1C01  }
0x45: {  	[timem:s3], [sflag:s2] =	dma.local @!p0 [hbm:s0], s1  }
0x46: {  	s0 =	simm.s32 @!p0 $0x1  }
0x47: {  	_ =	swait.ge @!p0 [sflag:s0], s1  }
0x48: {  	s1 =	ssub.s32 @!p0 $0x0, s1;
	[sflag:s0] =	ssyncset.done @!p0 $0x0  }
0x49: {  	[sflag:s0] =	ssyncadd.s32 @!p0 s1  }
0x4a: {  	[bflag:$0x3] =	sbarrier.arrive $0xFFFF  }
0x4b: {  	_ =	shalt  }

</sc_bundles>
